<compile_context>
chip_gen: v7x
topology: tpu7x:2x2x1
jax: 0.10.2.dev20260603
libtpu: 0.0.44.dev20260713+nightly
codegen_flags: <defaults>
</compile_context>

<pallas_src>
import functools

import jax
import jax.numpy as jnp
from jax import lax
from jax.experimental import pallas as pl
from jax.experimental.pallas import tpu as pltpu
from jax.experimental.pallas import tpu_sc as plsc

N = 10000
E = 320000
D_IN = 128
H = 8
D = 16
HID = H * D
OUT = 64
WROW = HID + 16
ERW = 16

NP = 10240
NC = 2
NS = 16
NW = NC * NS
EPW = E // NW
C = 80
NCHUNK = EPW // C
CSUP = 25
SUPC = CSUP * C
NSUP = NCHUNK // CSUP
NPAIR_L = (CSUP - 1) // 2


def _bcast_lane(v, h):
    idx = jnp.full((16, 1), h, dtype=jnp.int32)
    dn = lax.GatherDimensionNumbers(
        offset_dims=(), collapsed_slice_dims=(0,), start_index_map=(0,))
    return lax.gather(v, idx, dn, (1,),
                      mode=lax.GatherScatterMode.PROMISE_IN_BOUNDS)


RB = 2000
NG = N // RB


def _prep_body(x_ref, w_ref, al_ref, ar_ref, big_ref, er_ref):
    feat = jnp.dot(x_ref[...], w_ref[...], preferred_element_type=jnp.float32)
    f3 = feat.reshape(RB, H, D)
    el = jnp.sum(f3 * al_ref[...][None], axis=-1)
    er = jnp.sum(f3 * ar_ref[...][None], axis=-1)
    z8 = jnp.zeros((RB, 8), dtype=jnp.float32)
    big_ref[...] = jnp.concatenate([feat, el, z8], axis=1)
    er_ref[...] = jnp.concatenate([er, z8], axis=1)


def _prep(x, w, al, ar):
    return pl.pallas_call(
        _prep_body,
        grid=(NG,),
        in_specs=[
            pl.BlockSpec((RB, D_IN), lambda i: (i, 0)),
            pl.BlockSpec((D_IN, HID), lambda i: (0, 0)),
            pl.BlockSpec((H, D), lambda i: (0, 0)),
            pl.BlockSpec((H, D), lambda i: (0, 0)),
        ],
        out_specs=[
            pl.BlockSpec((RB, WROW), lambda i: (i, 0)),
            pl.BlockSpec((RB, ERW), lambda i: (i, 0)),
        ],
        out_shape=[
            jax.ShapeDtypeStruct((N, WROW), jnp.float32),
            jax.ShapeDtypeStruct((N, ERW), jnp.float32),
        ],
    )(x, w, al, ar)


def _edge_body(big_hbm, er_hbm, ei_hbm, zero_hbm, out_hbm,
               rows_a, er_a, rows_b, er_b,
               idx_v, acc_sh, sa1, sa2, sb1, sb2):
    c = lax.axis_index("c")
    s = lax.axis_index("s")
    wid = s * NC + c
    rpt = NP // NS

    pltpu.sync_copy(zero_hbm.at[pl.ds(s * rpt, rpt)],
                    acc_sh.at[pl.ds(s * rpt, rpt)])
    plsc.subcore_barrier()

    def fetch(i, rows_v, er_v, s1, s2):
        pltpu.async_copy(big_hbm.at[idx_v.at[0, pl.ds(i * C, C)]], rows_v, s1)
        pltpu.async_copy(er_hbm.at[idx_v.at[1, pl.ds(i * C, C)]], er_v, s2)

    def wait(i, rows_v, er_v, s1, s2):
        pltpu.make_async_copy(
            big_hbm.at[idx_v.at[0, pl.ds(i * C, C)]], rows_v, s1).wait()
        pltpu.make_async_copy(
            er_hbm.at[idx_v.at[1, pl.ds(i * C, C)]], er_v, s2).wait()

    def compute(i, rows_v, er_v):
        @plsc.parallel_loop(0, C, 1, unroll=4)
        def _edge(e):
            el16 = rows_v[e, pl.ds(HID, 16)]
            er16 = er_v[e, :]
            x = el16 + er16
            ev = jnp.where(x >= 0, x, 0.2 * x)
            ee = jnp.exp(ev)
            for h in range(H):
                bv = _bcast_lane(ee, h)
                rows_v[e, pl.ds(h * D, D)] = rows_v[e, pl.ds(h * D, D)] * bv
            rows_v[e, pl.ds(HID, 16)] = ee
        pltpu.sync_copy(rows_v, acc_sh.at[idx_v.at[1, pl.ds(i * C, C)]],
                        add=True)

    def super_body(su, carry):
        pltpu.sync_copy(ei_hbm.at[:, pl.ds(wid * EPW + su * SUPC, SUPC)],
                        idx_v)
        fetch(0, rows_a, er_a, sa1, sa2)

        def pair(p, carry2):
            fetch(2 * p + 1, rows_b, er_b, sb1, sb2)
            wait(2 * p, rows_a, er_a, sa1, sa2)
            compute(2 * p, rows_a, er_a)
            fetch(2 * p + 2, rows_a, er_a, sa1, sa2)
            wait(2 * p + 1, rows_b, er_b, sb1, sb2)
            compute(2 * p + 1, rows_b, er_b)
            return carry2

        lax.fori_loop(0, NPAIR_L, pair, 0)
        wait(CSUP - 1, rows_a, er_a, sa1, sa2)
        compute(CSUP - 1, rows_a, er_a)
        return carry

    lax.fori_loop(0, NSUP, super_body, 0)

    plsc.subcore_barrier()
    pltpu.sync_copy(acc_sh.at[pl.ds(s * rpt, rpt)],
                    out_hbm.at[pl.ds(c * NP + s * rpt, rpt)])


_edge_pass = functools.partial(
    pl.kernel,
    out_type=jax.ShapeDtypeStruct((NC * NP, WROW), jnp.float32),
    mesh=plsc.VectorSubcoreMesh(core_axis_name="c", subcore_axis_name="s"),
    compiler_params=pltpu.CompilerParams(use_tc_tiling_on_sc=False),
    scratch_types=[
        pltpu.VMEM((C, WROW), jnp.float32),
        pltpu.VMEM((C, ERW), jnp.float32),
        pltpu.VMEM((C, WROW), jnp.float32),
        pltpu.VMEM((C, ERW), jnp.float32),
        pltpu.VMEM((2, SUPC), jnp.int32),
        pltpu.VMEM_SHARED((NP, WROW), jnp.float32),
        pltpu.SemaphoreType.DMA,
        pltpu.SemaphoreType.DMA,
        pltpu.SemaphoreType.DMA,
        pltpu.SemaphoreType.DMA,
    ],
)(_edge_body)


def _gat_out_block(a0_ref, a1_ref, b_ref):
    acc = a0_ref[...] + a1_ref[...]
    ssum = acc[:, HID:HID + H]
    ssum = jnp.where(ssum > 0, ssum, 1.0)
    o = acc[:, :HID].reshape(RB, H, D) / ssum[:, :, None]
    return o.reshape(RB, HID) + b_ref[...]


def _finalize_body(a0_ref, a1_ref, b_ref, g_ref, be_ref, out_ref, st_ref):
    p = pl.program_id(0)
    i = pl.program_id(1)
    o = _gat_out_block(a0_ref, a1_ref, b_ref)

    @pl.when(jnp.logical_and(p == 0, i == 0))
    def _():
        st_ref[...] = jnp.zeros_like(st_ref)

    @pl.when(p == 0)
    def _():
        st_ref[0, :] += jnp.sum(o, axis=0)
        st_ref[1, :] += jnp.sum(o * o, axis=0)

    @pl.when(p == 1)
    def _():
        mu = st_ref[0, :] / N
        var = st_ref[1, :] / N - mu * mu
        on = (o - mu) / jnp.sqrt(var + 1e-3) * g_ref[...] + be_ref[...]
        out_ref[...] = jnp.maximum(on, 0.0)


def _finalize(a0, a1, b, g, be):
    return pl.pallas_call(
        _finalize_body,
        grid=(2, NG),
        in_specs=[
            pl.BlockSpec((RB, WROW), lambda p, i: (i, 0)),
            pl.BlockSpec((RB, WROW), lambda p, i: (i, 0)),
            pl.BlockSpec((HID,), lambda p, i: (0,)),
            pl.BlockSpec((HID,), lambda p, i: (0,)),
            pl.BlockSpec((HID,), lambda p, i: (0,)),
        ],
        out_specs=pl.BlockSpec((RB, HID), lambda p, i: (i, 0)),
        out_shape=jax.ShapeDtypeStruct((N, HID), jnp.float32),
        scratch_shapes=[pltpu.VMEM((8, HID), jnp.float32)],
    )(a0, a1, b, g, be)


def _head_body(a0_ref, a1_ref, b_ref, g_ref, be_ref, h1_ref, lw_ref, lb_ref,
               mask_ref, out_ref, st_ref):
    p = pl.program_id(0)
    i = pl.program_id(1)

    @pl.when(p < 2)
    def _():
        o = _gat_out_block(a0_ref, a1_ref, b_ref)

        @pl.when(jnp.logical_and(p == 0, i == 0))
        def _():
            st_ref[...] = jnp.zeros_like(st_ref)

        @pl.when(p == 0)
        def _():
            st_ref[0, :] += jnp.sum(o, axis=0)
            st_ref[1, :] += jnp.sum(o * o, axis=0)

        @pl.when(p == 1)
        def _():
            mu = st_ref[0, :] / N
            var = st_ref[1, :] / N - mu * mu
            on = (o - mu) / jnp.sqrt(var + 1e-3) * g_ref[...] + be_ref[...]
            h2 = jnp.maximum(on, 0.0) + h1_ref[...]
            st_ref[2, :] += jnp.sum(h2, axis=0)

    @pl.when(p == 2)
    def _():
        pooled = (st_ref[2, :] / N)[None, :]
        m = (mask_ref[...] > 0.5).astype(jnp.float32)
        w = lw_ref[...] * m
        out_ref[...] = (
            jnp.dot(pooled, w.T, preferred_element_type=jnp.float32)
            + lb_ref[...][None, :])


def _head(a0, a1, b, g, be, h1, lw, lb, mask_real):
    return pl.pallas_call(
        _head_body,
        grid=(3, NG),
        in_specs=[
            pl.BlockSpec((RB, WROW), lambda p, i: (i, 0)),
            pl.BlockSpec((RB, WROW), lambda p, i: (i, 0)),
            pl.BlockSpec((HID,), lambda p, i: (0,)),
            pl.BlockSpec((HID,), lambda p, i: (0,)),
            pl.BlockSpec((HID,), lambda p, i: (0,)),
            pl.BlockSpec((RB, HID), lambda p, i: (i, 0)),
            pl.BlockSpec((OUT, HID), lambda p, i: (0, 0)),
            pl.BlockSpec((OUT,), lambda p, i: (0,)),
            pl.BlockSpec((OUT, HID), lambda p, i: (0, 0)),
        ],
        out_specs=pl.BlockSpec((1, OUT), lambda p, i: (0, 0)),
        out_shape=jax.ShapeDtypeStruct((1, OUT), jnp.float32),
        scratch_shapes=[pltpu.VMEM((8, HID), jnp.float32)],
    )(a0, a1, b, g, be, h1, lw, lb, mask_real)


def kernel(h, edge_index, W1, al1, ar1, b1, g1, be1, W2, al2, ar2, b2, g2,
           be2, lw, lb, mask_real):
    zeros = jnp.zeros((NP, WROW), dtype=jnp.float32)

    big1, er1 = _prep(h, W1, al1, ar1)
    acc1 = _edge_pass(big1, er1, edge_index, zeros)
    h1 = _finalize(acc1[:N], acc1[NP:NP + N], b1, g1, be1)

    big2, er2 = _prep(h1, W2, al2, ar2)
    acc2 = _edge_pass(big2, er2, edge_index, zeros)
    return _head(acc2[:N], acc2[NP:NP + N], b2, g2, be2, h1, lw, lb,
                 mask_real)

# --- scband reference (transcript-rebuilt; emitter-appended) ---
"""Pipeline reference for scband-mask-gat-89515708383725 (READ-ONLY COPY).

The authoritative reference and input builder live on the scoring server;
editing this copy changes nothing except your own understanding.
"""

import jax, jax.numpy as jnp
import numpy as np

N = 10000
E = 320000
D_IN = 128
H = 8
D = 16
HID = H * D  # 128
OUT = 64


def setup_inputs(seed: int = 0) -> dict:
    key = jax.random.key(seed)
    ks = jax.random.split(key, 20)
    h = jax.random.normal(ks[0], (N, D_IN), dtype=jnp.float32)
    edge_index = jax.random.randint(ks[1], (2, E), 0, N, dtype=jnp.int32)
    # GAT layer 0: in 128 -> 8 heads x 16
    W1 = jax.random.normal(ks[2], (D_IN, HID), dtype=jnp.float32) * (1.0 / np.sqrt(D_IN))
    al1 = jax.random.normal(ks[3], (H, D), dtype=jnp.float32) * 0.1
    ar1 = jax.random.normal(ks[4], (H, D), dtype=jnp.float32) * 0.1
    b1 = jnp.zeros((HID,), dtype=jnp.float32)
    # GAT layer 1: in 128 -> 8 heads x 16
    W2 = jax.random.normal(ks[5], (HID, HID), dtype=jnp.float32) * (1.0 / np.sqrt(HID))
    al2 = jax.random.normal(ks[6], (H, D), dtype=jnp.float32) * 0.1
    ar2 = jax.random.normal(ks[7], (H, D), dtype=jnp.float32) * 0.1
    b2 = jnp.zeros((HID,), dtype=jnp.float32)
    # BatchNorm params
    g1 = jnp.ones((HID,), dtype=jnp.float32)
    be1 = jnp.zeros((HID,), dtype=jnp.float32)
    g2 = jnp.ones((HID,), dtype=jnp.float32)
    be2 = jnp.zeros((HID,), dtype=jnp.float32)
    # MaskLinear params
    lw = jax.random.normal(ks[8], (OUT, HID), dtype=jnp.float32) * (1.0 / np.sqrt(HID))
    lb = jnp.zeros((OUT,), dtype=jnp.float32)
    mask_real = jax.random.uniform(ks[9], (OUT, HID), dtype=jnp.float32)
    return {"h": h, "edge_index": edge_index, "W1": W1, "al1": al1, "ar1": ar1, "b1": b1,
            "g1": g1, "be1": be1, "W2": W2, "al2": al2, "ar2": ar2, "b2": b2,
            "g2": g2, "be2": be2, "lw": lw, "lb": lb, "mask_real": mask_real}


def reference(h, edge_index, W1, al1, ar1, b1, g1, be1, W2, al2, ar2, b2, g2, be2, lw, lb, mask_real):
    src = edge_index[0]
    dst = edge_index[1]
    n = h.shape[0]

    def gat(x, W, al, ar, b):
        feat = (x @ W).reshape(n, H, D)
        el = jnp.sum(feat * al[None, :, :], axis=-1)  # [N,H]
        er = jnp.sum(feat * ar[None, :, :], axis=-1)  # [N,H]
        e = jax.nn.leaky_relu(el[src] + er[dst], 0.2)  # [E,H]
        m = jax.ops.segment_max(e, dst, num_segments=n)
        m = jnp.where(jnp.isfinite(m), m, 0.0)
        ee = jnp.exp(e - m[dst])
        s = jax.ops.segment_sum(ee, dst, num_segments=n)
        alpha = ee / s[dst]  # edge softmax per dst node, per head
        out = jax.ops.segment_sum(feat[src] * alpha[:, :, None], dst, num_segments=n)
        return out.reshape(n, HID) + b

    def bn(x, g, b):
        mu = jnp.mean(x, axis=0)
        var = jnp.var(x, axis=0)
        return (x - mu) / jnp.sqrt(var + 1e-3) * g + b

    h1 = jax.nn.relu(bn(gat(h, W1, al1, ar1, b1), g1, be1))
    h2 = jax.nn.relu(bn(gat(h1, W2, al2, ar2, b2), g2, be2)) + h1
    pooled = jnp.mean(h2, axis=0, keepdims=True)  # AvgPooling over single graph -> [1, HID]
    mask = (mask_real > 0.5).astype(jnp.float32)
    score = pooled @ (lw * mask).T + lb  # MaskLinear (inference: no dropout)
    return score

if __name__ == "__main__":
    import jax
    _d = setup_inputs()
    print(jax.jit(kernel)(*tuple(_d.values())))

</pallas_src>

<mosaic_0001>
#map = affine_map<(d0, d1) -> (0, 0)>
module attributes {stable_mosaic.version = 14 : i64} {
  func.func @_edge_body(%arg0: i32, %arg1: i32, %arg2: memref<10000x144xf32, #tpu.memory_space<hbm>>, %arg3: memref<10000x16xf32, #tpu.memory_space<hbm>>, %arg4: memref<2x320000xi32, #tpu.memory_space<hbm>>, %arg5: memref<10240x144xf32, #tpu.memory_space<hbm>>, %arg6: memref<20480x144xf32, #tpu.memory_space<hbm>>, %arg7: memref<80x144xf32, #tpu.memory_space<vmem>>, %arg8: memref<80x16xf32, #tpu.memory_space<vmem>>, %arg9: memref<80x144xf32, #tpu.memory_space<vmem>>, %arg10: memref<80x16xf32, #tpu.memory_space<vmem>>, %arg11: memref<2x2000xi32, #tpu.memory_space<vmem>>, %arg12: memref<10240x144xf32, #tpu.memory_space<vmem_shared>>, %arg13: memref<!tpu.dma_semaphore, #tpu.memory_space<semaphore_mem>>, %arg14: memref<!tpu.dma_semaphore, #tpu.memory_space<semaphore_mem>>, %arg15: memref<!tpu.dma_semaphore, #tpu.memory_space<semaphore_mem>>, %arg16: memref<!tpu.dma_semaphore, #tpu.memory_space<semaphore_mem>>) attributes {dimension_semantics = [#tpu.dimension_semantics<core_parallel>, #tpu.dimension_semantics<subcore_parallel>], iteration_bounds = array<i64: 2, 16>, scalar_prefetch = 0 : i64, scratch_operands = 10 : i64, tpu.core_type = #tpu.core_type<sc_vector_subcore>, window_params = [{transform_indices = #map}, {transform_indices = #map}, {transform_indices = #map}, {transform_indices = #map}, {transform_indices = #map}]} {
    %mul3A = arith.constant 2 : i32
    %mul3A_0 = arith.muli %arg1, %mul3A : i32
    %add3A = arith.addi %mul3A_0, %arg0 : i32
    %mul3A_1 = arith.constant 640 : i32
    %mul3A_2 = arith.muli %arg1, %mul3A_1 : i32
    %mul3A_3 = arith.constant 640 : i32
    %mul3A_4 = arith.muli %arg1, %mul3A_3 : i32
    "tpu.region"() ({
      %run_scoped3A = tpu.sem_alloc : memref<!tpu.dma_semaphore, #tpu.memory_space<semaphore_mem>>
      %dma_start3A = arith.constant 0 : i32
      %dma_start3A_18 = tpu.memref_slice %arg12[%mul3A_4, %dma_start3A] : memref<10240x144xf32, #tpu.memory_space<vmem_shared>> -> memref<640x144xf32, #tpu.memory_space<vmem_shared>>
      %dma_start3A_19 = arith.constant 0 : i32
      %dma_start3A_20 = tpu.memref_slice %arg5[%mul3A_2, %dma_start3A_19] : memref<10240x144xf32, #tpu.memory_space<hbm>> -> memref<640x144xf32, #tpu.memory_space<hbm>>
      tpu.enqueue_dma source(%dma_start3A_20 : memref<640x144xf32, #tpu.memory_space<hbm>>) target(%dma_start3A_18 : memref<640x144xf32, #tpu.memory_space<vmem_shared>>) target_semaphore(%run_scoped3A : memref<!tpu.dma_semaphore, #tpu.memory_space<semaphore_mem>>)
      %dma_wait3A = arith.constant 0 : i32
      %dma_wait3A_21 = tpu.memref_slice %arg12[%mul3A_4, %dma_wait3A] : memref<10240x144xf32, #tpu.memory_space<vmem_shared>> -> memref<640x144xf32, #tpu.memory_space<vmem_shared>>
      %dma_wait3A_22 = arith.constant 0 : i32
      %dma_wait3A_23 = tpu.memref_slice %arg5[%mul3A_2, %dma_wait3A_22] : memref<10240x144xf32, #tpu.memory_space<hbm>> -> memref<640x144xf32, #tpu.memory_space<hbm>>
      tpu.wait_dma2 semaphore(%run_scoped3A : memref<!tpu.dma_semaphore, #tpu.memory_space<semaphore_mem>>) src(%dma_wait3A_23 : memref<640x144xf32, #tpu.memory_space<hbm>>) dst(%dma_wait3A_21 : memref<640x144xf32, #tpu.memory_space<vmem_shared>>)
      tpu.yield
    }) : () -> ()
    %barrier3A = arith.constant 0 : index
    tpu.barrier barrier_id(%barrier3A)
    %scan3A = arith.constant 0 : i32
    %scan3A_5 = arith.constant 0 : i32
    %scan3A_6 = arith.constant 5 : i32
    %scan3A_7 = arith.addi %scan3A_5, %scan3A_6 : i32
    %scan3A_8 = arith.constant 1 : i32
    scf.for %scan3A_18 = %scan3A_5 to %scan3A_7 step %scan3A_8  : i32 {
      %mul3A_19 = arith.constant 10000 : i32
      %mul3A_20 = arith.muli %add3A, %mul3A_19 : i32
      %mul3A_21 = arith.constant 2000 : i32
      %mul3A_22 = arith.muli %scan3A_18, %mul3A_21 : i32
      %add3A_23 = arith.addi %mul3A_20, %mul3A_22 : i32
      "tpu.region"() ({
        %run_scoped3A_58 = tpu.sem_alloc : memref<!tpu.dma_semaphore, #tpu.memory_space<semaphore_mem>>
        %dma_start3A_59 = arith.constant 0 : i32
        %dma_start3A_60 = tpu.memref_slice %arg4[%dma_start3A_59, %add3A_23] : memref<2x320000xi32, #tpu.memory_space<hbm>> -> memref<2x2000xi32, #tpu.memory_space<hbm>>
        %dma_start3A_61 = arith.constant 0 : i32
        %dma_start3A_62 = tpu.memref_slice %arg4[%dma_start3A_61, %add3A_23] : memref<2x320000xi32, #tpu.memory_space<hbm>> -> memref<2x2000xi32, #tpu.memory_space<hbm>>
        tpu.enqueue_dma source(%dma_start3A_62 : memref<2x2000xi32, #tpu.memory_space<hbm>>) target(%arg11 : memref<2x2000xi32, #tpu.memory_space<vmem>>) target_semaphore(%run_scoped3A_58 : memref<!tpu.dma_semaphore, #tpu.memory_space<semaphore_mem>>)
        %dma_wait3A_63 = arith.constant 0 : i32
        %dma_wait3A_64 = tpu.memref_slice %arg4[%dma_wait3A_63, %add3A_23] : memref<2x320000xi32, #tpu.memory_space<hbm>> -> memref<2x2000xi32, #tpu.memory_space<hbm>>
        %dma_wait3A_65 = arith.constant 0 : i32
        %dma_wait3A_66 = tpu.memref_slice %arg4[%dma_wait3A_65, %add3A_23] : memref<2x320000xi32, #tpu.memory_space<hbm>> -> memref<2x2000xi32, #tpu.memory_space<hbm>>
        tpu.wait_dma2 semaphore(%run_scoped3A_58 : memref<!tpu.dma_semaphore, #tpu.memory_space<semaphore_mem>>) src(%dma_wait3A_66 : memref<2x2000xi32, #tpu.memory_space<hbm>>) dst(%arg11 : memref<2x2000xi32, #tpu.memory_space<vmem>>)
        tpu.yield
      }) : () -> ()
      %dma_start3A = arith.constant 0 : i32
      %dma_start3A_24 = arith.constant 0 : i32
      %dma_start3A_25 = tpu.memref_slice %arg11[%dma_start3A, %dma_start3A_24] : memref<2x2000xi32, #tpu.memory_space<vmem>> -> memref<1x80xi32, #tpu.memory_space<vmem>>
      %dma_start3A_26 = tpu.memref_squeeze %dma_start3A_25 : memref<1x80xi32, #tpu.memory_space<vmem>> -> memref<80xi32, #tpu.memory_space<vmem>>
      %dma_start3A_27 = arith.constant 0 : i32
      %dma_start3A_28 = arith.constant 0 : i32
      %dma_start3A_29 = tpu.memref_slice %arg2[%dma_start3A_27, %dma_start3A_28] : memref<10000x144xf32, #tpu.memory_space<hbm>> -> memref<10000x144xf32, #tpu.memory_space<hbm>>
      tpu.enqueue_indirect_dma source(%dma_start3A_29 : memref<10000x144xf32, #tpu.memory_space<hbm>>) target(%arg7 : memref<80x144xf32, #tpu.memory_space<vmem>>) offsets(%dma_start3A_26 : memref<80xi32, #tpu.memory_space<vmem>>) semaphore(%arg13 : memref<!tpu.dma_semaphore, #tpu.memory_space<semaphore_mem>>)
      %dma_start3A_30 = arith.constant 1 : i32
      %dma_start3A_31 = arith.constant 0 : i32
      %dma_start3A_32 = tpu.memref_slice %arg11[%dma_start3A_30, %dma_start3A_31] : memref<2x2000xi32, #tpu.memory_space<vmem>> -> memref<1x80xi32, #tpu.memory_space<vmem>>
      %dma_start3A_33 = tpu.memref_squeeze %dma_start3A_32 : memref<1x80xi32, #tpu.memory_space<vmem>> -> memref<80xi32, #tpu.memory_space<vmem>>
      %dma_start3A_34 = arith.constant 0 : i32
      %dma_start3A_35 = arith.constant 0 : i32
      %dma_start3A_36 = tpu.memref_slice %arg3[%dma_start3A_34, %dma_start3A_35] : memref<10000x16xf32, #tpu.memory_space<hbm>> -> memref<10000x16xf32, #tpu.memory_space<hbm>>
      tpu.enqueue_indirect_dma source(%dma_start3A_36 : memref<10000x16xf32, #tpu.memory_space<hbm>>) target(%arg8 : memref<80x16xf32, #tpu.memory_space<vmem>>) offsets(%dma_start3A_33 : memref<80xi32, #tpu.memory_space<vmem>>) semaphore(%arg14 : memref<!tpu.dma_semaphore, #tpu.memory_space<semaphore_mem>>)
      %scan3A_37 = arith.constant 0 : i32
      %scan3A_38 = arith.constant 0 : i32
      %scan3A_39 = arith.constant 12 : i32
      %scan3A_40 = arith.addi %scan3A_38, %scan3A_39 : i32
      %scan3A_41 = arith.constant 1 : i32
      scf.for %scan3A_58 = %scan3A_38 to %scan3A_40 step %scan3A_41  : i32 {
        %mul3A_59 = arith.constant 2 : i32
        %mul3A_60 = arith.muli %mul3A_59, %scan3A_58 : i32
        %add3A_61 = arith.constant 1 : i32
        %add3A_62 = arith.addi %mul3A_60, %add3A_61 : i32
        %mul3A_63 = arith.constant 80 : i32
        %mul3A_64 = arith.muli %add3A_62, %mul3A_63 : i32
        %dma_start3A_65 = arith.constant 0 : i32
        %dma_start3A_66 = tpu.memref_slice %arg11[%dma_start3A_65, %mul3A_64] : memref<2x2000xi32, #tpu.memory_space<vmem>> -> memref<1x80xi32, #tpu.memory_space<vmem>>
        %dma_start3A_67 = tpu.memref_squeeze %dma_start3A_66 : memref<1x80xi32, #tpu.memory_space<vmem>> -> memref<80xi32, #tpu.memory_space<vmem>>
        %dma_start3A_68 = arith.constant 0 : i32
        %dma_start3A_69 = arith.constant 0 : i32
        %dma_start3A_70 = tpu.memref_slice %arg2[%dma_start3A_68, %dma_start3A_69] : memref<10000x144xf32, #tpu.memory_space<hbm>> -> memref<10000x144xf32, #tpu.memory_space<hbm>>
        tpu.enqueue_indirect_dma source(%dma_start3A_70 : memref<10000x144xf32, #tpu.memory_space<hbm>>) target(%arg9 : memref<80x144xf32, #tpu.memory_space<vmem>>) offsets(%dma_start3A_67 : memref<80xi32, #tpu.memory_space<vmem>>) semaphore(%arg15 : memref<!tpu.dma_semaphore, #tpu.memory_space<semaphore_mem>>)
        %mul3A_71 = arith.constant 80 : i32
        %mul3A_72 = arith.muli %add3A_62, %mul3A_71 : i32
        %dma_start3A_73 = arith.constant 1 : i32
        %dma_start3A_74 = tpu.memref_slice %arg11[%dma_start3A_73, %mul3A_72] : memref<2x2000xi32, #tpu.memory_space<vmem>> -> memref<1x80xi32, #tpu.memory_space<vmem>>
        %dma_start3A_75 = tpu.memref_squeeze %dma_start3A_74 : memref<1x80xi32, #tpu.memory_space<vmem>> -> memref<80xi32, #tpu.memory_space<vmem>>
        %dma_start3A_76 = arith.constant 0 : i32
        %dma_start3A_77 = arith.constant 0 : i32
        %dma_start3A_78 = tpu.memref_slice %arg3[%dma_start3A_76, %dma_start3A_77] : memref<10000x16xf32, #tpu.memory_space<hbm>> -> memref<10000x16xf32, #tpu.memory_space<hbm>>
        tpu.enqueue_indirect_dma source(%dma_start3A_78 : memref<10000x16xf32, #tpu.memory_space<hbm>>) target(%arg10 : memref<80x16xf32, #tpu.memory_space<vmem>>) offsets(%dma_start3A_75 : memref<80xi32, #tpu.memory_space<vmem>>) semaphore(%arg16 : memref<!tpu.dma_semaphore, #tpu.memory_space<semaphore_mem>>)
        %mul3A_79 = arith.constant 2 : i32
        %mul3A_80 = arith.muli %mul3A_79, %scan3A_58 : i32
        %mul3A_81 = arith.constant 80 : i32
        %mul3A_82 = arith.muli %mul3A_80, %mul3A_81 : i32
        %dma_wait3A_83 = arith.constant 0 : i32
        %dma_wait3A_84 = tpu.memref_slice %arg11[%dma_wait3A_83, %mul3A_82] : memref<2x2000xi32, #tpu.memory_space<vmem>> -> memref<1x80xi32, #tpu.memory_space<vmem>>
        %dma_wait3A_85 = tpu.memref_squeeze %dma_wait3A_84 : memref<1x80xi32, #tpu.memory_space<vmem>> -> memref<80xi32, #tpu.memory_space<vmem>>
        %dma_wait3A_86 = arith.constant 0 : i32
        %dma_wait3A_87 = arith.constant 0 : i32
        %dma_wait3A_88 = tpu.memref_slice %arg2[%dma_wait3A_86, %dma_wait3A_87] : memref<10000x144xf32, #tpu.memory_space<hbm>> -> memref<10000x144xf32, #tpu.memory_space<hbm>>
        tpu.wait_indirect_dma semaphore(%arg13 : memref<!tpu.dma_semaphore, #tpu.memory_space<semaphore_mem>>) src(%dma_wait3A_88 : memref<10000x144xf32, #tpu.memory_space<hbm>>) dst(%arg7 : memref<80x144xf32, #tpu.memory_space<vmem>>)
        %mul3A_89 = arith.constant 80 : i32
        %mul3A_90 = arith.muli %mul3A_80, %mul3A_89 : i32
        %dma_wait3A_91 = arith.constant 1 : i32
        %dma_wait3A_92 = tpu.memref_slice %arg11[%dma_wait3A_91, %mul3A_90] : memref<2x2000xi32, #tpu.memory_space<vmem>> -> memref<1x80xi32, #tpu.memory_space<vmem>>
        %dma_wait3A_93 = tpu.memref_squeeze %dma_wait3A_92 : memref<1x80xi32, #tpu.memory_space<vmem>> -> memref<80xi32, #tpu.memory_space<vmem>>
        %dma_wait3A_94 = arith.constant 0 : i32
        %dma_wait3A_95 = arith.constant 0 : i32
        %dma_wait3A_96 = tpu.memref_slice %arg3[%dma_wait3A_94, %dma_wait3A_95] : memref<10000x16xf32, #tpu.memory_space<hbm>> -> memref<10000x16xf32, #tpu.memory_space<hbm>>
        tpu.wait_indirect_dma semaphore(%arg14 : memref<!tpu.dma_semaphore, #tpu.memory_space<semaphore_mem>>) src(%dma_wait3A_96 : memref<10000x16xf32, #tpu.memory_space<hbm>>) dst(%arg8 : memref<80x16xf32, #tpu.memory_space<vmem>>)
        %mul3A_97 = arith.constant 2 : i32
        %mul3A_98 = arith.muli %mul3A_97, %scan3A_58 : i32
        %parallel_loop3A_99 = arith.constant 0 : i32
        %parallel_loop3A_100 = arith.constant 80 : i32
        %parallel_loop3A_101 = arith.constant 1 : i32
        scf.for %parallel_loop3A_155 = %parallel_loop3A_99 to %parallel_loop3A_100 step %parallel_loop3A_101  : i32 {
          %parallel_loop3A_156 = arith.index_cast %parallel_loop3A_155 : i32 to index
          %parallel_loop3A_157 = arith.constant 128 : index
          %parallel_loop3A_158 = tpu.vector_load %arg7[%parallel_loop3A_156, %parallel_loop3A_157] {strides = array<i32>} : memref<80x144xf32, #tpu.memory_space<vmem>>, vector<1x16xf32>,
          %parallel_loop3A_159 = vector.shape_cast %parallel_loop3A_158 : vector<1x16xf32> to vector<16xf32>
          %parallel_loop3A_160 = arith.index_cast %parallel_loop3A_155 : i32 to index
          %parallel_loop3A_161 = arith.constant 0 : index
          %parallel_loop3A_162 = tpu.vector_load %arg8[%parallel_loop3A_160, %parallel_loop3A_161] {strides = array<i32>} : memref<80x16xf32, #tpu.memory_space<vmem>>, vector<1x16xf32>,
          %parallel_loop3A_163 = vector.shape_cast %parallel_loop3A_162 : vector<1x16xf32> to vector<16xf32>
          %parallel_loop3A_164 = arith.addf %parallel_loop3A_159, %parallel_loop3A_163 : vector<16xf32>
          %parallel_loop3A_165 = arith.constant 0.000000e+00 : f32
          %parallel_loop3A_166 = vector.broadcast %parallel_loop3A_165 : f32 to vector<16xf32>
          %parallel_loop3A_167 = arith.cmpf oge, %parallel_loop3A_164, %parallel_loop3A_166 : vector<16xf32>
          %parallel_loop3A_168 = arith.constant 2.000000e-01 : f32
          %parallel_loop3A_169 = vector.broadcast %parallel_loop3A_168 : f32 to vector<16xf32>
          %parallel_loop3A_170 = arith.mulf %parallel_loop3A_169, %parallel_loop3A_164 : vector<16xf32>
          %parallel_loop3A_171 = arith.select %parallel_loop3A_167, %parallel_loop3A_164, %parallel_loop3A_170 : vector<16xi1>, vector<16xf32>
          %parallel_loop3A_172 = math.exp %parallel_loop3A_171 : vector<16xf32>
          %parallel_loop3A_173 = arith.constant 0 : i32
          %parallel_loop3A_174 = vector.broadcast %parallel_loop3A_173 : i32 to vector<16x1xi32>
          %parallel_loop3A_175 = vector.shape_cast %parallel_loop3A_174 : vector<16x1xi32> to vector<16xi32>
          %parallel_loop3A_176 = tpu.dynamic_gather %parallel_loop3A_172[%parallel_loop3A_175] in [0] : vector<16xf32>, vector<16xi32> -> vector<16xf32>
          %parallel_loop3A_177 = arith.index_cast %parallel_loop3A_155 : i32 to index
          %parallel_loop3A_178 = arith.constant 0 : index
          %parallel_loop3A_179 = tpu.vector_load %arg7[%parallel_loop3A_177, %parallel_loop3A_178] {strides = array<i32>} : memref<80x144xf32, #tpu.memory_space<vmem>>, vector<1x16xf32>,
          %parallel_loop3A_180 = vector.shape_cast %parallel_loop3A_179 : vector<1x16xf32> to vector<16xf32>
          %parallel_loop3A_181 = arith.mulf %parallel_loop3A_180, %parallel_loop3A_176 : vector<16xf32>
          %parallel_loop3A_182 = arith.index_cast %parallel_loop3A_155 : i32 to index
          %parallel_loop3A_183 = arith.constant 0 : index
          %parallel_loop3A_184 = tpu.vector_load %arg7[%parallel_loop3A_182, %parallel_loop3A_183] {strides = array<i32>} : memref<80x144xf32, #tpu.memory_space<vmem>>, vector<1x16xf32>,
          %parallel_loop3A_185 = vector.shape_cast %parallel_loop3A_184 : vector<1x16xf32> to vector<16xf32>
          %parallel_loop3A_186 = vector.shape_cast %parallel_loop3A_181 : vector<16xf32> to vector<1x16xf32>
          tpu.vector_store %arg7[%parallel_loop3A_182, %parallel_loop3A_183], %parallel_loop3A_186 {strides = array<i32>} : memref<80x144xf32, #tpu.memory_space<vmem>>, vector<1x16xf32>,
          %parallel_loop3A_187 = arith.constant 1 : i32
          %parallel_loop3A_188 = vector.broadcast %parallel_loop3A_187 : i32 to vector<16x1xi32>
          %parallel_loop3A_189 = vector.shape_cast %parallel_loop3A_188 : vector<16x1xi32> to vector<16xi32>
          %parallel_loop3A_190 = tpu.dynamic_gather %parallel_loop3A_172[%parallel_loop3A_189] in [0] : vector<16xf32>, vector<16xi32> -> vector<16xf32>
          %parallel_loop3A_191 = arith.index_cast %parallel_loop3A_155 : i32 to index
          %parallel_loop3A_192 = arith.constant 16 : index
          %parallel_loop3A_193 = tpu.vector_load %arg7[%parallel_loop3A_191, %parallel_loop3A_192] {strides = array<i32>} : memref<80x144xf32, #tpu.memory_space<vmem>>, vector<1x16xf32>,
          %parallel_loop3A_194 = vector.shape_cast %parallel_loop3A_193 : vector<1x16xf32> to vector<16xf32>
          %parallel_loop3A_195 = arith.mulf %parallel_loop3A_194, %parallel_loop3A_190 : vector<16xf32>
          %parallel_loop3A_196 = arith.index_cast %parallel_loop3A_155 : i32 to index
          %parallel_loop3A_197 = arith.constant 16 : index
          %parallel_loop3A_198 = tpu.vector_load %arg7[%parallel_loop3A_196, %parallel_loop3A_197] {strides = array<i32>} : memref<80x144xf32, #tpu.memory_space<vmem>>, vector<1x16xf32>,
          %parallel_loop3A_199 = vector.shape_cast %parallel_loop3A_198 : vector<1x16xf32> to vector<16xf32>
          %parallel_loop3A_200 = vector.shape_cast %parallel_loop3A_195 : vector<16xf32> to vector<1x16xf32>
          tpu.vector_store %arg7[%parallel_loop3A_196, %parallel_loop3A_197], %parallel_loop3A_200 {strides = array<i32>} : memref<80x144xf32, #tpu.memory_space<vmem>>, vector<1x16xf32>,
          %parallel_loop3A_201 = arith.constant 2 : i32
          %parallel_loop3A_202 = vector.broadcast %parallel_loop3A_201 : i32 to vector<16x1xi32>
          %parallel_loop3A_203 = vector.shape_cast %parallel_loop3A_202 : vector<16x1xi32> to vector<16xi32>
          %parallel_loop3A_204 = tpu.dynamic_gather %parallel_loop3A_172[%parallel_loop3A_203] in [0] : vector<16xf32>, vector<16xi32> -> vector<16xf32>
          %parallel_loop3A_205 = arith.index_cast %parallel_loop3A_155 : i32 to index
          %parallel_loop3A_206 = arith.constant 32 : index
          %parallel_loop3A_207 = tpu.vector_load %arg7[%parallel_loop3A_205, %parallel_loop3A_206] {strides = array<i32>} : memref<80x144xf32, #tpu.memory_space<vmem>>, vector<1x16xf32>,
          %parallel_loop3A_208 = vector.shape_cast %parallel_loop3A_207 : vector<1x16xf32> to vector<16xf32>
          %parallel_loop3A_209 = arith.mulf %parallel_loop3A_208, %parallel_loop3A_204 : vector<16xf32>
          %parallel_loop3A_210 = arith.index_cast %parallel_loop3A_155 : i32 to index
          %parallel_loop3A_211 = arith.constant 32 : index
          %parallel_loop3A_212 = tpu.vector_load %arg7[%parallel_loop3A_210, %parallel_loop3A_211] {strides = array<i32>} : memref<80x144xf32, #tpu.memory_space<vmem>>, vector<1x16xf32>,
          %parallel_loop3A_213 = vector.shape_cast %parallel_loop3A_212 : vector<1x16xf32> to vector<16xf32>
          %parallel_loop3A_214 = vector.shape_cast %parallel_loop3A_209 : vector<16xf32> to vector<1x16xf32>
          tpu.vector_store %arg7[%parallel_loop3A_210, %parallel_loop3A_211], %parallel_loop3A_214 {strides = array<i32>} : memref<80x144xf32, #tpu.memory_space<vmem>>, vector<1x16xf32>,
          %parallel_loop3A_215 = arith.constant 3 : i32
          %parallel_loop3A_216 = vector.broadcast %parallel_loop3A_215 : i32 to vector<16x1xi32>
          %parallel_loop3A_217 = vector.shape_cast %parallel_loop3A_216 : vector<16x1xi32> to vector<16xi32>
          %parallel_loop3A_218 = tpu.dynamic_gather %parallel_loop3A_172[%parallel_loop3A_217] in [0] : vector<16xf32>, vector<16xi32> -> vector<16xf32>
          %parallel_loop3A_219 = arith.index_cast %parallel_loop3A_155 : i32 to index
          %parallel_loop3A_220 = arith.constant 48 : index
          %parallel_loop3A_221 = tpu.vector_load %arg7[%parallel_loop3A_219, %parallel_loop3A_220] {strides = array<i32>} : memref<80x144xf32, #tpu.memory_space<vmem>>, vector<1x16xf32>,
          %parallel_loop3A_222 = vector.shape_cast %parallel_loop3A_221 : vector<1x16xf32> to vector<16xf32>
          %parallel_loop3A_223 = arith.mulf %parallel_loop3A_222, %parallel_loop3A_218 : vector<16xf32>
          %parallel_loop3A_224 = arith.index_cast %parallel_loop3A_155 : i32 to index
          %parallel_loop3A_225 = arith.constant 48 : index
          %parallel_loop3A_226 = tpu.vector_load %arg7[%parallel_loop3A_224, %parallel_loop3A_225] {strides = array<i32>} : memref<80x144xf32, #tpu.memory_space<vmem>>, vector<1x16xf32>,
          %parallel_loop3A_227 = vector.shape_cast %parallel_loop3A_226 : vector<1x16xf32> to vector<16xf32>
          %parallel_loop3A_228 = vector.shape_cast %parallel_loop3A_223 : vector<16xf32> to vector<1x16xf32>
          tpu.vector_store %arg7[%parallel_loop3A_224, %parallel_loop3A_225], %parallel_loop3A_228 {strides = array<i32>} : memref<80x144xf32, #tpu.memory_space<vmem>>, vector<1x16xf32>,
          %parallel_loop3A_229 = arith.constant 4 : i32
          %parallel_loop3A_230 = vector.broadcast %parallel_loop3A_229 : i32 to vector<16x1xi32>
          %parallel_loop3A_231 = vector.shape_cast %parallel_loop3A_230 : vector<16x1xi32> to vector<16xi32>
          %parallel_loop3A_232 = tpu.dynamic_gather %parallel_loop3A_172[%parallel_loop3A_231] in [0] : vector<16xf32>, vector<16xi32> -> vector<16xf32>
          %parallel_loop3A_233 = arith.index_cast %parallel_loop3A_155 : i32 to index
          %parallel_loop3A_234 = arith.constant 64 : index
          %parallel_loop3A_235 = tpu.vector_load %arg7[%parallel_loop3A_233, %parallel_loop3A_234] {strides = array<i32>} : memref<80x144xf32, #tpu.memory_space<vmem>>, vector<1x16xf32>,
          %parallel_loop3A_236 = vector.shape_cast %parallel_loop3A_235 : vector<1x16xf32> to vector<16xf32>
          %parallel_loop3A_237 = arith.mulf %parallel_loop3A_236, %parallel_loop3A_232 : vector<16xf32>
          %parallel_loop3A_238 = arith.index_cast %parallel_loop3A_155 : i32 to index
          %parallel_loop3A_239 = arith.constant 64 : index
          %parallel_loop3A_240 = tpu.vector_load %arg7[%parallel_loop3A_238, %parallel_loop3A_239] {strides = array<i32>} : memref<80x144xf32, #tpu.memory_space<vmem>>, vector<1x16xf32>,
          %parallel_loop3A_241 = vector.shape_cast %parallel_loop3A_240 : vector<1x16xf32> to vector<16xf32>
          %parallel_loop3A_242 = vector.shape_cast %parallel_loop3A_237 : vector<16xf32> to vector<1x16xf32>
          tpu.vector_store %arg7[%parallel_loop3A_238, %parallel_loop3A_239], %parallel_loop3A_242 {strides = array<i32>} : memref<80x144xf32, #tpu.memory_space<vmem>>, vector<1x16xf32>,
          %parallel_loop3A_243 = arith.constant 5 : i32
          %parallel_loop3A_244 = vector.broadcast %parallel_loop3A_243 : i32 to vector<16x1xi32>
          %parallel_loop3A_245 = vector.shape_cast %parallel_loop3A_244 : vector<16x1xi32> to vector<16xi32>
          %parallel_loop3A_246 = tpu.dynamic_gather %parallel_loop3A_172[%parallel_loop3A_245] in [0] : vector<16xf32>, vector<16xi32> -> vector<16xf32>
          %parallel_loop3A_247 = arith.index_cast %parallel_loop3A_155 : i32 to index
          %parallel_loop3A_248 = arith.constant 80 : index
          %parallel_loop3A_249 = tpu.vector_load %arg7[%parallel_loop3A_247, %parallel_loop3A_248] {strides = array<i32>} : memref<80x144xf32, #tpu.memory_space<vmem>>, vector<1x16xf32>,
          %parallel_loop3A_250 = vector.shape_cast %parallel_loop3A_249 : vector<1x16xf32> to vector<16xf32>
          %parallel_loop3A_251 = arith.mulf %parallel_loop3A_250, %parallel_loop3A_246 : vector<16xf32>
          %parallel_loop3A_252 = arith.index_cast %parallel_loop3A_155 : i32 to index
          %parallel_loop3A_253 = arith.constant 80 : index
          %parallel_loop3A_254 = tpu.vector_load %arg7[%parallel_loop3A_252, %parallel_loop3A_253] {strides = array<i32>} : memref<80x144xf32, #tpu.memory_space<vmem>>, vector<1x16xf32>,
          %parallel_loop3A_255 = vector.shape_cast %parallel_loop3A_254 : vector<1x16xf32> to vector<16xf32>
          %parallel_loop3A_256 = vector.shape_cast %parallel_loop3A_251 : vector<16xf32> to vector<1x16xf32>
          tpu.vector_store %arg7[%parallel_loop3A_252, %parallel_loop3A_253], %parallel_loop3A_256 {strides = array<i32>} : memref<80x144xf32, #tpu.memory_space<vmem>>, vector<1x16xf32>,
          %parallel_loop3A_257 = arith.constant 6 : i32
          %parallel_loop3A_258 = vector.broadcast %parallel_loop3A_257 : i32 to vector<16x1xi32>
          %parallel_loop3A_259 = vector.shape_cast %parallel_loop3A_258 : vector<16x1xi32> to vector<16xi32>
          %parallel_loop3A_260 = tpu.dynamic_gather %parallel_loop3A_172[%parallel_loop3A_259] in [0] : vector<16xf32>, vector<16xi32> -> vector<16xf32>
          %parallel_loop3A_261 = arith.index_cast %parallel_loop3A_155 : i32 to index
          %parallel_loop3A_262 = arith.constant 96 : index
          %parallel_loop3A_263 = tpu.vector_load %arg7[%parallel_loop3A_261, %parallel_loop3A_262] {strides = array<i32>} : memref<80x144xf32, #tpu.memory_space<vmem>>, vector<1x16xf32>,
          %parallel_loop3A_264 = vector.shape_cast %parallel_loop3A_263 : vector<1x16xf32> to vector<16xf32>
          %parallel_loop3A_265 = arith.mulf %parallel_loop3A_264, %parallel_loop3A_260 : vector<16xf32>
          %parallel_loop3A_266 = arith.index_cast %parallel_loop3A_155 : i32 to index
          %parallel_loop3A_267 = arith.constant 96 : index
          %parallel_loop3A_268 = tpu.vector_load %arg7[%parallel_loop3A_266, %parallel_loop3A_267] {strides = array<i32>} : memref<80x144xf32, #tpu.memory_space<vmem>>, vector<1x16xf32>,
          %parallel_loop3A_269 = vector.shape_cast %parallel_loop3A_268 : vector<1x16xf32> to vector<16xf32>
          %parallel_loop3A_270 = vector.shape_cast %parallel_loop3A_265 : vector<16xf32> to vector<1x16xf32>
          tpu.vector_store %arg7[%parallel_loop3A_266, %parallel_loop3A_267], %parallel_loop3A_270 {strides = array<i32>} : memref<80x144xf32, #tpu.memory_space<vmem>>, vector<1x16xf32>,
          %parallel_loop3A_271 = arith.constant 7 : i32
          %parallel_loop3A_272 = vector.broadcast %parallel_loop3A_271 : i32 to vector<16x1xi32>
          %parallel_loop3A_273 = vector.shape_cast %parallel_loop3A_272 : vector<16x1xi32> to vector<16xi32>
          %parallel_loop3A_274 = tpu.dynamic_gather %parallel_loop3A_172[%parallel_loop3A_273] in [0] : vector<16xf32>, vector<16xi32> -> vector<16xf32>
          %parallel_loop3A_275 = arith.index_cast %parallel_loop3A_155 : i32 to index
          %parallel_loop3A_276 = arith.constant 112 : index
          %parallel_loop3A_277 = tpu.vector_load %arg7[%parallel_loop3A_275, %parallel_loop3A_276] {strides = array<i32>} : memref<80x144xf32, #tpu.memory_space<vmem>>, vector<1x16xf32>,
          %parallel_loop3A_278 = vector.shape_cast %parallel_loop3A_277 : vector<1x16xf32> to vector<16xf32>
          %parallel_loop3A_279 = arith.mulf %parallel_loop3A_278, %parallel_loop3A_274 : vector<16xf32>
          %parallel_loop3A_280 = arith.index_cast %parallel_loop3A_155 : i32 to index
          %parallel_loop3A_281 = arith.constant 112 : index
          %parallel_loop3A_282 = tpu.vector_load %arg7[%parallel_loop3A_280, %parallel_loop3A_281] {strides = array<i32>} : memref<80x144xf32, #tpu.memory_space<vmem>>, vector<1x16xf32>,
          %parallel_loop3A_283 = vector.shape_cast %parallel_loop3A_282 : vector<1x16xf32> to vector<16xf32>
          %parallel_loop3A_284 = vector.shape_cast %parallel_loop3A_279 : vector<16xf32> to vector<1x16xf32>
          tpu.vector_store %arg7[%parallel_loop3A_280, %parallel_loop3A_281], %parallel_loop3A_284 {strides = array<i32>} : memref<80x144xf32, #tpu.memory_space<vmem>>, vector<1x16xf32>,
          %parallel_loop3A_285 = arith.index_cast %parallel_loop3A_155 : i32 to index
          %parallel_loop3A_286 = arith.constant 128 : index
          %parallel_loop3A_287 = tpu.vector_load %arg7[%parallel_loop3A_285, %parallel_loop3A_286] {strides = array<i32>} : memref<80x144xf32, #tpu.memory_space<vmem>>, vector<1x16xf32>,
          %parallel_loop3A_288 = vector.shape_cast %parallel_loop3A_287 : vector<1x16xf32> to vector<16xf32>
          %parallel_loop3A_289 = vector.shape_cast %parallel_loop3A_172 : vector<16xf32> to vector<1x16xf32>
          tpu.vector_store %arg7[%parallel_loop3A_285, %parallel_loop3A_286], %parallel_loop3A_289 {strides = array<i32>} : memref<80x144xf32, #tpu.memory_space<vmem>>, vector<1x16xf32>,
        } {sc.loop_unroll_factor = 4 : i64, sc.parallel_access}
        %mul3A_102 = arith.constant 80 : i32
        %mul3A_103 = arith.muli %mul3A_98, %mul3A_102 : i32
        %run_scoped3A_104 = arith.constant 1 : i32
        "tpu.region"() ({
          %run_scoped3A_155 = tpu.sem_alloc : memref<!tpu.dma_semaphore, #tpu.memory_space<semaphore_mem>>
          %dma_start3A_156 = tpu.memref_slice %arg11[%run_scoped3A_104, %mul3A_103] : memref<2x2000xi32, #tpu.memory_space<vmem>> -> memref<1x80xi32, #tpu.memory_space<vmem>>
          %dma_start3A_157 = tpu.memref_squeeze %dma_start3A_156 : memref<1x80xi32, #tpu.memory_space<vmem>> -> memref<80xi32, #tpu.memory_space<vmem>>
          %dma_start3A_158 = arith.constant 0 : i32
          %dma_start3A_159 = arith.constant 0 : i32
          %dma_start3A_160 = tpu.memref_slice %arg12[%dma_start3A_158, %dma_start3A_159] : memref<10240x144xf32, #tpu.memory_space<vmem_shared>> -> memref<10240x144xf32, #tpu.memory_space<vmem_shared>>
          tpu.enqueue_indirect_dma source(%arg7 : memref<80x144xf32, #tpu.memory_space<vmem>>) target(%dma_start3A_160 : memref<10240x144xf32, #tpu.memory_space<vmem_shared>>) offsets(%dma_start3A_157 : memref<80xi32, #tpu.memory_space<vmem>>) semaphore(%run_scoped3A_155 : memref<!tpu.dma_semaphore, #tpu.memory_space<semaphore_mem>>) {add = true}
          %dma_wait3A_161 = tpu.memref_slice %arg11[%run_scoped3A_104, %mul3A_103] : memref<2x2000xi32, #tpu.memory_space<vmem>> -> memref<1x80xi32, #tpu.memory_space<vmem>>
          %dma_wait3A_162 = tpu.memref_squeeze %dma_wait3A_161 : memref<1x80xi32, #tpu.memory_space<vmem>> -> memref<80xi32, #tpu.memory_space<vmem>>
          %dma_wait3A_163 = arith.constant 0 : i32
          %dma_wait3A_164 = arith.constant 0 : i32
          %dma_wait3A_165 = tpu.memref_slice %arg12[%dma_wait3A_163, %dma_wait3A_164] : memref<10240x144xf32, #tpu.memory_space<vmem_shared>> -> memref<10240x144xf32, #tpu.memory_space<vmem_shared>>
          tpu.wait_indirect_dma semaphore(%run_scoped3A_155 : memref<!tpu.dma_semaphore, #tpu.memory_space<semaphore_mem>>) src(%arg7 : memref<80x144xf32, #tpu.memory_space<vmem>>) dst(%dma_wait3A_165 : memref<10240x144xf32, #tpu.memory_space<vmem_shared>>)
          tpu.yield
        }) : () -> ()
        %mul3A_105 = arith.constant 2 : i32
        %mul3A_106 = arith.muli %mul3A_105, %scan3A_58 : i32
        %add3A_107 = arith.constant 2 : i32
        %add3A_108 = arith.addi %mul3A_106, %add3A_107 : i32
        %mul3A_109 = arith.constant 80 : i32
        %mul3A_110 = arith.muli %add3A_108, %mul3A_109 : i32
        %dma_start3A_111 = arith.constant 0 : i32
        %dma_start3A_112 = tpu.memref_slice %arg11[%dma_start3A_111, %mul3A_110] : memref<2x2000xi32, #tpu.memory_space<vmem>> -> memref<1x80xi32, #tpu.memory_space<vmem>>
        %dma_start3A_113 = tpu.memref_squeeze %dma_start3A_112 : memref<1x80xi32, #tpu.memory_space<vmem>> -> memref<80xi32, #tpu.memory_space<vmem>>
        %dma_start3A_114 = arith.constant 0 : i32
        %dma_start3A_115 = arith.constant 0 : i32
        %dma_start3A_116 = tpu.memref_slice %arg2[%dma_start3A_114, %dma_start3A_115] : memref<10000x144xf32, #tpu.memory_space<hbm>> -> memref<10000x144xf32, #tpu.memory_space<hbm>>
        tpu.enqueue_indirect_dma source(%dma_start3A_116 : memref<10000x144xf32, #tpu.memory_space<hbm>>) target(%arg7 : memref<80x144xf32, #tpu.memory_space<vmem>>) offsets(%dma_start3A_113 : memref<80xi32, #tpu.memory_space<vmem>>) semaphore(%arg13 : memref<!tpu.dma_semaphore, #tpu.memory_space<semaphore_mem>>)
        %mul3A_117 = arith.constant 80 : i32
        %mul3A_118 = arith.muli %add3A_108, %mul3A_117 : i32
        %dma_start3A_119 = arith.constant 1 : i32
        %dma_start3A_120 = tpu.memref_slice %arg11[%dma_start3A_119, %mul3A_118] : memref<2x2000xi32, #tpu.memory_space<vmem>> -> memref<1x80xi32, #tpu.memory_space<vmem>>
        %dma_start3A_121 = tpu.memref_squeeze %dma_start3A_120 : memref<1x80xi32, #tpu.memory_space<vmem>> -> memref<80xi32, #tpu.memory_space<vmem>>
        %dma_start3A_122 = arith.constant 0 : i32
        %dma_start3A_123 = arith.constant 0 : i32
        %dma_start3A_124 = tpu.memref_slice %arg3[%dma_start3A_122, %dma_start3A_123] : memref<10000x16xf32, #tpu.memory_space<hbm>> -> memref<10000x16xf32, #tpu.memory_space<hbm>>
        tpu.enqueue_indirect_dma source(%dma_start3A_124 : memref<10000x16xf32, #tpu.memory_space<hbm>>) target(%arg8 : memref<80x16xf32, #tpu.memory_space<vmem>>) offsets(%dma_start3A_121 : memref<80xi32, #tpu.memory_space<vmem>>) semaphore(%arg14 : memref<!tpu.dma_semaphore, #tpu.memory_space<semaphore_mem>>)
        %mul3A_125 = arith.constant 2 : i32
        %mul3A_126 = arith.muli %mul3A_125, %scan3A_58 : i32
        %add3A_127 = arith.constant 1 : i32
        %add3A_128 = arith.addi %mul3A_126, %add3A_127 : i32
        %mul3A_129 = arith.constant 80 : i32
        %mul3A_130 = arith.muli %add3A_128, %mul3A_129 : i32
        %dma_wait3A_131 = arith.constant 0 : i32
        %dma_wait3A_132 = tpu.memref_slice %arg11[%dma_wait3A_131, %mul3A_130] : memref<2x2000xi32, #tpu.memory_space<vmem>> -> memref<1x80xi32, #tpu.memory_space<vmem>>
        %dma_wait3A_133 = tpu.memref_squeeze %dma_wait3A_132 : memref<1x80xi32, #tpu.memory_space<vmem>> -> memref<80xi32, #tpu.memory_space<vmem>>
        %dma_wait3A_134 = arith.constant 0 : i32
        %dma_wait3A_135 = arith.constant 0 : i32
        %dma_wait3A_136 = tpu.memref_slice %arg2[%dma_wait3A_134, %dma_wait3A_135] : memref<10000x144xf32, #tpu.memory_space<hbm>> -> memref<10000x144xf32, #tpu.memory_space<hbm>>
        tpu.wait_indirect_dma semaphore(%arg15 : memref<!tpu.dma_semaphore, #tpu.memory_space<semaphore_mem>>) src(%dma_wait3A_136 : memref<10000x144xf32, #tpu.memory_space<hbm>>) dst(%arg9 : memref<80x144xf32, #tpu.memory_space<vmem>>)
        %mul3A_137 = arith.constant 80 : i32
        %mul3A_138 = arith.muli %add3A_128, %mul3A_137 : i32
        %dma_wait3A_139 = arith.constant 1 : i32
        %dma_wait3A_140 = tpu.memref_slice %arg11[%dma_wait3A_139, %mul3A_138] : memref<2x2000xi32, #tpu.memory_space<vmem>> -> memref<1x80xi32, #tpu.memory_space<vmem>>
        %dma_wait3A_141 = tpu.memref_squeeze %dma_wait3A_140 : memref<1x80xi32, #tpu.memory_space<vmem>> -> memref<80xi32, #tpu.memory_space<vmem>>
        %dma_wait3A_142 = arith.constant 0 : i32
        %dma_wait3A_143 = arith.constant 0 : i32
        %dma_wait3A_144 = tpu.memref_slice %arg3[%dma_wait3A_142, %dma_wait3A_143] : memref<10000x16xf32, #tpu.memory_space<hbm>> -> memref<10000x16xf32, #tpu.memory_space<hbm>>
        tpu.wait_indirect_dma semaphore(%arg16 : memref<!tpu.dma_semaphore, #tpu.memory_space<semaphore_mem>>) src(%dma_wait3A_144 : memref<10000x16xf32, #tpu.memory_space<hbm>>) dst(%arg10 : memref<80x16xf32, #tpu.memory_space<vmem>>)
        %mul3A_145 = arith.constant 2 : i32
        %mul3A_146 = arith.muli %mul3A_145, %scan3A_58 : i32
        %add3A_147 = arith.constant 1 : i32
        %add3A_148 = arith.addi %mul3A_146, %add3A_147 : i32
        %parallel_loop3A_149 = arith.constant 0 : i32
        %parallel_loop3A_150 = arith.constant 80 : i32
        %parallel_loop3A_151 = arith.constant 1 : i32
        scf.for %parallel_loop3A_155 = %parallel_loop3A_149 to %parallel_loop3A_150 step %parallel_loop3A_151  : i32 {
          %parallel_loop3A_156 = arith.index_cast %parallel_loop3A_155 : i32 to index
          %parallel_loop3A_157 = arith.constant 128 : index
          %parallel_loop3A_158 = tpu.vector_load %arg9[%parallel_loop3A_156, %parallel_loop3A_157] {strides = array<i32>} : memref<80x144xf32, #tpu.memory_space<vmem>>, vector<1x16xf32>,
          %parallel_loop3A_159 = vector.shape_cast %parallel_loop3A_158 : vector<1x16xf32> to vector<16xf32>
          %parallel_loop3A_160 = arith.index_cast %parallel_loop3A_155 : i32 to index
          %parallel_loop3A_161 = arith.constant 0 : index
          %parallel_loop3A_162 = tpu.vector_load %arg10[%parallel_loop3A_160, %parallel_loop3A_161] {strides = array<i32>} : memref<80x16xf32, #tpu.memory_space<vmem>>, vector<1x16xf32>,
          %parallel_loop3A_163 = vector.shape_cast %parallel_loop3A_162 : vector<1x16xf32> to vector<16xf32>
          %parallel_loop3A_164 = arith.addf %parallel_loop3A_159, %parallel_loop3A_163 : vector<16xf32>
          %parallel_loop3A_165 = arith.constant 0.000000e+00 : f32
          %parallel_loop3A_166 = vector.broadcast %parallel_loop3A_165 : f32 to vector<16xf32>
          %parallel_loop3A_167 = arith.cmpf oge, %parallel_loop3A_164, %parallel_loop3A_166 : vector<16xf32>
          %parallel_loop3A_168 = arith.constant 2.000000e-01 : f32
          %parallel_loop3A_169 = vector.broadcast %parallel_loop3A_168 : f32 to vector<16xf32>
          %parallel_loop3A_170 = arith.mulf %parallel_loop3A_169, %parallel_loop3A_164 : vector<16xf32>
          %parallel_loop3A_171 = arith.select %parallel_loop3A_167, %parallel_loop3A_164, %parallel_loop3A_170 : vector<16xi1>, vector<16xf32>
          %parallel_loop3A_172 = math.exp %parallel_loop3A_171 : vector<16xf32>
          %parallel_loop3A_173 = arith.constant 0 : i32
          %parallel_loop3A_174 = vector.broadcast %parallel_loop3A_173 : i32 to vector<16x1xi32>
          %parallel_loop3A_175 = vector.shape_cast %parallel_loop3A_174 : vector<16x1xi32> to vector<16xi32>
          %parallel_loop3A_176 = tpu.dynamic_gather %parallel_loop3A_172[%parallel_loop3A_175] in [0] : vector<16xf32>, vector<16xi32> -> vector<16xf32>
          %parallel_loop3A_177 = arith.index_cast %parallel_loop3A_155 : i32 to index
          %parallel_loop3A_178 = arith.constant 0 : index
          %parallel_loop3A_179 = tpu.vector_load %arg9[%parallel_loop3A_177, %parallel_loop3A_178] {strides = array<i32>} : memref<80x144xf32, #tpu.memory_space<vmem>>, vector<1x16xf32>,
          %parallel_loop3A_180 = vector.shape_cast %parallel_loop3A_179 : vector<1x16xf32> to vector<16xf32>
          %parallel_loop3A_181 = arith.mulf %parallel_loop3A_180, %parallel_loop3A_176 : vector<16xf32>
          %parallel_loop3A_182 = arith.index_cast %parallel_loop3A_155 : i32 to index
          %parallel_loop3A_183 = arith.constant 0 : index
          %parallel_loop3A_184 = tpu.vector_load %arg9[%parallel_loop3A_182, %parallel_loop3A_183] {strides = array<i32>} : memref<80x144xf32, #tpu.memory_space<vmem>>, vector<1x16xf32>,
          %parallel_loop3A_185 = vector.shape_cast %parallel_loop3A_184 : vector<1x16xf32> to vector<16xf32>
          %parallel_loop3A_186 = vector.shape_cast %parallel_loop3A_181 : vector<16xf32> to vector<1x16xf32>
          tpu.vector_store %arg9[%parallel_loop3A_182, %parallel_loop3A_183], %parallel_loop3A_186 {strides = array<i32>} : memref<80x144xf32, #tpu.memory_space<vmem>>, vector<1x16xf32>,
          %parallel_loop3A_187 = arith.constant 1 : i32
          %parallel_loop3A_188 = vector.broadcast %parallel_loop3A_187 : i32 to vector<16x1xi32>
          %parallel_loop3A_189 = vector.shape_cast %parallel_loop3A_188 : vector<16x1xi32> to vector<16xi32>
          %parallel_loop3A_190 = tpu.dynamic_gather %parallel_loop3A_172[%parallel_loop3A_189] in [0] : vector<16xf32>, vector<16xi32> -> vector<16xf32>
          %parallel_loop3A_191 = arith.index_cast %parallel_loop3A_155 : i32 to index
          %parallel_loop3A_192 = arith.constant 16 : index
          %parallel_loop3A_193 = tpu.vector_load %arg9[%parallel_loop3A_191, %parallel_loop3A_192] {strides = array<i32>} : memref<80x144xf32, #tpu.memory_space<vmem>>, vector<1x16xf32>,
          %parallel_loop3A_194 = vector.shape_cast %parallel_loop3A_193 : vector<1x16xf32> to vector<16xf32>
          %parallel_loop3A_195 = arith.mulf %parallel_loop3A_194, %parallel_loop3A_190 : vector<16xf32>
          %parallel_loop3A_196 = arith.index_cast %parallel_loop3A_155 : i32 to index
          %parallel_loop3A_197 = arith.constant 16 : index
          %parallel_loop3A_198 = tpu.vector_load %arg9[%parallel_loop3A_196, %parallel_loop3A_197] {strides = array<i32>} : memref<80x144xf32, #tpu.memory_space<vmem>>, vector<1x16xf32>,
          %parallel_loop3A_199 = vector.shape_cast %parallel_loop3A_198 : vector<1x16xf32> to vector<16xf32>
          %parallel_loop3A_200 = vector.shape_cast %parallel_loop3A_195 : vector<16xf32> to vector<1x16xf32>
          tpu.vector_store %arg9[%parallel_loop3A_196, %parallel_loop3A_197], %parallel_loop3A_200 {strides = array<i32>} : memref<80x144xf32, #tpu.memory_space<vmem>>, vector<1x16xf32>,
          %parallel_loop3A_201 = arith.constant 2 : i32
          %parallel_loop3A_202 = vector.broadcast %parallel_loop3A_201 : i32 to vector<16x1xi32>
          %parallel_loop3A_203 = vector.shape_cast %parallel_loop3A_202 : vector<16x1xi32> to vector<16xi32>
          %parallel_loop3A_204 = tpu.dynamic_gather %parallel_loop3A_172[%parallel_loop3A_203] in [0] : vector<16xf32>, vector<16xi32> -> vector<16xf32>
          %parallel_loop3A_205 = arith.index_cast %parallel_loop3A_155 : i32 to index
          %parallel_loop3A_206 = arith.constant 32 : index
          %parallel_loop3A_207 = tpu.vector_load %arg9[%parallel_loop3A_205, %parallel_loop3A_206] {strides = array<i32>} : memref<80x144xf32, #tpu.memory_space<vmem>>, vector<1x16xf32>,
          %parallel_loop3A_208 = vector.shape_cast %parallel_loop3A_207 : vector<1x16xf32> to vector<16xf32>
          %parallel_loop3A_209 = arith.mulf %parallel_loop3A_208, %parallel_loop3A_204 : vector<16xf32>
          %parallel_loop3A_210 = arith.index_cast %parallel_loop3A_155 : i32 to index
          %parallel_loop3A_211 = arith.constant 32 : index
          %parallel_loop3A_212 = tpu.vector_load %arg9[%parallel_loop3A_210, %parallel_loop3A_211] {strides = array<i32>} : memref<80x144xf32, #tpu.memory_space<vmem>>, vector<1x16xf32>,
          %parallel_loop3A_213 = vector.shape_cast %parallel_loop3A_212 : vector<1x16xf32> to vector<16xf32>
          %parallel_loop3A_214 = vector.shape_cast %parallel_loop3A_209 : vector<16xf32> to vector<1x16xf32>
          tpu.vector_store %arg9[%parallel_loop3A_210, %parallel_loop3A_211], %parallel_loop3A_214 {strides = array<i32>} : memref<80x144xf32, #tpu.memory_space<vmem>>, vector<1x16xf32>,
          %parallel_loop3A_215 = arith.constant 3 : i32
          %parallel_loop3A_216 = vector.broadcast %parallel_loop3A_215 : i32 to vector<16x1xi32>
          %parallel_loop3A_217 = vector.shape_cast %parallel_loop3A_216 : vector<16x1xi32> to vector<16xi32>
          %parallel_loop3A_218 = tpu.dynamic_gather %parallel_loop3A_172[%parallel_loop3A_217] in [0] : vector<16xf32>, vector<16xi32> -> vector<16xf32>
          %parallel_loop3A_219 = arith.index_cast %parallel_loop3A_155 : i32 to index
          %parallel_loop3A_220 = arith.constant 48 : index
          %parallel_loop3A_221 = tpu.vector_load %arg9[%parallel_loop3A_219, %parallel_loop3A_220] {strides = array<i32>} : memref<80x144xf32, #tpu.memory_space<vmem>>, vector<1x16xf32>,
          %parallel_loop3A_222 = vector.shape_cast %parallel_loop3A_221 : vector<1x16xf32> to vector<16xf32>
          %parallel_loop3A_223 = arith.mulf %parallel_loop3A_222, %parallel_loop3A_218 : vector<16xf32>
          %parallel_loop3A_224 = arith.index_cast %parallel_loop3A_155 : i32 to index
          %parallel_loop3A_225 = arith.constant 48 : index
          %parallel_loop3A_226 = tpu.vector_load %arg9[%parallel_loop3A_224, %parallel_loop3A_225] {strides = array<i32>} : memref<80x144xf32, #tpu.memory_space<vmem>>, vector<1x16xf32>,
          %parallel_loop3A_227 = vector.shape_cast %parallel_loop3A_226 : vector<1x16xf32> to vector<16xf32>
          %parallel_loop3A_228 = vector.shape_cast %parallel_loop3A_223 : vector<16xf32> to vector<1x16xf32>
          tpu.vector_store %arg9[%parallel_loop3A_224, %parallel_loop3A_225], %parallel_loop3A_228 {strides = array<i32>} : memref<80x144xf32, #tpu.memory_space<vmem>>, vector<1x16xf32>,
          %parallel_loop3A_229 = arith.constant 4 : i32
          %parallel_loop3A_230 = vector.broadcast %parallel_loop3A_229 : i32 to vector<16x1xi32>
          %parallel_loop3A_231 = vector.shape_cast %parallel_loop3A_230 : vector<16x1xi32> to vector<16xi32>
          %parallel_loop3A_232 = tpu.dynamic_gather %parallel_loop3A_172[%parallel_loop3A_231] in [0] : vector<16xf32>, vector<16xi32> -> vector<16xf32>
          %parallel_loop3A_233 = arith.index_cast %parallel_loop3A_155 : i32 to index
          %parallel_loop3A_234 = arith.constant 64 : index
          %parallel_loop3A_235 = tpu.vector_load %arg9[%parallel_loop3A_233, %parallel_loop3A_234] {strides = array<i32>} : memref<80x144xf32, #tpu.memory_space<vmem>>, vector<1x16xf32>,
          %parallel_loop3A_236 = vector.shape_cast %parallel_loop3A_235 : vector<1x16xf32> to vector<16xf32>
          %parallel_loop3A_237 = arith.mulf %parallel_loop3A_236, %parallel_loop3A_232 : vector<16xf32>
          %parallel_loop3A_238 = arith.index_cast %parallel_loop3A_155 : i32 to index
          %parallel_loop3A_239 = arith.constant 64 : index
          %parallel_loop3A_240 = tpu.vector_load %arg9[%parallel_loop3A_238, %parallel_loop3A_239] {strides = array<i32>} : memref<80x144xf32, #tpu.memory_space<vmem>>, vector<1x16xf32>,
          %parallel_loop3A_241 = vector.shape_cast %parallel_loop3A_240 : vector<1x16xf32> to vector<16xf32>
          %parallel_loop3A_242 = vector.shape_cast %parallel_loop3A_237 : vector<16xf32> to vector<1x16xf32>
          tpu.vector_store %arg9[%parallel_loop3A_238, %parallel_loop3A_239], %parallel_loop3A_242 {strides = array<i32>} : memref<80x144xf32, #tpu.memory_space<vmem>>, vector<1x16xf32>,
          %parallel_loop3A_243 = arith.constant 5 : i32
          %parallel_loop3A_244 = vector.broadcast %parallel_loop3A_243 : i32 to vector<16x1xi32>
          %parallel_loop3A_245 = vector.shape_cast %parallel_loop3A_244 : vector<16x1xi32> to vector<16xi32>
          %parallel_loop3A_246 = tpu.dynamic_gather %parallel_loop3A_172[%parallel_loop3A_245] in [0] : vector<16xf32>, vector<16xi32> -> vector<16xf32>
          %parallel_loop3A_247 = arith.index_cast %parallel_loop3A_155 : i32 to index
          %parallel_loop3A_248 = arith.constant 80 : index
          %parallel_loop3A_249 = tpu.vector_load %arg9[%parallel_loop3A_247, %parallel_loop3A_248] {strides = array<i32>} : memref<80x144xf32, #tpu.memory_space<vmem>>, vector<1x16xf32>,
          %parallel_loop3A_250 = vector.shape_cast %parallel_loop3A_249 : vector<1x16xf32> to vector<16xf32>
          %parallel_loop3A_251 = arith.mulf %parallel_loop3A_250, %parallel_loop3A_246 : vector<16xf32>
          %parallel_loop3A_252 = arith.index_cast %parallel_loop3A_155 : i32 to index
          %parallel_loop3A_253 = arith.constant 80 : index
          %parallel_loop3A_254 = tpu.vector_load %arg9[%parallel_loop3A_252, %parallel_loop3A_253] {strides = array<i32>} : memref<80x144xf32, #tpu.memory_space<vmem>>, vector<1x16xf32>,
          %parallel_loop3A_255 = vector.shape_cast %parallel_loop3A_254 : vector<1x16xf32> to vector<16xf32>
          %parallel_loop3A_256 = vector.shape_cast %parallel_loop3A_251 : vector<16xf32> to vector<1x16xf32>
          tpu.vector_store %arg9[%parallel_loop3A_252, %parallel_loop3A_253], %parallel_loop3A_256 {strides = array<i32>} : memref<80x144xf32, #tpu.memory_space<vmem>>, vector<1x16xf32>,
          %parallel_loop3A_257 = arith.constant 6 : i32
          %parallel_loop3A_258 = vector.broadcast %parallel_loop3A_257 : i32 to vector<16x1xi32>
          %parallel_loop3A_259 = vector.shape_cast %parallel_loop3A_258 : vector<16x1xi32> to vector<16xi32>
          %parallel_loop3A_260 = tpu.dynamic_gather %parallel_loop3A_172[%parallel_loop3A_259] in [0] : vector<16xf32>, vector<16xi32> -> vector<16xf32>
          %parallel_loop3A_261 = arith.index_cast %parallel_loop3A_155 : i32 to index
          %parallel_loop3A_262 = arith.constant 96 : index
          %parallel_loop3A_263 = tpu.vector_load %arg9[%parallel_loop3A_261, %parallel_loop3A_262] {strides = array<i32>} : memref<80x144xf32, #tpu.memory_space<vmem>>, vector<1x16xf32>,
          %parallel_loop3A_264 = vector.shape_cast %parallel_loop3A_263 : vector<1x16xf32> to vector<16xf32>
          %parallel_loop3A_265 = arith.mulf %parallel_loop3A_264, %parallel_loop3A_260 : vector<16xf32>
          %parallel_loop3A_266 = arith.index_cast %parallel_loop3A_155 : i32 to index
          %parallel_loop3A_267 = arith.constant 96 : index
          %parallel_loop3A_268 = tpu.vector_load %arg9[%parallel_loop3A_266, %parallel_loop3A_267] {strides = array<i32>} : memref<80x144xf32, #tpu.memory_space<vmem>>, vector<1x16xf32>,
          %parallel_loop3A_269 = vector.shape_cast %parallel_loop3A_268 : vector<1x16xf32> to vector<16xf32>
          %parallel_loop3A_270 = vector.shape_cast %parallel_loop3A_265 : vector<16xf32> to vector<1x16xf32>
          tpu.vector_store %arg9[%parallel_loop3A_266, %parallel_loop3A_267], %parallel_loop3A_270 {strides = array<i32>} : memref<80x144xf32, #tpu.memory_space<vmem>>, vector<1x16xf32>,
          %parallel_loop3A_271 = arith.constant 7 : i32
          %parallel_loop3A_272 = vector.broadcast %parallel_loop3A_271 : i32 to vector<16x1xi32>
          %parallel_loop3A_273 = vector.shape_cast %parallel_loop3A_272 : vector<16x1xi32> to vector<16xi32>
          %parallel_loop3A_274 = tpu.dynamic_gather %parallel_loop3A_172[%parallel_loop3A_273] in [0] : vector<16xf32>, vector<16xi32> -> vector<16xf32>
          %parallel_loop3A_275 = arith.index_cast %parallel_loop3A_155 : i32 to index
          %parallel_loop3A_276 = arith.constant 112 : index
          %parallel_loop3A_277 = tpu.vector_load %arg9[%parallel_loop3A_275, %parallel_loop3A_276] {strides = array<i32>} : memref<80x144xf32, #tpu.memory_space<vmem>>, vector<1x16xf32>,
          %parallel_loop3A_278 = vector.shape_cast %parallel_loop3A_277 : vector<1x16xf32> to vector<16xf32>
          %parallel_loop3A_279 = arith.mulf %parallel_loop3A_278, %parallel_loop3A_274 : vector<16xf32>
          %parallel_loop3A_280 = arith.index_cast %parallel_loop3A_155 : i32 to index
          %parallel_loop3A_281 = arith.constant 112 : index
          %parallel_loop3A_282 = tpu.vector_load %arg9[%parallel_loop3A_280, %parallel_loop3A_281] {strides = array<i32>} : memref<80x144xf32, #tpu.memory_space<vmem>>, vector<1x16xf32>,
          %parallel_loop3A_283 = vector.shape_cast %parallel_loop3A_282 : vector<1x16xf32> to vector<16xf32>
          %parallel_loop3A_284 = vector.shape_cast %parallel_loop3A_279 : vector<16xf32> to vector<1x16xf32>
          tpu.vector_store %arg9[%parallel_loop3A_280, %parallel_loop3A_281], %parallel_loop3A_284 {strides = array<i32>} : memref<80x144xf32, #tpu.memory_space<vmem>>, vector<1x16xf32>,
          %parallel_loop3A_285 = arith.index_cast %parallel_loop3A_155 : i32 to index
          %parallel_loop3A_286 = arith.constant 128 : index
          %parallel_loop3A_287 = tpu.vector_load %arg9[%parallel_loop3A_285, %parallel_loop3A_286] {strides = array<i32>} : memref<80x144xf32, #tpu.memory_space<vmem>>, vector<1x16xf32>,
          %parallel_loop3A_288 = vector.shape_cast %parallel_loop3A_287 : vector<1x16xf32> to vector<16xf32>
          %parallel_loop3A_289 = vector.shape_cast %parallel_loop3A_172 : vector<16xf32> to vector<1x16xf32>
          tpu.vector_store %arg9[%parallel_loop3A_285, %parallel_loop3A_286], %parallel_loop3A_289 {strides = array<i32>} : memref<80x144xf32, #tpu.memory_space<vmem>>, vector<1x16xf32>,
        } {sc.loop_unroll_factor = 4 : i64, sc.parallel_access}
        %mul3A_152 = arith.constant 80 : i32
        %mul3A_153 = arith.muli %add3A_148, %mul3A_152 : i32
        %run_scoped3A_154 = arith.constant 1 : i32
        "tpu.region"() ({
          %run_scoped3A_155 = tpu.sem_alloc : memref<!tpu.dma_semaphore, #tpu.memory_space<semaphore_mem>>
          %dma_start3A_156 = tpu.memref_slice %arg11[%run_scoped3A_154, %mul3A_153] : memref<2x2000xi32, #tpu.memory_space<vmem>> -> memref<1x80xi32, #tpu.memory_space<vmem>>
          %dma_start3A_157 = tpu.memref_squeeze %dma_start3A_156 : memref<1x80xi32, #tpu.memory_space<vmem>> -> memref<80xi32, #tpu.memory_space<vmem>>
          %dma_start3A_158 = arith.constant 0 : i32
          %dma_start3A_159 = arith.constant 0 : i32
          %dma_start3A_160 = tpu.memref_slice %arg12[%dma_start3A_158, %dma_start3A_159] : memref<10240x144xf32, #tpu.memory_space<vmem_shared>> -> memref<10240x144xf32, #tpu.memory_space<vmem_shared>>
          tpu.enqueue_indirect_dma source(%arg9 : memref<80x144xf32, #tpu.memory_space<vmem>>) target(%dma_start3A_160 : memref<10240x144xf32, #tpu.memory_space<vmem_shared>>) offsets(%dma_start3A_157 : memref<80xi32, #tpu.memory_space<vmem>>) semaphore(%run_scoped3A_155 : memref<!tpu.dma_semaphore, #tpu.memory_space<semaphore_mem>>) {add = true}
          %dma_wait3A_161 = tpu.memref_slice %arg11[%run_scoped3A_154, %mul3A_153] : memref<2x2000xi32, #tpu.memory_space<vmem>> -> memref<1x80xi32, #tpu.memory_space<vmem>>
          %dma_wait3A_162 = tpu.memref_squeeze %dma_wait3A_161 : memref<1x80xi32, #tpu.memory_space<vmem>> -> memref<80xi32, #tpu.memory_space<vmem>>
          %dma_wait3A_163 = arith.constant 0 : i32
          %dma_wait3A_164 = arith.constant 0 : i32
          %dma_wait3A_165 = tpu.memref_slice %arg12[%dma_wait3A_163, %dma_wait3A_164] : memref<10240x144xf32, #tpu.memory_space<vmem_shared>> -> memref<10240x144xf32, #tpu.memory_space<vmem_shared>>
          tpu.wait_indirect_dma semaphore(%run_scoped3A_155 : memref<!tpu.dma_semaphore, #tpu.memory_space<semaphore_mem>>) src(%arg9 : memref<80x144xf32, #tpu.memory_space<vmem>>) dst(%dma_wait3A_165 : memref<10240x144xf32, #tpu.memory_space<vmem_shared>>)
          tpu.yield
        }) : () -> ()
      }
      %scan3A_42 = arith.constant 12 : i32
      %dma_wait3A = arith.constant 0 : i32
      %dma_wait3A_43 = arith.constant 1920 : i32
      %dma_wait3A_44 = tpu.memref_slice %arg11[%dma_wait3A, %dma_wait3A_43] : memref<2x2000xi32, #tpu.memory_space<vmem>> -> memref<1x80xi32, #tpu.memory_space<vmem>>
      %dma_wait3A_45 = tpu.memref_squeeze %dma_wait3A_44 : memref<1x80xi32, #tpu.memory_space<vmem>> -> memref<80xi32, #tpu.memory_space<vmem>>
      %dma_wait3A_46 = arith.constant 0 : i32
      %dma_wait3A_47 = arith.constant 0 : i32
      %dma_wait3A_48 = tpu.memref_slice %arg2[%dma_wait3A_46, %dma_wait3A_47] : memref<10000x144xf32, #tpu.memory_space<hbm>> -> memref<10000x144xf32, #tpu.memory_space<hbm>>
      tpu.wait_indirect_dma semaphore(%arg13 : memref<!tpu.dma_semaphore, #tpu.memory_space<semaphore_mem>>) src(%dma_wait3A_48 : memref<10000x144xf32, #tpu.memory_space<hbm>>) dst(%arg7 : memref<80x144xf32, #tpu.memory_space<vmem>>)
      %dma_wait3A_49 = arith.constant 1 : i32
      %dma_wait3A_50 = arith.constant 1920 : i32
      %dma_wait3A_51 = tpu.memref_slice %arg11[%dma_wait3A_49, %dma_wait3A_50] : memref<2x2000xi32, #tpu.memory_space<vmem>> -> memref<1x80xi32, #tpu.memory_space<vmem>>
      %dma_wait3A_52 = tpu.memref_squeeze %dma_wait3A_51 : memref<1x80xi32, #tpu.memory_space<vmem>> -> memref<80xi32, #tpu.memory_space<vmem>>
      %dma_wait3A_53 = arith.constant 0 : i32
      %dma_wait3A_54 = arith.constant 0 : i32
      %dma_wait3A_55 = tpu.memref_slice %arg3[%dma_wait3A_53, %dma_wait3A_54] : memref<10000x16xf32, #tpu.memory_space<hbm>> -> memref<10000x16xf32, #tpu.memory_space<hbm>>
      tpu.wait_indirect_dma semaphore(%arg14 : memref<!tpu.dma_semaphore, #tpu.memory_space<semaphore_mem>>) src(%dma_wait3A_55 : memref<10000x16xf32, #tpu.memory_space<hbm>>) dst(%arg8 : memref<80x16xf32, #tpu.memory_space<vmem>>)
      %parallel_loop3A = arith.constant 0 : i32
      %parallel_loop3A_56 = arith.constant 80 : i32
      %parallel_loop3A_57 = arith.constant 1 : i32
      scf.for %parallel_loop3A_58 = %parallel_loop3A to %parallel_loop3A_56 step %parallel_loop3A_57  : i32 {
        %parallel_loop3A_59 = arith.index_cast %parallel_loop3A_58 : i32 to index
        %parallel_loop3A_60 = arith.constant 128 : index
        %parallel_loop3A_61 = tpu.vector_load %arg7[%parallel_loop3A_59, %parallel_loop3A_60] {strides = array<i32>} : memref<80x144xf32, #tpu.memory_space<vmem>>, vector<1x16xf32>,
        %parallel_loop3A_62 = vector.shape_cast %parallel_loop3A_61 : vector<1x16xf32> to vector<16xf32>
        %parallel_loop3A_63 = arith.index_cast %parallel_loop3A_58 : i32 to index
        %parallel_loop3A_64 = arith.constant 0 : index
        %parallel_loop3A_65 = tpu.vector_load %arg8[%parallel_loop3A_63, %parallel_loop3A_64] {strides = array<i32>} : memref<80x16xf32, #tpu.memory_space<vmem>>, vector<1x16xf32>,
        %parallel_loop3A_66 = vector.shape_cast %parallel_loop3A_65 : vector<1x16xf32> to vector<16xf32>
        %parallel_loop3A_67 = arith.addf %parallel_loop3A_62, %parallel_loop3A_66 : vector<16xf32>
        %parallel_loop3A_68 = arith.constant 0.000000e+00 : f32
        %parallel_loop3A_69 = vector.broadcast %parallel_loop3A_68 : f32 to vector<16xf32>
        %parallel_loop3A_70 = arith.cmpf oge, %parallel_loop3A_67, %parallel_loop3A_69 : vector<16xf32>
        %parallel_loop3A_71 = arith.constant 2.000000e-01 : f32
        %parallel_loop3A_72 = vector.broadcast %parallel_loop3A_71 : f32 to vector<16xf32>
        %parallel_loop3A_73 = arith.mulf %parallel_loop3A_72, %parallel_loop3A_67 : vector<16xf32>
        %parallel_loop3A_74 = arith.select %parallel_loop3A_70, %parallel_loop3A_67, %parallel_loop3A_73 : vector<16xi1>, vector<16xf32>
        %parallel_loop3A_75 = math.exp %parallel_loop3A_74 : vector<16xf32>
        %parallel_loop3A_76 = arith.constant 0 : i32
        %parallel_loop3A_77 = vector.broadcast %parallel_loop3A_76 : i32 to vector<16x1xi32>
        %parallel_loop3A_78 = vector.shape_cast %parallel_loop3A_77 : vector<16x1xi32> to vector<16xi32>
        %parallel_loop3A_79 = tpu.dynamic_gather %parallel_loop3A_75[%parallel_loop3A_78] in [0] : vector<16xf32>, vector<16xi32> -> vector<16xf32>
        %parallel_loop3A_80 = arith.index_cast %parallel_loop3A_58 : i32 to index
        %parallel_loop3A_81 = arith.constant 0 : index
        %parallel_loop3A_82 = tpu.vector_load %arg7[%parallel_loop3A_80, %parallel_loop3A_81] {strides = array<i32>} : memref<80x144xf32, #tpu.memory_space<vmem>>, vector<1x16xf32>,
        %parallel_loop3A_83 = vector.shape_cast %parallel_loop3A_82 : vector<1x16xf32> to vector<16xf32>
        %parallel_loop3A_84 = arith.mulf %parallel_loop3A_83, %parallel_loop3A_79 : vector<16xf32>
        %parallel_loop3A_85 = arith.index_cast %parallel_loop3A_58 : i32 to index
        %parallel_loop3A_86 = arith.constant 0 : index
        %parallel_loop3A_87 = tpu.vector_load %arg7[%parallel_loop3A_85, %parallel_loop3A_86] {strides = array<i32>} : memref<80x144xf32, #tpu.memory_space<vmem>>, vector<1x16xf32>,
        %parallel_loop3A_88 = vector.shape_cast %parallel_loop3A_87 : vector<1x16xf32> to vector<16xf32>
        %parallel_loop3A_89 = vector.shape_cast %parallel_loop3A_84 : vector<16xf32> to vector<1x16xf32>
        tpu.vector_store %arg7[%parallel_loop3A_85, %parallel_loop3A_86], %parallel_loop3A_89 {strides = array<i32>} : memref<80x144xf32, #tpu.memory_space<vmem>>, vector<1x16xf32>,
        %parallel_loop3A_90 = arith.constant 1 : i32
        %parallel_loop3A_91 = vector.broadcast %parallel_loop3A_90 : i32 to vector<16x1xi32>
        %parallel_loop3A_92 = vector.shape_cast %parallel_loop3A_91 : vector<16x1xi32> to vector<16xi32>
        %parallel_loop3A_93 = tpu.dynamic_gather %parallel_loop3A_75[%parallel_loop3A_92] in [0] : vector<16xf32>, vector<16xi32> -> vector<16xf32>
        %parallel_loop3A_94 = arith.index_cast %parallel_loop3A_58 : i32 to index
        %parallel_loop3A_95 = arith.constant 16 : index
        %parallel_loop3A_96 = tpu.vector_load %arg7[%parallel_loop3A_94, %parallel_loop3A_95] {strides = array<i32>} : memref<80x144xf32, #tpu.memory_space<vmem>>, vector<1x16xf32>,
        %parallel_loop3A_97 = vector.shape_cast %parallel_loop3A_96 : vector<1x16xf32> to vector<16xf32>
        %parallel_loop3A_98 = arith.mulf %parallel_loop3A_97, %parallel_loop3A_93 : vector<16xf32>
        %parallel_loop3A_99 = arith.index_cast %parallel_loop3A_58 : i32 to index
        %parallel_loop3A_100 = arith.constant 16 : index
        %parallel_loop3A_101 = tpu.vector_load %arg7[%parallel_loop3A_99, %parallel_loop3A_100] {strides = array<i32>} : memref<80x144xf32, #tpu.memory_space<vmem>>, vector<1x16xf32>,
        %parallel_loop3A_102 = vector.shape_cast %parallel_loop3A_101 : vector<1x16xf32> to vector<16xf32>
        %parallel_loop3A_103 = vector.shape_cast %parallel_loop3A_98 : vector<16xf32> to vector<1x16xf32>
        tpu.vector_store %arg7[%parallel_loop3A_99, %parallel_loop3A_100], %parallel_loop3A_103 {strides = array<i32>} : memref<80x144xf32, #tpu.memory_space<vmem>>, vector<1x16xf32>,
        %parallel_loop3A_104 = arith.constant 2 : i32
        %parallel_loop3A_105 = vector.broadcast %parallel_loop3A_104 : i32 to vector<16x1xi32>
        %parallel_loop3A_106 = vector.shape_cast %parallel_loop3A_105 : vector<16x1xi32> to vector<16xi32>
        %parallel_loop3A_107 = tpu.dynamic_gather %parallel_loop3A_75[%parallel_loop3A_106] in [0] : vector<16xf32>, vector<16xi32> -> vector<16xf32>
        %parallel_loop3A_108 = arith.index_cast %parallel_loop3A_58 : i32 to index
        %parallel_loop3A_109 = arith.constant 32 : index
        %parallel_loop3A_110 = tpu.vector_load %arg7[%parallel_loop3A_108, %parallel_loop3A_109] {strides = array<i32>} : memref<80x144xf32, #tpu.memory_space<vmem>>, vector<1x16xf32>,
        %parallel_loop3A_111 = vector.shape_cast %parallel_loop3A_110 : vector<1x16xf32> to vector<16xf32>
        %parallel_loop3A_112 = arith.mulf %parallel_loop3A_111, %parallel_loop3A_107 : vector<16xf32>
        %parallel_loop3A_113 = arith.index_cast %parallel_loop3A_58 : i32 to index
        %parallel_loop3A_114 = arith.constant 32 : index
        %parallel_loop3A_115 = tpu.vector_load %arg7[%parallel_loop3A_113, %parallel_loop3A_114] {strides = array<i32>} : memref<80x144xf32, #tpu.memory_space<vmem>>, vector<1x16xf32>,
        %parallel_loop3A_116 = vector.shape_cast %parallel_loop3A_115 : vector<1x16xf32> to vector<16xf32>
        %parallel_loop3A_117 = vector.shape_cast %parallel_loop3A_112 : vector<16xf32> to vector<1x16xf32>
        tpu.vector_store %arg7[%parallel_loop3A_113, %parallel_loop3A_114], %parallel_loop3A_117 {strides = array<i32>} : memref<80x144xf32, #tpu.memory_space<vmem>>, vector<1x16xf32>,
        %parallel_loop3A_118 = arith.constant 3 : i32
        %parallel_loop3A_119 = vector.broadcast %parallel_loop3A_118 : i32 to vector<16x1xi32>
        %parallel_loop3A_120 = vector.shape_cast %parallel_loop3A_119 : vector<16x1xi32> to vector<16xi32>
        %parallel_loop3A_121 = tpu.dynamic_gather %parallel_loop3A_75[%parallel_loop3A_120] in [0] : vector<16xf32>, vector<16xi32> -> vector<16xf32>
        %parallel_loop3A_122 = arith.index_cast %parallel_loop3A_58 : i32 to index
        %parallel_loop3A_123 = arith.constant 48 : index
        %parallel_loop3A_124 = tpu.vector_load %arg7[%parallel_loop3A_122, %parallel_loop3A_123] {strides = array<i32>} : memref<80x144xf32, #tpu.memory_space<vmem>>, vector<1x16xf32>,
        %parallel_loop3A_125 = vector.shape_cast %parallel_loop3A_124 : vector<1x16xf32> to vector<16xf32>
        %parallel_loop3A_126 = arith.mulf %parallel_loop3A_125, %parallel_loop3A_121 : vector<16xf32>
        %parallel_loop3A_127 = arith.index_cast %parallel_loop3A_58 : i32 to index
        %parallel_loop3A_128 = arith.constant 48 : index
        %parallel_loop3A_129 = tpu.vector_load %arg7[%parallel_loop3A_127, %parallel_loop3A_128] {strides = array<i32>} : memref<80x144xf32, #tpu.memory_space<vmem>>, vector<1x16xf32>,
        %parallel_loop3A_130 = vector.shape_cast %parallel_loop3A_129 : vector<1x16xf32> to vector<16xf32>
        %parallel_loop3A_131 = vector.shape_cast %parallel_loop3A_126 : vector<16xf32> to vector<1x16xf32>
        tpu.vector_store %arg7[%parallel_loop3A_127, %parallel_loop3A_128], %parallel_loop3A_131 {strides = array<i32>} : memref<80x144xf32, #tpu.memory_space<vmem>>, vector<1x16xf32>,
        %parallel_loop3A_132 = arith.constant 4 : i32
        %parallel_loop3A_133 = vector.broadcast %parallel_loop3A_132 : i32 to vector<16x1xi32>
        %parallel_loop3A_134 = vector.shape_cast %parallel_loop3A_133 : vector<16x1xi32> to vector<16xi32>
        %parallel_loop3A_135 = tpu.dynamic_gather %parallel_loop3A_75[%parallel_loop3A_134] in [0] : vector<16xf32>, vector<16xi32> -> vector<16xf32>
        %parallel_loop3A_136 = arith.index_cast %parallel_loop3A_58 : i32 to index
        %parallel_loop3A_137 = arith.constant 64 : index
        %parallel_loop3A_138 = tpu.vector_load %arg7[%parallel_loop3A_136, %parallel_loop3A_137] {strides = array<i32>} : memref<80x144xf32, #tpu.memory_space<vmem>>, vector<1x16xf32>,
        %parallel_loop3A_139 = vector.shape_cast %parallel_loop3A_138 : vector<1x16xf32> to vector<16xf32>
        %parallel_loop3A_140 = arith.mulf %parallel_loop3A_139, %parallel_loop3A_135 : vector<16xf32>
        %parallel_loop3A_141 = arith.index_cast %parallel_loop3A_58 : i32 to index
        %parallel_loop3A_142 = arith.constant 64 : index
        %parallel_loop3A_143 = tpu.vector_load %arg7[%parallel_loop3A_141, %parallel_loop3A_142] {strides = array<i32>} : memref<80x144xf32, #tpu.memory_space<vmem>>, vector<1x16xf32>,
        %parallel_loop3A_144 = vector.shape_cast %parallel_loop3A_143 : vector<1x16xf32> to vector<16xf32>
        %parallel_loop3A_145 = vector.shape_cast %parallel_loop3A_140 : vector<16xf32> to vector<1x16xf32>
        tpu.vector_store %arg7[%parallel_loop3A_141, %parallel_loop3A_142], %parallel_loop3A_145 {strides = array<i32>} : memref<80x144xf32, #tpu.memory_space<vmem>>, vector<1x16xf32>,
        %parallel_loop3A_146 = arith.constant 5 : i32
        %parallel_loop3A_147 = vector.broadcast %parallel_loop3A_146 : i32 to vector<16x1xi32>
        %parallel_loop3A_148 = vector.shape_cast %parallel_loop3A_147 : vector<16x1xi32> to vector<16xi32>
        %parallel_loop3A_149 = tpu.dynamic_gather %parallel_loop3A_75[%parallel_loop3A_148] in [0] : vector<16xf32>, vector<16xi32> -> vector<16xf32>
        %parallel_loop3A_150 = arith.index_cast %parallel_loop3A_58 : i32 to index
        %parallel_loop3A_151 = arith.constant 80 : index
        %parallel_loop3A_152 = tpu.vector_load %arg7[%parallel_loop3A_150, %parallel_loop3A_151] {strides = array<i32>} : memref<80x144xf32, #tpu.memory_space<vmem>>, vector<1x16xf32>,
        %parallel_loop3A_153 = vector.shape_cast %parallel_loop3A_152 : vector<1x16xf32> to vector<16xf32>
        %parallel_loop3A_154 = arith.mulf %parallel_loop3A_153, %parallel_loop3A_149 : vector<16xf32>
        %parallel_loop3A_155 = arith.index_cast %parallel_loop3A_58 : i32 to index
        %parallel_loop3A_156 = arith.constant 80 : index
        %parallel_loop3A_157 = tpu.vector_load %arg7[%parallel_loop3A_155, %parallel_loop3A_156] {strides = array<i32>} : memref<80x144xf32, #tpu.memory_space<vmem>>, vector<1x16xf32>,
        %parallel_loop3A_158 = vector.shape_cast %parallel_loop3A_157 : vector<1x16xf32> to vector<16xf32>
        %parallel_loop3A_159 = vector.shape_cast %parallel_loop3A_154 : vector<16xf32> to vector<1x16xf32>
        tpu.vector_store %arg7[%parallel_loop3A_155, %parallel_loop3A_156], %parallel_loop3A_159 {strides = array<i32>} : memref<80x144xf32, #tpu.memory_space<vmem>>, vector<1x16xf32>,
        %parallel_loop3A_160 = arith.constant 6 : i32
        %parallel_loop3A_161 = vector.broadcast %parallel_loop3A_160 : i32 to vector<16x1xi32>
        %parallel_loop3A_162 = vector.shape_cast %parallel_loop3A_161 : vector<16x1xi32> to vector<16xi32>
        %parallel_loop3A_163 = tpu.dynamic_gather %parallel_loop3A_75[%parallel_loop3A_162] in [0] : vector<16xf32>, vector<16xi32> -> vector<16xf32>
        %parallel_loop3A_164 = arith.index_cast %parallel_loop3A_58 : i32 to index
        %parallel_loop3A_165 = arith.constant 96 : index
        %parallel_loop3A_166 = tpu.vector_load %arg7[%parallel_loop3A_164, %parallel_loop3A_165] {strides = array<i32>} : memref<80x144xf32, #tpu.memory_space<vmem>>, vector<1x16xf32>,
        %parallel_loop3A_167 = vector.shape_cast %parallel_loop3A_166 : vector<1x16xf32> to vector<16xf32>
        %parallel_loop3A_168 = arith.mulf %parallel_loop3A_167, %parallel_loop3A_163 : vector<16xf32>
        %parallel_loop3A_169 = arith.index_cast %parallel_loop3A_58 : i32 to index
        %parallel_loop3A_170 = arith.constant 96 : index
        %parallel_loop3A_171 = tpu.vector_load %arg7[%parallel_loop3A_169, %parallel_loop3A_170] {strides = array<i32>} : memref<80x144xf32, #tpu.memory_space<vmem>>, vector<1x16xf32>,
        %parallel_loop3A_172 = vector.shape_cast %parallel_loop3A_171 : vector<1x16xf32> to vector<16xf32>
        %parallel_loop3A_173 = vector.shape_cast %parallel_loop3A_168 : vector<16xf32> to vector<1x16xf32>
        tpu.vector_store %arg7[%parallel_loop3A_169, %parallel_loop3A_170], %parallel_loop3A_173 {strides = array<i32>} : memref<80x144xf32, #tpu.memory_space<vmem>>, vector<1x16xf32>,
        %parallel_loop3A_174 = arith.constant 7 : i32
        %parallel_loop3A_175 = vector.broadcast %parallel_loop3A_174 : i32 to vector<16x1xi32>
        %parallel_loop3A_176 = vector.shape_cast %parallel_loop3A_175 : vector<16x1xi32> to vector<16xi32>
        %parallel_loop3A_177 = tpu.dynamic_gather %parallel_loop3A_75[%parallel_loop3A_176] in [0] : vector<16xf32>, vector<16xi32> -> vector<16xf32>
        %parallel_loop3A_178 = arith.index_cast %parallel_loop3A_58 : i32 to index
        %parallel_loop3A_179 = arith.constant 112 : index
        %parallel_loop3A_180 = tpu.vector_load %arg7[%parallel_loop3A_178, %parallel_loop3A_179] {strides = array<i32>} : memref<80x144xf32, #tpu.memory_space<vmem>>, vector<1x16xf32>,
        %parallel_loop3A_181 = vector.shape_cast %parallel_loop3A_180 : vector<1x16xf32> to vector<16xf32>
        %parallel_loop3A_182 = arith.mulf %parallel_loop3A_181, %parallel_loop3A_177 : vector<16xf32>
        %parallel_loop3A_183 = arith.index_cast %parallel_loop3A_58 : i32 to index
        %parallel_loop3A_184 = arith.constant 112 : index
        %parallel_loop3A_185 = tpu.vector_load %arg7[%parallel_loop3A_183, %parallel_loop3A_184] {strides = array<i32>} : memref<80x144xf32, #tpu.memory_space<vmem>>, vector<1x16xf32>,
        %parallel_loop3A_186 = vector.shape_cast %parallel_loop3A_185 : vector<1x16xf32> to vector<16xf32>
        %parallel_loop3A_187 = vector.shape_cast %parallel_loop3A_182 : vector<16xf32> to vector<1x16xf32>
        tpu.vector_store %arg7[%parallel_loop3A_183, %parallel_loop3A_184], %parallel_loop3A_187 {strides = array<i32>} : memref<80x144xf32, #tpu.memory_space<vmem>>, vector<1x16xf32>,
        %parallel_loop3A_188 = arith.index_cast %parallel_loop3A_58 : i32 to index
        %parallel_loop3A_189 = arith.constant 128 : index
        %parallel_loop3A_190 = tpu.vector_load %arg7[%parallel_loop3A_188, %parallel_loop3A_189] {strides = array<i32>} : memref<80x144xf32, #tpu.memory_space<vmem>>, vector<1x16xf32>,
        %parallel_loop3A_191 = vector.shape_cast %parallel_loop3A_190 : vector<1x16xf32> to vector<16xf32>
        %parallel_loop3A_192 = vector.shape_cast %parallel_loop3A_75 : vector<16xf32> to vector<1x16xf32>
        tpu.vector_store %arg7[%parallel_loop3A_188, %parallel_loop3A_189], %parallel_loop3A_192 {strides = array<i32>} : memref<80x144xf32, #tpu.memory_space<vmem>>, vector<1x16xf32>,
      } {sc.loop_unroll_factor = 4 : i64, sc.parallel_access}
      %run_scoped3A = arith.constant 1 : i32
      "tpu.region"() ({
        %run_scoped3A_58 = tpu.sem_alloc : memref<!tpu.dma_semaphore, #tpu.memory_space<semaphore_mem>>
        %dma_start3A_59 = arith.constant 1920 : i32
        %dma_start3A_60 = tpu.memref_slice %arg11[%run_scoped3A, %dma_start3A_59] : memref<2x2000xi32, #tpu.memory_space<vmem>> -> memref<1x80xi32, #tpu.memory_space<vmem>>
        %dma_start3A_61 = tpu.memref_squeeze %dma_start3A_60 : memref<1x80xi32, #tpu.memory_space<vmem>> -> memref<80xi32, #tpu.memory_space<vmem>>
        %dma_start3A_62 = arith.constant 0 : i32
        %dma_start3A_63 = arith.constant 0 : i32
        %dma_start3A_64 = tpu.memref_slice %arg12[%dma_start3A_62, %dma_start3A_63] : memref<10240x144xf32, #tpu.memory_space<vmem_shared>> -> memref<10240x144xf32, #tpu.memory_space<vmem_shared>>
        tpu.enqueue_indirect_dma source(%arg7 : memref<80x144xf32, #tpu.memory_space<vmem>>) target(%dma_start3A_64 : memref<10240x144xf32, #tpu.memory_space<vmem_shared>>) offsets(%dma_start3A_61 : memref<80xi32, #tpu.memory_space<vmem>>) semaphore(%run_scoped3A_58 : memref<!tpu.dma_semaphore, #tpu.memory_space<semaphore_mem>>) {add = true}
        %dma_wait3A_65 = arith.constant 1920 : i32
        %dma_wait3A_66 = tpu.memref_slice %arg11[%run_scoped3A, %dma_wait3A_65] : memref<2x2000xi32, #tpu.memory_space<vmem>> -> memref<1x80xi32, #tpu.memory_space<vmem>>
        %dma_wait3A_67 = tpu.memref_squeeze %dma_wait3A_66 : memref<1x80xi32, #tpu.memory_space<vmem>> -> memref<80xi32, #tpu.memory_space<vmem>>
        %dma_wait3A_68 = arith.constant 0 : i32
        %dma_wait3A_69 = arith.constant 0 : i32
        %dma_wait3A_70 = tpu.memref_slice %arg12[%dma_wait3A_68, %dma_wait3A_69] : memref<10240x144xf32, #tpu.memory_space<vmem_shared>> -> memref<10240x144xf32, #tpu.memory_space<vmem_shared>>
        tpu.wait_indirect_dma semaphore(%run_scoped3A_58 : memref<!tpu.dma_semaphore, #tpu.memory_space<semaphore_mem>>) src(%arg7 : memref<80x144xf32, #tpu.memory_space<vmem>>) dst(%dma_wait3A_70 : memref<10240x144xf32, #tpu.memory_space<vmem_shared>>)
        tpu.yield
      }) : () -> ()
    }
    %scan3A_9 = arith.constant 5 : i32
    %barrier3A_10 = arith.constant 0 : index
    tpu.barrier barrier_id(%barrier3A_10)
    %mul3A_11 = arith.constant 640 : i32
    %mul3A_12 = arith.muli %arg1, %mul3A_11 : i32
    %mul3A_13 = arith.constant 10240 : i32
    %mul3A_14 = arith.muli %arg0, %mul3A_13 : i32
    %mul3A_15 = arith.constant 640 : i32
    %mul3A_16 = arith.muli %arg1, %mul3A_15 : i32
    %add3A_17 = arith.addi %mul3A_14, %mul3A_16 : i32
    "tpu.region"() ({
      %run_scoped3A = tpu.sem_alloc : memref<!tpu.dma_semaphore, #tpu.memory_space<semaphore_mem>>
      %dma_start3A = arith.constant 0 : i32
      %dma_start3A_18 = tpu.memref_slice %arg6[%add3A_17, %dma_start3A] : memref<20480x144xf32, #tpu.memory_space<hbm>> -> memref<640x144xf32, #tpu.memory_space<hbm>>
      %dma_start3A_19 = arith.constant 0 : i32
      %dma_start3A_20 = tpu.memref_slice %arg12[%mul3A_12, %dma_start3A_19] : memref<10240x144xf32, #tpu.memory_space<vmem_shared>> -> memref<640x144xf32, #tpu.memory_space<vmem_shared>>
      tpu.enqueue_dma source(%dma_start3A_20 : memref<640x144xf32, #tpu.memory_space<vmem_shared>>) target(%dma_start3A_18 : memref<640x144xf32, #tpu.memory_space<hbm>>) target_semaphore(%run_scoped3A : memref<!tpu.dma_semaphore, #tpu.memory_space<semaphore_mem>>)
      %dma_wait3A = arith.constant 0 : i32
      %dma_wait3A_21 = tpu.memref_slice %arg6[%add3A_17, %dma_wait3A] : memref<20480x144xf32, #tpu.memory_space<hbm>> -> memref<640x144xf32, #tpu.memory_space<hbm>>
      %dma_wait3A_22 = arith.constant 0 : i32
      %dma_wait3A_23 = tpu.memref_slice %arg12[%mul3A_12, %dma_wait3A_22] : memref<10240x144xf32, #tpu.memory_space<vmem_shared>> -> memref<640x144xf32, #tpu.memory_space<vmem_shared>>
      tpu.wait_dma2 semaphore(%run_scoped3A : memref<!tpu.dma_semaphore, #tpu.memory_space<semaphore_mem>>) src(%dma_wait3A_23 : memref<640x144xf32, #tpu.memory_space<vmem_shared>>) dst(%dma_wait3A_21 : memref<640x144xf32, #tpu.memory_space<hbm>>)
      tpu.yield
    }) : () -> ()
    return
  }
}

#map = affine_map<(d0, d1) -> (0, 0)>
module attributes {stable_mosaic.version = 14 : i64} {
  func.func @_edge_body(%arg0: i32, %arg1: i32, %arg2: memref<10000x144xf32, #tpu.memory_space<hbm>>, %arg3: memref<10000x16xf32, #tpu.memory_space<hbm>>, %arg4: memref<2x320000xi32, #tpu.memory_space<hbm>>, %arg5: memref<10240x144xf32, #tpu.memory_space<hbm>>, %arg6: memref<20480x144xf32, #tpu.memory_space<hbm>>, %arg7: memref<80x144xf32, #tpu.memory_space<vmem>>, %arg8: memref<80x16xf32, #tpu.memory_space<vmem>>, %arg9: memref<80x144xf32, #tpu.memory_space<vmem>>, %arg10: memref<80x16xf32, #tpu.memory_space<vmem>>, %arg11: memref<2x2000xi32, #tpu.memory_space<vmem>>, %arg12: memref<10240x144xf32, #tpu.memory_space<vmem_shared>>, %arg13: memref<!tpu.dma_semaphore, #tpu.memory_space<semaphore_mem>>, %arg14: memref<!tpu.dma_semaphore, #tpu.memory_space<semaphore_mem>>, %arg15: memref<!tpu.dma_semaphore, #tpu.memory_space<semaphore_mem>>, %arg16: memref<!tpu.dma_semaphore, #tpu.memory_space<semaphore_mem>>) attributes {dimension_semantics = [#tpu.dimension_semantics<core_parallel>, #tpu.dimension_semantics<subcore_parallel>], iteration_bounds = array<i64: 2, 16>, scalar_prefetch = 0 : i64, scratch_operands = 10 : i64, tpu.core_type = #tpu.core_type<sc_vector_subcore>, window_params = [{transform_indices = #map}, {transform_indices = #map}, {transform_indices = #map}, {transform_indices = #map}, {transform_indices = #map}]} {
    %mul3A = arith.constant 2 : i32
    %mul3A_0 = arith.muli %arg1, %mul3A : i32
    %add3A = arith.addi %mul3A_0, %arg0 : i32
    %mul3A_1 = arith.constant 640 : i32
    %mul3A_2 = arith.muli %arg1, %mul3A_1 : i32
    %mul3A_3 = arith.constant 640 : i32
    %mul3A_4 = arith.muli %arg1, %mul3A_3 : i32
    "tpu.region"() ({
      %run_scoped3A = tpu.sem_alloc : memref<!tpu.dma_semaphore, #tpu.memory_space<semaphore_mem>>
      %dma_start3A = arith.constant 0 : i32
      %dma_start3A_18 = tpu.memref_slice %arg12[%mul3A_4, %dma_start3A] : memref<10240x144xf32, #tpu.memory_space<vmem_shared>> -> memref<640x144xf32, #tpu.memory_space<vmem_shared>>
      %dma_start3A_19 = arith.constant 0 : i32
      %dma_start3A_20 = tpu.memref_slice %arg5[%mul3A_2, %dma_start3A_19] : memref<10240x144xf32, #tpu.memory_space<hbm>> -> memref<640x144xf32, #tpu.memory_space<hbm>>
      tpu.enqueue_dma source(%dma_start3A_20 : memref<640x144xf32, #tpu.memory_space<hbm>>) target(%dma_start3A_18 : memref<640x144xf32, #tpu.memory_space<vmem_shared>>) target_semaphore(%run_scoped3A : memref<!tpu.dma_semaphore, #tpu.memory_space<semaphore_mem>>)
      %dma_wait3A = arith.constant 0 : i32
      %dma_wait3A_21 = tpu.memref_slice %arg12[%mul3A_4, %dma_wait3A] : memref<10240x144xf32, #tpu.memory_space<vmem_shared>> -> memref<640x144xf32, #tpu.memory_space<vmem_shared>>
      %dma_wait3A_22 = arith.constant 0 : i32
      %dma_wait3A_23 = tpu.memref_slice %arg5[%mul3A_2, %dma_wait3A_22] : memref<10240x144xf32, #tpu.memory_space<hbm>> -> memref<640x144xf32, #tpu.memory_space<hbm>>
      tpu.wait_dma2 semaphore(%run_scoped3A : memref<!tpu.dma_semaphore, #tpu.memory_space<semaphore_mem>>) src(%dma_wait3A_23 : memref<640x144xf32, #tpu.memory_space<hbm>>) dst(%dma_wait3A_21 : memref<640x144xf32, #tpu.memory_space<vmem_shared>>)
      tpu.yield
    }) : () -> ()
    %barrier3A = arith.constant 0 : index
    tpu.barrier barrier_id(%barrier3A)
    %scan3A = arith.constant 0 : i32
    %scan3A_5 = arith.constant 0 : i32
    %scan3A_6 = arith.constant 5 : i32
    %scan3A_7 = arith.addi %scan3A_5, %scan3A_6 : i32
    %scan3A_8 = arith.constant 1 : i32
    scf.for %scan3A_18 = %scan3A_5 to %scan3A_7 step %scan3A_8  : i32 {
      %mul3A_19 = arith.constant 10000 : i32
      %mul3A_20 = arith.muli %add3A, %mul3A_19 : i32
      %mul3A_21 = arith.constant 2000 : i32
      %mul3A_22 = arith.muli %scan3A_18, %mul3A_21 : i32
      %add3A_23 = arith.addi %mul3A_20, %mul3A_22 : i32
      "tpu.region"() ({
        %run_scoped3A_58 = tpu.sem_alloc : memref<!tpu.dma_semaphore, #tpu.memory_space<semaphore_mem>>
        %dma_start3A_59 = arith.constant 0 : i32
        %dma_start3A_60 = tpu.memref_slice %arg4[%dma_start3A_59, %add3A_23] : memref<2x320000xi32, #tpu.memory_space<hbm>> -> memref<2x2000xi32, #tpu.memory_space<hbm>>
        %dma_start3A_61 = arith.constant 0 : i32
        %dma_start3A_62 = tpu.memref_slice %arg4[%dma_start3A_61, %add3A_23] : memref<2x320000xi32, #tpu.memory_space<hbm>> -> memref<2x2000xi32, #tpu.memory_space<hbm>>
        tpu.enqueue_dma source(%dma_start3A_62 : memref<2x2000xi32, #tpu.memory_space<hbm>>) target(%arg11 : memref<2x2000xi32, #tpu.memory_space<vmem>>) target_semaphore(%run_scoped3A_58 : memref<!tpu.dma_semaphore, #tpu.memory_space<semaphore_mem>>)
        %dma_wait3A_63 = arith.constant 0 : i32
        %dma_wait3A_64 = tpu.memref_slice %arg4[%dma_wait3A_63, %add3A_23] : memref<2x320000xi32, #tpu.memory_space<hbm>> -> memref<2x2000xi32, #tpu.memory_space<hbm>>
        %dma_wait3A_65 = arith.constant 0 : i32
        %dma_wait3A_66 = tpu.memref_slice %arg4[%dma_wait3A_65, %add3A_23] : memref<2x320000xi32, #tpu.memory_space<hbm>> -> memref<2x2000xi32, #tpu.memory_space<hbm>>
        tpu.wait_dma2 semaphore(%run_scoped3A_58 : memref<!tpu.dma_semaphore, #tpu.memory_space<semaphore_mem>>) src(%dma_wait3A_66 : memref<2x2000xi32, #tpu.memory_space<hbm>>) dst(%arg11 : memref<2x2000xi32, #tpu.memory_space<vmem>>)
        tpu.yield
      }) : () -> ()
      %dma_start3A = arith.constant 0 : i32
      %dma_start3A_24 = arith.constant 0 : i32
      %dma_start3A_25 = tpu.memref_slice %arg11[%dma_start3A, %dma_start3A_24] : memref<2x2000xi32, #tpu.memory_space<vmem>> -> memref<1x80xi32, #tpu.memory_space<vmem>>
      %dma_start3A_26 = tpu.memref_squeeze %dma_start3A_25 : memref<1x80xi32, #tpu.memory_space<vmem>> -> memref<80xi32, #tpu.memory_space<vmem>>
      %dma_start3A_27 = arith.constant 0 : i32
      %dma_start3A_28 = arith.constant 0 : i32
      %dma_start3A_29 = tpu.memref_slice %arg2[%dma_start3A_27, %dma_start3A_28] : memref<10000x144xf32, #tpu.memory_space<hbm>> -> memref<10000x144xf32, #tpu.memory_space<hbm>>
      tpu.enqueue_indirect_dma source(%dma_start3A_29 : memref<10000x144xf32, #tpu.memory_space<hbm>>) target(%arg7 : memref<80x144xf32, #tpu.memory_space<vmem>>) offsets(%dma_start3A_26 : memref<80xi32, #tpu.memory_space<vmem>>) semaphore(%arg13 : memref<!tpu.dma_semaphore, #tpu.memory_space<semaphore_mem>>)
      %dma_start3A_30 = arith.constant 1 : i32
      %dma_start3A_31 = arith.constant 0 : i32
      %dma_start3A_32 = tpu.memref_slice %arg11[%dma_start3A_30, %dma_start3A_31] : memref<2x2000xi32, #tpu.memory_space<vmem>> -> memref<1x80xi32, #tpu.memory_space<vmem>>
      %dma_start3A_33 = tpu.memref_squeeze %dma_start3A_32 : memref<1x80xi32, #tpu.memory_space<vmem>> -> memref<80xi32, #tpu.memory_space<vmem>>
      %dma_start3A_34 = arith.constant 0 : i32
      %dma_start3A_35 = arith.constant 0 : i32
      %dma_start3A_36 = tpu.memref_slice %arg3[%dma_start3A_34, %dma_start3A_35] : memref<10000x16xf32, #tpu.memory_space<hbm>> -> memref<10000x16xf32, #tpu.memory_space<hbm>>
      tpu.enqueue_indirect_dma source(%dma_start3A_36 : memref<10000x16xf32, #tpu.memory_space<hbm>>) target(%arg8 : memref<80x16xf32, #tpu.memory_space<vmem>>) offsets(%dma_start3A_33 : memref<80xi32, #tpu.memory_space<vmem>>) semaphore(%arg14 : memref<!tpu.dma_semaphore, #tpu.memory_space<semaphore_mem>>)
      %scan3A_37 = arith.constant 0 : i32
      %scan3A_38 = arith.constant 0 : i32
      %scan3A_39 = arith.constant 12 : i32
      %scan3A_40 = arith.addi %scan3A_38, %scan3A_39 : i32
      %scan3A_41 = arith.constant 1 : i32
      scf.for %scan3A_58 = %scan3A_38 to %scan3A_40 step %scan3A_41  : i32 {
        %mul3A_59 = arith.constant 2 : i32
        %mul3A_60 = arith.muli %mul3A_59, %scan3A_58 : i32
        %add3A_61 = arith.constant 1 : i32
        %add3A_62 = arith.addi %mul3A_60, %add3A_61 : i32
        %mul3A_63 = arith.constant 80 : i32
        %mul3A_64 = arith.muli %add3A_62, %mul3A_63 : i32
        %dma_start3A_65 = arith.constant 0 : i32
        %dma_start3A_66 = tpu.memref_slice %arg11[%dma_start3A_65, %mul3A_64] : memref<2x2000xi32, #tpu.memory_space<vmem>> -> memref<1x80xi32, #tpu.memory_space<vmem>>
        %dma_start3A_67 = tpu.memref_squeeze %dma_start3A_66 : memref<1x80xi32, #tpu.memory_space<vmem>> -> memref<80xi32, #tpu.memory_space<vmem>>
        %dma_start3A_68 = arith.constant 0 : i32
        %dma_start3A_69 = arith.constant 0 : i32
        %dma_start3A_70 = tpu.memref_slice %arg2[%dma_start3A_68, %dma_start3A_69] : memref<10000x144xf32, #tpu.memory_space<hbm>> -> memref<10000x144xf32, #tpu.memory_space<hbm>>
        tpu.enqueue_indirect_dma source(%dma_start3A_70 : memref<10000x144xf32, #tpu.memory_space<hbm>>) target(%arg9 : memref<80x144xf32, #tpu.memory_space<vmem>>) offsets(%dma_start3A_67 : memref<80xi32, #tpu.memory_space<vmem>>) semaphore(%arg15 : memref<!tpu.dma_semaphore, #tpu.memory_space<semaphore_mem>>)
        %mul3A_71 = arith.constant 80 : i32
        %mul3A_72 = arith.muli %add3A_62, %mul3A_71 : i32
        %dma_start3A_73 = arith.constant 1 : i32
        %dma_start3A_74 = tpu.memref_slice %arg11[%dma_start3A_73, %mul3A_72] : memref<2x2000xi32, #tpu.memory_space<vmem>> -> memref<1x80xi32, #tpu.memory_space<vmem>>
        %dma_start3A_75 = tpu.memref_squeeze %dma_start3A_74 : memref<1x80xi32, #tpu.memory_space<vmem>> -> memref<80xi32, #tpu.memory_space<vmem>>
        %dma_start3A_76 = arith.constant 0 : i32
        %dma_start3A_77 = arith.constant 0 : i32
        %dma_start3A_78 = tpu.memref_slice %arg3[%dma_start3A_76, %dma_start3A_77] : memref<10000x16xf32, #tpu.memory_space<hbm>> -> memref<10000x16xf32, #tpu.memory_space<hbm>>
        tpu.enqueue_indirect_dma source(%dma_start3A_78 : memref<10000x16xf32, #tpu.memory_space<hbm>>) target(%arg10 : memref<80x16xf32, #tpu.memory_space<vmem>>) offsets(%dma_start3A_75 : memref<80xi32, #tpu.memory_space<vmem>>) semaphore(%arg16 : memref<!tpu.dma_semaphore, #tpu.memory_space<semaphore_mem>>)
        %mul3A_79 = arith.constant 2 : i32
        %mul3A_80 = arith.muli %mul3A_79, %scan3A_58 : i32
        %mul3A_81 = arith.constant 80 : i32
        %mul3A_82 = arith.muli %mul3A_80, %mul3A_81 : i32
        %dma_wait3A_83 = arith.constant 0 : i32
        %dma_wait3A_84 = tpu.memref_slice %arg11[%dma_wait3A_83, %mul3A_82] : memref<2x2000xi32, #tpu.memory_space<vmem>> -> memref<1x80xi32, #tpu.memory_space<vmem>>
        %dma_wait3A_85 = tpu.memref_squeeze %dma_wait3A_84 : memref<1x80xi32, #tpu.memory_space<vmem>> -> memref<80xi32, #tpu.memory_space<vmem>>
        %dma_wait3A_86 = arith.constant 0 : i32
        %dma_wait3A_87 = arith.constant 0 : i32
        %dma_wait3A_88 = tpu.memref_slice %arg2[%dma_wait3A_86, %dma_wait3A_87] : memref<10000x144xf32, #tpu.memory_space<hbm>> -> memref<10000x144xf32, #tpu.memory_space<hbm>>
        tpu.wait_indirect_dma semaphore(%arg13 : memref<!tpu.dma_semaphore, #tpu.memory_space<semaphore_mem>>) src(%dma_wait3A_88 : memref<10000x144xf32, #tpu.memory_space<hbm>>) dst(%arg7 : memref<80x144xf32, #tpu.memory_space<vmem>>)
        %mul3A_89 = arith.constant 80 : i32
        %mul3A_90 = arith.muli %mul3A_80, %mul3A_89 : i32
        %dma_wait3A_91 = arith.constant 1 : i32
        %dma_wait3A_92 = tpu.memref_slice %arg11[%dma_wait3A_91, %mul3A_90] : memref<2x2000xi32, #tpu.memory_space<vmem>> -> memref<1x80xi32, #tpu.memory_space<vmem>>
        %dma_wait3A_93 = tpu.memref_squeeze %dma_wait3A_92 : memref<1x80xi32, #tpu.memory_space<vmem>> -> memref<80xi32, #tpu.memory_space<vmem>>
        %dma_wait3A_94 = arith.constant 0 : i32
        %dma_wait3A_95 = arith.constant 0 : i32
        %dma_wait3A_96 = tpu.memref_slice %arg3[%dma_wait3A_94, %dma_wait3A_95] : memref<10000x16xf32, #tpu.memory_space<hbm>> -> memref<10000x16xf32, #tpu.memory_space<hbm>>
        tpu.wait_indirect_dma semaphore(%arg14 : memref<!tpu.dma_semaphore, #tpu.memory_space<semaphore_mem>>) src(%dma_wait3A_96 : memref<10000x16xf32, #tpu.memory_space<hbm>>) dst(%arg8 : memref<80x16xf32, #tpu.memory_space<vmem>>)
        %mul3A_97 = arith.constant 2 : i32
        %mul3A_98 = arith.muli %mul3A_97, %scan3A_58 : i32
        %parallel_loop3A_99 = arith.constant 0 : i32
        %parallel_loop3A_100 = arith.constant 80 : i32
        %parallel_loop3A_101 = arith.constant 1 : i32
        scf.for %parallel_loop3A_155 = %parallel_loop3A_99 to %parallel_loop3A_100 step %parallel_loop3A_101  : i32 {
          %parallel_loop3A_156 = arith.index_cast %parallel_loop3A_155 : i32 to index
          %parallel_loop3A_157 = arith.constant 128 : index
          %parallel_loop3A_158 = tpu.vector_load %arg7[%parallel_loop3A_156, %parallel_loop3A_157] {strides = array<i32>} : memref<80x144xf32, #tpu.memory_space<vmem>>, vector<1x16xf32>,
          %parallel_loop3A_159 = vector.shape_cast %parallel_loop3A_158 : vector<1x16xf32> to vector<16xf32>
          %parallel_loop3A_160 = arith.index_cast %parallel_loop3A_155 : i32 to index
          %parallel_loop3A_161 = arith.constant 0 : index
          %parallel_loop3A_162 = tpu.vector_load %arg8[%parallel_loop3A_160, %parallel_loop3A_161] {strides = array<i32>} : memref<80x16xf32, #tpu.memory_space<vmem>>, vector<1x16xf32>,
          %parallel_loop3A_163 = vector.shape_cast %parallel_loop3A_162 : vector<1x16xf32> to vector<16xf32>
          %parallel_loop3A_164 = arith.addf %parallel_loop3A_159, %parallel_loop3A_163 : vector<16xf32>
          %parallel_loop3A_165 = arith.constant 0.000000e+00 : f32
          %parallel_loop3A_166 = vector.broadcast %parallel_loop3A_165 : f32 to vector<16xf32>
          %parallel_loop3A_167 = arith.cmpf oge, %parallel_loop3A_164, %parallel_loop3A_166 : vector<16xf32>
          %parallel_loop3A_168 = arith.constant 2.000000e-01 : f32
          %parallel_loop3A_169 = vector.broadcast %parallel_loop3A_168 : f32 to vector<16xf32>
          %parallel_loop3A_170 = arith.mulf %parallel_loop3A_169, %parallel_loop3A_164 : vector<16xf32>
          %parallel_loop3A_171 = arith.select %parallel_loop3A_167, %parallel_loop3A_164, %parallel_loop3A_170 : vector<16xi1>, vector<16xf32>
          %parallel_loop3A_172 = math.exp %parallel_loop3A_171 : vector<16xf32>
          %parallel_loop3A_173 = arith.constant 0 : i32
          %parallel_loop3A_174 = vector.broadcast %parallel_loop3A_173 : i32 to vector<16x1xi32>
          %parallel_loop3A_175 = vector.shape_cast %parallel_loop3A_174 : vector<16x1xi32> to vector<16xi32>
          %parallel_loop3A_176 = tpu.dynamic_gather %parallel_loop3A_172[%parallel_loop3A_175] in [0] : vector<16xf32>, vector<16xi32> -> vector<16xf32>
          %parallel_loop3A_177 = arith.index_cast %parallel_loop3A_155 : i32 to index
          %parallel_loop3A_178 = arith.constant 0 : index
          %parallel_loop3A_179 = tpu.vector_load %arg7[%parallel_loop3A_177, %parallel_loop3A_178] {strides = array<i32>} : memref<80x144xf32, #tpu.memory_space<vmem>>, vector<1x16xf32>,
          %parallel_loop3A_180 = vector.shape_cast %parallel_loop3A_179 : vector<1x16xf32> to vector<16xf32>
          %parallel_loop3A_181 = arith.mulf %parallel_loop3A_180, %parallel_loop3A_176 : vector<16xf32>
          %parallel_loop3A_182 = arith.index_cast %parallel_loop3A_155 : i32 to index
          %parallel_loop3A_183 = arith.constant 0 : index
          %parallel_loop3A_184 = tpu.vector_load %arg7[%parallel_loop3A_182, %parallel_loop3A_183] {strides = array<i32>} : memref<80x144xf32, #tpu.memory_space<vmem>>, vector<1x16xf32>,
          %parallel_loop3A_185 = vector.shape_cast %parallel_loop3A_184 : vector<1x16xf32> to vector<16xf32>
          %parallel_loop3A_186 = vector.shape_cast %parallel_loop3A_181 : vector<16xf32> to vector<1x16xf32>
          tpu.vector_store %arg7[%parallel_loop3A_182, %parallel_loop3A_183], %parallel_loop3A_186 {strides = array<i32>} : memref<80x144xf32, #tpu.memory_space<vmem>>, vector<1x16xf32>,
          %parallel_loop3A_187 = arith.constant 1 : i32
          %parallel_loop3A_188 = vector.broadcast %parallel_loop3A_187 : i32 to vector<16x1xi32>
          %parallel_loop3A_189 = vector.shape_cast %parallel_loop3A_188 : vector<16x1xi32> to vector<16xi32>
          %parallel_loop3A_190 = tpu.dynamic_gather %parallel_loop3A_172[%parallel_loop3A_189] in [0] : vector<16xf32>, vector<16xi32> -> vector<16xf32>
          %parallel_loop3A_191 = arith.index_cast %parallel_loop3A_155 : i32 to index
          %parallel_loop3A_192 = arith.constant 16 : index
          %parallel_loop3A_193 = tpu.vector_load %arg7[%parallel_loop3A_191, %parallel_loop3A_192] {strides = array<i32>} : memref<80x144xf32, #tpu.memory_space<vmem>>, vector<1x16xf32>,
          %parallel_loop3A_194 = vector.shape_cast %parallel_loop3A_193 : vector<1x16xf32> to vector<16xf32>
          %parallel_loop3A_195 = arith.mulf %parallel_loop3A_194, %parallel_loop3A_190 : vector<16xf32>
          %parallel_loop3A_196 = arith.index_cast %parallel_loop3A_155 : i32 to index
          %parallel_loop3A_197 = arith.constant 16 : index
          %parallel_loop3A_198 = tpu.vector_load %arg7[%parallel_loop3A_196, %parallel_loop3A_197] {strides = array<i32>} : memref<80x144xf32, #tpu.memory_space<vmem>>, vector<1x16xf32>,
          %parallel_loop3A_199 = vector.shape_cast %parallel_loop3A_198 : vector<1x16xf32> to vector<16xf32>
          %parallel_loop3A_200 = vector.shape_cast %parallel_loop3A_195 : vector<16xf32> to vector<1x16xf32>
          tpu.vector_store %arg7[%parallel_loop3A_196, %parallel_loop3A_197], %parallel_loop3A_200 {strides = array<i32>} : memref<80x144xf32, #tpu.memory_space<vmem>>, vector<1x16xf32>,
          %parallel_loop3A_201 = arith.constant 2 : i32
          %parallel_loop3A_202 = vector.broadcast %parallel_loop3A_201 : i32 to vector<16x1xi32>
          %parallel_loop3A_203 = vector.shape_cast %parallel_loop3A_202 : vector<16x1xi32> to vector<16xi32>
          %parallel_loop3A_204 = tpu.dynamic_gather %parallel_loop3A_172[%parallel_loop3A_203] in [0] : vector<16xf32>, vector<16xi32> -> vector<16xf32>
          %parallel_loop3A_205 = arith.index_cast %parallel_loop3A_155 : i32 to index
          %parallel_loop3A_206 = arith.constant 32 : index
          %parallel_loop3A_207 = tpu.vector_load %arg7[%parallel_loop3A_205, %parallel_loop3A_206] {strides = array<i32>} : memref<80x144xf32, #tpu.memory_space<vmem>>, vector<1x16xf32>,
          %parallel_loop3A_208 = vector.shape_cast %parallel_loop3A_207 : vector<1x16xf32> to vector<16xf32>
          %parallel_loop3A_209 = arith.mulf %parallel_loop3A_208, %parallel_loop3A_204 : vector<16xf32>
          %parallel_loop3A_210 = arith.index_cast %parallel_loop3A_155 : i32 to index
          %parallel_loop3A_211 = arith.constant 32 : index
          %parallel_loop3A_212 = tpu.vector_load %arg7[%parallel_loop3A_210, %parallel_loop3A_211] {strides = array<i32>} : memref<80x144xf32, #tpu.memory_space<vmem>>, vector<1x16xf32>,
          %parallel_loop3A_213 = vector.shape_cast %parallel_loop3A_212 : vector<1x16xf32> to vector<16xf32>
          %parallel_loop3A_214 = vector.shape_cast %parallel_loop3A_209 : vector<16xf32> to vector<1x16xf32>
          tpu.vector_store %arg7[%parallel_loop3A_210, %parallel_loop3A_211], %parallel_loop3A_214 {strides = array<i32>} : memref<80x144xf32, #tpu.memory_space<vmem>>, vector<1x16xf32>,
          %parallel_loop3A_215 = arith.constant 3 : i32
          %parallel_loop3A_216 = vector.broadcast %parallel_loop3A_215 : i32 to vector<16x1xi32>
          %parallel_loop3A_217 = vector.shape_cast %parallel_loop3A_216 : vector<16x1xi32> to vector<16xi32>
          %parallel_loop3A_218 = tpu.dynamic_gather %parallel_loop3A_172[%parallel_loop3A_217] in [0] : vector<16xf32>, vector<16xi32> -> vector<16xf32>
          %parallel_loop3A_219 = arith.index_cast %parallel_loop3A_155 : i32 to index
          %parallel_loop3A_220 = arith.constant 48 : index
          %parallel_loop3A_221 = tpu.vector_load %arg7[%parallel_loop3A_219, %parallel_loop3A_220] {strides = array<i32>} : memref<80x144xf32, #tpu.memory_space<vmem>>, vector<1x16xf32>,
          %parallel_loop3A_222 = vector.shape_cast %parallel_loop3A_221 : vector<1x16xf32> to vector<16xf32>
          %parallel_loop3A_223 = arith.mulf %parallel_loop3A_222, %parallel_loop3A_218 : vector<16xf32>
          %parallel_loop3A_224 = arith.index_cast %parallel_loop3A_155 : i32 to index
          %parallel_loop3A_225 = arith.constant 48 : index
          %parallel_loop3A_226 = tpu.vector_load %arg7[%parallel_loop3A_224, %parallel_loop3A_225] {strides = array<i32>} : memref<80x144xf32, #tpu.memory_space<vmem>>, vector<1x16xf32>,
          %parallel_loop3A_227 = vector.shape_cast %parallel_loop3A_226 : vector<1x16xf32> to vector<16xf32>
          %parallel_loop3A_228 = vector.shape_cast %parallel_loop3A_223 : vector<16xf32> to vector<1x16xf32>
          tpu.vector_store %arg7[%parallel_loop3A_224, %parallel_loop3A_225], %parallel_loop3A_228 {strides = array<i32>} : memref<80x144xf32, #tpu.memory_space<vmem>>, vector<1x16xf32>,
          %parallel_loop3A_229 = arith.constant 4 : i32
          %parallel_loop3A_230 = vector.broadcast %parallel_loop3A_229 : i32 to vector<16x1xi32>
          %parallel_loop3A_231 = vector.shape_cast %parallel_loop3A_230 : vector<16x1xi32> to vector<16xi32>
          %parallel_loop3A_232 = tpu.dynamic_gather %parallel_loop3A_172[%parallel_loop3A_231] in [0] : vector<16xf32>, vector<16xi32> -> vector<16xf32>
          %parallel_loop3A_233 = arith.index_cast %parallel_loop3A_155 : i32 to index
          %parallel_loop3A_234 = arith.constant 64 : index
          %parallel_loop3A_235 = tpu.vector_load %arg7[%parallel_loop3A_233, %parallel_loop3A_234] {strides = array<i32>} : memref<80x144xf32, #tpu.memory_space<vmem>>, vector<1x16xf32>,
          %parallel_loop3A_236 = vector.shape_cast %parallel_loop3A_235 : vector<1x16xf32> to vector<16xf32>
          %parallel_loop3A_237 = arith.mulf %parallel_loop3A_236, %parallel_loop3A_232 : vector<16xf32>
          %parallel_loop3A_238 = arith.index_cast %parallel_loop3A_155 : i32 to index
          %parallel_loop3A_239 = arith.constant 64 : index
          %parallel_loop3A_240 = tpu.vector_load %arg7[%parallel_loop3A_238, %parallel_loop3A_239] {strides = array<i32>} : memref<80x144xf32, #tpu.memory_space<vmem>>, vector<1x16xf32>,
          %parallel_loop3A_241 = vector.shape_cast %parallel_loop3A_240 : vector<1x16xf32> to vector<16xf32>
          %parallel_loop3A_242 = vector.shape_cast %parallel_loop3A_237 : vector<16xf32> to vector<1x16xf32>
          tpu.vector_store %arg7[%parallel_loop3A_238, %parallel_loop3A_239], %parallel_loop3A_242 {strides = array<i32>} : memref<80x144xf32, #tpu.memory_space<vmem>>, vector<1x16xf32>,
          %parallel_loop3A_243 = arith.constant 5 : i32
          %parallel_loop3A_244 = vector.broadcast %parallel_loop3A_243 : i32 to vector<16x1xi32>
          %parallel_loop3A_245 = vector.shape_cast %parallel_loop3A_244 : vector<16x1xi32> to vector<16xi32>
          %parallel_loop3A_246 = tpu.dynamic_gather %parallel_loop3A_172[%parallel_loop3A_245] in [0] : vector<16xf32>, vector<16xi32> -> vector<16xf32>
          %parallel_loop3A_247 = arith.index_cast %parallel_loop3A_155 : i32 to index
          %parallel_loop3A_248 = arith.constant 80 : index
          %parallel_loop3A_249 = tpu.vector_load %arg7[%parallel_loop3A_247, %parallel_loop3A_248] {strides = array<i32>} : memref<80x144xf32, #tpu.memory_space<vmem>>, vector<1x16xf32>,
          %parallel_loop3A_250 = vector.shape_cast %parallel_loop3A_249 : vector<1x16xf32> to vector<16xf32>
          %parallel_loop3A_251 = arith.mulf %parallel_loop3A_250, %parallel_loop3A_246 : vector<16xf32>
          %parallel_loop3A_252 = arith.index_cast %parallel_loop3A_155 : i32 to index
          %parallel_loop3A_253 = arith.constant 80 : index
          %parallel_loop3A_254 = tpu.vector_load %arg7[%parallel_loop3A_252, %parallel_loop3A_253] {strides = array<i32>} : memref<80x144xf32, #tpu.memory_space<vmem>>, vector<1x16xf32>,
          %parallel_loop3A_255 = vector.shape_cast %parallel_loop3A_254 : vector<1x16xf32> to vector<16xf32>
          %parallel_loop3A_256 = vector.shape_cast %parallel_loop3A_251 : vector<16xf32> to vector<1x16xf32>
          tpu.vector_store %arg7[%parallel_loop3A_252, %parallel_loop3A_253], %parallel_loop3A_256 {strides = array<i32>} : memref<80x144xf32, #tpu.memory_space<vmem>>, vector<1x16xf32>,
          %parallel_loop3A_257 = arith.constant 6 : i32
          %parallel_loop3A_258 = vector.broadcast %parallel_loop3A_257 : i32 to vector<16x1xi32>
          %parallel_loop3A_259 = vector.shape_cast %parallel_loop3A_258 : vector<16x1xi32> to vector<16xi32>
          %parallel_loop3A_260 = tpu.dynamic_gather %parallel_loop3A_172[%parallel_loop3A_259] in [0] : vector<16xf32>, vector<16xi32> -> vector<16xf32>
          %parallel_loop3A_261 = arith.index_cast %parallel_loop3A_155 : i32 to index
          %parallel_loop3A_262 = arith.constant 96 : index
          %parallel_loop3A_263 = tpu.vector_load %arg7[%parallel_loop3A_261, %parallel_loop3A_262] {strides = array<i32>} : memref<80x144xf32, #tpu.memory_space<vmem>>, vector<1x16xf32>,
          %parallel_loop3A_264 = vector.shape_cast %parallel_loop3A_263 : vector<1x16xf32> to vector<16xf32>
          %parallel_loop3A_265 = arith.mulf %parallel_loop3A_264, %parallel_loop3A_260 : vector<16xf32>
          %parallel_loop3A_266 = arith.index_cast %parallel_loop3A_155 : i32 to index
          %parallel_loop3A_267 = arith.constant 96 : index
          %parallel_loop3A_268 = tpu.vector_load %arg7[%parallel_loop3A_266, %parallel_loop3A_267] {strides = array<i32>} : memref<80x144xf32, #tpu.memory_space<vmem>>, vector<1x16xf32>,
          %parallel_loop3A_269 = vector.shape_cast %parallel_loop3A_268 : vector<1x16xf32> to vector<16xf32>
          %parallel_loop3A_270 = vector.shape_cast %parallel_loop3A_265 : vector<16xf32> to vector<1x16xf32>
          tpu.vector_store %arg7[%parallel_loop3A_266, %parallel_loop3A_267], %parallel_loop3A_270 {strides = array<i32>} : memref<80x144xf32, #tpu.memory_space<vmem>>, vector<1x16xf32>,
          %parallel_loop3A_271 = arith.constant 7 : i32
          %parallel_loop3A_272 = vector.broadcast %parallel_loop3A_271 : i32 to vector<16x1xi32>
          %parallel_loop3A_273 = vector.shape_cast %parallel_loop3A_272 : vector<16x1xi32> to vector<16xi32>
          %parallel_loop3A_274 = tpu.dynamic_gather %parallel_loop3A_172[%parallel_loop3A_273] in [0] : vector<16xf32>, vector<16xi32> -> vector<16xf32>
          %parallel_loop3A_275 = arith.index_cast %parallel_loop3A_155 : i32 to index
          %parallel_loop3A_276 = arith.constant 112 : index
          %parallel_loop3A_277 = tpu.vector_load %arg7[%parallel_loop3A_275, %parallel_loop3A_276] {strides = array<i32>} : memref<80x144xf32, #tpu.memory_space<vmem>>, vector<1x16xf32>,
          %parallel_loop3A_278 = vector.shape_cast %parallel_loop3A_277 : vector<1x16xf32> to vector<16xf32>
          %parallel_loop3A_279 = arith.mulf %parallel_loop3A_278, %parallel_loop3A_274 : vector<16xf32>
          %parallel_loop3A_280 = arith.index_cast %parallel_loop3A_155 : i32 to index
          %parallel_loop3A_281 = arith.constant 112 : index
          %parallel_loop3A_282 = tpu.vector_load %arg7[%parallel_loop3A_280, %parallel_loop3A_281] {strides = array<i32>} : memref<80x144xf32, #tpu.memory_space<vmem>>, vector<1x16xf32>,
          %parallel_loop3A_283 = vector.shape_cast %parallel_loop3A_282 : vector<1x16xf32> to vector<16xf32>
          %parallel_loop3A_284 = vector.shape_cast %parallel_loop3A_279 : vector<16xf32> to vector<1x16xf32>
          tpu.vector_store %arg7[%parallel_loop3A_280, %parallel_loop3A_281], %parallel_loop3A_284 {strides = array<i32>} : memref<80x144xf32, #tpu.memory_space<vmem>>, vector<1x16xf32>,
          %parallel_loop3A_285 = arith.index_cast %parallel_loop3A_155 : i32 to index
          %parallel_loop3A_286 = arith.constant 128 : index
          %parallel_loop3A_287 = tpu.vector_load %arg7[%parallel_loop3A_285, %parallel_loop3A_286] {strides = array<i32>} : memref<80x144xf32, #tpu.memory_space<vmem>>, vector<1x16xf32>,
          %parallel_loop3A_288 = vector.shape_cast %parallel_loop3A_287 : vector<1x16xf32> to vector<16xf32>
          %parallel_loop3A_289 = vector.shape_cast %parallel_loop3A_172 : vector<16xf32> to vector<1x16xf32>
          tpu.vector_store %arg7[%parallel_loop3A_285, %parallel_loop3A_286], %parallel_loop3A_289 {strides = array<i32>} : memref<80x144xf32, #tpu.memory_space<vmem>>, vector<1x16xf32>,
        } {sc.loop_unroll_factor = 4 : i64, sc.parallel_access}
        %mul3A_102 = arith.constant 80 : i32
        %mul3A_103 = arith.muli %mul3A_98, %mul3A_102 : i32
        %run_scoped3A_104 = arith.constant 1 : i32
        "tpu.region"() ({
          %run_scoped3A_155 = tpu.sem_alloc : memref<!tpu.dma_semaphore, #tpu.memory_space<semaphore_mem>>
          %dma_start3A_156 = tpu.memref_slice %arg11[%run_scoped3A_104, %mul3A_103] : memref<2x2000xi32, #tpu.memory_space<vmem>> -> memref<1x80xi32, #tpu.memory_space<vmem>>
          %dma_start3A_157 = tpu.memref_squeeze %dma_start3A_156 : memref<1x80xi32, #tpu.memory_space<vmem>> -> memref<80xi32, #tpu.memory_space<vmem>>
          %dma_start3A_158 = arith.constant 0 : i32
          %dma_start3A_159 = arith.constant 0 : i32
          %dma_start3A_160 = tpu.memref_slice %arg12[%dma_start3A_158, %dma_start3A_159] : memref<10240x144xf32, #tpu.memory_space<vmem_shared>> -> memref<10240x144xf32, #tpu.memory_space<vmem_shared>>
          tpu.enqueue_indirect_dma source(%arg7 : memref<80x144xf32, #tpu.memory_space<vmem>>) target(%dma_start3A_160 : memref<10240x144xf32, #tpu.memory_space<vmem_shared>>) offsets(%dma_start3A_157 : memref<80xi32, #tpu.memory_space<vmem>>) semaphore(%run_scoped3A_155 : memref<!tpu.dma_semaphore, #tpu.memory_space<semaphore_mem>>) {add = true}
          %dma_wait3A_161 = tpu.memref_slice %arg11[%run_scoped3A_104, %mul3A_103] : memref<2x2000xi32, #tpu.memory_space<vmem>> -> memref<1x80xi32, #tpu.memory_space<vmem>>
          %dma_wait3A_162 = tpu.memref_squeeze %dma_wait3A_161 : memref<1x80xi32, #tpu.memory_space<vmem>> -> memref<80xi32, #tpu.memory_space<vmem>>
          %dma_wait3A_163 = arith.constant 0 : i32
          %dma_wait3A_164 = arith.constant 0 : i32
          %dma_wait3A_165 = tpu.memref_slice %arg12[%dma_wait3A_163, %dma_wait3A_164] : memref<10240x144xf32, #tpu.memory_space<vmem_shared>> -> memref<10240x144xf32, #tpu.memory_space<vmem_shared>>
          tpu.wait_indirect_dma semaphore(%run_scoped3A_155 : memref<!tpu.dma_semaphore, #tpu.memory_space<semaphore_mem>>) src(%arg7 : memref<80x144xf32, #tpu.memory_space<vmem>>) dst(%dma_wait3A_165 : memref<10240x144xf32, #tpu.memory_space<vmem_shared>>)
          tpu.yield
        }) : () -> ()
        %mul3A_105 = arith.constant 2 : i32
        %mul3A_106 = arith.muli %mul3A_105, %scan3A_58 : i32
        %add3A_107 = arith.constant 2 : i32
        %add3A_108 = arith.addi %mul3A_106, %add3A_107 : i32
        %mul3A_109 = arith.constant 80 : i32
        %mul3A_110 = arith.muli %add3A_108, %mul3A_109 : i32
        %dma_start3A_111 = arith.constant 0 : i32
        %dma_start3A_112 = tpu.memref_slice %arg11[%dma_start3A_111, %mul3A_110] : memref<2x2000xi32, #tpu.memory_space<vmem>> -> memref<1x80xi32, #tpu.memory_space<vmem>>
        %dma_start3A_113 = tpu.memref_squeeze %dma_start3A_112 : memref<1x80xi32, #tpu.memory_space<vmem>> -> memref<80xi32, #tpu.memory_space<vmem>>
        %dma_start3A_114 = arith.constant 0 : i32
        %dma_start3A_115 = arith.constant 0 : i32
        %dma_start3A_116 = tpu.memref_slice %arg2[%dma_start3A_114, %dma_start3A_115] : memref<10000x144xf32, #tpu.memory_space<hbm>> -> memref<10000x144xf32, #tpu.memory_space<hbm>>
        tpu.enqueue_indirect_dma source(%dma_start3A_116 : memref<10000x144xf32, #tpu.memory_space<hbm>>) target(%arg7 : memref<80x144xf32, #tpu.memory_space<vmem>>) offsets(%dma_start3A_113 : memref<80xi32, #tpu.memory_space<vmem>>) semaphore(%arg13 : memref<!tpu.dma_semaphore, #tpu.memory_space<semaphore_mem>>)
        %mul3A_117 = arith.constant 80 : i32
        %mul3A_118 = arith.muli %add3A_108, %mul3A_117 : i32
        %dma_start3A_119 = arith.constant 1 : i32
        %dma_start3A_120 = tpu.memref_slice %arg11[%dma_start3A_119, %mul3A_118] : memref<2x2000xi32, #tpu.memory_space<vmem>> -> memref<1x80xi32, #tpu.memory_space<vmem>>
        %dma_start3A_121 = tpu.memref_squeeze %dma_start3A_120 : memref<1x80xi32, #tpu.memory_space<vmem>> -> memref<80xi32, #tpu.memory_space<vmem>>
        %dma_start3A_122 = arith.constant 0 : i32
        %dma_start3A_123 = arith.constant 0 : i32
        %dma_start3A_124 = tpu.memref_slice %arg3[%dma_start3A_122, %dma_start3A_123] : memref<10000x16xf32, #tpu.memory_space<hbm>> -> memref<10000x16xf32, #tpu.memory_space<hbm>>
        tpu.enqueue_indirect_dma source(%dma_start3A_124 : memref<10000x16xf32, #tpu.memory_space<hbm>>) target(%arg8 : memref<80x16xf32, #tpu.memory_space<vmem>>) offsets(%dma_start3A_121 : memref<80xi32, #tpu.memory_space<vmem>>) semaphore(%arg14 : memref<!tpu.dma_semaphore, #tpu.memory_space<semaphore_mem>>)
        %mul3A_125 = arith.constant 2 : i32
        %mul3A_126 = arith.muli %mul3A_125, %scan3A_58 : i32
        %add3A_127 = arith.constant 1 : i32
        %add3A_128 = arith.addi %mul3A_126, %add3A_127 : i32
        %mul3A_129 = arith.constant 80 : i32
        %mul3A_130 = arith.muli %add3A_128, %mul3A_129 : i32
        %dma_wait3A_131 = arith.constant 0 : i32
        %dma_wait3A_132 = tpu.memref_slice %arg11[%dma_wait3A_131, %mul3A_130] : memref<2x2000xi32, #tpu.memory_space<vmem>> -> memref<1x80xi32, #tpu.memory_space<vmem>>
        %dma_wait3A_133 = tpu.memref_squeeze %dma_wait3A_132 : memref<1x80xi32, #tpu.memory_space<vmem>> -> memref<80xi32, #tpu.memory_space<vmem>>
        %dma_wait3A_134 = arith.constant 0 : i32
        %dma_wait3A_135 = arith.constant 0 : i32
        %dma_wait3A_136 = tpu.memref_slice %arg2[%dma_wait3A_134, %dma_wait3A_135] : memref<10000x144xf32, #tpu.memory_space<hbm>> -> memref<10000x144xf32, #tpu.memory_space<hbm>>
        tpu.wait_indirect_dma semaphore(%arg15 : memref<!tpu.dma_semaphore, #tpu.memory_space<semaphore_mem>>) src(%dma_wait3A_136 : memref<10000x144xf32, #tpu.memory_space<hbm>>) dst(%arg9 : memref<80x144xf32, #tpu.memory_space<vmem>>)
        %mul3A_137 = arith.constant 80 : i32
        %mul3A_138 = arith.muli %add3A_128, %mul3A_137 : i32
        %dma_wait3A_139 = arith.constant 1 : i32
        %dma_wait3A_140 = tpu.memref_slice %arg11[%dma_wait3A_139, %mul3A_138] : memref<2x2000xi32, #tpu.memory_space<vmem>> -> memref<1x80xi32, #tpu.memory_space<vmem>>
        %dma_wait3A_141 = tpu.memref_squeeze %dma_wait3A_140 : memref<1x80xi32, #tpu.memory_space<vmem>> -> memref<80xi32, #tpu.memory_space<vmem>>
        %dma_wait3A_142 = arith.constant 0 : i32
        %dma_wait3A_143 = arith.constant 0 : i32
        %dma_wait3A_144 = tpu.memref_slice %arg3[%dma_wait3A_142, %dma_wait3A_143] : memref<10000x16xf32, #tpu.memory_space<hbm>> -> memref<10000x16xf32, #tpu.memory_space<hbm>>
        tpu.wait_indirect_dma semaphore(%arg16 : memref<!tpu.dma_semaphore, #tpu.memory_space<semaphore_mem>>) src(%dma_wait3A_144 : memref<10000x16xf32, #tpu.memory_space<hbm>>) dst(%arg10 : memref<80x16xf32, #tpu.memory_space<vmem>>)
        %mul3A_145 = arith.constant 2 : i32
        %mul3A_146 = arith.muli %mul3A_145, %scan3A_58 : i32
        %add3A_147 = arith.constant 1 : i32
        %add3A_148 = arith.addi %mul3A_146, %add3A_147 : i32
        %parallel_loop3A_149 = arith.constant 0 : i32
        %parallel_loop3A_150 = arith.constant 80 : i32
        %parallel_loop3A_151 = arith.constant 1 : i32
        scf.for %parallel_loop3A_155 = %parallel_loop3A_149 to %parallel_loop3A_150 step %parallel_loop3A_151  : i32 {
          %parallel_loop3A_156 = arith.index_cast %parallel_loop3A_155 : i32 to index
          %parallel_loop3A_157 = arith.constant 128 : index
          %parallel_loop3A_158 = tpu.vector_load %arg9[%parallel_loop3A_156, %parallel_loop3A_157] {strides = array<i32>} : memref<80x144xf32, #tpu.memory_space<vmem>>, vector<1x16xf32>,
          %parallel_loop3A_159 = vector.shape_cast %parallel_loop3A_158 : vector<1x16xf32> to vector<16xf32>
          %parallel_loop3A_160 = arith.index_cast %parallel_loop3A_155 : i32 to index
          %parallel_loop3A_161 = arith.constant 0 : index
          %parallel_loop3A_162 = tpu.vector_load %arg10[%parallel_loop3A_160, %parallel_loop3A_161] {strides = array<i32>} : memref<80x16xf32, #tpu.memory_space<vmem>>, vector<1x16xf32>,
          %parallel_loop3A_163 = vector.shape_cast %parallel_loop3A_162 : vector<1x16xf32> to vector<16xf32>
          %parallel_loop3A_164 = arith.addf %parallel_loop3A_159, %parallel_loop3A_163 : vector<16xf32>
          %parallel_loop3A_165 = arith.constant 0.000000e+00 : f32
          %parallel_loop3A_166 = vector.broadcast %parallel_loop3A_165 : f32 to vector<16xf32>
          %parallel_loop3A_167 = arith.cmpf oge, %parallel_loop3A_164, %parallel_loop3A_166 : vector<16xf32>
          %parallel_loop3A_168 = arith.constant 2.000000e-01 : f32
          %parallel_loop3A_169 = vector.broadcast %parallel_loop3A_168 : f32 to vector<16xf32>
          %parallel_loop3A_170 = arith.mulf %parallel_loop3A_169, %parallel_loop3A_164 : vector<16xf32>
          %parallel_loop3A_171 = arith.select %parallel_loop3A_167, %parallel_loop3A_164, %parallel_loop3A_170 : vector<16xi1>, vector<16xf32>
          %parallel_loop3A_172 = math.exp %parallel_loop3A_171 : vector<16xf32>
          %parallel_loop3A_173 = arith.constant 0 : i32
          %parallel_loop3A_174 = vector.broadcast %parallel_loop3A_173 : i32 to vector<16x1xi32>
          %parallel_loop3A_175 = vector.shape_cast %parallel_loop3A_174 : vector<16x1xi32> to vector<16xi32>
          %parallel_loop3A_176 = tpu.dynamic_gather %parallel_loop3A_172[%parallel_loop3A_175] in [0] : vector<16xf32>, vector<16xi32> -> vector<16xf32>
          %parallel_loop3A_177 = arith.index_cast %parallel_loop3A_155 : i32 to index
          %parallel_loop3A_178 = arith.constant 0 : index
          %parallel_loop3A_179 = tpu.vector_load %arg9[%parallel_loop3A_177, %parallel_loop3A_178] {strides = array<i32>} : memref<80x144xf32, #tpu.memory_space<vmem>>, vector<1x16xf32>,
          %parallel_loop3A_180 = vector.shape_cast %parallel_loop3A_179 : vector<1x16xf32> to vector<16xf32>
          %parallel_loop3A_181 = arith.mulf %parallel_loop3A_180, %parallel_loop3A_176 : vector<16xf32>
          %parallel_loop3A_182 = arith.index_cast %parallel_loop3A_155 : i32 to index
          %parallel_loop3A_183 = arith.constant 0 : index
          %parallel_loop3A_184 = tpu.vector_load %arg9[%parallel_loop3A_182, %parallel_loop3A_183] {strides = array<i32>} : memref<80x144xf32, #tpu.memory_space<vmem>>, vector<1x16xf32>,
          %parallel_loop3A_185 = vector.shape_cast %parallel_loop3A_184 : vector<1x16xf32> to vector<16xf32>
          %parallel_loop3A_186 = vector.shape_cast %parallel_loop3A_181 : vector<16xf32> to vector<1x16xf32>
          tpu.vector_store %arg9[%parallel_loop3A_182, %parallel_loop3A_183], %parallel_loop3A_186 {strides = array<i32>} : memref<80x144xf32, #tpu.memory_space<vmem>>, vector<1x16xf32>,
          %parallel_loop3A_187 = arith.constant 1 : i32
          %parallel_loop3A_188 = vector.broadcast %parallel_loop3A_187 : i32 to vector<16x1xi32>
          %parallel_loop3A_189 = vector.shape_cast %parallel_loop3A_188 : vector<16x1xi32> to vector<16xi32>
          %parallel_loop3A_190 = tpu.dynamic_gather %parallel_loop3A_172[%parallel_loop3A_189] in [0] : vector<16xf32>, vector<16xi32> -> vector<16xf32>
          %parallel_loop3A_191 = arith.index_cast %parallel_loop3A_155 : i32 to index
          %parallel_loop3A_192 = arith.constant 16 : index
          %parallel_loop3A_193 = tpu.vector_load %arg9[%parallel_loop3A_191, %parallel_loop3A_192] {strides = array<i32>} : memref<80x144xf32, #tpu.memory_space<vmem>>, vector<1x16xf32>,
          %parallel_loop3A_194 = vector.shape_cast %parallel_loop3A_193 : vector<1x16xf32> to vector<16xf32>
          %parallel_loop3A_195 = arith.mulf %parallel_loop3A_194, %parallel_loop3A_190 : vector<16xf32>
          %parallel_loop3A_196 = arith.index_cast %parallel_loop3A_155 : i32 to index
          %parallel_loop3A_197 = arith.constant 16 : index
          %parallel_loop3A_198 = tpu.vector_load %arg9[%parallel_loop3A_196, %parallel_loop3A_197] {strides = array<i32>} : memref<80x144xf32, #tpu.memory_space<vmem>>, vector<1x16xf32>,
          %parallel_loop3A_199 = vector.shape_cast %parallel_loop3A_198 : vector<1x16xf32> to vector<16xf32>
          %parallel_loop3A_200 = vector.shape_cast %parallel_loop3A_195 : vector<16xf32> to vector<1x16xf32>
          tpu.vector_store %arg9[%parallel_loop3A_196, %parallel_loop3A_197], %parallel_loop3A_200 {strides = array<i32>} : memref<80x144xf32, #tpu.memory_space<vmem>>, vector<1x16xf32>,
          %parallel_loop3A_201 = arith.constant 2 : i32
          %parallel_loop3A_202 = vector.broadcast %parallel_loop3A_201 : i32 to vector<16x1xi32>
          %parallel_loop3A_203 = vector.shape_cast %parallel_loop3A_202 : vector<16x1xi32> to vector<16xi32>
          %parallel_loop3A_204 = tpu.dynamic_gather %parallel_loop3A_172[%parallel_loop3A_203] in [0] : vector<16xf32>, vector<16xi32> -> vector<16xf32>
          %parallel_loop3A_205 = arith.index_cast %parallel_loop3A_155 : i32 to index
          %parallel_loop3A_206 = arith.constant 32 : index
          %parallel_loop3A_207 = tpu.vector_load %arg9[%parallel_loop3A_205, %parallel_loop3A_206] {strides = array<i32>} : memref<80x144xf32, #tpu.memory_space<vmem>>, vector<1x16xf32>,
          %parallel_loop3A_208 = vector.shape_cast %parallel_loop3A_207 : vector<1x16xf32> to vector<16xf32>
          %parallel_loop3A_209 = arith.mulf %parallel_loop3A_208, %parallel_loop3A_204 : vector<16xf32>
          %parallel_loop3A_210 = arith.index_cast %parallel_loop3A_155 : i32 to index
          %parallel_loop3A_211 = arith.constant 32 : index
          %parallel_loop3A_212 = tpu.vector_load %arg9[%parallel_loop3A_210, %parallel_loop3A_211] {strides = array<i32>} : memref<80x144xf32, #tpu.memory_space<vmem>>, vector<1x16xf32>,
          %parallel_loop3A_213 = vector.shape_cast %parallel_loop3A_212 : vector<1x16xf32> to vector<16xf32>
          %parallel_loop3A_214 = vector.shape_cast %parallel_loop3A_209 : vector<16xf32> to vector<1x16xf32>
          tpu.vector_store %arg9[%parallel_loop3A_210, %parallel_loop3A_211], %parallel_loop3A_214 {strides = array<i32>} : memref<80x144xf32, #tpu.memory_space<vmem>>, vector<1x16xf32>,
          %parallel_loop3A_215 = arith.constant 3 : i32
          %parallel_loop3A_216 = vector.broadcast %parallel_loop3A_215 : i32 to vector<16x1xi32>
          %parallel_loop3A_217 = vector.shape_cast %parallel_loop3A_216 : vector<16x1xi32> to vector<16xi32>
          %parallel_loop3A_218 = tpu.dynamic_gather %parallel_loop3A_172[%parallel_loop3A_217] in [0] : vector<16xf32>, vector<16xi32> -> vector<16xf32>
          %parallel_loop3A_219 = arith.index_cast %parallel_loop3A_155 : i32 to index
          %parallel_loop3A_220 = arith.constant 48 : index
          %parallel_loop3A_221 = tpu.vector_load %arg9[%parallel_loop3A_219, %parallel_loop3A_220] {strides = array<i32>} : memref<80x144xf32, #tpu.memory_space<vmem>>, vector<1x16xf32>,
          %parallel_loop3A_222 = vector.shape_cast %parallel_loop3A_221 : vector<1x16xf32> to vector<16xf32>
          %parallel_loop3A_223 = arith.mulf %parallel_loop3A_222, %parallel_loop3A_218 : vector<16xf32>
          %parallel_loop3A_224 = arith.index_cast %parallel_loop3A_155 : i32 to index
          %parallel_loop3A_225 = arith.constant 48 : index
          %parallel_loop3A_226 = tpu.vector_load %arg9[%parallel_loop3A_224, %parallel_loop3A_225] {strides = array<i32>} : memref<80x144xf32, #tpu.memory_space<vmem>>, vector<1x16xf32>,
          %parallel_loop3A_227 = vector.shape_cast %parallel_loop3A_226 : vector<1x16xf32> to vector<16xf32>
          %parallel_loop3A_228 = vector.shape_cast %parallel_loop3A_223 : vector<16xf32> to vector<1x16xf32>
          tpu.vector_store %arg9[%parallel_loop3A_224, %parallel_loop3A_225], %parallel_loop3A_228 {strides = array<i32>} : memref<80x144xf32, #tpu.memory_space<vmem>>, vector<1x16xf32>,
          %parallel_loop3A_229 = arith.constant 4 : i32
          %parallel_loop3A_230 = vector.broadcast %parallel_loop3A_229 : i32 to vector<16x1xi32>
          %parallel_loop3A_231 = vector.shape_cast %parallel_loop3A_230 : vector<16x1xi32> to vector<16xi32>
          %parallel_loop3A_232 = tpu.dynamic_gather %parallel_loop3A_172[%parallel_loop3A_231] in [0] : vector<16xf32>, vector<16xi32> -> vector<16xf32>
          %parallel_loop3A_233 = arith.index_cast %parallel_loop3A_155 : i32 to index
          %parallel_loop3A_234 = arith.constant 64 : index
          %parallel_loop3A_235 = tpu.vector_load %arg9[%parallel_loop3A_233, %parallel_loop3A_234] {strides = array<i32>} : memref<80x144xf32, #tpu.memory_space<vmem>>, vector<1x16xf32>,
          %parallel_loop3A_236 = vector.shape_cast %parallel_loop3A_235 : vector<1x16xf32> to vector<16xf32>
          %parallel_loop3A_237 = arith.mulf %parallel_loop3A_236, %parallel_loop3A_232 : vector<16xf32>
          %parallel_loop3A_238 = arith.index_cast %parallel_loop3A_155 : i32 to index
          %parallel_loop3A_239 = arith.constant 64 : index
          %parallel_loop3A_240 = tpu.vector_load %arg9[%parallel_loop3A_238, %parallel_loop3A_239] {strides = array<i32>} : memref<80x144xf32, #tpu.memory_space<vmem>>, vector<1x16xf32>,
          %parallel_loop3A_241 = vector.shape_cast %parallel_loop3A_240 : vector<1x16xf32> to vector<16xf32>
          %parallel_loop3A_242 = vector.shape_cast %parallel_loop3A_237 : vector<16xf32> to vector<1x16xf32>
          tpu.vector_store %arg9[%parallel_loop3A_238, %parallel_loop3A_239], %parallel_loop3A_242 {strides = array<i32>} : memref<80x144xf32, #tpu.memory_space<vmem>>, vector<1x16xf32>,
          %parallel_loop3A_243 = arith.constant 5 : i32
          %parallel_loop3A_244 = vector.broadcast %parallel_loop3A_243 : i32 to vector<16x1xi32>
          %parallel_loop3A_245 = vector.shape_cast %parallel_loop3A_244 : vector<16x1xi32> to vector<16xi32>
          %parallel_loop3A_246 = tpu.dynamic_gather %parallel_loop3A_172[%parallel_loop3A_245] in [0] : vector<16xf32>, vector<16xi32> -> vector<16xf32>
          %parallel_loop3A_247 = arith.index_cast %parallel_loop3A_155 : i32 to index
          %parallel_loop3A_248 = arith.constant 80 : index
          %parallel_loop3A_249 = tpu.vector_load %arg9[%parallel_loop3A_247, %parallel_loop3A_248] {strides = array<i32>} : memref<80x144xf32, #tpu.memory_space<vmem>>, vector<1x16xf32>,
          %parallel_loop3A_250 = vector.shape_cast %parallel_loop3A_249 : vector<1x16xf32> to vector<16xf32>
          %parallel_loop3A_251 = arith.mulf %parallel_loop3A_250, %parallel_loop3A_246 : vector<16xf32>
          %parallel_loop3A_252 = arith.index_cast %parallel_loop3A_155 : i32 to index
          %parallel_loop3A_253 = arith.constant 80 : index
          %parallel_loop3A_254 = tpu.vector_load %arg9[%parallel_loop3A_252, %parallel_loop3A_253] {strides = array<i32>} : memref<80x144xf32, #tpu.memory_space<vmem>>, vector<1x16xf32>,
          %parallel_loop3A_255 = vector.shape_cast %parallel_loop3A_254 : vector<1x16xf32> to vector<16xf32>
          %parallel_loop3A_256 = vector.shape_cast %parallel_loop3A_251 : vector<16xf32> to vector<1x16xf32>
          tpu.vector_store %arg9[%parallel_loop3A_252, %parallel_loop3A_253], %parallel_loop3A_256 {strides = array<i32>} : memref<80x144xf32, #tpu.memory_space<vmem>>, vector<1x16xf32>,
          %parallel_loop3A_257 = arith.constant 6 : i32
          %parallel_loop3A_258 = vector.broadcast %parallel_loop3A_257 : i32 to vector<16x1xi32>
          %parallel_loop3A_259 = vector.shape_cast %parallel_loop3A_258 : vector<16x1xi32> to vector<16xi32>
          %parallel_loop3A_260 = tpu.dynamic_gather %parallel_loop3A_172[%parallel_loop3A_259] in [0] : vector<16xf32>, vector<16xi32> -> vector<16xf32>
          %parallel_loop3A_261 = arith.index_cast %parallel_loop3A_155 : i32 to index
          %parallel_loop3A_262 = arith.constant 96 : index
          %parallel_loop3A_263 = tpu.vector_load %arg9[%parallel_loop3A_261, %parallel_loop3A_262] {strides = array<i32>} : memref<80x144xf32, #tpu.memory_space<vmem>>, vector<1x16xf32>,
          %parallel_loop3A_264 = vector.shape_cast %parallel_loop3A_263 : vector<1x16xf32> to vector<16xf32>
          %parallel_loop3A_265 = arith.mulf %parallel_loop3A_264, %parallel_loop3A_260 : vector<16xf32>
          %parallel_loop3A_266 = arith.index_cast %parallel_loop3A_155 : i32 to index
          %parallel_loop3A_267 = arith.constant 96 : index
          %parallel_loop3A_268 = tpu.vector_load %arg9[%parallel_loop3A_266, %parallel_loop3A_267] {strides = array<i32>} : memref<80x144xf32, #tpu.memory_space<vmem>>, vector<1x16xf32>,
          %parallel_loop3A_269 = vector.shape_cast %parallel_loop3A_268 : vector<1x16xf32> to vector<16xf32>
          %parallel_loop3A_270 = vector.shape_cast %parallel_loop3A_265 : vector<16xf32> to vector<1x16xf32>
          tpu.vector_store %arg9[%parallel_loop3A_266, %parallel_loop3A_267], %parallel_loop3A_270 {strides = array<i32>} : memref<80x144xf32, #tpu.memory_space<vmem>>, vector<1x16xf32>,
          %parallel_loop3A_271 = arith.constant 7 : i32
          %parallel_loop3A_272 = vector.broadcast %parallel_loop3A_271 : i32 to vector<16x1xi32>
          %parallel_loop3A_273 = vector.shape_cast %parallel_loop3A_272 : vector<16x1xi32> to vector<16xi32>
          %parallel_loop3A_274 = tpu.dynamic_gather %parallel_loop3A_172[%parallel_loop3A_273] in [0] : vector<16xf32>, vector<16xi32> -> vector<16xf32>
          %parallel_loop3A_275 = arith.index_cast %parallel_loop3A_155 : i32 to index
          %parallel_loop3A_276 = arith.constant 112 : index
          %parallel_loop3A_277 = tpu.vector_load %arg9[%parallel_loop3A_275, %parallel_loop3A_276] {strides = array<i32>} : memref<80x144xf32, #tpu.memory_space<vmem>>, vector<1x16xf32>,
          %parallel_loop3A_278 = vector.shape_cast %parallel_loop3A_277 : vector<1x16xf32> to vector<16xf32>
          %parallel_loop3A_279 = arith.mulf %parallel_loop3A_278, %parallel_loop3A_274 : vector<16xf32>
          %parallel_loop3A_280 = arith.index_cast %parallel_loop3A_155 : i32 to index
          %parallel_loop3A_281 = arith.constant 112 : index
          %parallel_loop3A_282 = tpu.vector_load %arg9[%parallel_loop3A_280, %parallel_loop3A_281] {strides = array<i32>} : memref<80x144xf32, #tpu.memory_space<vmem>>, vector<1x16xf32>,
          %parallel_loop3A_283 = vector.shape_cast %parallel_loop3A_282 : vector<1x16xf32> to vector<16xf32>
          %parallel_loop3A_284 = vector.shape_cast %parallel_loop3A_279 : vector<16xf32> to vector<1x16xf32>
          tpu.vector_store %arg9[%parallel_loop3A_280, %parallel_loop3A_281], %parallel_loop3A_284 {strides = array<i32>} : memref<80x144xf32, #tpu.memory_space<vmem>>, vector<1x16xf32>,
          %parallel_loop3A_285 = arith.index_cast %parallel_loop3A_155 : i32 to index
          %parallel_loop3A_286 = arith.constant 128 : index
          %parallel_loop3A_287 = tpu.vector_load %arg9[%parallel_loop3A_285, %parallel_loop3A_286] {strides = array<i32>} : memref<80x144xf32, #tpu.memory_space<vmem>>, vector<1x16xf32>,
          %parallel_loop3A_288 = vector.shape_cast %parallel_loop3A_287 : vector<1x16xf32> to vector<16xf32>
          %parallel_loop3A_289 = vector.shape_cast %parallel_loop3A_172 : vector<16xf32> to vector<1x16xf32>
          tpu.vector_store %arg9[%parallel_loop3A_285, %parallel_loop3A_286], %parallel_loop3A_289 {strides = array<i32>} : memref<80x144xf32, #tpu.memory_space<vmem>>, vector<1x16xf32>,
        } {sc.loop_unroll_factor = 4 : i64, sc.parallel_access}
        %mul3A_152 = arith.constant 80 : i32
        %mul3A_153 = arith.muli %add3A_148, %mul3A_152 : i32
        %run_scoped3A_154 = arith.constant 1 : i32
        "tpu.region"() ({
          %run_scoped3A_155 = tpu.sem_alloc : memref<!tpu.dma_semaphore, #tpu.memory_space<semaphore_mem>>
          %dma_start3A_156 = tpu.memref_slice %arg11[%run_scoped3A_154, %mul3A_153] : memref<2x2000xi32, #tpu.memory_space<vmem>> -> memref<1x80xi32, #tpu.memory_space<vmem>>
          %dma_start3A_157 = tpu.memref_squeeze %dma_start3A_156 : memref<1x80xi32, #tpu.memory_space<vmem>> -> memref<80xi32, #tpu.memory_space<vmem>>
          %dma_start3A_158 = arith.constant 0 : i32
          %dma_start3A_159 = arith.constant 0 : i32
          %dma_start3A_160 = tpu.memref_slice %arg12[%dma_start3A_158, %dma_start3A_159] : memref<10240x144xf32, #tpu.memory_space<vmem_shared>> -> memref<10240x144xf32, #tpu.memory_space<vmem_shared>>
          tpu.enqueue_indirect_dma source(%arg9 : memref<80x144xf32, #tpu.memory_space<vmem>>) target(%dma_start3A_160 : memref<10240x144xf32, #tpu.memory_space<vmem_shared>>) offsets(%dma_start3A_157 : memref<80xi32, #tpu.memory_space<vmem>>) semaphore(%run_scoped3A_155 : memref<!tpu.dma_semaphore, #tpu.memory_space<semaphore_mem>>) {add = true}
          %dma_wait3A_161 = tpu.memref_slice %arg11[%run_scoped3A_154, %mul3A_153] : memref<2x2000xi32, #tpu.memory_space<vmem>> -> memref<1x80xi32, #tpu.memory_space<vmem>>
          %dma_wait3A_162 = tpu.memref_squeeze %dma_wait3A_161 : memref<1x80xi32, #tpu.memory_space<vmem>> -> memref<80xi32, #tpu.memory_space<vmem>>
          %dma_wait3A_163 = arith.constant 0 : i32
          %dma_wait3A_164 = arith.constant 0 : i32
          %dma_wait3A_165 = tpu.memref_slice %arg12[%dma_wait3A_163, %dma_wait3A_164] : memref<10240x144xf32, #tpu.memory_space<vmem_shared>> -> memref<10240x144xf32, #tpu.memory_space<vmem_shared>>
          tpu.wait_indirect_dma semaphore(%run_scoped3A_155 : memref<!tpu.dma_semaphore, #tpu.memory_space<semaphore_mem>>) src(%arg9 : memref<80x144xf32, #tpu.memory_space<vmem>>) dst(%dma_wait3A_165 : memref<10240x144xf32, #tpu.memory_space<vmem_shared>>)
          tpu.yield
        }) : () -> ()
      }
      %scan3A_42 = arith.constant 12 : i32
      %dma_wait3A = arith.constant 0 : i32
      %dma_wait3A_43 = arith.constant 1920 : i32
      %dma_wait3A_44 = tpu.memref_slice %arg11[%dma_wait3A, %dma_wait3A_43] : memref<2x2000xi32, #tpu.memory_space<vmem>> -> memref<1x80xi32, #tpu.memory_space<vmem>>
      %dma_wait3A_45 = tpu.memref_squeeze %dma_wait3A_44 : memref<1x80xi32, #tpu.memory_space<vmem>> -> memref<80xi32, #tpu.memory_space<vmem>>
      %dma_wait3A_46 = arith.constant 0 : i32
      %dma_wait3A_47 = arith.constant 0 : i32
      %dma_wait3A_48 = tpu.memref_slice %arg2[%dma_wait3A_46, %dma_wait3A_47] : memref<10000x144xf32, #tpu.memory_space<hbm>> -> memref<10000x144xf32, #tpu.memory_space<hbm>>
      tpu.wait_indirect_dma semaphore(%arg13 : memref<!tpu.dma_semaphore, #tpu.memory_space<semaphore_mem>>) src(%dma_wait3A_48 : memref<10000x144xf32, #tpu.memory_space<hbm>>) dst(%arg7 : memref<80x144xf32, #tpu.memory_space<vmem>>)
      %dma_wait3A_49 = arith.constant 1 : i32
      %dma_wait3A_50 = arith.constant 1920 : i32
      %dma_wait3A_51 = tpu.memref_slice %arg11[%dma_wait3A_49, %dma_wait3A_50] : memref<2x2000xi32, #tpu.memory_space<vmem>> -> memref<1x80xi32, #tpu.memory_space<vmem>>
      %dma_wait3A_52 = tpu.memref_squeeze %dma_wait3A_51 : memref<1x80xi32, #tpu.memory_space<vmem>> -> memref<80xi32, #tpu.memory_space<vmem>>
      %dma_wait3A_53 = arith.constant 0 : i32
      %dma_wait3A_54 = arith.constant 0 : i32
      %dma_wait3A_55 = tpu.memref_slice %arg3[%dma_wait3A_53, %dma_wait3A_54] : memref<10000x16xf32, #tpu.memory_space<hbm>> -> memref<10000x16xf32, #tpu.memory_space<hbm>>
      tpu.wait_indirect_dma semaphore(%arg14 : memref<!tpu.dma_semaphore, #tpu.memory_space<semaphore_mem>>) src(%dma_wait3A_55 : memref<10000x16xf32, #tpu.memory_space<hbm>>) dst(%arg8 : memref<80x16xf32, #tpu.memory_space<vmem>>)
      %parallel_loop3A = arith.constant 0 : i32
      %parallel_loop3A_56 = arith.constant 80 : i32
      %parallel_loop3A_57 = arith.constant 1 : i32
      scf.for %parallel_loop3A_58 = %parallel_loop3A to %parallel_loop3A_56 step %parallel_loop3A_57  : i32 {
        %parallel_loop3A_59 = arith.index_cast %parallel_loop3A_58 : i32 to index
        %parallel_loop3A_60 = arith.constant 128 : index
        %parallel_loop3A_61 = tpu.vector_load %arg7[%parallel_loop3A_59, %parallel_loop3A_60] {strides = array<i32>} : memref<80x144xf32, #tpu.memory_space<vmem>>, vector<1x16xf32>,
        %parallel_loop3A_62 = vector.shape_cast %parallel_loop3A_61 : vector<1x16xf32> to vector<16xf32>
        %parallel_loop3A_63 = arith.index_cast %parallel_loop3A_58 : i32 to index
        %parallel_loop3A_64 = arith.constant 0 : index
        %parallel_loop3A_65 = tpu.vector_load %arg8[%parallel_loop3A_63, %parallel_loop3A_64] {strides = array<i32>} : memref<80x16xf32, #tpu.memory_space<vmem>>, vector<1x16xf32>,
        %parallel_loop3A_66 = vector.shape_cast %parallel_loop3A_65 : vector<1x16xf32> to vector<16xf32>
        %parallel_loop3A_67 = arith.addf %parallel_loop3A_62, %parallel_loop3A_66 : vector<16xf32>
        %parallel_loop3A_68 = arith.constant 0.000000e+00 : f32
        %parallel_loop3A_69 = vector.broadcast %parallel_loop3A_68 : f32 to vector<16xf32>
        %parallel_loop3A_70 = arith.cmpf oge, %parallel_loop3A_67, %parallel_loop3A_69 : vector<16xf32>
        %parallel_loop3A_71 = arith.constant 2.000000e-01 : f32
        %parallel_loop3A_72 = vector.broadcast %parallel_loop3A_71 : f32 to vector<16xf32>
        %parallel_loop3A_73 = arith.mulf %parallel_loop3A_72, %parallel_loop3A_67 : vector<16xf32>
        %parallel_loop3A_74 = arith.select %parallel_loop3A_70, %parallel_loop3A_67, %parallel_loop3A_73 : vector<16xi1>, vector<16xf32>
        %parallel_loop3A_75 = math.exp %parallel_loop3A_74 : vector<16xf32>
        %parallel_loop3A_76 = arith.constant 0 : i32
        %parallel_loop3A_77 = vector.broadcast %parallel_loop3A_76 : i32 to vector<16x1xi32>
        %parallel_loop3A_78 = vector.shape_cast %parallel_loop3A_77 : vector<16x1xi32> to vector<16xi32>
        %parallel_loop3A_79 = tpu.dynamic_gather %parallel_loop3A_75[%parallel_loop3A_78] in [0] : vector<16xf32>, vector<16xi32> -> vector<16xf32>
        %parallel_loop3A_80 = arith.index_cast %parallel_loop3A_58 : i32 to index
        %parallel_loop3A_81 = arith.constant 0 : index
        %parallel_loop3A_82 = tpu.vector_load %arg7[%parallel_loop3A_80, %parallel_loop3A_81] {strides = array<i32>} : memref<80x144xf32, #tpu.memory_space<vmem>>, vector<1x16xf32>,
        %parallel_loop3A_83 = vector.shape_cast %parallel_loop3A_82 : vector<1x16xf32> to vector<16xf32>
        %parallel_loop3A_84 = arith.mulf %parallel_loop3A_83, %parallel_loop3A_79 : vector<16xf32>
        %parallel_loop3A_85 = arith.index_cast %parallel_loop3A_58 : i32 to index
        %parallel_loop3A_86 = arith.constant 0 : index
        %parallel_loop3A_87 = tpu.vector_load %arg7[%parallel_loop3A_85, %parallel_loop3A_86] {strides = array<i32>} : memref<80x144xf32, #tpu.memory_space<vmem>>, vector<1x16xf32>,
        %parallel_loop3A_88 = vector.shape_cast %parallel_loop3A_87 : vector<1x16xf32> to vector<16xf32>
        %parallel_loop3A_89 = vector.shape_cast %parallel_loop3A_84 : vector<16xf32> to vector<1x16xf32>
        tpu.vector_store %arg7[%parallel_loop3A_85, %parallel_loop3A_86], %parallel_loop3A_89 {strides = array<i32>} : memref<80x144xf32, #tpu.memory_space<vmem>>, vector<1x16xf32>,
        %parallel_loop3A_90 = arith.constant 1 : i32
        %parallel_loop3A_91 = vector.broadcast %parallel_loop3A_90 : i32 to vector<16x1xi32>
        %parallel_loop3A_92 = vector.shape_cast %parallel_loop3A_91 : vector<16x1xi32> to vector<16xi32>
        %parallel_loop3A_93 = tpu.dynamic_gather %parallel_loop3A_75[%parallel_loop3A_92] in [0] : vector<16xf32>, vector<16xi32> -> vector<16xf32>
        %parallel_loop3A_94 = arith.index_cast %parallel_loop3A_58 : i32 to index
        %parallel_loop3A_95 = arith.constant 16 : index
        %parallel_loop3A_96 = tpu.vector_load %arg7[%parallel_loop3A_94, %parallel_loop3A_95] {strides = array<i32>} : memref<80x144xf32, #tpu.memory_space<vmem>>, vector<1x16xf32>,
        %parallel_loop3A_97 = vector.shape_cast %parallel_loop3A_96 : vector<1x16xf32> to vector<16xf32>
        %parallel_loop3A_98 = arith.mulf %parallel_loop3A_97, %parallel_loop3A_93 : vector<16xf32>
        %parallel_loop3A_99 = arith.index_cast %parallel_loop3A_58 : i32 to index
        %parallel_loop3A_100 = arith.constant 16 : index
        %parallel_loop3A_101 = tpu.vector_load %arg7[%parallel_loop3A_99, %parallel_loop3A_100] {strides = array<i32>} : memref<80x144xf32, #tpu.memory_space<vmem>>, vector<1x16xf32>,
        %parallel_loop3A_102 = vector.shape_cast %parallel_loop3A_101 : vector<1x16xf32> to vector<16xf32>
        %parallel_loop3A_103 = vector.shape_cast %parallel_loop3A_98 : vector<16xf32> to vector<1x16xf32>
        tpu.vector_store %arg7[%parallel_loop3A_99, %parallel_loop3A_100], %parallel_loop3A_103 {strides = array<i32>} : memref<80x144xf32, #tpu.memory_space<vmem>>, vector<1x16xf32>,
        %parallel_loop3A_104 = arith.constant 2 : i32
        %parallel_loop3A_105 = vector.broadcast %parallel_loop3A_104 : i32 to vector<16x1xi32>
        %parallel_loop3A_106 = vector.shape_cast %parallel_loop3A_105 : vector<16x1xi32> to vector<16xi32>
        %parallel_loop3A_107 = tpu.dynamic_gather %parallel_loop3A_75[%parallel_loop3A_106] in [0] : vector<16xf32>, vector<16xi32> -> vector<16xf32>
        %parallel_loop3A_108 = arith.index_cast %parallel_loop3A_58 : i32 to index
        %parallel_loop3A_109 = arith.constant 32 : index
        %parallel_loop3A_110 = tpu.vector_load %arg7[%parallel_loop3A_108, %parallel_loop3A_109] {strides = array<i32>} : memref<80x144xf32, #tpu.memory_space<vmem>>, vector<1x16xf32>,
        %parallel_loop3A_111 = vector.shape_cast %parallel_loop3A_110 : vector<1x16xf32> to vector<16xf32>
        %parallel_loop3A_112 = arith.mulf %parallel_loop3A_111, %parallel_loop3A_107 : vector<16xf32>
        %parallel_loop3A_113 = arith.index_cast %parallel_loop3A_58 : i32 to index
        %parallel_loop3A_114 = arith.constant 32 : index
        %parallel_loop3A_115 = tpu.vector_load %arg7[%parallel_loop3A_113, %parallel_loop3A_114] {strides = array<i32>} : memref<80x144xf32, #tpu.memory_space<vmem>>, vector<1x16xf32>,
        %parallel_loop3A_116 = vector.shape_cast %parallel_loop3A_115 : vector<1x16xf32> to vector<16xf32>
        %parallel_loop3A_117 = vector.shape_cast %parallel_loop3A_112 : vector<16xf32> to vector<1x16xf32>
        tpu.vector_store %arg7[%parallel_loop3A_113, %parallel_loop3A_114], %parallel_loop3A_117 {strides = array<i32>} : memref<80x144xf32, #tpu.memory_space<vmem>>, vector<1x16xf32>,
        %parallel_loop3A_118 = arith.constant 3 : i32
        %parallel_loop3A_119 = vector.broadcast %parallel_loop3A_118 : i32 to vector<16x1xi32>
        %parallel_loop3A_120 = vector.shape_cast %parallel_loop3A_119 : vector<16x1xi32> to vector<16xi32>
        %parallel_loop3A_121 = tpu.dynamic_gather %parallel_loop3A_75[%parallel_loop3A_120] in [0] : vector<16xf32>, vector<16xi32> -> vector<16xf32>
        %parallel_loop3A_122 = arith.index_cast %parallel_loop3A_58 : i32 to index
        %parallel_loop3A_123 = arith.constant 48 : index
        %parallel_loop3A_124 = tpu.vector_load %arg7[%parallel_loop3A_122, %parallel_loop3A_123] {strides = array<i32>} : memref<80x144xf32, #tpu.memory_space<vmem>>, vector<1x16xf32>,
        %parallel_loop3A_125 = vector.shape_cast %parallel_loop3A_124 : vector<1x16xf32> to vector<16xf32>
        %parallel_loop3A_126 = arith.mulf %parallel_loop3A_125, %parallel_loop3A_121 : vector<16xf32>
        %parallel_loop3A_127 = arith.index_cast %parallel_loop3A_58 : i32 to index
        %parallel_loop3A_128 = arith.constant 48 : index
        %parallel_loop3A_129 = tpu.vector_load %arg7[%parallel_loop3A_127, %parallel_loop3A_128] {strides = array<i32>} : memref<80x144xf32, #tpu.memory_space<vmem>>, vector<1x16xf32>,
        %parallel_loop3A_130 = vector.shape_cast %parallel_loop3A_129 : vector<1x16xf32> to vector<16xf32>
        %parallel_loop3A_131 = vector.shape_cast %parallel_loop3A_126 : vector<16xf32> to vector<1x16xf32>
        tpu.vector_store %arg7[%parallel_loop3A_127, %parallel_loop3A_128], %parallel_loop3A_131 {strides = array<i32>} : memref<80x144xf32, #tpu.memory_space<vmem>>, vector<1x16xf32>,
        %parallel_loop3A_132 = arith.constant 4 : i32
        %parallel_loop3A_133 = vector.broadcast %parallel_loop3A_132 : i32 to vector<16x1xi32>
        %parallel_loop3A_134 = vector.shape_cast %parallel_loop3A_133 : vector<16x1xi32> to vector<16xi32>
        %parallel_loop3A_135 = tpu.dynamic_gather %parallel_loop3A_75[%parallel_loop3A_134] in [0] : vector<16xf32>, vector<16xi32> -> vector<16xf32>
        %parallel_loop3A_136 = arith.index_cast %parallel_loop3A_58 : i32 to index
        %parallel_loop3A_137 = arith.constant 64 : index
        %parallel_loop3A_138 = tpu.vector_load %arg7[%parallel_loop3A_136, %parallel_loop3A_137] {strides = array<i32>} : memref<80x144xf32, #tpu.memory_space<vmem>>, vector<1x16xf32>,
        %parallel_loop3A_139 = vector.shape_cast %parallel_loop3A_138 : vector<1x16xf32> to vector<16xf32>
        %parallel_loop3A_140 = arith.mulf %parallel_loop3A_139, %parallel_loop3A_135 : vector<16xf32>
        %parallel_loop3A_141 = arith.index_cast %parallel_loop3A_58 : i32 to index
        %parallel_loop3A_142 = arith.constant 64 : index
        %parallel_loop3A_143 = tpu.vector_load %arg7[%parallel_loop3A_141, %parallel_loop3A_142] {strides = array<i32>} : memref<80x144xf32, #tpu.memory_space<vmem>>, vector<1x16xf32>,
        %parallel_loop3A_144 = vector.shape_cast %parallel_loop3A_143 : vector<1x16xf32> to vector<16xf32>
        %parallel_loop3A_145 = vector.shape_cast %parallel_loop3A_140 : vector<16xf32> to vector<1x16xf32>
        tpu.vector_store %arg7[%parallel_loop3A_141, %parallel_loop3A_142], %parallel_loop3A_145 {strides = array<i32>} : memref<80x144xf32, #tpu.memory_space<vmem>>, vector<1x16xf32>,
        %parallel_loop3A_146 = arith.constant 5 : i32
        %parallel_loop3A_147 = vector.broadcast %parallel_loop3A_146 : i32 to vector<16x1xi32>
        %parallel_loop3A_148 = vector.shape_cast %parallel_loop3A_147 : vector<16x1xi32> to vector<16xi32>
        %parallel_loop3A_149 = tpu.dynamic_gather %parallel_loop3A_75[%parallel_loop3A_148] in [0] : vector<16xf32>, vector<16xi32> -> vector<16xf32>
        %parallel_loop3A_150 = arith.index_cast %parallel_loop3A_58 : i32 to index
        %parallel_loop3A_151 = arith.constant 80 : index
        %parallel_loop3A_152 = tpu.vector_load %arg7[%parallel_loop3A_150, %parallel_loop3A_151] {strides = array<i32>} : memref<80x144xf32, #tpu.memory_space<vmem>>, vector<1x16xf32>,
        %parallel_loop3A_153 = vector.shape_cast %parallel_loop3A_152 : vector<1x16xf32> to vector<16xf32>
        %parallel_loop3A_154 = arith.mulf %parallel_loop3A_153, %parallel_loop3A_149 : vector<16xf32>
        %parallel_loop3A_155 = arith.index_cast %parallel_loop3A_58 : i32 to index
        %parallel_loop3A_156 = arith.constant 80 : index
        %parallel_loop3A_157 = tpu.vector_load %arg7[%parallel_loop3A_155, %parallel_loop3A_156] {strides = array<i32>} : memref<80x144xf32, #tpu.memory_space<vmem>>, vector<1x16xf32>,
        %parallel_loop3A_158 = vector.shape_cast %parallel_loop3A_157 : vector<1x16xf32> to vector<16xf32>
        %parallel_loop3A_159 = vector.shape_cast %parallel_loop3A_154 : vector<16xf32> to vector<1x16xf32>
        tpu.vector_store %arg7[%parallel_loop3A_155, %parallel_loop3A_156], %parallel_loop3A_159 {strides = array<i32>} : memref<80x144xf32, #tpu.memory_space<vmem>>, vector<1x16xf32>,
        %parallel_loop3A_160 = arith.constant 6 : i32
        %parallel_loop3A_161 = vector.broadcast %parallel_loop3A_160 : i32 to vector<16x1xi32>
        %parallel_loop3A_162 = vector.shape_cast %parallel_loop3A_161 : vector<16x1xi32> to vector<16xi32>
        %parallel_loop3A_163 = tpu.dynamic_gather %parallel_loop3A_75[%parallel_loop3A_162] in [0] : vector<16xf32>, vector<16xi32> -> vector<16xf32>
        %parallel_loop3A_164 = arith.index_cast %parallel_loop3A_58 : i32 to index
        %parallel_loop3A_165 = arith.constant 96 : index
        %parallel_loop3A_166 = tpu.vector_load %arg7[%parallel_loop3A_164, %parallel_loop3A_165] {strides = array<i32>} : memref<80x144xf32, #tpu.memory_space<vmem>>, vector<1x16xf32>,
        %parallel_loop3A_167 = vector.shape_cast %parallel_loop3A_166 : vector<1x16xf32> to vector<16xf32>
        %parallel_loop3A_168 = arith.mulf %parallel_loop3A_167, %parallel_loop3A_163 : vector<16xf32>
        %parallel_loop3A_169 = arith.index_cast %parallel_loop3A_58 : i32 to index
        %parallel_loop3A_170 = arith.constant 96 : index
        %parallel_loop3A_171 = tpu.vector_load %arg7[%parallel_loop3A_169, %parallel_loop3A_170] {strides = array<i32>} : memref<80x144xf32, #tpu.memory_space<vmem>>, vector<1x16xf32>,
        %parallel_loop3A_172 = vector.shape_cast %parallel_loop3A_171 : vector<1x16xf32> to vector<16xf32>
        %parallel_loop3A_173 = vector.shape_cast %parallel_loop3A_168 : vector<16xf32> to vector<1x16xf32>
        tpu.vector_store %arg7[%parallel_loop3A_169, %parallel_loop3A_170], %parallel_loop3A_173 {strides = array<i32>} : memref<80x144xf32, #tpu.memory_space<vmem>>, vector<1x16xf32>,
        %parallel_loop3A_174 = arith.constant 7 : i32
        %parallel_loop3A_175 = vector.broadcast %parallel_loop3A_174 : i32 to vector<16x1xi32>
        %parallel_loop3A_176 = vector.shape_cast %parallel_loop3A_175 : vector<16x1xi32> to vector<16xi32>
        %parallel_loop3A_177 = tpu.dynamic_gather %parallel_loop3A_75[%parallel_loop3A_176] in [0] : vector<16xf32>, vector<16xi32> -> vector<16xf32>
        %parallel_loop3A_178 = arith.index_cast %parallel_loop3A_58 : i32 to index
        %parallel_loop3A_179 = arith.constant 112 : index
        %parallel_loop3A_180 = tpu.vector_load %arg7[%parallel_loop3A_178, %parallel_loop3A_179] {strides = array<i32>} : memref<80x144xf32, #tpu.memory_space<vmem>>, vector<1x16xf32>,
        %parallel_loop3A_181 = vector.shape_cast %parallel_loop3A_180 : vector<1x16xf32> to vector<16xf32>
        %parallel_loop3A_182 = arith.mulf %parallel_loop3A_181, %parallel_loop3A_177 : vector<16xf32>
        %parallel_loop3A_183 = arith.index_cast %parallel_loop3A_58 : i32 to index
        %parallel_loop3A_184 = arith.constant 112 : index
        %parallel_loop3A_185 = tpu.vector_load %arg7[%parallel_loop3A_183, %parallel_loop3A_184] {strides = array<i32>} : memref<80x144xf32, #tpu.memory_space<vmem>>, vector<1x16xf32>,
        %parallel_loop3A_186 = vector.shape_cast %parallel_loop3A_185 : vector<1x16xf32> to vector<16xf32>
        %parallel_loop3A_187 = vector.shape_cast %parallel_loop3A_182 : vector<16xf32> to vector<1x16xf32>
        tpu.vector_store %arg7[%parallel_loop3A_183, %parallel_loop3A_184], %parallel_loop3A_187 {strides = array<i32>} : memref<80x144xf32, #tpu.memory_space<vmem>>, vector<1x16xf32>,
        %parallel_loop3A_188 = arith.index_cast %parallel_loop3A_58 : i32 to index
        %parallel_loop3A_189 = arith.constant 128 : index
        %parallel_loop3A_190 = tpu.vector_load %arg7[%parallel_loop3A_188, %parallel_loop3A_189] {strides = array<i32>} : memref<80x144xf32, #tpu.memory_space<vmem>>, vector<1x16xf32>,
        %parallel_loop3A_191 = vector.shape_cast %parallel_loop3A_190 : vector<1x16xf32> to vector<16xf32>
        %parallel_loop3A_192 = vector.shape_cast %parallel_loop3A_75 : vector<16xf32> to vector<1x16xf32>
        tpu.vector_store %arg7[%parallel_loop3A_188, %parallel_loop3A_189], %parallel_loop3A_192 {strides = array<i32>} : memref<80x144xf32, #tpu.memory_space<vmem>>, vector<1x16xf32>,
      } {sc.loop_unroll_factor = 4 : i64, sc.parallel_access}
      %run_scoped3A = arith.constant 1 : i32
      "tpu.region"() ({
        %run_scoped3A_58 = tpu.sem_alloc : memref<!tpu.dma_semaphore, #tpu.memory_space<semaphore_mem>>
        %dma_start3A_59 = arith.constant 1920 : i32
        %dma_start3A_60 = tpu.memref_slice %arg11[%run_scoped3A, %dma_start3A_59] : memref<2x2000xi32, #tpu.memory_space<vmem>> -> memref<1x80xi32, #tpu.memory_space<vmem>>
        %dma_start3A_61 = tpu.memref_squeeze %dma_start3A_60 : memref<1x80xi32, #tpu.memory_space<vmem>> -> memref<80xi32, #tpu.memory_space<vmem>>
        %dma_start3A_62 = arith.constant 0 : i32
        %dma_start3A_63 = arith.constant 0 : i32
        %dma_start3A_64 = tpu.memref_slice %arg12[%dma_start3A_62, %dma_start3A_63] : memref<10240x144xf32, #tpu.memory_space<vmem_shared>> -> memref<10240x144xf32, #tpu.memory_space<vmem_shared>>
        tpu.enqueue_indirect_dma source(%arg7 : memref<80x144xf32, #tpu.memory_space<vmem>>) target(%dma_start3A_64 : memref<10240x144xf32, #tpu.memory_space<vmem_shared>>) offsets(%dma_start3A_61 : memref<80xi32, #tpu.memory_space<vmem>>) semaphore(%run_scoped3A_58 : memref<!tpu.dma_semaphore, #tpu.memory_space<semaphore_mem>>) {add = true}
        %dma_wait3A_65 = arith.constant 1920 : i32
        %dma_wait3A_66 = tpu.memref_slice %arg11[%run_scoped3A, %dma_wait3A_65] : memref<2x2000xi32, #tpu.memory_space<vmem>> -> memref<1x80xi32, #tpu.memory_space<vmem>>
        %dma_wait3A_67 = tpu.memref_squeeze %dma_wait3A_66 : memref<1x80xi32, #tpu.memory_space<vmem>> -> memref<80xi32, #tpu.memory_space<vmem>>
        %dma_wait3A_68 = arith.constant 0 : i32
        %dma_wait3A_69 = arith.constant 0 : i32
        %dma_wait3A_70 = tpu.memref_slice %arg12[%dma_wait3A_68, %dma_wait3A_69] : memref<10240x144xf32, #tpu.memory_space<vmem_shared>> -> memref<10240x144xf32, #tpu.memory_space<vmem_shared>>
        tpu.wait_indirect_dma semaphore(%run_scoped3A_58 : memref<!tpu.dma_semaphore, #tpu.memory_space<semaphore_mem>>) src(%arg7 : memref<80x144xf32, #tpu.memory_space<vmem>>) dst(%dma_wait3A_70 : memref<10240x144xf32, #tpu.memory_space<vmem_shared>>)
        tpu.yield
      }) : () -> ()
    }
    %scan3A_9 = arith.constant 5 : i32
    %barrier3A_10 = arith.constant 0 : index
    tpu.barrier barrier_id(%barrier3A_10)
    %mul3A_11 = arith.constant 640 : i32
    %mul3A_12 = arith.muli %arg1, %mul3A_11 : i32
    %mul3A_13 = arith.constant 10240 : i32
    %mul3A_14 = arith.muli %arg0, %mul3A_13 : i32
    %mul3A_15 = arith.constant 640 : i32
    %mul3A_16 = arith.muli %arg1, %mul3A_15 : i32
    %add3A_17 = arith.addi %mul3A_14, %mul3A_16 : i32
    "tpu.region"() ({
      %run_scoped3A = tpu.sem_alloc : memref<!tpu.dma_semaphore, #tpu.memory_space<semaphore_mem>>
      %dma_start3A = arith.constant 0 : i32
      %dma_start3A_18 = tpu.memref_slice %arg6[%add3A_17, %dma_start3A] : memref<20480x144xf32, #tpu.memory_space<hbm>> -> memref<640x144xf32, #tpu.memory_space<hbm>>
      %dma_start3A_19 = arith.constant 0 : i32
      %dma_start3A_20 = tpu.memref_slice %arg12[%mul3A_12, %dma_start3A_19] : memref<10240x144xf32, #tpu.memory_space<vmem_shared>> -> memref<640x144xf32, #tpu.memory_space<vmem_shared>>
      tpu.enqueue_dma source(%dma_start3A_20 : memref<640x144xf32, #tpu.memory_space<vmem_shared>>) target(%dma_start3A_18 : memref<640x144xf32, #tpu.memory_space<hbm>>) target_semaphore(%run_scoped3A : memref<!tpu.dma_semaphore, #tpu.memory_space<semaphore_mem>>)
      %dma_wait3A = arith.constant 0 : i32
      %dma_wait3A_21 = tpu.memref_slice %arg6[%add3A_17, %dma_wait3A] : memref<20480x144xf32, #tpu.memory_space<hbm>> -> memref<640x144xf32, #tpu.memory_space<hbm>>
      %dma_wait3A_22 = arith.constant 0 : i32
      %dma_wait3A_23 = tpu.memref_slice %arg12[%mul3A_12, %dma_wait3A_22] : memref<10240x144xf32, #tpu.memory_space<vmem_shared>> -> memref<640x144xf32, #tpu.memory_space<vmem_shared>>
      tpu.wait_dma2 semaphore(%run_scoped3A : memref<!tpu.dma_semaphore, #tpu.memory_space<semaphore_mem>>) src(%dma_wait3A_23 : memref<640x144xf32, #tpu.memory_space<vmem_shared>>) dst(%dma_wait3A_21 : memref<640x144xf32, #tpu.memory_space<hbm>>)
      tpu.yield
    }) : () -> ()
    return
  }
}

module attributes {stable_mosaic.version = 14 : i64} {
  func.func @_prep_body(%arg0: i32, %arg1: memref<2000x128xf32, #tpu.memory_space<vmem>>, %arg2: memref<128x128xf32, #tpu.memory_space<vmem>>, %arg3: memref<8x16xf32, #tpu.memory_space<vmem>>, %arg4: memref<8x16xf32, #tpu.memory_space<vmem>>, %arg5: memref<2000x144xf32, #tpu.memory_space<vmem>>, %arg6: memref<2000x16xf32, #tpu.memory_space<vmem>>) attributes {dimension_semantics = [#tpu.dimension_semantics<arbitrary>], iteration_bounds = array<i64: 5>, scalar_prefetch = 0 : i64, scratch_operands = 0 : i64, tpu.core_type = #tpu.core_type<tc>, window_params = [{transform_indices = @transform_0, window_bounds = array<i64: 2000, 128>}, {pipeline_mode = #tpu.pipeline_mode<synchronous>, transform_indices = @transform_1, window_bounds = array<i64: 128, 128>}, {pipeline_mode = #tpu.pipeline_mode<synchronous>, transform_indices = @transform_2, window_bounds = array<i64: 8, 16>}, {pipeline_mode = #tpu.pipeline_mode<synchronous>, transform_indices = @transform_3, window_bounds = array<i64: 8, 16>}, {transform_indices = @transform_4, window_bounds = array<i64: 2000, 144>}, {transform_indices = @transform_5, window_bounds = array<i64: 2000, 16>}]} {
    %get3A = arith.constant 0 : index
    %get3A_0 = arith.constant 0 : index
    %get3A_1 = vector.load %arg1[%get3A, %get3A_0] : memref<2000x128xf32, #tpu.memory_space<vmem>>, vector<2000x128xf32>
    %get3A_2 = arith.constant 0 : index
    %get3A_3 = arith.constant 0 : index
    %get3A_4 = vector.load %arg2[%get3A_2, %get3A_3] : memref<128x128xf32, #tpu.memory_space<vmem>>, vector<128x128xf32>
    %dot_general3A = arith.constant dense<0.000000e+00> : vector<2000x128xf32>
    %dot_general3A_5 = tpu.matmul %get3A_1, %get3A_4, %dot_general3A {dimension_numbers = #tpu.dot_dimension_numbers<[1], [0], [0], [1], [0, 0, 1, 1], [], []>, transpose_lhs_hint = false} : vector<2000x128xf32>, vector<128x128xf32>, vector<2000x128xf32> -> vector<2000x128xf32>
    %reshape3A = vector.shape_cast %dot_general3A_5 : vector<2000x128xf32> to vector<2000x8x16xf32>
    %get3A_6 = arith.constant 0 : index
    %get3A_7 = arith.constant 0 : index
    %get3A_8 = vector.load %arg3[%get3A_6, %get3A_7] : memref<8x16xf32, #tpu.memory_space<vmem>>, vector<8x16xf32>
    %broadcast_in_dim3A = vector.shape_cast %get3A_8 : vector<8x16xf32> to vector<1x8x16xf32>
    %mul3A = vector.broadcast %broadcast_in_dim3A : vector<1x8x16xf32> to vector<2000x8x16xf32>
    %mul3A_9 = arith.mulf %reshape3A, %mul3A : vector<2000x8x16xf32>
    %reduce_sum3A = arith.constant dense<0.000000e+00> : vector<2000x8xf32>
    %reduce_sum3A_10 = vector.multi_reduction <add>, %mul3A_9, %reduce_sum3A [2] : vector<2000x8x16xf32> to vector<2000x8xf32>
    %get3A_11 = arith.constant 0 : index
    %get3A_12 = arith.constant 0 : index
    %get3A_13 = vector.load %arg4[%get3A_11, %get3A_12] : memref<8x16xf32, #tpu.memory_space<vmem>>, vector<8x16xf32>
    %broadcast_in_dim3A_14 = vector.shape_cast %get3A_13 : vector<8x16xf32> to vector<1x8x16xf32>
    %mul3A_15 = vector.broadcast %broadcast_in_dim3A_14 : vector<1x8x16xf32> to vector<2000x8x16xf32>
    %mul3A_16 = arith.mulf %reshape3A, %mul3A_15 : vector<2000x8x16xf32>
    %reduce_sum3A_17 = arith.constant dense<0.000000e+00> : vector<2000x8xf32>
    %reduce_sum3A_18 = vector.multi_reduction <add>, %mul3A_16, %reduce_sum3A_17 [2] : vector<2000x8x16xf32> to vector<2000x8xf32>
    %broadcast_in_dim3A_19 = arith.constant 0.000000e+00 : f32
    %broadcast_in_dim3A_20 = vector.broadcast %broadcast_in_dim3A_19 : f32 to vector<2000x8xf32>
    %concatenate3A = tpu.concatenate %dot_general3A_5, %reduce_sum3A_10, %broadcast_in_dim3A_20 in 1 : vector<2000x128xf32>, vector<2000x8xf32>, vector<2000x8xf32> -> vector<2000x144xf32>
    %swap3A = arith.constant 0 : index
    %swap3A_21 = arith.constant 0 : index
    %swap3A_22 = vector.load %arg5[%swap3A, %swap3A_21] : memref<2000x144xf32, #tpu.memory_space<vmem>>, vector<2000x144xf32>
    tpu.vector_store %arg5[%swap3A, %swap3A_21], %concatenate3A {strides = array<i32>} : memref<2000x144xf32, #tpu.memory_space<vmem>>, vector<2000x144xf32>,
    %concatenate3A_23 = tpu.concatenate %reduce_sum3A_18, %broadcast_in_dim3A_20 in 1 : vector<2000x8xf32>, vector<2000x8xf32> -> vector<2000x16xf32>
    %swap3A_24 = arith.constant 0 : index
    %swap3A_25 = arith.constant 0 : index
    %swap3A_26 = vector.load %arg6[%swap3A_24, %swap3A_25] : memref<2000x16xf32, #tpu.memory_space<vmem>>, vector<2000x16xf32>
    tpu.vector_store %arg6[%swap3A_24, %swap3A_25], %concatenate3A_23 {strides = array<i32>} : memref<2000x16xf32, #tpu.memory_space<vmem>>, vector<2000x16xf32>,
    return
  }
  func.func @transform_0(%arg0: i32) -> (i32, i32) {
    %c0_i32 = arith.constant 0 : i32
    %c0_i32_0 = arith.constant 0 : i32
    return %arg0, %c0_i32 : i32, i32
  }
  func.func @transform_1(%arg0: i32) -> (i32, i32) {
    %c0_i32 = arith.constant 0 : i32
    %c0_i32_0 = arith.constant 0 : i32
    %c0_i32_1 = arith.constant 0 : i32
    return %c0_i32, %c0_i32_0 : i32, i32
  }
  func.func @transform_2(%arg0: i32) -> (i32, i32) {
    %c0_i32 = arith.constant 0 : i32
    %c0_i32_0 = arith.constant 0 : i32
    %c0_i32_1 = arith.constant 0 : i32
    return %c0_i32, %c0_i32_0 : i32, i32
  }
  func.func @transform_3(%arg0: i32) -> (i32, i32) {
    %c0_i32 = arith.constant 0 : i32
    %c0_i32_0 = arith.constant 0 : i32
    %c0_i32_1 = arith.constant 0 : i32
    return %c0_i32, %c0_i32_0 : i32, i32
  }
  func.func @transform_4(%arg0: i32) -> (i32, i32) {
    %c0_i32 = arith.constant 0 : i32
    %c0_i32_0 = arith.constant 0 : i32
    return %arg0, %c0_i32 : i32, i32
  }
  func.func @transform_5(%arg0: i32) -> (i32, i32) {
    %c0_i32 = arith.constant 0 : i32
    %c0_i32_0 = arith.constant 0 : i32
    return %arg0, %c0_i32 : i32, i32
  }
}

module attributes {stable_mosaic.version = 14 : i64} {
  func.func @_finalize_body(%arg0: i32, %arg1: i32, %arg2: memref<2000x144xf32, #tpu.memory_space<vmem>>, %arg3: memref<2000x144xf32, #tpu.memory_space<vmem>>, %arg4: memref<128xf32, #tpu.memory_space<vmem>>, %arg5: memref<128xf32, #tpu.memory_space<vmem>>, %arg6: memref<128xf32, #tpu.memory_space<vmem>>, %arg7: memref<2000x128xf32, #tpu.memory_space<vmem>>, %arg8: memref<8x128xf32, #tpu.memory_space<vmem>>) attributes {dimension_semantics = [#tpu.dimension_semantics<arbitrary>, #tpu.dimension_semantics<arbitrary>], iteration_bounds = array<i64: 2, 5>, scalar_prefetch = 0 : i64, scratch_operands = 1 : i64, tpu.core_type = #tpu.core_type<tc>, window_params = [{transform_indices = @transform_0, window_bounds = array<i64: 2000, 144>}, {transform_indices = @transform_1, window_bounds = array<i64: 2000, 144>}, {pipeline_mode = #tpu.pipeline_mode<synchronous>, transform_indices = @transform_2, window_bounds = array<i64: 128>}, {pipeline_mode = #tpu.pipeline_mode<synchronous>, transform_indices = @transform_3, window_bounds = array<i64: 128>}, {pipeline_mode = #tpu.pipeline_mode<synchronous>, transform_indices = @transform_4, window_bounds = array<i64: 128>}, {transform_indices = @transform_5, window_bounds = array<i64: 2000, 128>}]} {
    %get3A = arith.constant 0 : index
    %get3A_0 = arith.constant 0 : index
    %get3A_1 = vector.load %arg2[%get3A, %get3A_0] : memref<2000x144xf32, #tpu.memory_space<vmem>>, vector<2000x144xf32>
    %get3A_2 = arith.constant 0 : index
    %get3A_3 = arith.constant 0 : index
    %get3A_4 = vector.load %arg3[%get3A_2, %get3A_3] : memref<2000x144xf32, #tpu.memory_space<vmem>>, vector<2000x144xf32>
    %add3A = arith.addf %get3A_1, %get3A_4 : vector<2000x144xf32>
    %slice3A = vector.extract_strided_slice %add3A {offsets = [0, 128], sizes = [2000, 8], strides = [1, 1]} : vector<2000x144xf32> to vector<2000x8xf32>
    %gt3A = arith.constant 0.000000e+00 : f32
    %gt3A_5 = vector.broadcast %gt3A : f32 to vector<2000x8xf32>
    %gt3A_6 = arith.cmpf ogt, %slice3A, %gt3A_5 : vector<2000x8xf32>
    %jit3A = arith.constant 1.000000e+00 : f32
    %broadcast_in_dim3A = vector.broadcast %jit3A : f32 to vector<2000x8xf32>
    %select_n3A = arith.select %gt3A_6, %slice3A, %broadcast_in_dim3A : vector<2000x8xi1>, vector<2000x8xf32>
    %slice3A_7 = vector.extract_strided_slice %add3A {offsets = [0, 0], sizes = [2000, 128], strides = [1, 1]} : vector<2000x144xf32> to vector<2000x128xf32>
    %reshape3A = vector.shape_cast %slice3A_7 : vector<2000x128xf32> to vector<2000x8x16xf32>
    %broadcast_in_dim3A_8 = vector.shape_cast %select_n3A : vector<2000x8xf32> to vector<2000x8x1xf32>
    %div3A = vector.broadcast %broadcast_in_dim3A_8 : vector<2000x8x1xf32> to vector<2000x8x16xf32>
    %div3A_9 = arith.divf %reshape3A, %div3A : vector<2000x8x16xf32>
    %reshape3A_10 = vector.shape_cast %div3A_9 : vector<2000x8x16xf32> to vector<2000x128xf32>
    %get3A_11 = arith.constant 0 : index
    %get3A_12 = vector.load %arg4[%get3A_11] : memref<128xf32, #tpu.memory_space<vmem>>, vector<128xf32>
    %broadcast_in_dim3A_13 = vector.shape_cast %get3A_12 : vector<128xf32> to vector<1x128xf32>
    %add3A_14 = vector.broadcast %broadcast_in_dim3A_13 : vector<1x128xf32> to vector<2000x128xf32>
    %add3A_15 = arith.addf %reshape3A_10, %add3A_14 : vector<2000x128xf32>
    %eq3A = arith.constant 0 : i32
    %eq3A_16 = arith.cmpi eq, %arg0, %eq3A : i32
    %eq3A_17 = arith.constant 0 : i32
    %eq3A_18 = arith.cmpi eq, %arg1, %eq3A_17 : i32
    %and3A = arith.andi %eq3A_16, %eq3A_18 : i1
    %convert_element_type3A = arith.extui %and3A : i1 to i32
    %cond3A = arith.constant 0 : i32
    %cond3A_19 = arith.cmpi ne, %convert_element_type3A, %cond3A : i32
    scf.if %cond3A_19 {
      %broadcast_in_dim3A_30 = arith.constant 0.000000e+00 : f32
      %broadcast_in_dim3A_31 = vector.broadcast %broadcast_in_dim3A_30 : f32 to vector<8x128xf32>
      %swap3A = arith.constant 0 : index
      %swap3A_32 = arith.constant 0 : index
      %swap3A_33 = vector.load %arg8[%swap3A, %swap3A_32] : memref<8x128xf32, #tpu.memory_space<vmem>>, vector<8x128xf32>
      tpu.vector_store %arg8[%swap3A, %swap3A_32], %broadcast_in_dim3A_31 {strides = array<i32>} : memref<8x128xf32, #tpu.memory_space<vmem>>, vector<8x128xf32>,
    } else {
    }
    %eq3A_20 = arith.constant 0 : i32
    %eq3A_21 = arith.cmpi eq, %arg0, %eq3A_20 : i32
    %convert_element_type3A_22 = arith.extui %eq3A_21 : i1 to i32
    %cond3A_23 = arith.constant 0 : i32
    %cond3A_24 = arith.cmpi ne, %convert_element_type3A_22, %cond3A_23 : i32
    scf.if %cond3A_24 {
      %get3A_30 = arith.constant 0 : index
      %get3A_31 = arith.constant 0 : index
      %get3A_32 = vector.load %arg8[%get3A_30, %get3A_31] : memref<8x128xf32, #tpu.memory_space<vmem>>, vector<1x128xf32>
      %get3A_33 = vector.shape_cast %get3A_32 : vector<1x128xf32> to vector<128xf32>
      %reduce_sum3A = arith.constant dense<0.000000e+00> : vector<128xf32>
      %reduce_sum3A_34 = vector.multi_reduction <add>, %add3A_15, %reduce_sum3A [0] : vector<2000x128xf32> to vector<128xf32>
      %add3A_35 = arith.addf %get3A_33, %reduce_sum3A_34 : vector<128xf32>
      %swap3A = arith.constant 0 : index
      %swap3A_36 = arith.constant 0 : index
      %swap3A_37 = vector.load %arg8[%swap3A, %swap3A_36] : memref<8x128xf32, #tpu.memory_space<vmem>>, vector<1x128xf32>
      %swap3A_38 = vector.shape_cast %swap3A_37 : vector<1x128xf32> to vector<128xf32>
      %swap3A_39 = vector.shape_cast %add3A_35 : vector<128xf32> to vector<1x128xf32>
      tpu.vector_store %arg8[%swap3A, %swap3A_36], %swap3A_39 {strides = array<i32>} : memref<8x128xf32, #tpu.memory_space<vmem>>, vector<1x128xf32>,
      %get3A_40 = arith.constant 1 : index
      %get3A_41 = arith.constant 0 : index
      %get3A_42 = vector.load %arg8[%get3A_40, %get3A_41] : memref<8x128xf32, #tpu.memory_space<vmem>>, vector<1x128xf32>
      %get3A_43 = vector.shape_cast %get3A_42 : vector<1x128xf32> to vector<128xf32>
      %mul3A = arith.mulf %add3A_15, %add3A_15 : vector<2000x128xf32>
      %reduce_sum3A_44 = arith.constant dense<0.000000e+00> : vector<128xf32>
      %reduce_sum3A_45 = vector.multi_reduction <add>, %mul3A, %reduce_sum3A_44 [0] : vector<2000x128xf32> to vector<128xf32>
      %add3A_46 = arith.addf %get3A_43, %reduce_sum3A_45 : vector<128xf32>
      %swap3A_47 = arith.constant 1 : index
      %swap3A_48 = arith.constant 0 : index
      %swap3A_49 = vector.load %arg8[%swap3A_47, %swap3A_48] : memref<8x128xf32, #tpu.memory_space<vmem>>, vector<1x128xf32>
      %swap3A_50 = vector.shape_cast %swap3A_49 : vector<1x128xf32> to vector<128xf32>
      %swap3A_51 = vector.shape_cast %add3A_46 : vector<128xf32> to vector<1x128xf32>
      tpu.vector_store %arg8[%swap3A_47, %swap3A_48], %swap3A_51 {strides = array<i32>} : memref<8x128xf32, #tpu.memory_space<vmem>>, vector<1x128xf32>,
    } else {
    }
    %eq3A_25 = arith.constant 1 : i32
    %eq3A_26 = arith.cmpi eq, %arg0, %eq3A_25 : i32
    %convert_element_type3A_27 = arith.extui %eq3A_26 : i1 to i32
    %cond3A_28 = arith.constant 0 : i32
    %cond3A_29 = arith.cmpi ne, %convert_element_type3A_27, %cond3A_28 : i32
    scf.if %cond3A_29 {
      %get3A_30 = arith.constant 0 : index
      %get3A_31 = arith.constant 0 : index
      %get3A_32 = vector.load %arg8[%get3A_30, %get3A_31] : memref<8x128xf32, #tpu.memory_space<vmem>>, vector<1x128xf32>
      %get3A_33 = vector.shape_cast %get3A_32 : vector<1x128xf32> to vector<128xf32>
      %div3A_34 = arith.constant 1.000000e+04 : f32
      %div3A_35 = vector.broadcast %div3A_34 : f32 to vector<128xf32>
      %div3A_36 = arith.divf %get3A_33, %div3A_35 : vector<128xf32>
      %get3A_37 = arith.constant 1 : index
      %get3A_38 = arith.constant 0 : index
      %get3A_39 = vector.load %arg8[%get3A_37, %get3A_38] : memref<8x128xf32, #tpu.memory_space<vmem>>, vector<1x128xf32>
      %get3A_40 = vector.shape_cast %get3A_39 : vector<1x128xf32> to vector<128xf32>
      %div3A_41 = arith.constant 1.000000e+04 : f32
      %div3A_42 = vector.broadcast %div3A_41 : f32 to vector<128xf32>
      %div3A_43 = arith.divf %get3A_40, %div3A_42 : vector<128xf32>
      %mul3A = arith.mulf %div3A_36, %div3A_36 : vector<128xf32>
      %sub3A = arith.subf %div3A_43, %mul3A : vector<128xf32>
      %broadcast_in_dim3A_44 = vector.shape_cast %div3A_36 : vector<128xf32> to vector<1x128xf32>
      %sub3A_45 = vector.broadcast %broadcast_in_dim3A_44 : vector<1x128xf32> to vector<2000x128xf32>
      %sub3A_46 = arith.subf %add3A_15, %sub3A_45 : vector<2000x128xf32>
      %add3A_47 = arith.constant 1.000000e-03 : f32
      %add3A_48 = vector.broadcast %add3A_47 : f32 to vector<128xf32>
      %add3A_49 = arith.addf %sub3A, %add3A_48 : vector<128xf32>
      %sqrt3A = math.sqrt %add3A_49 : vector<128xf32>
      %broadcast_in_dim3A_50 = vector.shape_cast %sqrt3A : vector<128xf32> to vector<1x128xf32>
      %div3A_51 = vector.broadcast %broadcast_in_dim3A_50 : vector<1x128xf32> to vector<2000x128xf32>
      %div3A_52 = arith.divf %sub3A_46, %div3A_51 : vector<2000x128xf32>
      %get3A_53 = arith.constant 0 : index
      %get3A_54 = vector.load %arg5[%get3A_53] : memref<128xf32, #tpu.memory_space<vmem>>, vector<128xf32>
      %broadcast_in_dim3A_55 = vector.shape_cast %get3A_54 : vector<128xf32> to vector<1x128xf32>
      %mul3A_56 = vector.broadcast %broadcast_in_dim3A_55 : vector<1x128xf32> to vector<2000x128xf32>
      %mul3A_57 = arith.mulf %div3A_52, %mul3A_56 : vector<2000x128xf32>
      %get3A_58 = arith.constant 0 : index
      %get3A_59 = vector.load %arg6[%get3A_58] : memref<128xf32, #tpu.memory_space<vmem>>, vector<128xf32>
      %broadcast_in_dim3A_60 = vector.shape_cast %get3A_59 : vector<128xf32> to vector<1x128xf32>
      %add3A_61 = vector.broadcast %broadcast_in_dim3A_60 : vector<1x128xf32> to vector<2000x128xf32>
      %add3A_62 = arith.addf %mul3A_57, %add3A_61 : vector<2000x128xf32>
      %max3A = arith.constant 0.000000e+00 : f32
      %max3A_63 = vector.broadcast %max3A : f32 to vector<2000x128xf32>
      %max3A_64 = arith.maximumf %add3A_62, %max3A_63 : vector<2000x128xf32>
      %swap3A = arith.constant 0 : index
      %swap3A_65 = arith.constant 0 : index
      %swap3A_66 = vector.load %arg7[%swap3A, %swap3A_65] : memref<2000x128xf32, #tpu.memory_space<vmem>>, vector<2000x128xf32>
      tpu.vector_store %arg7[%swap3A, %swap3A_65], %max3A_64 {strides = array<i32>} : memref<2000x128xf32, #tpu.memory_space<vmem>>, vector<2000x128xf32>,
    } else {
    }
    return
  }
  func.func @transform_0(%arg0: i32, %arg1: i32) -> (i32, i32) {
    %c0_i32 = arith.constant 0 : i32
    %c0_i32_0 = arith.constant 0 : i32
    return %arg1, %c0_i32 : i32, i32
  }
  func.func @transform_1(%arg0: i32, %arg1: i32) -> (i32, i32) {
    %c0_i32 = arith.constant 0 : i32
    %c0_i32_0 = arith.constant 0 : i32
    return %arg1, %c0_i32 : i32, i32
  }
  func.func @transform_2(%arg0: i32, %arg1: i32) -> i32 {
    %c0_i32 = arith.constant 0 : i32
    %c0_i32_0 = arith.constant 0 : i32
    return %c0_i32 : i32
  }
  func.func @transform_3(%arg0: i32, %arg1: i32) -> i32 {
    %c0_i32 = arith.constant 0 : i32
    %c0_i32_0 = arith.constant 0 : i32
    return %c0_i32 : i32
  }
  func.func @transform_4(%arg0: i32, %arg1: i32) -> i32 {
    %c0_i32 = arith.constant 0 : i32
    %c0_i32_0 = arith.constant 0 : i32
    return %c0_i32 : i32
  }
  func.func @transform_5(%arg0: i32, %arg1: i32) -> (i32, i32) {
    %c0_i32 = arith.constant 0 : i32
    %c0_i32_0 = arith.constant 0 : i32
    return %arg1, %c0_i32 : i32, i32
  }
}

module attributes {stable_mosaic.version = 14 : i64} {
  func.func @_head_body(%arg0: i32, %arg1: i32, %arg2: memref<2000x144xf32, #tpu.memory_space<vmem>>, %arg3: memref<2000x144xf32, #tpu.memory_space<vmem>>, %arg4: memref<128xf32, #tpu.memory_space<vmem>>, %arg5: memref<128xf32, #tpu.memory_space<vmem>>, %arg6: memref<128xf32, #tpu.memory_space<vmem>>, %arg7: memref<2000x128xf32, #tpu.memory_space<vmem>>, %arg8: memref<64x128xf32, #tpu.memory_space<vmem>>, %arg9: memref<64xf32, #tpu.memory_space<vmem>>, %arg10: memref<64x128xf32, #tpu.memory_space<vmem>>, %arg11: memref<1x64xf32, #tpu.memory_space<vmem>>, %arg12: memref<8x128xf32, #tpu.memory_space<vmem>>) attributes {dimension_semantics = [#tpu.dimension_semantics<arbitrary>, #tpu.dimension_semantics<arbitrary>], iteration_bounds = array<i64: 3, 5>, scalar_prefetch = 0 : i64, scratch_operands = 1 : i64, tpu.core_type = #tpu.core_type<tc>, window_params = [{transform_indices = @transform_0, window_bounds = array<i64: 2000, 144>}, {transform_indices = @transform_1, window_bounds = array<i64: 2000, 144>}, {pipeline_mode = #tpu.pipeline_mode<synchronous>, transform_indices = @transform_2, window_bounds = array<i64: 128>}, {pipeline_mode = #tpu.pipeline_mode<synchronous>, transform_indices = @transform_3, window_bounds = array<i64: 128>}, {pipeline_mode = #tpu.pipeline_mode<synchronous>, transform_indices = @transform_4, window_bounds = array<i64: 128>}, {transform_indices = @transform_5, window_bounds = array<i64: 2000, 128>}, {pipeline_mode = #tpu.pipeline_mode<synchronous>, transform_indices = @transform_6, window_bounds = array<i64: 64, 128>}, {pipeline_mode = #tpu.pipeline_mode<synchronous>, transform_indices = @transform_7, window_bounds = array<i64: 64>}, {pipeline_mode = #tpu.pipeline_mode<synchronous>, transform_indices = @transform_8, window_bounds = array<i64: 64, 128>}, {pipeline_mode = #tpu.pipeline_mode<synchronous>, transform_indices = @transform_9, window_bounds = array<i64: 1, 64>}]} {
    %lt3A = arith.constant 2 : i32
    %lt3A_0 = arith.cmpi slt, %arg0, %lt3A : i32
    %convert_element_type3A = arith.extui %lt3A_0 : i1 to i32
    %cond3A = arith.constant 0 : i32
    %cond3A_1 = arith.cmpi ne, %convert_element_type3A, %cond3A : i32
    scf.if %cond3A_1 {
      %get3A = arith.constant 0 : index
      %get3A_6 = arith.constant 0 : index
      %get3A_7 = vector.load %arg2[%get3A, %get3A_6] : memref<2000x144xf32, #tpu.memory_space<vmem>>, vector<2000x144xf32>
      %get3A_8 = arith.constant 0 : index
      %get3A_9 = arith.constant 0 : index
      %get3A_10 = vector.load %arg3[%get3A_8, %get3A_9] : memref<2000x144xf32, #tpu.memory_space<vmem>>, vector<2000x144xf32>
      %add3A = arith.addf %get3A_7, %get3A_10 : vector<2000x144xf32>
      %slice3A = vector.extract_strided_slice %add3A {offsets = [0, 128], sizes = [2000, 8], strides = [1, 1]} : vector<2000x144xf32> to vector<2000x8xf32>
      %gt3A = arith.constant 0.000000e+00 : f32
      %gt3A_11 = vector.broadcast %gt3A : f32 to vector<2000x8xf32>
      %gt3A_12 = arith.cmpf ogt, %slice3A, %gt3A_11 : vector<2000x8xf32>
      %jit3A = arith.constant 1.000000e+00 : f32
      %broadcast_in_dim3A = vector.broadcast %jit3A : f32 to vector<2000x8xf32>
      %select_n3A = arith.select %gt3A_12, %slice3A, %broadcast_in_dim3A : vector<2000x8xi1>, vector<2000x8xf32>
      %slice3A_13 = vector.extract_strided_slice %add3A {offsets = [0, 0], sizes = [2000, 128], strides = [1, 1]} : vector<2000x144xf32> to vector<2000x128xf32>
      %reshape3A = vector.shape_cast %slice3A_13 : vector<2000x128xf32> to vector<2000x8x16xf32>
      %broadcast_in_dim3A_14 = vector.shape_cast %select_n3A : vector<2000x8xf32> to vector<2000x8x1xf32>
      %div3A = vector.broadcast %broadcast_in_dim3A_14 : vector<2000x8x1xf32> to vector<2000x8x16xf32>
      %div3A_15 = arith.divf %reshape3A, %div3A : vector<2000x8x16xf32>
      %reshape3A_16 = vector.shape_cast %div3A_15 : vector<2000x8x16xf32> to vector<2000x128xf32>
      %get3A_17 = arith.constant 0 : index
      %get3A_18 = vector.load %arg4[%get3A_17] : memref<128xf32, #tpu.memory_space<vmem>>, vector<128xf32>
      %broadcast_in_dim3A_19 = vector.shape_cast %get3A_18 : vector<128xf32> to vector<1x128xf32>
      %add3A_20 = vector.broadcast %broadcast_in_dim3A_19 : vector<1x128xf32> to vector<2000x128xf32>
      %add3A_21 = arith.addf %reshape3A_16, %add3A_20 : vector<2000x128xf32>
      %eq3A_22 = arith.constant 0 : i32
      %eq3A_23 = arith.cmpi eq, %arg0, %eq3A_22 : i32
      %eq3A_24 = arith.constant 0 : i32
      %eq3A_25 = arith.cmpi eq, %arg1, %eq3A_24 : i32
      %and3A = arith.andi %eq3A_23, %eq3A_25 : i1
      %convert_element_type3A_26 = arith.extui %and3A : i1 to i32
      %cond3A_27 = arith.constant 0 : i32
      %cond3A_28 = arith.cmpi ne, %convert_element_type3A_26, %cond3A_27 : i32
      scf.if %cond3A_28 {
        %broadcast_in_dim3A_39 = arith.constant 0.000000e+00 : f32
        %broadcast_in_dim3A_40 = vector.broadcast %broadcast_in_dim3A_39 : f32 to vector<8x128xf32>
        %swap3A = arith.constant 0 : index
        %swap3A_41 = arith.constant 0 : index
        %swap3A_42 = vector.load %arg12[%swap3A, %swap3A_41] : memref<8x128xf32, #tpu.memory_space<vmem>>, vector<8x128xf32>
        tpu.vector_store %arg12[%swap3A, %swap3A_41], %broadcast_in_dim3A_40 {strides = array<i32>} : memref<8x128xf32, #tpu.memory_space<vmem>>, vector<8x128xf32>,
      } else {
      }
      %eq3A_29 = arith.constant 0 : i32
      %eq3A_30 = arith.cmpi eq, %arg0, %eq3A_29 : i32
      %convert_element_type3A_31 = arith.extui %eq3A_30 : i1 to i32
      %cond3A_32 = arith.constant 0 : i32
      %cond3A_33 = arith.cmpi ne, %convert_element_type3A_31, %cond3A_32 : i32
      scf.if %cond3A_33 {
        %get3A_39 = arith.constant 0 : index
        %get3A_40 = arith.constant 0 : index
        %get3A_41 = vector.load %arg12[%get3A_39, %get3A_40] : memref<8x128xf32, #tpu.memory_space<vmem>>, vector<1x128xf32>
        %get3A_42 = vector.shape_cast %get3A_41 : vector<1x128xf32> to vector<128xf32>
        %reduce_sum3A = arith.constant dense<0.000000e+00> : vector<128xf32>
        %reduce_sum3A_43 = vector.multi_reduction <add>, %add3A_21, %reduce_sum3A [0] : vector<2000x128xf32> to vector<128xf32>
        %add3A_44 = arith.addf %get3A_42, %reduce_sum3A_43 : vector<128xf32>
        %swap3A = arith.constant 0 : index
        %swap3A_45 = arith.constant 0 : index
        %swap3A_46 = vector.load %arg12[%swap3A, %swap3A_45] : memref<8x128xf32, #tpu.memory_space<vmem>>, vector<1x128xf32>
        %swap3A_47 = vector.shape_cast %swap3A_46 : vector<1x128xf32> to vector<128xf32>
        %swap3A_48 = vector.shape_cast %add3A_44 : vector<128xf32> to vector<1x128xf32>
        tpu.vector_store %arg12[%swap3A, %swap3A_45], %swap3A_48 {strides = array<i32>} : memref<8x128xf32, #tpu.memory_space<vmem>>, vector<1x128xf32>,
        %get3A_49 = arith.constant 1 : index
        %get3A_50 = arith.constant 0 : index
        %get3A_51 = vector.load %arg12[%get3A_49, %get3A_50] : memref<8x128xf32, #tpu.memory_space<vmem>>, vector<1x128xf32>
        %get3A_52 = vector.shape_cast %get3A_51 : vector<1x128xf32> to vector<128xf32>
        %mul3A = arith.mulf %add3A_21, %add3A_21 : vector<2000x128xf32>
        %reduce_sum3A_53 = arith.constant dense<0.000000e+00> : vector<128xf32>
        %reduce_sum3A_54 = vector.multi_reduction <add>, %mul3A, %reduce_sum3A_53 [0] : vector<2000x128xf32> to vector<128xf32>
        %add3A_55 = arith.addf %get3A_52, %reduce_sum3A_54 : vector<128xf32>
        %swap3A_56 = arith.constant 1 : index
        %swap3A_57 = arith.constant 0 : index
        %swap3A_58 = vector.load %arg12[%swap3A_56, %swap3A_57] : memref<8x128xf32, #tpu.memory_space<vmem>>, vector<1x128xf32>
        %swap3A_59 = vector.shape_cast %swap3A_58 : vector<1x128xf32> to vector<128xf32>
        %swap3A_60 = vector.shape_cast %add3A_55 : vector<128xf32> to vector<1x128xf32>
        tpu.vector_store %arg12[%swap3A_56, %swap3A_57], %swap3A_60 {strides = array<i32>} : memref<8x128xf32, #tpu.memory_space<vmem>>, vector<1x128xf32>,
      } else {
      }
      %eq3A_34 = arith.constant 1 : i32
      %eq3A_35 = arith.cmpi eq, %arg0, %eq3A_34 : i32
      %convert_element_type3A_36 = arith.extui %eq3A_35 : i1 to i32
      %cond3A_37 = arith.constant 0 : i32
      %cond3A_38 = arith.cmpi ne, %convert_element_type3A_36, %cond3A_37 : i32
      scf.if %cond3A_38 {
        %get3A_39 = arith.constant 0 : index
        %get3A_40 = arith.constant 0 : index
        %get3A_41 = vector.load %arg12[%get3A_39, %get3A_40] : memref<8x128xf32, #tpu.memory_space<vmem>>, vector<1x128xf32>
        %get3A_42 = vector.shape_cast %get3A_41 : vector<1x128xf32> to vector<128xf32>
        %div3A_43 = arith.constant 1.000000e+04 : f32
        %div3A_44 = vector.broadcast %div3A_43 : f32 to vector<128xf32>
        %div3A_45 = arith.divf %get3A_42, %div3A_44 : vector<128xf32>
        %get3A_46 = arith.constant 1 : index
        %get3A_47 = arith.constant 0 : index
        %get3A_48 = vector.load %arg12[%get3A_46, %get3A_47] : memref<8x128xf32, #tpu.memory_space<vmem>>, vector<1x128xf32>
        %get3A_49 = vector.shape_cast %get3A_48 : vector<1x128xf32> to vector<128xf32>
        %div3A_50 = arith.constant 1.000000e+04 : f32
        %div3A_51 = vector.broadcast %div3A_50 : f32 to vector<128xf32>
        %div3A_52 = arith.divf %get3A_49, %div3A_51 : vector<128xf32>
        %mul3A = arith.mulf %div3A_45, %div3A_45 : vector<128xf32>
        %sub3A = arith.subf %div3A_52, %mul3A : vector<128xf32>
        %broadcast_in_dim3A_53 = vector.shape_cast %div3A_45 : vector<128xf32> to vector<1x128xf32>
        %sub3A_54 = vector.broadcast %broadcast_in_dim3A_53 : vector<1x128xf32> to vector<2000x128xf32>
        %sub3A_55 = arith.subf %add3A_21, %sub3A_54 : vector<2000x128xf32>
        %add3A_56 = arith.constant 1.000000e-03 : f32
        %add3A_57 = vector.broadcast %add3A_56 : f32 to vector<128xf32>
        %add3A_58 = arith.addf %sub3A, %add3A_57 : vector<128xf32>
        %sqrt3A = math.sqrt %add3A_58 : vector<128xf32>
        %broadcast_in_dim3A_59 = vector.shape_cast %sqrt3A : vector<128xf32> to vector<1x128xf32>
        %div3A_60 = vector.broadcast %broadcast_in_dim3A_59 : vector<1x128xf32> to vector<2000x128xf32>
        %div3A_61 = arith.divf %sub3A_55, %div3A_60 : vector<2000x128xf32>
        %get3A_62 = arith.constant 0 : index
        %get3A_63 = vector.load %arg5[%get3A_62] : memref<128xf32, #tpu.memory_space<vmem>>, vector<128xf32>
        %broadcast_in_dim3A_64 = vector.shape_cast %get3A_63 : vector<128xf32> to vector<1x128xf32>
        %mul3A_65 = vector.broadcast %broadcast_in_dim3A_64 : vector<1x128xf32> to vector<2000x128xf32>
        %mul3A_66 = arith.mulf %div3A_61, %mul3A_65 : vector<2000x128xf32>
        %get3A_67 = arith.constant 0 : index
        %get3A_68 = vector.load %arg6[%get3A_67] : memref<128xf32, #tpu.memory_space<vmem>>, vector<128xf32>
        %broadcast_in_dim3A_69 = vector.shape_cast %get3A_68 : vector<128xf32> to vector<1x128xf32>
        %add3A_70 = vector.broadcast %broadcast_in_dim3A_69 : vector<1x128xf32> to vector<2000x128xf32>
        %add3A_71 = arith.addf %mul3A_66, %add3A_70 : vector<2000x128xf32>
        %max3A = arith.constant 0.000000e+00 : f32
        %max3A_72 = vector.broadcast %max3A : f32 to vector<2000x128xf32>
        %max3A_73 = arith.maximumf %add3A_71, %max3A_72 : vector<2000x128xf32>
        %get3A_74 = arith.constant 0 : index
        %get3A_75 = arith.constant 0 : index
        %get3A_76 = vector.load %arg7[%get3A_74, %get3A_75] : memref<2000x128xf32, #tpu.memory_space<vmem>>, vector<2000x128xf32>
        %add3A_77 = arith.addf %max3A_73, %get3A_76 : vector<2000x128xf32>
        %get3A_78 = arith.constant 2 : index
        %get3A_79 = arith.constant 0 : index
        %get3A_80 = vector.load %arg12[%get3A_78, %get3A_79] : memref<8x128xf32, #tpu.memory_space<vmem>>, vector<1x128xf32>
        %get3A_81 = vector.shape_cast %get3A_80 : vector<1x128xf32> to vector<128xf32>
        %reduce_sum3A = arith.constant dense<0.000000e+00> : vector<128xf32>
        %reduce_sum3A_82 = vector.multi_reduction <add>, %add3A_77, %reduce_sum3A [0] : vector<2000x128xf32> to vector<128xf32>
        %add3A_83 = arith.addf %get3A_81, %reduce_sum3A_82 : vector<128xf32>
        %swap3A = arith.constant 2 : index
        %swap3A_84 = arith.constant 0 : index
        %swap3A_85 = vector.load %arg12[%swap3A, %swap3A_84] : memref<8x128xf32, #tpu.memory_space<vmem>>, vector<1x128xf32>
        %swap3A_86 = vector.shape_cast %swap3A_85 : vector<1x128xf32> to vector<128xf32>
        %swap3A_87 = vector.shape_cast %add3A_83 : vector<128xf32> to vector<1x128xf32>
        tpu.vector_store %arg12[%swap3A, %swap3A_84], %swap3A_87 {strides = array<i32>} : memref<8x128xf32, #tpu.memory_space<vmem>>, vector<1x128xf32>,
      } else {
      }
    } else {
    }
    %eq3A = arith.constant 2 : i32
    %eq3A_2 = arith.cmpi eq, %arg0, %eq3A : i32
    %convert_element_type3A_3 = arith.extui %eq3A_2 : i1 to i32
    %cond3A_4 = arith.constant 0 : i32
    %cond3A_5 = arith.cmpi ne, %convert_element_type3A_3, %cond3A_4 : i32
    scf.if %cond3A_5 {
      %get3A = arith.constant 2 : index
      %get3A_6 = arith.constant 0 : index
      %get3A_7 = vector.load %arg12[%get3A, %get3A_6] : memref<8x128xf32, #tpu.memory_space<vmem>>, vector<1x128xf32>
      %get3A_8 = vector.shape_cast %get3A_7 : vector<1x128xf32> to vector<128xf32>
      %div3A = arith.constant 1.000000e+04 : f32
      %div3A_9 = vector.broadcast %div3A : f32 to vector<128xf32>
      %div3A_10 = arith.divf %get3A_8, %div3A_9 : vector<128xf32>
      %broadcast_in_dim3A = vector.shape_cast %div3A_10 : vector<128xf32> to vector<1x128xf32>
      %get3A_11 = arith.constant 0 : index
      %get3A_12 = arith.constant 0 : index
      %get3A_13 = vector.load %arg10[%get3A_11, %get3A_12] : memref<64x128xf32, #tpu.memory_space<vmem>>, vector<64x128xf32>
      %gt3A = arith.constant 5.000000e-01 : f32
      %gt3A_14 = vector.broadcast %gt3A : f32 to vector<64x128xf32>
      %gt3A_15 = arith.cmpf ogt, %get3A_13, %gt3A_14 : vector<64x128xf32>
      %convert_element_type3A_16 = arith.extui %gt3A_15 : vector<64x128xi1> to vector<64x128xi32>
      %convert_element_type3A_17 = arith.sitofp %convert_element_type3A_16 : vector<64x128xi32> to vector<64x128xf32>
      %get3A_18 = arith.constant 0 : index
      %get3A_19 = arith.constant 0 : index
      %get3A_20 = vector.load %arg8[%get3A_18, %get3A_19] : memref<64x128xf32, #tpu.memory_space<vmem>>, vector<64x128xf32>
      %mul3A = arith.mulf %get3A_20, %convert_element_type3A_17 : vector<64x128xf32>
      %transpose3A = tpu.transpose %mul3A, [1, 0] : vector<64x128xf32> -> vector<128x64xf32>
      %dot_general3A = arith.constant dense<0.000000e+00> : vector<1x64xf32>
      %dot_general3A_21 = tpu.matmul %broadcast_in_dim3A, %transpose3A, %dot_general3A {dimension_numbers = #tpu.dot_dimension_numbers<[1], [0], [0], [1], [0, 0, 1, 1], [], []>, transpose_lhs_hint = false} : vector<1x128xf32>, vector<128x64xf32>, vector<1x64xf32> -> vector<1x64xf32>
      %get3A_22 = arith.constant 0 : index
      %get3A_23 = vector.load %arg9[%get3A_22] : memref<64xf32, #tpu.memory_space<vmem>>, vector<64xf32>
      %broadcast_in_dim3A_24 = vector.shape_cast %get3A_23 : vector<64xf32> to vector<1x64xf32>
      %add3A = arith.addf %dot_general3A_21, %broadcast_in_dim3A_24 : vector<1x64xf32>
      %swap3A = arith.constant 0 : index
      %swap3A_25 = arith.constant 0 : index
      %swap3A_26 = vector.load %arg11[%swap3A, %swap3A_25] : memref<1x64xf32, #tpu.memory_space<vmem>>, vector<1x64xf32>
      tpu.vector_store %arg11[%swap3A, %swap3A_25], %add3A {strides = array<i32>} : memref<1x64xf32, #tpu.memory_space<vmem>>, vector<1x64xf32>,
    } else {
    }
    return
  }
  func.func @transform_0(%arg0: i32, %arg1: i32) -> (i32, i32) {
    %c0_i32 = arith.constant 0 : i32
    %c0_i32_0 = arith.constant 0 : i32
    return %arg1, %c0_i32 : i32, i32
  }
  func.func @transform_1(%arg0: i32, %arg1: i32) -> (i32, i32) {
    %c0_i32 = arith.constant 0 : i32
    %c0_i32_0 = arith.constant 0 : i32
    return %arg1, %c0_i32 : i32, i32
  }
  func.func @transform_2(%arg0: i32, %arg1: i32) -> i32 {
    %c0_i32 = arith.constant 0 : i32
    %c0_i32_0 = arith.constant 0 : i32
    return %c0_i32 : i32
  }
  func.func @transform_3(%arg0: i32, %arg1: i32) -> i32 {
    %c0_i32 = arith.constant 0 : i32
    %c0_i32_0 = arith.constant 0 : i32
    return %c0_i32 : i32
  }
  func.func @transform_4(%arg0: i32, %arg1: i32) -> i32 {
    %c0_i32 = arith.constant 0 : i32
    %c0_i32_0 = arith.constant 0 : i32
    return %c0_i32 : i32
  }
  func.func @transform_5(%arg0: i32, %arg1: i32) -> (i32, i32) {
    %c0_i32 = arith.constant 0 : i32
    %c0_i32_0 = arith.constant 0 : i32
    return %arg1, %c0_i32 : i32, i32
  }
  func.func @transform_6(%arg0: i32, %arg1: i32) -> (i32, i32) {
    %c0_i32 = arith.constant 0 : i32
    %c0_i32_0 = arith.constant 0 : i32
    %c0_i32_1 = arith.constant 0 : i32
    return %c0_i32, %c0_i32_0 : i32, i32
  }
  func.func @transform_7(%arg0: i32, %arg1: i32) -> i32 {
    %c0_i32 = arith.constant 0 : i32
    %c0_i32_0 = arith.constant 0 : i32
    return %c0_i32 : i32
  }
  func.func @transform_8(%arg0: i32, %arg1: i32) -> (i32, i32) {
    %c0_i32 = arith.constant 0 : i32
    %c0_i32_0 = arith.constant 0 : i32
    %c0_i32_1 = arith.constant 0 : i32
    return %c0_i32, %c0_i32_0 : i32, i32
  }
  func.func @transform_9(%arg0: i32, %arg1: i32) -> (i32, i32) {
    %c0_i32 = arith.constant 0 : i32
    %c0_i32_0 = arith.constant 0 : i32
    %c0_i32_1 = arith.constant 0 : i32
    return %c0_i32, %c0_i32_0 : i32, i32
  }
}

</mosaic_0001>

<sc_bundles>
// kernel: kernel.11.cloned.1.call-start
scs
__scs_entry_jumppad:
0x0: {  	(pc) =	sbr.rel $0x88, $3  }
0x1: {  	(tag) =	ssettag $0x0;
	lr =	simm.s32 $0x1  }
0x2: {  	[smem:$0x3F90] =	sst lr;
	_ =	strace $0xD0000000  }
0x3: {  	_ = 	snop  }
0x4: {  	_ = 	snop  }
0x5: {  	_ = 	snop  }
0x6: {  	_ = 	snop  }
0x7: {  	_ = 	snop  }
__scs_overlays_trampoline_lowered:
0x8: {  	[smem:$0x3F9F] =	sst s0  }
0x9: {  	[smem:$0x3FA0] =	sst s1  }
0xa: {  	[smem:$0x3FA1] =	sst s2  }
0xb: {  	[smem:$0x3FA2] =	sst s3  }
0xc: {  	[smem:$0x3FA3] =	sst s4  }
0xd: {  	[smem:$0x3FA4] =	sst s5  }
0xe: {  	[smem:$0x3FA5] =	sst s6  }
0xf: {  	[smem:$0x3FA6] =	sst s7  }
0x10: {  	[smem:$0x3FA7] =	sst s8  }
0x11: {  	[smem:$0x3FA8] =	sst s9;
	s0 =	simm.s32 @!p0 $0x0  }
0x12: {  	s1 =	sld [smem:$0x3F8E];
	s0 =	simm.s32 @p0 $0x1  }
0x13: {  	[smem:$0x3FA9] =	sst s0;
	s0 =	simm.s32 @!p1 $0x0  }
0x14: {  	s2 =	sld [smem:$0x3F8D];
	s0 =	simm.s32 @p1 $0x1  }
0x15: {  	[smem:$0x3FAA] =	sst s0;
	s0 =	simm.s32 @!p2 $0x0  }
0x16: {  	s3 =	sld [smem:$0x3FDB];
	s0 =	simm.s32 @p2 $0x1  }
0x17: {  	s4 =	simm.s32 $0x1BF5;
	[smem:$0x3FAC] =	sst s0  }
0x18: {  	s0 =	sld [smem:$0x3F8F];
	_ =	swait.ge [sflag:s4], $0x0  }
0x19: {  	s7 =	sld [smem:$0x3F90]  }
0x1a: {  	s8 =	sadd.s32 $0xFFFFE003, lr  }
0x1b: {  	s9 =	sadd.s32 $0xFFFFFEF7, lr;
	s5 =	simm.s32 $0xFFFFFFFF;
	p2 =	slt.u32 s8, $0xFFFFF086  }
0x1c: {  	p1 =	slt.u32 s9, $0xF7A;
	s5 =	simm.s32 @!p2 $0x0  }
0x1d: {  	s5 =	simm.s32 @p1 $0x1;
	p0 =	seq.s32 s7, s2  }
0x1e: {  	s7 =	smul.u32 @!p0 $0xF7A, s2;
	p2 =	seq.s32 @!p0 s5, $0x0  }
0x1f: {  	s9 =	smul.u32 $0xF7A, s1;
	s8 =	simm.s32 @!p0 $0x1BF5;
	p2 =	por !p2, p0  }
0x20: {  	[sflag:s8] =	ssyncset.s32 @!p0 $0xFFFFF086;
	s6 =	sadd.s32 @!p0 s3, s7;
	s7 =	simm.s32 @!p0 $0x108  }
0x21: {  	s3 =	sadd.s32 s3, s9;
	s6 =	sadd.s32 @!p0 $0x88, s6;
	s7 =	simm.s32 @p2 $0x1082  }
0x22: {  	[simem:s7], [sflag:s8] =	dma.local @!p0 [hbm:s6], $0xF7A  }
0x23: {  	s9 =	sor.u32 $0xD0000000, s2;
	s6 =	simm.s32 $0x108;
	_ =	swait.ge @!p0 [sflag:s8], $0x0  }
0x24: {  	s3 =	sadd.s32 $0x88, s3;
	s6 =	simm.s32 @!p1 $0x1082;
	[sflag:s4] =	ssyncset.s32 $0xFFFFF086  }
0x25: {  	[simem:s6], [sflag:s4] =	dma.local [hbm:s3], $0xF7A  }
0x26: {  	[smem:$0x3F90] =	sst s1;
	(tag) =	ssettag s2;
	_ =	strace s9  }
0x27: {  	s1 =	sld [smem:$0x3FA0]  }
0x28: {  	s2 =	sld [smem:$0x3FA1]  }
0x29: {  	s4 =	sld [smem:$0x3FA3]  }
0x2a: {  	p0 =	seq.s32 s5, $0x0;
	s5 =	sld [smem:$0x3FA4]  }
0x2b: {  	s6 =	sld [smem:$0x3FA5]  }
0x2c: {  	s7 =	sld [smem:$0x3FA6]  }
0x2d: {  	s3 =	simm.s32 $0x108;
	s8 =	sld [smem:$0x3FA7]  }
0x2e: {  	s3 =	simm.s32 @!p0 $0x1082;
	s9 =	sld [smem:$0x3FA8]  }
0x2f: {  	lr =	sadd.s32 s0, s3;
	s0 =	sld [smem:$0x3F9F]  }
0x30: {  	s3 =	sld [smem:$0x3FA2]  }
0x31: {  	[smem:$0x3FAB] =	sst s10  }
0x32: {  	s10 =	sld [smem:$0x3FA9];
	_ =	sdelay $0x3  }
0x33: {  	p0 =	seq.s32 s10, $0x1;
	s10 =	sld [smem:$0x3FAB];
	_ =	sdelay $0x3  }
0x34: {  	[smem:$0x3FAB] =	sst s10  }
0x35: {  	s10 =	sld [smem:$0x3FAA];
	_ =	sdelay $0x3  }
0x36: {  	p1 =	seq.s32 s10, $0x1;
	s10 =	sld [smem:$0x3FAB];
	_ =	sdelay $0x3  }
0x37: {  	[smem:$0x3FAB] =	sst s10  }
0x38: {  	s10 =	sld [smem:$0x3FAC]  }
0x39: {  	_ = 	snop;
	(pc) =	sbr.ind lr, $3  }
0x3a: {  	_ = 	snop  }
0x3b: {  	_ = 	snop  }
0x3c: {  	p2 =	seq.s32 s10, $0x1;
	s10 =	sld [smem:$0x3FAB]  }
0x3d: {  	_ =	shalt  }
0x3e: {  	_ =	shalt  }
0x3f: {  	_ =	shalt  }
0x40: {  	_ =	shalt  }
0x41: {  	_ =	shalt  }
0x42: {  	_ =	shalt  }
0x43: {  	_ =	shalt  }
0x44: {  	_ =	shalt  }
0x45: {  	_ =	shalt  }
0x46: {  	_ =	shalt  }
0x47: {  	_ =	shalt  }
0x48: {  	_ =	shalt  }
0x49: {  	_ =	shalt  }
0x4a: {  	_ =	shalt  }
0x4b: {  	_ =	shalt  }
0x4c: {  	_ =	shalt  }
0x4d: {  	_ =	shalt  }
0x4e: {  	_ =	shalt  }
0x4f: {  	_ =	shalt  }
0x50: {  	_ =	shalt  }
0x51: {  	_ =	shalt  }
0x52: {  	_ =	shalt  }
0x53: {  	_ =	shalt  }
0x54: {  	_ =	shalt  }
0x55: {  	_ =	shalt  }
0x56: {  	_ =	shalt  }
0x57: {  	_ =	shalt  }
0x58: {  	_ =	shalt  }
0x59: {  	_ =	shalt  }
0x5a: {  	_ =	shalt  }
0x5b: {  	_ =	shalt  }
0x5c: {  	_ =	shalt  }
0x5d: {  	_ =	shalt  }
0x5e: {  	_ =	shalt  }
0x5f: {  	_ =	shalt  }
0x60: {  	_ =	shalt  }
0x61: {  	_ =	shalt  }
0x62: {  	_ =	shalt  }
0x63: {  	_ =	shalt  }
0x64: {  	_ =	shalt  }
0x65: {  	_ =	shalt  }
0x66: {  	_ =	shalt  }
0x67: {  	_ =	shalt  }
0x68: {  	_ =	shalt  }
0x69: {  	_ =	shalt  }
0x6a: {  	_ =	shalt  }
0x6b: {  	_ =	shalt  }
0x6c: {  	_ =	shalt  }
0x6d: {  	_ =	shalt  }
0x6e: {  	_ =	shalt  }
0x6f: {  	_ =	shalt  }
0x70: {  	_ =	shalt  }
0x71: {  	_ =	shalt  }
0x72: {  	_ =	shalt  }
0x73: {  	_ =	shalt  }
0x74: {  	_ =	shalt  }
0x75: {  	_ =	shalt  }
0x76: {  	_ =	shalt  }
0x77: {  	_ =	shalt  }
0x78: {  	_ =	shalt  }
0x79: {  	_ =	shalt  }
0x7a: {  	_ =	shalt  }
0x7b: {  	_ =	shalt  }
0x7c: {  	_ =	shalt  }
0x7d: {  	_ =	shalt  }
0x7e: {  	_ =	shalt  }
0x7f: {  	_ =	shalt  }
0x80: {  	_ =	shalt  }
0x81: {  	_ =	shalt  }
0x82: {  	_ =	shalt  }
0x83: {  	_ =	shalt  }
0x84: {  	_ =	shalt  }
0x85: {  	_ =	shalt  }
0x86: {  	_ =	shalt  }
0x87: {  	_ =	shalt  }
.Lfunc_end0:
.L_simem_size_0:
called_computation.1_lowered:
.L_overlay_start_0:
0x88: {  	s2 =	sld [smem:$0x3FD9]  }
0x89: {  	s3 =	sld [smem:$0x3FFE];
	_ =	sdelay $0x1  }
0x8a: {  	s1 =	srdreg.scid  }
0x8b: {  	s0 =	sand.u32 $0x1, s1  }
0x8c: {  	s16 =	sshll.u32 s0, $0xA;
	s2 =	sadd.s32 s3, s2  }
0x8d: {  	s2 =	sadd.s32 s2, s16  }
0x8e: {  	[smem:$0x3FB7] =	sst s2  }
0x8f: {  	_ = 	snop  }
0x90: {  	(tm) =	ssettm $0x1  }
0x91: {  	s17 =	sld [smem:$0x3FFB];
	_ =	sdelay $0x3  }
0x92: {  	_ =	strace s17  }
0x93: {  	s2 =	sld [smem:$0x3FFC];
	_ =	sdelay $0x3  }
0x94: {  	_ =	strace s2  }
0x95: {  	s2 =	sld [smem:$0x3FFD];
	_ =	sdelay $0x3  }
0x96: {  	_ =	strace s2  }
0x97: {  	_ =	strace $0x8FFFFFFF  }
0x98: {  	s18 =	sld [smem:$0x3FDB];
	_ =	sdelay $0x1  }
0x99: {  	s19 =	simm.s32 $_scs_section_size  }
0x9a: {  	s4 =	simm.s32 $_size__tile_overlayer_lowered;
	s5 =	simm.s32 $_tile_overlayer_lowered  }
0x9b: {  	s22 =	simm.s32 $0x1BFF;
	s21 =	sshll.u32 s5, $0x1;
	s2 =	sadd.s32 s19, s18  }
0x9c: {  	s6 =	simm.s32 $0x0;
	s20 =	sshll.u32 s4, $0x1;
	s4 =	sadd.s32 s21, s2  }
0x9d: {  	[timem:s6], [sflag:s22] =	dma.local [hbm:s4], s20  }
0x9e: {  	_ =	swait.ge [sflag:s22], s20  }
0x9f: {  	s3 =	ssub.s32 $0x0, s20;
	[sflag:s22] =	ssyncset.done $0x0  }
0xa0: {  	[sflag:s22] =	ssyncadd.s32 s3;
	_ =	sdelay $0x1  }
0xa1: {  	s23 =	simm.s32 $0x1B8B  }
0xa2: {  	_ =	swait.ge [sflag:s23], $0x1  }
0xa3: {  	[sflag:s23] =	ssyncset.done $0x0  }
0xa4: {  	s25 =	simm.s32 $0x1B8E;
	s24 =	sld [smem:$0x3FFE];
	[sflag:s23] =	ssyncadd.s32 $0xFFFFFFFF  }
0xa5: {  	s26 =	simm.s32 $execute0_lowered;
	[smem:$0x3FD2] =	sst s25  }
0xa6: {  	s4 =	sshll.u32 s26, $0x1;
	_ =	strace $0x80000049;
	[dreg:$0x1] =	wrdreg $0xFFFFFFFF  }
0xa7: {  	s28 =	simm.s32 $_size_execute0_lowered;
	s2 =	sadd.s32 s2, s4;
	[dreg:$0x0] =	wrdreg $0x0  }
0xa8: {  	s4 =	sshll.u32 s28, $0x1;
	[dreg:$0x2] =	wrdreg s2  }
0xa9: {  	[dreg:$0x3] =	wrdreg s4  }
0xaa: {  	[dreg:$0x4] =	wrdreg $0xC0  }
0xab: {  	_ =	task [dreg:s6], $0x5FFFF  }
0xac: {  	[dreg:$0x1] =	wrdreg $0xFFFFFFFF  }
0xad: {  	[dreg:$0x0] =	wrdreg $0x60  }
0xae: {  	[dreg:$0x2] =	wrdreg s24  }
0xaf: {  	[dreg:$0x3] =	wrdreg $0x73A00  }
0xb0: {  	[dreg:$0x4] =	wrdreg $0x9  }
0xb1: {  	_ =	task.clear_ibuf [dreg:s6], $0x5FFFF;
	_ =	strace $0x90000049  }
0xb2: {  	s29 =	simm.s32 $0x9;
	_ =	strace $0x8000004B  }
0xb3: {  	_ =	swait.ge [sflag:s29], $0x1  }
0xb4: {  	[sflag:s29] =	ssyncadd.s32 $0xFFFFFFFF  }
0xb5: {  	_ =	strace $0x9000004B  }
0xb6: {  	_ =	sfence  }
0xb7: {  	s30 =	sld [smem:$0x0];
	_ =	sdelay $0x2  }
0xb8: {  	s31 =	sshll.u32 s1, $0xD;
	s1 =	sshrl.u32 s1, $0x2  }
0xb9: {  	s3 =	sand.u32 $0x4000, s31;
	s1 =	sadd.s32 s1, s30  }
0xba: {  	s0 =	sor.u32 s3, s0;
	s1 =	sshll.u32 s1, $0x11  }
0xbb: {  	s0 =	sor.u32 s1, s0  }
0xbc: {  	s0 =	sadd.s32 $0x8F2B, s0  }
0xbd: {  	[sflag:s0] =	ssyncadd.remote.s32 $0x1  }
0xbe: {  	_ =	sfence.sel $0xFFFF  }
0xbf: {  	[dreg:$0x0] =	wrdreg $0xFFFFFFFF;
	(pc) =	sbr.abs _section_cstart, $3  }
0xc0: {  	[dreg:$0x1] =	wrdreg $0xFFFFFFFF  }
0xc1: {  	_ =	task.clear_ibuf [dreg:s6], $0x2FFFF;
	_ =	strace $0x9FFFFFFF  }
0xc2: {  	(tm) =	ssettm $0x7FFFFFFF  }
0xc3: {  	_ =	shalt  }
tec
execute0_lowered:
.L_overlay_start_1:
0x0: {  	(tag) =	ssettag $0x1  }
0x1: {  	s0 =	rddreg [dreg:$0x0]  }
0x2: {  	s2 =	rddreg [dreg:$0x1];
	s3 =	simm.s32 $0x0;
	s12 =	stileid.u32  }
0x3: {  	s4 =	srdreg.scid;
	s13 =	simm.s32 $0x5;
	s14 =	simm.s32 $0x7D0  }
0x4: {  	s15 =	simm.s32 $0x4E200;
	s16 =	simm.s32 $0x6400;
	s17 =	simm.s32 $0x50  }
0x5: {  	s18 =	simm.s32 $0x6BD0;
	s19 =	simm.s32 $0x2D00;
	s20 =	simm.s32 $0x3200  }
0x6: {  	s21 =	simm.s32 $0x5F00;
	s22 =	simm.s32 $0x1;
	s23 =	simm.s32 $0x2  }
0x7: {  	s24 =	simm.s32 $0x3;
	s28 =	simm.s32 $0x0;
	s1 =	smul.u32 $0x16800, s12  }
0x8: {  	[smem:$0x7FF] =	sst s3;
	s7 =	sand.u32 $0x1, s4;
	s8 =	smul.u32 $0x2D00, s12  }
0x9: {  	s4 =	sadd.s32 $0x16A00, s0;
	s5 =	sadd.s32 $0x42A00, s0;
	s6 =	sadd.s32 $0x3000, s0  }
0xa: {  	s26 =	sshll.u32 s12, $0x1;
	s29 =	sshll.u32 s12, $0x6;
	_ =	strace $0x8000004A  }
0xb: {  	s9 =	smul.u32 $0x2D000, s7;
	s11 =	ssub.s32 $0x2, s7;
	s7 =	sor.u32 s7, s26  }
0xc: {  	s26 =	simm.s32 $0x7350;
	s10 =	sshrl.u32 s1, $0x3;
	s25 =	sshrl.u32 s11, $0x1  }
0xd: {  	s1 =	sadd.s32 s1, s2;
	s10 =	sadd.s32 s10, s0;
	s8 =	sadd.s32 s8, s9  }
0xe: {  	s11 =	ssub.s32 s11, s25;
	s9 =	smul.u32 $0x2710, s7;
	s30 =	sadd.s32 $0x47A00, s10  }
0xf: {  	v35 =	vimm.s32 $0x1;
	s0 =	sadd.s32 s8, s0;
	s31 =	smax.u32 s11, $0x1;
	[dreg:$0x3] =	wrdreg s30  }
0x10: {  	v46 =	vimm.s32 $0x2;
	v50 =	vimm.s32 $0x3;
	v54 =	vimm.s32 $0x4;
	s12 =	sshrl.u32 s1, $0x3;
	s0 =	sadd.s32 $0x74A00, s0;
	[dreg:$0x5] =	wrdreg s31  }
0x11: {  	v41 =	vimm.s32 $0x5;
	v29 =	vimm.s32 $0x6;
	v45 =	vimm.s32 $0x7;
	s25 =	simm.s32 $0x4;
	s8 =	sor.u32 $0x1C05, s29;
	[dreg:$0x4] =	wrdreg s0  }
.LBB2_1:
0x12: {  	s0 =	rddreg [dreg:$0x3]  }
0x13: {  	[spmem:s12], [sflag:s8] =	dma.local [hbm:s0], $0x2D00  }
0x14: {  	_ =	swait.ge [sflag:s13], $0x2D00  }
0x15: {  	[sflag:s13] =	ssyncset.done $0x0  }
0x16: {  	[sflag:s13] =	ssyncadd.s32 $0xFFFFD300  }
0x17: {  	s29 =	simm.s32 $0x0;
	[bflag:$0x0] =	sbarrier.arrive $0xFFFF  }
.LBB2_2:
0x18: {  	s0 =	smul.u32 $0x7D0, s29;
	_ =	sdelay $0x1  }
0x19: {  	s0 =	sadd.s32 s9, s0  }
0x1a: {  	s0 =	sshrl.u32 s0, $0x3  }
0x1b: {  	s0 =	sadd.s32 s6, s0  }
0x1c: {  	[tilespmem:s16], [sflag:$0x5] =	stream.strided.gather [hbm4b:s0+s14], $0xFA0, s15, s14, $0x38;
	[tilespmem:$0x1DBA0] =	vst v63  }
0x1d: {  	_ =	swait.ge [sflag:s13], $0xFA0  }
0x1e: {  	[sflag:s13] =	ssyncset.done $0x0  }
0x1f: {  	s30 =	simm.s32 $0x0;
	[sflag:s13] =	ssyncadd.s32 $0xFFFFF060  }
0x20: {  	[tilespmem:s30], [sflag:$0x1] =	stream.indirect.gather [hbm4b:s4+s17], $0x90, s16, s17, $0xb8;
	[tilespmem:$0x1DBA0] =	vst v63  }
0x21: {  	_ = 	snop  }
0x22: {  	[tilespmem:s19], [sflag:$0x2] =	stream.indirect.gather [hbm4b:s5+s17], $0x10, s18, s17, $0xb8;
	[tilespmem:$0x1DBA0] =	vst v63  }
.LBB2_3:
0x23: {  	s0 =	smul.u32 $0x280, s30;
	_ =	sdelay $0x1  }
0x24: {  	s0 =	sshra.s32 s0, $0x2  }
0x25: {  	s1 =	sadd.s32 $0x6450, s0  }
0x26: {  	[tilespmem:s20], [sflag:$0x3] =	stream.indirect.gather [hbm4b:s4+s17], $0x90, s1, s17, $0xb8;
	[tilespmem:$0x1DBA0] =	vst v63  }
0x27: {  	s31 =	sadd.s32 $0x6C20, s0  }
0x28: {  	[tilespmem:s21], [sflag:$0x4] =	stream.indirect.gather [hbm4b:s5+s17], $0x10, s31, s17, $0xb8;
	[tilespmem:$0x1DBA0] =	vst v63  }
0x29: {  	_ =	swait.ge [sflag:s22], $0x2D00  }
0x2a: {  	[sflag:s22] =	ssyncset.done $0x0  }
0x2b: {  	[sflag:s22] =	ssyncadd.s32 $0xFFFFD300  }
0x2c: {  	_ =	swait.ge [sflag:s23], $0x500  }
0x2d: {  	[sflag:s23] =	ssyncset.done $0x0  }
0x2e: {  	s1 =	simm.s32 $0x120;
	[sflag:s23] =	ssyncadd.s32 $0xFFFFFB00  }
0x2f: {  	s7 =	simm.s32 $0x2D20;
	v0 =	vld [tilespmem:s1+$0x110]  }
0x30: {  	v1 =	vld [tilespmem:s7+$0x10]  }
0x31: {  	v2 =	vld [tilespmem:s7+$0xFFFFFFE0]  }
0x32: {  	v5 =	vld [tilespmem:s1+$0xFFFFFEE0]  }
0x33: {  	v3 =	vld [tilespmem:s1+$0xFFFFFFF0]  }
0x34: {  	v4 =	vld [tilespmem:s7+$0xFFFFFFF0]  }
0x35: {  	v8 =	vld [tilespmem:s1+$0x80]  }
0x36: {  	v9 =	vld [tilespmem:s7+$0x0];
	v0 =	vadd.f32 v1, v0  }
0x37: {  	v1 =	vld [tilespmem:s1+$0xFFFFFF60];
	[tilespmem:$0x1FFF0] =	vst v5  }
0x38: {  	v14 =	vld [tilespmem:s1+$0xFFFFFEF0];
	v10 =	vmul.f32 $2.000000030e-01, v0  }
0x39: {  	v3 =	vadd.f32 v4, v3;
	v15 =	vld [tilespmem:s1+$0xFFFFFF00];
	vm0 =	vge.f32 v0, $0.0e+00  }
0x3a: {  	v16 =	vld [tilespmem:s1+$0xFFFFFF10];
	v0 =	vsel vm0, v0, v10  }
0x3b: {  	v4 =	vadd.f32 v9, v8;
	v17 =	vld [tilespmem:s1+$0xFFFFFF20];
	v8 =	vmul.f32 $2.000000030e-01, v3;
	v0 =	vmul.f32 $1.442695020e+00, v0  }
0x3c: {  	v18 =	vld [tilespmem:s1+$0xFFFFFF30];
	vm14 =	vge.f32 v3, $0.0e+00  }
0x3d: {  	v19 =	vld [tilespmem:s1+$0xFFFFFF40];
	v3 =	vsel vm14, v3, v8;
	(erf) = vpow2.f32 v0  }
0x3e: {  	v20 =	vld [tilespmem:s1+$0xFFFFFF50];
	v3 =	vmul.f32 $1.442695020e+00, v3  }
0x3f: {  	v21 =	vld [tilespmem:s1+$0xFFFFFF70];
	v1 =	vadd.f32 v2, v1  }
0x40: {  	v22 =	vld [tilespmem:s1+$0xFFFFFF80];
	v2 =	vmul.f32 $2.000000030e-01, v4;
	(erf) = vpow2.f32 v3  }
0x41: {  	v23 =	vld [tilespmem:s1+$0xFFFFFF90];
	vm1 =	vge.f32 v4, $0.0e+00;
	v0 =	vmul.f32 $2.000000030e-01, v1  }
0x42: {  	v24 =	vld [tilespmem:s1+$0xFFFFFFA0];
	vm15 =	vge.f32 v1, $0.0e+00;
	v2 =	vsel vm1, v4, v2  }
0x43: {  	v26 =	vld [tilespmem:s1+$0xFFFFFFB0];
	v0 =	vsel vm15, v1, v0;
	v1 =	vmul.f32 $1.442695020e+00, v2  }
0x44: {  	v25 =	vld [tilespmem:s1+$0xFFFFFFC0];
	v0 =	vmul.f32 $1.442695020e+00, v0  }
0x45: {  	v27 =	vld [tilespmem:s1+$0xFFFFFFD0];
	(erf) = vpow2.f32 v1  }
0x46: {  	v7 =	vimm.s32 $0x0;
	v28 =	vld [tilespmem:s1+$0xFFFFFFE0];
	(erf) = vpow2.f32 v0;
	v43 =	vpop (erf)  }
0x47: {  	v32 =	vld [tilespmem:s1+$0x0];
	v9 =	vperm.xlane v43, v7;
	v1 =	vperm.xlane v43, v45  }
0x48: {  	v0 =	vld [tilespmem:s1+$0x100];
	v11 =	vperm.xlane v43, v35;
	v8 =	vperm.xlane v43, v46  }
0x49: {  	v34 =	vld [tilespmem:s1+$0x10];
	v10 =	vperm.xlane v43, v50;
	v12 =	vperm.xlane v43, v41;
	v41 =	vpop (erf)  }
0x4a: {  	v36 =	vld [tilespmem:s1+$0x20];
	v13 =	vperm.xlane v43, v54;
	v49 =	vperm.xlane v41, v7  }
0x4b: {  	v52 =	vimm.s32 $0x5;
	v38 =	vld [tilespmem:s1+$0x30];
	v47 =	vperm.xlane v41, v35;
	v51 =	vperm.xlane v41, v46  }
0x4c: {  	v6 =	vimm.s32 $0x7;
	v44 =	vld [tilespmem:s1+$0x40];
	v48 =	vperm.xlane v41, v50;
	v61 =	vperm.xlane v41, v54  }
0x4d: {  	v5 =	vimm.s32 $0x6;
	v40 =	vld [tilespmem:s1+$0x50];
	[tilespmem:s1+$0x110] =	vst v43;
	v58 =	vperm.xlane v41, v52;
	v2 =	vmul.f32 v0, v1  }
0x4e: {  	v33 =	vld [tilespmem:s1+$0x60];
	v60 =	vperm.xlane v41, v5;
	v57 =	vperm.xlane v41, v6;
	[tilespmem:s1+$0xFFFFFFF0] =	vst v41;
	v45 =	vpop (erf)  }
0x4f: {  	v30 =	vld [tilespmem:s1+$0xA0];
	[tilespmem:s1+$0x100] =	vst v2;
	v59 =	vperm.xlane v45, v7;
	v56 =	vperm.xlane v45, v35  }
0x50: {  	v31 =	vld [tilespmem:s1+$0xB0];
	v37 =	vpop (erf);
	v55 =	vperm.xlane v45, v46;
	v53 =	vperm.xlane v45, v50;
	[tilespmem:s1+$0x80] =	vst v45  }
0x51: {  	v39 =	vld [tilespmem:s1+$0x70];
	v42 =	vperm.xlane v37, v7;
	v4 =	vperm.xlane v37, v46;
	[tilespmem:s1+$0xFFFFFF60] =	vst v37  }
0x52: {  	v62 =	vperm.xlane v37, v6;
	v46 =	vperm.xlane v45, v6;
	v6 =	vld [tilespmem:$0x1FFF0]  }
0x53: {  	v41 =	vld [tilespmem:s1+$0xE0];
	v1 =	vperm.xlane v37, v35;
	v0 =	vperm.xlane v37, v50  }
0x54: {  	v3 =	vperm.xlane v37, v54;
	v2 =	vperm.xlane v37, v29;
	v29 =	vld [tilespmem:s1+$0x90]  }
0x55: {  	v63 =	vperm.xlane v37, v52;
	v35 =	vld [tilespmem:s1+$0xC0];
	v54 =	vperm.xlane v45, v54  }
0x56: {  	v52 =	vperm.xlane v45, v52;
	v37 =	vld [tilespmem:s1+$0xD0];
	v50 =	vperm.xlane v45, v5  }
0x57: {  	s10 =	simm.s32 $0x0;
	s11 =	simm.s32 $0x360;
	v45 =	vmul.f32 v6, v42;
	v42 =	vperm.xlane v43, v5;
	v43 =	vld [tilespmem:s1+$0xF0]  }
.LBB2_4:
0x58: {  	v5 =	vld [tilespmem:s11+$0x110];
	v1 =	vmul.f32 v14, v1;
	v4 =	vmul.f32 v15, v4;
	s7 =	sadd.s32 $0x40, s7  }
0x59: {  	s10 =	sadd.s32 $0x4, s10;
	v0 =	vmul.f32 v16, v0;
	v3 =	vmul.f32 v17, v3;
	v14 =	vld [tilespmem:s7+$0x10];
	[tilespmem:s1+$0xFFFFFEE0] =	vst v45  }
0x5a: {  	v2 =	vmul.f32 v19, v2;
	p0 =	slt.u32 s10, $0x4C;
	v17 =	vld [tilespmem:s7+$0xFFFFFFE0];
	[tilespmem:s1+$0xFFFFFEF0] =	vst v1;
	v1 =	vmul.f32 v18, v63  }
0x5b: {  	v16 =	vmul.f32 v21, v49;
	v15 =	vld [tilespmem:s11+$0xFFFFFFF0];
	[tilespmem:s1+$0xFFFFFF00] =	vst v4;
	v4 =	vmul.f32 v20, v62  }
0x5c: {  	v19 =	vmul.f32 v23, v51;
	v18 =	vld [tilespmem:s7+$0xFFFFFFF0];
	[tilespmem:s1+$0xFFFFFF10] =	vst v0;
	v0 =	vmul.f32 v22, v47  }
0x5d: {  	v21 =	vmul.f32 v26, v61;
	v20 =	vld [tilespmem:s11+$0x80];
	[tilespmem:s1+$0xFFFFFF20] =	vst v3;
	v3 =	vmul.f32 v24, v48  }
0x5e: {  	v23 =	vmul.f32 v27, v60;
	v22 =	vld [tilespmem:s7+$0x0];
	v5 =	vadd.f32 v14, v5;
	[tilespmem:s1+$0xFFFFFF30] =	vst v1;
	v1 =	vmul.f32 v25, v58  }
0x5f: {  	v25 =	vmul.f32 v32, v59;
	v24 =	vld [tilespmem:s11+$0xFFFFFF60];
	[tilespmem:s1+$0xFFFFFF40] =	vst v2;
	v2 =	vmul.f32 v28, v57  }
0x60: {  	v45 =	vld [tilespmem:s11+$0xFFFFFEE0];
	v26 =	vmul.f32 $2.000000030e-01, v5;
	[tilespmem:s1+$0xFFFFFF50] =	vst v4;
	v4 =	vmul.f32 v34, v56  }
0x61: {  	v28 =	vmul.f32 v36, v55;
	vm0 =	vge.f32 v5, $0.0e+00;
	v14 =	vld [tilespmem:s11+$0xFFFFFEF0];
	v27 =	vadd.f32 v18, v15;
	[tilespmem:s1+$0xFFFFFF70] =	vst v16  }
0x62: {  	v32 =	vmul.f32 v44, v54;
	v15 =	vld [tilespmem:s11+$0xFFFFFF00];
	v5 =	vsel vm0, v5, v26;
	[tilespmem:s1+$0xFFFFFF80] =	vst v0;
	v0 =	vmul.f32 v38, v53  }
0x63: {  	v16 =	vld [tilespmem:s11+$0xFFFFFF10];
	v26 =	vmul.f32 $2.000000030e-01, v27;
	v22 =	vadd.f32 v22, v20;
	v5 =	vmul.f32 $1.442695020e+00, v5;
	[tilespmem:s1+$0xFFFFFF90] =	vst v19  }
0x64: {  	vm0 =	vge.f32 v27, $0.0e+00;
	v24 =	vadd.f32 v17, v24;
	v17 =	vld [tilespmem:s11+$0xFFFFFF20];
	[tilespmem:s1+$0xFFFFFFA0] =	vst v3;
	v3 =	vmul.f32 v40, v52  }
0x65: {  	v18 =	vld [tilespmem:s11+$0xFFFFFF30];
	vm1 =	vge.f32 v22, $0.0e+00;
	v34 =	vmul.f32 $2.000000030e-01, v22;
	(erf) = vpow2.f32 v5;
	[tilespmem:s1+$0xFFFFFFB0] =	vst v21  }
0x66: {  	v21 =	vsel vm0, v27, v26;
	vm2 =	vge.f32 v24, $0.0e+00;
	v5 =	vmul.f32 $2.000000030e-01, v24;
	v19 =	vld [tilespmem:s11+$0xFFFFFF40];
	[tilespmem:s1+$0xFFFFFFC0] =	vst v1  }
0x67: {  	v33 =	vmul.f32 v33, v50;
	v1 =	vmul.f32 $1.442695020e+00, v21;
	v20 =	vld [tilespmem:s11+$0xFFFFFF50];
	v22 =	vsel vm1, v22, v34;
	[tilespmem:s1+$0xFFFFFFD0] =	vst v23  }
0x68: {  	v5 =	vsel vm2, v24, v5;
	v21 =	vld [tilespmem:s11+$0xFFFFFF70];
	v24 =	vmul.f32 $1.442695020e+00, v22;
	[tilespmem:s1+$0xFFFFFFE0] =	vst v2;
	v2 =	vmul.f32 v39, v46  }
0x69: {  	v5 =	vmul.f32 $1.442695020e+00, v5;
	v22 =	vld [tilespmem:s11+$0xFFFFFF80];
	(erf) = vpow2.f32 v1;
	[tilespmem:s1+$0x0] =	vst v25  }
0x6a: {  	v1 =	vmul.f32 v29, v9;
	v23 =	vld [tilespmem:s11+$0xFFFFFF90];
	(erf) = vpow2.f32 v24;
	[tilespmem:s1+$0x10] =	vst v4  }
0x6b: {  	v4 =	vmul.f32 v30, v11;
	v24 =	vld [tilespmem:s11+$0xFFFFFFA0];
	(erf) = vpow2.f32 v5;
	[tilespmem:s1+$0x20] =	vst v28  }
0x6c: {  	v50 =	vimm.s32 $0x1;
	v29 =	vmul.f32 v35, v10;
	v5 =	vld [tilespmem:s11+$0x100];
	[tilespmem:s1+$0x30] =	vst v0;
	v0 =	vmul.f32 v31, v8  }
0x6d: {  	v54 =	vimm.s32 $0x2;
	v30 =	vmul.f32 v37, v13;
	v31 =	vmul.f32 v41, v12;
	v26 =	vld [tilespmem:s11+$0xFFFFFFB0];
	[tilespmem:s1+$0x40] =	vst v32  }
0x6e: {  	v55 =	vimm.s32 $0x0;
	v46 =	vimm.s32 $0x7;
	v35 =	vmul.f32 v43, v42;
	v25 =	vld [tilespmem:s11+$0xFFFFFFC0];
	v6 =	vpop (erf);
	[tilespmem:s1+$0x50] =	vst v3  }
0x6f: {  	v53 =	vimm.s32 $0x3;
	v27 =	vld [tilespmem:s11+$0xFFFFFFD0];
	v9 =	vperm.xlane v6, v55;
	v3 =	vperm.xlane v6, v46;
	[tilespmem:s1+$0x60] =	vst v33  }
0x70: {  	v52 =	vimm.s32 $0x4;
	v11 =	vperm.xlane v6, v50;
	v8 =	vperm.xlane v6, v54;
	v28 =	vld [tilespmem:s11+$0xFFFFFFE0];
	[tilespmem:s1+$0x70] =	vst v2  }
0x71: {  	v43 =	vimm.s32 $0x5;
	v10 =	vperm.xlane v6, v53;
	v32 =	vld [tilespmem:s11+$0x0];
	v2 =	vmul.f32 v5, v3;
	[tilespmem:s1+$0x90] =	vst v1  }
0x72: {  	v13 =	vperm.xlane v6, v52;
	v12 =	vperm.xlane v6, v43;
	v34 =	vld [tilespmem:s11+$0x10];
	v5 =	vpop (erf);
	[tilespmem:s1+$0xA0] =	vst v4  }
0x73: {  	v49 =	vperm.xlane v5, v55;
	v47 =	vperm.xlane v5, v50;
	v36 =	vld [tilespmem:s11+$0x20];
	[tilespmem:s11+$0x100] =	vst v2;
	v41 =	vpop (erf)  }
0x74: {  	v51 =	vperm.xlane v5, v54;
	v48 =	vperm.xlane v5, v53;
	v38 =	vld [tilespmem:s11+$0x30];
	v37 =	vpop (erf);
	[tilespmem:s1+$0xB0] =	vst v0  }
0x75: {  	v42 =	vperm.xlane v37, v55;
	v1 =	vperm.xlane v37, v50;
	v44 =	vld [tilespmem:s11+$0x40];
	[tilespmem:s1+$0xC0] =	vst v29  }
0x76: {  	v4 =	vperm.xlane v37, v54;
	v0 =	vperm.xlane v37, v53;
	v40 =	vld [tilespmem:s11+$0x50];
	[tilespmem:s1+$0xD0] =	vst v30  }
0x77: {  	v7 =	vimm.s32 $0x6;
	v3 =	vperm.xlane v37, v52;
	v63 =	vperm.xlane v37, v43;
	v33 =	vld [tilespmem:s11+$0x60];
	[tilespmem:s1+$0xE0] =	vst v31  }
0x78: {  	v2 =	vperm.xlane v37, v7;
	v62 =	vperm.xlane v37, v46;
	v39 =	vld [tilespmem:s11+$0x70];
	[tilespmem:s1+$0xF0] =	vst v35;
	s1 =	smov.u32 s11  }
0x79: {  	v61 =	vperm.xlane v5, v52;
	v58 =	vperm.xlane v5, v43;
	[tilespmem:s11+$0xFFFFFF60] =	vst v37;
	v29 =	vld [tilespmem:s11+$0x90]  }
0x7a: {  	v60 =	vperm.xlane v5, v7;
	v57 =	vperm.xlane v5, v46;
	[tilespmem:s11+$0xFFFFFFF0] =	vst v5;
	v30 =	vld [tilespmem:s11+$0xA0]  }
.Ltmp0:
0x7b: {  	v59 =	vperm.xlane v41, v55;
	v56 =	vperm.xlane v41, v50;
	[tilespmem:s11+$0x80] =	vst v41;
	v31 =	vld [tilespmem:s11+$0xB0];
	(pc) =	sbr.rel @p0 .LBB2_4-.Ltmp0, $4  }
0x7c: {  	v55 =	vperm.xlane v41, v54;
	v53 =	vperm.xlane v41, v53;
	v35 =	vld [tilespmem:s11+$0xC0];
	[tilespmem:s11+$0x110] =	vst v6  }
0x7d: {  	v54 =	vperm.xlane v41, v52;
	v52 =	vperm.xlane v41, v43;
	v37 =	vld [tilespmem:s11+$0xD0]  }
0x7e: {  	v50 =	vperm.xlane v41, v7;
	v46 =	vperm.xlane v41, v46;
	v41 =	vld [tilespmem:s11+$0xE0]  }
0x7f: {  	v45 =	vmul.f32 v45, v42;
	v42 =	vperm.xlane v6, v7;
	s11 =	sadd.s32 $0x240, s11;
	v43 =	vld [tilespmem:s1+$0xF0]  }
0x80: {  	v1 =	vmul.f32 v14, v1  }
0x81: {  	v4 =	vmul.f32 v15, v4;
	[tilespmem:s1+$0xFFFFFEE0] =	vst v45  }
0x82: {  	v0 =	vmul.f32 v16, v0;
	[tilespmem:s1+$0xFFFFFEF0] =	vst v1  }
0x83: {  	v1 =	vmul.f32 v17, v3;
	[tilespmem:s1+$0xFFFFFF00] =	vst v4  }
0x84: {  	v3 =	vmul.f32 v18, v63;
	[tilespmem:s1+$0xFFFFFF10] =	vst v0  }
0x85: {  	v0 =	vmul.f32 v19, v2;
	[tilespmem:s1+$0xFFFFFF20] =	vst v1  }
0x86: {  	v2 =	vmul.f32 v21, v49;
	[tilespmem:s1+$0xFFFFFF30] =	vst v3  }
0x87: {  	v1 =	vmul.f32 v20, v62;
	[tilespmem:s1+$0xFFFFFF40] =	vst v0  }
0x88: {  	v0 =	vmul.f32 v22, v47;
	[tilespmem:s1+$0xFFFFFF70] =	vst v2  }
0x89: {  	v2 =	vmul.f32 v24, v48;
	[tilespmem:s1+$0xFFFFFF50] =	vst v1  }
0x8a: {  	v1 =	vmul.f32 v23, v51;
	[tilespmem:s1+$0xFFFFFF80] =	vst v0  }
0x8b: {  	v0 =	vmul.f32 v26, v61;
	[tilespmem:s1+$0xFFFFFFA0] =	vst v2  }
0x8c: {  	v2 =	vmul.f32 v27, v60;
	[tilespmem:s1+$0xFFFFFF90] =	vst v1  }
0x8d: {  	v1 =	vmul.f32 v25, v58;
	[tilespmem:s1+$0xFFFFFFB0] =	vst v0  }
0x8e: {  	v0 =	vmul.f32 v28, v57;
	[tilespmem:s1+$0xFFFFFFD0] =	vst v2  }
0x8f: {  	v2 =	vmul.f32 v34, v56;
	[tilespmem:s1+$0xFFFFFFC0] =	vst v1  }
0x90: {  	v1 =	vmul.f32 v32, v59;
	[tilespmem:s1+$0xFFFFFFE0] =	vst v0  }
0x91: {  	v0 =	vmul.f32 v36, v55;
	[tilespmem:s1+$0x10] =	vst v2  }
0x92: {  	v2 =	vmul.f32 v44, v54;
	[tilespmem:s1+$0x0] =	vst v1  }
0x93: {  	v1 =	vmul.f32 v38, v53;
	[tilespmem:s1+$0x20] =	vst v0  }
0x94: {  	v0 =	vmul.f32 v40, v52;
	[tilespmem:s1+$0x40] =	vst v2  }
0x95: {  	v2 =	vmul.f32 v39, v46;
	[tilespmem:s1+$0x30] =	vst v1  }
0x96: {  	v1 =	vmul.f32 v33, v50;
	[tilespmem:s1+$0x50] =	vst v0  }
0x97: {  	v0 =	vmul.f32 v29, v9;
	[tilespmem:s1+$0x70] =	vst v2  }
0x98: {  	v2 =	vmul.f32 v31, v8;
	[tilespmem:s1+$0x60] =	vst v1  }
0x99: {  	v1 =	vmul.f32 v30, v11;
	[tilespmem:s1+$0x90] =	vst v0  }
0x9a: {  	v0 =	vmul.f32 v35, v10;
	[tilespmem:s1+$0xB0] =	vst v2  }
0x9b: {  	v2 =	vmul.f32 v41, v12;
	[tilespmem:s1+$0xA0] =	vst v1  }
0x9c: {  	v1 =	vmul.f32 v37, v13;
	[tilespmem:s1+$0xC0] =	vst v0  }
0x9d: {  	v0 =	vmul.f32 v43, v42;
	[tilespmem:s1+$0xE0] =	vst v2  }
0x9e: {  	[tilespmem:s1+$0xD0] =	vst v1  }
0x9f: {  	s7 =	sadd.s32 $0x6BD0, s0;
	[tilespmem:s1+$0xF0] =	vst v0  }
0xa0: {  	[spmem:s2] =	stream.indirect.scatter.add.f32 [tilespmem:s3], [sflag:$0x5], $0x90, s7, s17, $0xb8;
	[tilespmem:$0x1DBA0] =	vst v63  }
0xa1: {  	_ =	swait.ge [sflag:s13], $0x2D00  }
0xa2: {  	[sflag:s13] =	ssyncset.done $0x0  }
0xa3: {  	s10 =	sadd.s32 $0x64A0, s0;
	[sflag:s13] =	ssyncadd.s32 $0xFFFFD300  }
0xa4: {  	[tilespmem:s3], [sflag:$0x1] =	stream.indirect.gather [hbm4b:s4+s17], $0x90, s10, s17, $0xb8;
	[tilespmem:$0x1DBA0] =	vst v63  }
0xa5: {  	s11 =	sadd.s32 $0x6C70, s0  }
0xa6: {  	[tilespmem:s19], [sflag:$0x2] =	stream.indirect.gather [hbm4b:s5+s17], $0x10, s11, s17, $0xb8;
	[tilespmem:$0x1DBA0] =	vst v63  }
0xa7: {  	_ =	swait.ge [sflag:s24], $0x2D00  }
0xa8: {  	[sflag:s24] =	ssyncset.done $0x0  }
0xa9: {  	[sflag:s24] =	ssyncadd.s32 $0xFFFFD300  }
0xaa: {  	_ =	swait.ge [sflag:s25], $0x500  }
0xab: {  	[sflag:s25] =	ssyncset.done $0x0  }
0xac: {  	s0 =	simm.s32 $0x3320;
	[sflag:s25] =	ssyncadd.s32 $0xFFFFFB00  }
0xad: {  	s1 =	simm.s32 $0x5F20;
	v0 =	vld [tilespmem:s0+$0x110]  }
0xae: {  	v1 =	vld [tilespmem:s1+$0x10];
	_ =	sdelay $0x1  }
0xaf: {  	v2 =	vld [tilespmem:s1+$0xFFFFFFE0]  }
0xb0: {  	v3 =	vld [tilespmem:s0+$0xFFFFFFF0]  }
0xb1: {  	v4 =	vld [tilespmem:s1+$0xFFFFFFF0]  }
0xb2: {  	v5 =	vld [tilespmem:s0+$0x80];
	v0 =	vadd.f32 v1, v0  }
0xb3: {  	v6 =	vld [tilespmem:s1+$0x0]  }
0xb4: {  	v42 =	vld [tilespmem:s0+$0xFFFFFEE0];
	v8 =	vmul.f32 $2.000000030e-01, v0  }
0xb5: {  	v14 =	vld [tilespmem:s0+$0xFFFFFEF0];
	vm0 =	vge.f32 v0, $0.0e+00  }
0xb6: {  	v15 =	vld [tilespmem:s0+$0xFFFFFF00];
	v3 =	vadd.f32 v4, v3;
	v0 =	vsel vm0, v0, v8  }
0xb7: {  	v1 =	vld [tilespmem:s0+$0xFFFFFF60];
	v0 =	vmul.f32 $1.442695020e+00, v0  }
0xb8: {  	v16 =	vld [tilespmem:s0+$0xFFFFFF10];
	v4 =	vadd.f32 v6, v5;
	v5 =	vmul.f32 $2.000000030e-01, v3  }
0xb9: {  	v17 =	vld [tilespmem:s0+$0xFFFFFF20];
	vm14 =	vge.f32 v3, $0.0e+00;
	(erf) = vpow2.f32 v0  }
0xba: {  	v18 =	vld [tilespmem:s0+$0xFFFFFF30];
	v3 =	vsel vm14, v3, v5  }
0xbb: {  	v19 =	vld [tilespmem:s0+$0xFFFFFF40];
	v3 =	vmul.f32 $1.442695020e+00, v3  }
0xbc: {  	v20 =	vld [tilespmem:s0+$0xFFFFFF50];
	v1 =	vadd.f32 v2, v1  }
0xbd: {  	v21 =	vld [tilespmem:s0+$0xFFFFFF70];
	v2 =	vmul.f32 $2.000000030e-01, v4;
	(erf) = vpow2.f32 v3  }
0xbe: {  	v22 =	vld [tilespmem:s0+$0xFFFFFF80];
	vm1 =	vge.f32 v4, $0.0e+00;
	v0 =	vmul.f32 $2.000000030e-01, v1  }
0xbf: {  	v23 =	vld [tilespmem:s0+$0xFFFFFF90];
	vm15 =	vge.f32 v1, $0.0e+00;
	v2 =	vsel vm1, v4, v2  }
0xc0: {  	v24 =	vld [tilespmem:s0+$0xFFFFFFA0];
	v0 =	vsel vm15, v1, v0;
	v1 =	vmul.f32 $1.442695020e+00, v2  }
0xc1: {  	v46 =	vimm.s32 $0x7;
	v26 =	vld [tilespmem:s0+$0xFFFFFFB0]  }
0xc2: {  	v53 =	vimm.s32 $0x2;
	v25 =	vld [tilespmem:s0+$0xFFFFFFC0];
	v0 =	vmul.f32 $1.442695020e+00, v0;
	(erf) = vpow2.f32 v1;
	v5 =	vpop (erf)  }
0xc3: {  	v52 =	vimm.s32 $0x3;
	v35 =	vimm.s32 $0x0;
	v27 =	vld [tilespmem:s0+$0xFFFFFFD0];
	v2 =	vperm.xlane v5, v53  }
0xc4: {  	v28 =	vld [tilespmem:s0+$0xFFFFFFE0];
	v8 =	vimm.s32 $0x1;
	(erf) = vpow2.f32 v0;
	v9 =	vperm.xlane v5, v35  }
0xc5: {  	v50 =	vimm.s32 $0x4;
	v0 =	vld [tilespmem:s0+$0x100];
	v1 =	vperm.xlane v5, v46;
	v11 =	vperm.xlane v5, v8;
	[tilespmem:$0x1FFE0] =	vst v2  }
0xc6: {  	v41 =	vimm.s32 $0x5;
	v10 =	vperm.xlane v5, v52;
	v13 =	vperm.xlane v5, v50;
	v6 =	vpop (erf);
	v32 =	vld [tilespmem:s0+$0x0]  }
0xc7: {  	v12 =	vperm.xlane v5, v41;
	v49 =	vperm.xlane v6, v35;
	v34 =	vld [tilespmem:s0+$0x10]  }
0xc8: {  	v47 =	vperm.xlane v6, v8;
	v51 =	vperm.xlane v6, v53;
	v36 =	vld [tilespmem:s0+$0x20]  }
0xc9: {  	v7 =	vimm.s32 $0x6;
	v48 =	vperm.xlane v6, v52;
	v61 =	vperm.xlane v6, v50;
	v38 =	vld [tilespmem:s0+$0x30]  }
0xca: {  	v58 =	vperm.xlane v6, v41;
	v60 =	vperm.xlane v6, v7;
	v44 =	vld [tilespmem:s0+$0x40]  }
0xcb: {  	v57 =	vperm.xlane v6, v46;
	v2 =	vmul.f32 v0, v1;
	v43 =	vpop (erf);
	v40 =	vld [tilespmem:s0+$0x50]  }
0xcc: {  	v33 =	vld [tilespmem:s0+$0x60];
	v59 =	vperm.xlane v43, v35;
	v56 =	vperm.xlane v43, v8  }
0xcd: {  	v29 =	vld [tilespmem:s0+$0x90];
	v37 =	vpop (erf);
	v55 =	vperm.xlane v43, v53;
	v54 =	vperm.xlane v43, v50  }
0xce: {  	v30 =	vld [tilespmem:s0+$0xA0];
	v45 =	vperm.xlane v37, v35;
	v1 =	vperm.xlane v37, v8  }
0xcf: {  	v31 =	vld [tilespmem:s0+$0xB0];
	v4 =	vperm.xlane v37, v53;
	v0 =	vperm.xlane v37, v52  }
0xd0: {  	v39 =	vld [tilespmem:s0+$0x70];
	[tilespmem:s0+$0x110] =	vst v5;
	v3 =	vperm.xlane v37, v50;
	v63 =	vperm.xlane v37, v41  }
0xd1: {  	[tilespmem:s0+$0x100] =	vst v2;
	v2 =	vperm.xlane v37, v7;
	v62 =	vperm.xlane v37, v46;
	v35 =	vld [tilespmem:s0+$0xC0]  }
0xd2: {  	v53 =	vperm.xlane v43, v52;
	[tilespmem:s0+$0xFFFFFF60] =	vst v37;
	v52 =	vperm.xlane v43, v41;
	v37 =	vld [tilespmem:s0+$0xD0]  }
0xd3: {  	[tilespmem:s0+$0xFFFFFFF0] =	vst v6;
	v50 =	vperm.xlane v43, v7;
	v46 =	vperm.xlane v43, v46;
	v41 =	vld [tilespmem:s0+$0xE0]  }
0xd4: {  	s7 =	simm.s32 $0x0;
	s10 =	simm.s32 $0x3560;
	[tilespmem:s0+$0x80] =	vst v43;
	v43 =	vld [tilespmem:s0+$0xF0];
	v45 =	vmul.f32 v42, v45;
	v42 =	vperm.xlane v5, v7  }
.LBB2_6:
0xd5: {  	v1 =	vmul.f32 v14, v1  }
0xd6: {  	s1 =	sadd.s32 $0x40, s1;
	[tilespmem:s0+$0xFFFFFEE0] =	vst v45;
	v4 =	vmul.f32 v15, v4  }
0xd7: {  	v0 =	vmul.f32 v16, v0;
	v3 =	vmul.f32 v17, v3;
	v17 =	vld [tilespmem:s1+$0xFFFFFFE0];
	[tilespmem:s0+$0xFFFFFEF0] =	vst v1  }
0xd8: {  	v5 =	vld [tilespmem:s10+$0x110];
	[tilespmem:s0+$0xFFFFFF00] =	vst v4  }
0xd9: {  	v6 =	vld [tilespmem:s1+$0x10];
	v16 =	vmul.f32 v21, v49;
	[tilespmem:s0+$0xFFFFFF10] =	vst v0  }
0xda: {  	v2 =	vmul.f32 v19, v2;
	v19 =	vmul.f32 v23, v51;
	[tilespmem:s0+$0xFFFFFF20] =	vst v3  }
0xdb: {  	v1 =	vmul.f32 v18, v63;
	v18 =	vld [tilespmem:s1+$0xFFFFFFF0];
	[tilespmem:s0+$0xFFFFFF70] =	vst v16  }
0xdc: {  	v15 =	vld [tilespmem:s10+$0xFFFFFFF0];
	v0 =	vmul.f32 v22, v47;
	[tilespmem:s0+$0xFFFFFF90] =	vst v19  }
0xdd: {  	v4 =	vmul.f32 v20, v62;
	v20 =	vld [tilespmem:s10+$0x80];
	v3 =	vmul.f32 v24, v48;
	[tilespmem:s0+$0xFFFFFF30] =	vst v1  }
0xde: {  	v22 =	vld [tilespmem:s1+$0x0];
	v5 =	vadd.f32 v6, v5;
	v6 =	vmul.f32 v27, v60;
	[tilespmem:s0+$0xFFFFFF80] =	vst v0  }
0xdf: {  	v21 =	vmul.f32 v26, v61;
	v24 =	vmul.f32 v32, v59;
	v45 =	vld [tilespmem:s10+$0xFFFFFEE0];
	[tilespmem:s0+$0xFFFFFFA0] =	vst v3  }
0xe0: {  	v27 =	vmul.f32 v36, v55;
	v14 =	vld [tilespmem:s10+$0xFFFFFEF0];
	v1 =	vmul.f32 v25, v58;
	[tilespmem:s0+$0xFFFFFFD0] =	vst v6  }
0xe1: {  	v25 =	vmul.f32 $2.000000030e-01, v5;
	v0 =	vmul.f32 v38, v53;
	v23 =	vld [tilespmem:s10+$0xFFFFFF60];
	[tilespmem:s0+$0xFFFFFF40] =	vst v2  }
0xe2: {  	vm0 =	vge.f32 v5, $0.0e+00;
	v3 =	vmul.f32 v40, v52;
	v6 =	vmul.f32 v33, v50;
	[tilespmem:s0+$0xFFFFFF50] =	vst v4;
	v16 =	vld [tilespmem:s10+$0xFFFFFF10]  }
0xe3: {  	[tilespmem:s0+$0xFFFFFFB0] =	vst v21;
	v58 =	vmul.f32 v43, v42;
	v5 =	vsel vm0, v5, v25;
	v19 =	vld [tilespmem:s10+$0xFFFFFF40];
	v26 =	vadd.f32 v18, v15  }
0xe4: {  	v2 =	vmul.f32 v28, v57;
	[tilespmem:s0+$0x30] =	vst v0;
	v0 =	vld [tilespmem:$0x1FFE0];
	v5 =	vmul.f32 $1.442695020e+00, v5  }
0xe5: {  	[tilespmem:s0+$0x0] =	vst v24;
	v4 =	vmul.f32 v34, v56;
	v15 =	vld [tilespmem:s10+$0xFFFFFF00];
	v28 =	vmul.f32 $2.000000030e-01, v26  }
0xe6: {  	[tilespmem:s0+$0x20] =	vst v27;
	v22 =	vadd.f32 v22, v20;
	v18 =	vld [tilespmem:s10+$0xFFFFFF30];
	vm15 =	vge.f32 v26, $0.0e+00;
	(erf) = vpow2.f32 v5  }
0xe7: {  	v25 =	vmul.f32 v44, v54;
	[tilespmem:s0+$0xFFFFFFC0] =	vst v1;
	v20 =	vld [tilespmem:s10+$0xFFFFFF50];
	v23 =	vadd.f32 v17, v23;
	v21 =	vsel vm15, v26, v28  }
0xe8: {  	[tilespmem:s0+$0xFFFFFFE0] =	vst v2;
	v24 =	vld [tilespmem:s10+$0xFFFFFFA0];
	v57 =	vmul.f32 $2.000000030e-01, v22;
	v1 =	vmul.f32 $1.442695020e+00, v21  }
0xe9: {  	v2 =	vmul.f32 v39, v46;
	[tilespmem:s0+$0x40] =	vst v25;
	v25 =	vld [tilespmem:s10+$0xFFFFFFC0];
	vm1 =	vge.f32 v22, $0.0e+00;
	v5 =	vmul.f32 $2.000000030e-01, v23  }
0xea: {  	[tilespmem:s0+$0x10] =	vst v4;
	v27 =	vld [tilespmem:s10+$0xFFFFFFD0];
	v22 =	vsel vm1, v22, v57;
	vm2 =	vge.f32 v23, $0.0e+00;
	(erf) = vpow2.f32 v1  }
0xeb: {  	v4 =	vmul.f32 v30, v11;
	v32 =	vld [tilespmem:s10+$0x0];
	v26 =	vmul.f32 $1.442695020e+00, v22;
	v5 =	vsel vm2, v23, v5  }
0xec: {  	v43 =	vimm.s32 $0x7;
	[tilespmem:s0+$0x50] =	vst v3;
	v30 =	vmul.f32 v37, v13;
	v34 =	vld [tilespmem:s10+$0x10];
	v5 =	vmul.f32 $1.442695020e+00, v5  }
0xed: {  	v53 =	vimm.s32 $0x2;
	v36 =	vld [tilespmem:s10+$0x20];
	v0 =	vmul.f32 v31, v0;
	(erf) = vpow2.f32 v26  }
0xee: {  	v52 =	vimm.s32 $0x3;
	[tilespmem:s0+$0x60] =	vst v6;
	v31 =	vmul.f32 v41, v12;
	(erf) = vpow2.f32 v5;
	v5 =	vld [tilespmem:s10+$0x100]  }
0xef: {  	v54 =	vimm.s32 $0x0;
	v38 =	vld [tilespmem:s10+$0x30];
	v1 =	vmul.f32 v29, v9;
	v29 =	vmul.f32 v35, v10;
	v7 =	vpop (erf)  }
0xf0: {  	v46 =	vimm.s32 $0x1;
	[tilespmem:s0+$0x70] =	vst v2;
	v17 =	vld [tilespmem:s10+$0xFFFFFF20];
	v9 =	vperm.xlane v7, v54;
	v3 =	vperm.xlane v7, v43  }
0xf1: {  	v50 =	vimm.s32 $0x4;
	v44 =	vld [tilespmem:s10+$0x40];
	v11 =	vperm.xlane v7, v46;
	v8 =	vperm.xlane v7, v53  }
0xf2: {  	v40 =	vld [tilespmem:s10+$0x50];
	v41 =	vimm.s32 $0x5;
	v10 =	vperm.xlane v7, v52;
	v13 =	vperm.xlane v7, v50  }
0xf3: {  	[tilespmem:s0+$0xA0] =	vst v4;
	v33 =	vld [tilespmem:s10+$0x60];
	v12 =	vperm.xlane v7, v41;
	v2 =	vmul.f32 v5, v3;
	v5 =	vpop (erf)  }
0xf4: {  	v39 =	vld [tilespmem:s10+$0x70];
	[tilespmem:s0+$0xB0] =	vst v0;
	v49 =	vperm.xlane v5, v54;
	v47 =	vperm.xlane v5, v46  }
0xf5: {  	v28 =	vld [tilespmem:s10+$0xFFFFFFE0];
	[tilespmem:$0x1FFE0] =	vst v8;
	v8 =	vimm.s32 $0x6;
	v51 =	vperm.xlane v5, v53;
	v48 =	vperm.xlane v5, v52  }
0xf6: {  	v21 =	vld [tilespmem:s10+$0xFFFFFF70];
	[tilespmem:s10+$0x100] =	vst v2;
	v61 =	vperm.xlane v5, v50;
	v60 =	vperm.xlane v5, v8  }
0xf7: {  	v22 =	vld [tilespmem:s10+$0xFFFFFF80];
	v6 =	vpop (erf);
	v57 =	vperm.xlane v5, v43;
	[tilespmem:s0+$0xF0] =	vst v58;
	v58 =	vperm.xlane v5, v41  }
0xf8: {  	v23 =	vld [tilespmem:s10+$0xFFFFFF90];
	[tilespmem:s0+$0x90] =	vst v1;
	v56 =	vperm.xlane v6, v46;
	v55 =	vperm.xlane v6, v53;
	v59 =	vpop (erf)  }
0xf9: {  	v26 =	vld [tilespmem:s10+$0xFFFFFFB0];
	[tilespmem:s0+$0xC0] =	vst v29;
	v42 =	vperm.xlane v59, v54;
	v1 =	vperm.xlane v59, v46  }
0xfa: {  	s7 =	sadd.s32 $0x4, s7;
	v29 =	vld [tilespmem:s10+$0x90];
	[tilespmem:s0+$0xD0] =	vst v30;
	v4 =	vperm.xlane v59, v53;
	v0 =	vperm.xlane v59, v52  }
0xfb: {  	p0 =	slt.u32 s7, $0x4C;
	[tilespmem:s0+$0xE0] =	vst v31;
	v30 =	vld [tilespmem:s10+$0xA0];
	v3 =	vperm.xlane v59, v50;
	v63 =	vperm.xlane v59, v41  }
.Ltmp1:
0xfc: {  	v31 =	vld [tilespmem:s10+$0xB0];
	v2 =	vperm.xlane v59, v8;
	v62 =	vperm.xlane v59, v43;
	(pc) =	sbr.rel @p0 .LBB2_6-.Ltmp1, $4  }
0xfd: {  	v35 =	vld [tilespmem:s10+$0xC0];
	[tilespmem:s10+$0xFFFFFF60] =	vst v59;
	v59 =	vperm.xlane v6, v54;
	v53 =	vperm.xlane v6, v52  }
0xfe: {  	[tilespmem:s10+$0xFFFFFFF0] =	vst v5;
	v37 =	vld [tilespmem:s10+$0xD0];
	v54 =	vperm.xlane v6, v50;
	v52 =	vperm.xlane v6, v41  }
0xff: {  	s0 =	smov.u32 s10;
	[tilespmem:s10+$0x110] =	vst v7;
	v50 =	vperm.xlane v6, v8;
	v46 =	vperm.xlane v6, v43;
	v41 =	vld [tilespmem:s10+$0xE0]  }
0x100: {  	[tilespmem:s10+$0x80] =	vst v6;
	v43 =	vld [tilespmem:s0+$0xF0];
	s10 =	sadd.s32 $0x240, s10;
	v45 =	vmul.f32 v45, v42;
	v42 =	vperm.xlane v7, v8  }
0x101: {  	v1 =	vmul.f32 v14, v1  }
0x102: {  	v4 =	vmul.f32 v15, v4;
	[tilespmem:s0+$0xFFFFFEE0] =	vst v45  }
0x103: {  	v0 =	vmul.f32 v16, v0;
	[tilespmem:s0+$0xFFFFFEF0] =	vst v1  }
0x104: {  	v16 =	vmul.f32 v17, v3;
	[tilespmem:s0+$0xFFFFFF00] =	vst v4  }
0x105: {  	v17 =	vmul.f32 v18, v63;
	[tilespmem:s0+$0xFFFFFF10] =	vst v0  }
0x106: {  	v18 =	vmul.f32 v19, v2;
	[tilespmem:s0+$0xFFFFFF20] =	vst v16  }
0x107: {  	v19 =	vmul.f32 v20, v62;
	[tilespmem:s0+$0xFFFFFF30] =	vst v17  }
0x108: {  	v20 =	vmul.f32 v21, v49;
	[tilespmem:s0+$0xFFFFFF40] =	vst v18  }
0x109: {  	v21 =	vmul.f32 v22, v47;
	[tilespmem:s0+$0xFFFFFF50] =	vst v19  }
0x10a: {  	v22 =	vmul.f32 v23, v51;
	[tilespmem:s0+$0xFFFFFF70] =	vst v20  }
0x10b: {  	v23 =	vmul.f32 v24, v48;
	[tilespmem:s0+$0xFFFFFF80] =	vst v21  }
0x10c: {  	v24 =	vmul.f32 v26, v61;
	[tilespmem:s0+$0xFFFFFF90] =	vst v22  }
0x10d: {  	v26 =	vmul.f32 v25, v58;
	[tilespmem:s0+$0xFFFFFFA0] =	vst v23  }
0x10e: {  	v47 =	vmul.f32 v28, v57;
	[tilespmem:s0+$0xFFFFFFB0] =	vst v24  }
0x10f: {  	v48 =	vmul.f32 v32, v59;
	[tilespmem:s0+$0xFFFFFFC0] =	vst v26  }
0x110: {  	v49 =	vmul.f32 v34, v56;
	[tilespmem:s0+$0xFFFFFFE0] =	vst v47  }
0x111: {  	v51 =	vmul.f32 v36, v55;
	[tilespmem:s0+$0x0] =	vst v48  }
0x112: {  	v53 =	vmul.f32 v38, v53;
	[tilespmem:s0+$0x10] =	vst v49  }
0x113: {  	v54 =	vmul.f32 v44, v54;
	[tilespmem:s0+$0x20] =	vst v51  }
0x114: {  	v55 =	vmul.f32 v40, v52;
	[tilespmem:s0+$0x30] =	vst v53  }
0x115: {  	v56 =	vmul.f32 v33, v50;
	[tilespmem:s0+$0x40] =	vst v54  }
0x116: {  	v57 =	vmul.f32 v39, v46;
	[tilespmem:s0+$0x50] =	vst v55  }
0x117: {  	v45 =	vmul.f32 v27, v60;
	[tilespmem:s0+$0x60] =	vst v56  }
0x118: {  	[tilespmem:s0+$0x70] =	vst v57  }
0x119: {  	v58 =	vmul.f32 v29, v9;
	[tilespmem:s0+$0xFFFFFFD0] =	vst v45  }
0x11a: {  	v59 =	vmul.f32 v30, v11;
	v2 =	vld [tilespmem:$0x1FFE0]  }
0x11b: {  	v60 =	vmul.f32 v35, v10;
	[tilespmem:s0+$0x90] =	vst v58  }
0x11c: {  	v61 =	vmul.f32 v37, v13;
	[tilespmem:s0+$0xA0] =	vst v59  }
0x11d: {  	v62 =	vmul.f32 v41, v12;
	[tilespmem:s0+$0xC0] =	vst v60  }
0x11e: {  	v63 =	vmul.f32 v43, v42;
	[tilespmem:s0+$0xD0] =	vst v61  }
0x11f: {  	s30 =	sadd.s32 $0x1, s30;
	[tilespmem:s0+$0xE0] =	vst v62;
	v2 =	vmul.f32 v31, v2  }
0x120: {  	p0 =	sne.s32 s30, $0xC;
	[tilespmem:s0+$0xF0] =	vst v63  }
.Ltmp2:
0x121: {  	[tilespmem:s0+$0xB0] =	vst v2;
	(pc) =	sbr.rel @p0 .LBB2_3-.Ltmp2, $4  }
0x122: {  	[spmem:s2] =	stream.indirect.scatter.add.f32 [tilespmem:s20], [sflag:$0x5], $0x90, s31, s17, $0xb8;
	[tilespmem:$0x1DBA0] =	vst v63  }
0x123: {  	v46 =	vimm.s32 $0x2;
	_ =	swait.ge [sflag:s13], $0x2D00  }
0x124: {  	v50 =	vimm.s32 $0x3;
	v29 =	vimm.s32 $0x6;
	v35 =	vimm.s32 $0x1;
	[sflag:s13] =	ssyncset.done $0x0  }
0x125: {  	v54 =	vimm.s32 $0x4;
	v41 =	vimm.s32 $0x5;
	v45 =	vimm.s32 $0x7;
	[sflag:s13] =	ssyncadd.s32 $0xFFFFD300  }
0x126: {  	_ =	swait.ge [sflag:s22], $0x2D00  }
0x127: {  	[sflag:s22] =	ssyncset.done $0x0  }
0x128: {  	[sflag:s22] =	ssyncadd.s32 $0xFFFFD300  }
0x129: {  	_ =	swait.ge [sflag:s23], $0x500  }
0x12a: {  	[sflag:s23] =	ssyncset.done $0x0  }
0x12b: {  	s0 =	simm.s32 $0x120;
	[sflag:s23] =	ssyncadd.s32 $0xFFFFFB00  }
0x12c: {  	s1 =	simm.s32 $0x2D20;
	v0 =	vld [tilespmem:s0+$0x110]  }
0x12d: {  	v1 =	vld [tilespmem:s1+$0x10]  }
0x12e: {  	v2 =	vld [tilespmem:s1+$0xFFFFFFE0]  }
0x12f: {  	v7 =	vld [tilespmem:s0+$0xFFFFFEE0]  }
0x130: {  	v3 =	vld [tilespmem:s0+$0xFFFFFFF0]  }
0x131: {  	v4 =	vld [tilespmem:s1+$0xFFFFFFF0]  }
0x132: {  	v5 =	vld [tilespmem:s0+$0x80]  }
0x133: {  	v6 =	vld [tilespmem:s1+$0x0];
	v0 =	vadd.f32 v1, v0  }
0x134: {  	v1 =	vld [tilespmem:s0+$0xFFFFFF60];
	[tilespmem:$0x1FFD0] =	vst v7  }
0x135: {  	v14 =	vld [tilespmem:s0+$0xFFFFFEF0];
	v8 =	vmul.f32 $2.000000030e-01, v0  }
0x136: {  	v3 =	vadd.f32 v4, v3;
	v15 =	vld [tilespmem:s0+$0xFFFFFF00];
	vm0 =	vge.f32 v0, $0.0e+00  }
0x137: {  	v16 =	vld [tilespmem:s0+$0xFFFFFF10];
	v0 =	vsel vm0, v0, v8  }
0x138: {  	v4 =	vadd.f32 v6, v5;
	v17 =	vld [tilespmem:s0+$0xFFFFFF20];
	v5 =	vmul.f32 $2.000000030e-01, v3;
	v0 =	vmul.f32 $1.442695020e+00, v0  }
0x139: {  	v18 =	vld [tilespmem:s0+$0xFFFFFF30];
	vm14 =	vge.f32 v3, $0.0e+00  }
0x13a: {  	v19 =	vld [tilespmem:s0+$0xFFFFFF40];
	v3 =	vsel vm14, v3, v5;
	(erf) = vpow2.f32 v0  }
0x13b: {  	v20 =	vld [tilespmem:s0+$0xFFFFFF50];
	v3 =	vmul.f32 $1.442695020e+00, v3  }
0x13c: {  	v21 =	vld [tilespmem:s0+$0xFFFFFF70];
	v1 =	vadd.f32 v2, v1  }
0x13d: {  	v22 =	vld [tilespmem:s0+$0xFFFFFF80];
	v2 =	vmul.f32 $2.000000030e-01, v4;
	(erf) = vpow2.f32 v3  }
0x13e: {  	v23 =	vld [tilespmem:s0+$0xFFFFFF90];
	vm1 =	vge.f32 v4, $0.0e+00;
	v0 =	vmul.f32 $2.000000030e-01, v1  }
0x13f: {  	v24 =	vld [tilespmem:s0+$0xFFFFFFA0];
	vm15 =	vge.f32 v1, $0.0e+00;
	v2 =	vsel vm1, v4, v2  }
0x140: {  	v26 =	vld [tilespmem:s0+$0xFFFFFFB0];
	v0 =	vsel vm15, v1, v0;
	v1 =	vmul.f32 $1.442695020e+00, v2  }
0x141: {  	v25 =	vld [tilespmem:s0+$0xFFFFFFC0];
	v0 =	vmul.f32 $1.442695020e+00, v0  }
0x142: {  	v27 =	vld [tilespmem:s0+$0xFFFFFFD0];
	(erf) = vpow2.f32 v1  }
0x143: {  	v39 =	vimm.s32 $0x0;
	v28 =	vld [tilespmem:s0+$0xFFFFFFE0];
	(erf) = vpow2.f32 v0;
	v5 =	vpop (erf)  }
0x144: {  	v32 =	vld [tilespmem:s0+$0x0];
	v9 =	vperm.xlane v5, v39;
	v1 =	vperm.xlane v5, v45  }
0x145: {  	v0 =	vld [tilespmem:s0+$0x100];
	v11 =	vperm.xlane v5, v35;
	v8 =	vperm.xlane v5, v46  }
0x146: {  	v34 =	vld [tilespmem:s0+$0x10];
	v10 =	vperm.xlane v5, v50;
	v13 =	vperm.xlane v5, v54;
	v6 =	vpop (erf)  }
0x147: {  	v36 =	vld [tilespmem:s0+$0x20];
	v12 =	vperm.xlane v5, v41;
	v49 =	vperm.xlane v6, v39  }
0x148: {  	v38 =	vld [tilespmem:s0+$0x30];
	v47 =	vperm.xlane v6, v35;
	v51 =	vperm.xlane v6, v46  }
0x149: {  	v44 =	vld [tilespmem:s0+$0x40];
	v48 =	vperm.xlane v6, v50;
	v61 =	vperm.xlane v6, v54  }
0x14a: {  	v7 =	vimm.s32 $0x6;
	v40 =	vld [tilespmem:s0+$0x50];
	[tilespmem:s0+$0x110] =	vst v5;
	v58 =	vperm.xlane v6, v41;
	v2 =	vmul.f32 v0, v1  }
0x14b: {  	v33 =	vld [tilespmem:s0+$0x60];
	v60 =	vperm.xlane v6, v7;
	v57 =	vperm.xlane v6, v45;
	[tilespmem:s0+$0xFFFFFFF0] =	vst v6;
	v42 =	vpop (erf)  }
0x14c: {  	v30 =	vld [tilespmem:s0+$0xA0];
	[tilespmem:s0+$0x100] =	vst v2;
	v59 =	vperm.xlane v42, v39;
	v56 =	vperm.xlane v42, v35  }
0x14d: {  	v31 =	vld [tilespmem:s0+$0xB0];
	v37 =	vpop (erf);
	v55 =	vperm.xlane v42, v46;
	v53 =	vperm.xlane v42, v50;
	[tilespmem:s0+$0x80] =	vst v42  }
0x14e: {  	v52 =	vperm.xlane v42, v41;
	v2 =	vperm.xlane v37, v29;
	v29 =	vld [tilespmem:s0+$0x90];
	[tilespmem:s0+$0xFFFFFF60] =	vst v37  }
0x14f: {  	v43 =	vperm.xlane v37, v39;
	v1 =	vperm.xlane v37, v35;
	v6 =	vld [tilespmem:$0x1FFD0]  }
0x150: {  	v4 =	vperm.xlane v37, v46;
	v0 =	vperm.xlane v37, v50;
	v35 =	vld [tilespmem:s0+$0xC0]  }
0x151: {  	v3 =	vperm.xlane v37, v54;
	v63 =	vperm.xlane v37, v41;
	v39 =	vld [tilespmem:s0+$0x70]  }
0x152: {  	v62 =	vperm.xlane v37, v45;
	v54 =	vperm.xlane v42, v54;
	v37 =	vld [tilespmem:s0+$0xD0]  }
0x153: {  	v50 =	vperm.xlane v42, v7;
	v46 =	vperm.xlane v42, v45;
	v41 =	vld [tilespmem:s0+$0xE0]  }
0x154: {  	s7 =	simm.s32 $0x0;
	s10 =	simm.s32 $0x360;
	v42 =	vperm.xlane v5, v7;
	v45 =	vmul.f32 v6, v43;
	v43 =	vld [tilespmem:s0+$0xF0]  }
.LBB2_9:
0x155: {  	v4 =	vmul.f32 v15, v4  }
0x156: {  	s1 =	sadd.s32 $0x40, s1;
	[tilespmem:s0+$0xFFFFFEE0] =	vst v45;
	v1 =	vmul.f32 v14, v1  }
0x157: {  	v7 =	vld [tilespmem:s1+$0xFFFFFFE0];
	[tilespmem:s0+$0xFFFFFF00] =	vst v4;
	v0 =	vmul.f32 v16, v0  }
0x158: {  	v3 =	vmul.f32 v17, v3;
	[tilespmem:s0+$0xFFFFFEF0] =	vst v1  }
0x159: {  	v5 =	vld [tilespmem:s10+$0x110];
	v16 =	vmul.f32 v21, v49;
	[tilespmem:s0+$0xFFFFFF10] =	vst v0  }
0x15a: {  	v6 =	vld [tilespmem:s1+$0x10];
	v4 =	vmul.f32 v20, v62;
	v20 =	vmul.f32 v26, v61;
	[tilespmem:s0+$0xFFFFFF20] =	vst v3  }
0x15b: {  	v17 =	vld [tilespmem:s1+$0xFFFFFFF0];
	v1 =	vmul.f32 v18, v63;
	[tilespmem:s0+$0xFFFFFF70] =	vst v16  }
0x15c: {  	v15 =	vld [tilespmem:s10+$0xFFFFFFF0];
	v0 =	vmul.f32 v22, v47;
	[tilespmem:s0+$0xFFFFFFB0] =	vst v20  }
0x15d: {  	v2 =	vmul.f32 v19, v2;
	v19 =	vld [tilespmem:s10+$0x80];
	v18 =	vmul.f32 v23, v51;
	[tilespmem:s0+$0xFFFFFF30] =	vst v1  }
0x15e: {  	v21 =	vld [tilespmem:s1+$0x0];
	v3 =	vmul.f32 v24, v48;
	[tilespmem:s0+$0xFFFFFF80] =	vst v0  }
0x15f: {  	v14 =	vld [tilespmem:s10+$0xFFFFFEE0];
	[tilespmem:s0+$0xFFFFFF90] =	vst v18  }
0x160: {  	v26 =	vmul.f32 v36, v55;
	v5 =	vadd.f32 v6, v5;
	[tilespmem:s0+$0xFFFFFFA0] =	vst v3;
	v22 =	vld [tilespmem:s10+$0xFFFFFF60]  }
0x161: {  	v6 =	vmul.f32 v27, v60;
	v23 =	vmul.f32 v32, v59;
	[tilespmem:s0+$0xFFFFFF40] =	vst v2;
	v45 =	vld [tilespmem:s10+$0xFFFFFF00]  }
0x162: {  	v27 =	vmul.f32 v44, v54;
	v24 =	vmul.f32 $2.000000030e-01, v5;
	[tilespmem:s0+$0xFFFFFF50] =	vst v4;
	v16 =	vld [tilespmem:s10+$0xFFFFFF10]  }
0x163: {  	v1 =	vmul.f32 v25, v58;
	vm0 =	vge.f32 v5, $0.0e+00;
	[tilespmem:s0+$0xFFFFFFD0] =	vst v6;
	v25 =	vadd.f32 v17, v15;
	v17 =	vld [tilespmem:s10+$0xFFFFFF20]  }
0x164: {  	v0 =	vmul.f32 v38, v53;
	v3 =	vmul.f32 v40, v52;
	[tilespmem:s0+$0x0] =	vst v23;
	v5 =	vsel vm0, v5, v24;
	v18 =	vld [tilespmem:s10+$0xFFFFFF30]  }
0x165: {  	v2 =	vmul.f32 v28, v57;
	v21 =	vadd.f32 v21, v19;
	v19 =	vld [tilespmem:s10+$0xFFFFFF40];
	[tilespmem:s0+$0xFFFFFFC0] =	vst v1;
	v5 =	vmul.f32 $1.442695020e+00, v5  }
0x166: {  	v6 =	vmul.f32 v33, v50;
	v20 =	vld [tilespmem:s10+$0xFFFFFF50];
	[tilespmem:s0+$0x30] =	vst v0;
	v24 =	vmul.f32 $2.000000030e-01, v25  }
0x167: {  	v4 =	vmul.f32 v34, v56;
	vm15 =	vge.f32 v25, $0.0e+00;
	[tilespmem:s0+$0xFFFFFFE0] =	vst v2;
	v23 =	vld [tilespmem:s10+$0xFFFFFF90];
	(erf) = vpow2.f32 v5  }
0x168: {  	v0 =	vmul.f32 v31, v8;
	[tilespmem:$0x1FFC0] =	vst v14;
	v14 =	vld [tilespmem:s10+$0xFFFFFEF0];
	v24 =	vsel vm15, v25, v24;
	v7 =	vadd.f32 v7, v22  }
0x169: {  	[tilespmem:s0+$0x20] =	vst v26;
	v26 =	vld [tilespmem:s10+$0xFFFFFFB0];
	v22 =	vmul.f32 $2.000000030e-01, v21;
	v1 =	vmul.f32 $1.442695020e+00, v24  }
0x16a: {  	[tilespmem:s0+$0x40] =	vst v27;
	v31 =	vmul.f32 v43, v42;
	vm1 =	vge.f32 v21, $0.0e+00;
	v27 =	vld [tilespmem:s10+$0xFFFFFFD0];
	v5 =	vmul.f32 $2.000000030e-01, v7  }
0x16b: {  	[tilespmem:s0+$0x10] =	vst v4;
	v28 =	vld [tilespmem:s10+$0xFFFFFFE0];
	vm2 =	vge.f32 v7, $0.0e+00;
	v22 =	vsel vm1, v21, v22;
	(erf) = vpow2.f32 v1  }
0x16c: {  	v2 =	vmul.f32 v39, v46;
	v32 =	vld [tilespmem:s10+$0x0];
	v5 =	vsel vm2, v7, v5;
	v7 =	vmul.f32 $1.442695020e+00, v22  }
0x16d: {  	v52 =	vimm.s32 $0x2;
	[tilespmem:s0+$0x50] =	vst v3;
	v4 =	vmul.f32 v30, v11;
	v34 =	vld [tilespmem:s10+$0x10];
	v5 =	vmul.f32 $1.442695020e+00, v5  }
0x16e: {  	v50 =	vimm.s32 $0x3;
	v30 =	vmul.f32 v41, v12;
	v36 =	vld [tilespmem:s10+$0x20];
	(erf) = vpow2.f32 v7  }
0x16f: {  	v15 =	vimm.s32 $0x7;
	[tilespmem:s0+$0x60] =	vst v6;
	v1 =	vmul.f32 v29, v9;
	(erf) = vpow2.f32 v5;
	v5 =	vld [tilespmem:s10+$0x100]  }
0x170: {  	v38 =	vld [tilespmem:s10+$0x30];
	v29 =	vmul.f32 v37, v13;
	v37 =	vimm.s32 $0x0;
	v7 =	vmul.f32 v35, v10;
	v8 =	vpop (erf)  }
0x171: {  	v41 =	vimm.s32 $0x1;
	v25 =	vld [tilespmem:s10+$0xFFFFFFC0];
	[tilespmem:$0x1FFB0] =	vst v14;
	v14 =	vperm.xlane v8, v37;
	v3 =	vperm.xlane v8, v15  }
0x172: {  	v46 =	vimm.s32 $0x4;
	[tilespmem:s0+$0x70] =	vst v2;
	v24 =	vld [tilespmem:s10+$0xFFFFFFA0];
	v11 =	vperm.xlane v8, v41;
	v43 =	vperm.xlane v8, v52  }
0x173: {  	v44 =	vld [tilespmem:s10+$0x40];
	v9 =	vimm.s32 $0x5;
	v10 =	vperm.xlane v8, v50;
	v13 =	vperm.xlane v8, v46  }
0x174: {  	[tilespmem:s0+$0xB0] =	vst v0;
	v40 =	vld [tilespmem:s10+$0x50];
	v12 =	vperm.xlane v8, v9;
	v2 =	vmul.f32 v5, v3;
	v5 =	vpop (erf)  }
0x175: {  	[tilespmem:s0+$0xA0] =	vst v4;
	v33 =	vld [tilespmem:s10+$0x60];
	v49 =	vperm.xlane v5, v37;
	v47 =	vperm.xlane v5, v41  }
0x176: {  	v39 =	vld [tilespmem:s10+$0x70];
	[tilespmem:s0+$0x90] =	vst v1;
	v51 =	vperm.xlane v5, v52;
	v48 =	vperm.xlane v5, v50  }
0x177: {  	v21 =	vld [tilespmem:s10+$0xFFFFFF70];
	[tilespmem:s0+$0xC0] =	vst v7;
	v7 =	vimm.s32 $0x6;
	v61 =	vperm.xlane v5, v46;
	v58 =	vperm.xlane v5, v9  }
0x178: {  	v22 =	vld [tilespmem:s10+$0xFFFFFF80];
	v60 =	vperm.xlane v5, v7;
	v57 =	vperm.xlane v5, v15;
	[tilespmem:s10+$0xFFFFFFF0] =	vst v5;
	v6 =	vpop (erf)  }
0x179: {  	v5 =	vld [tilespmem:$0x1FFC0];
	[tilespmem:s10+$0x100] =	vst v2;
	v56 =	vperm.xlane v6, v41;
	v55 =	vperm.xlane v6, v52  }
0x17a: {  	[tilespmem:s0+$0xD0] =	vst v29;
	v29 =	vld [tilespmem:s10+$0x90];
	v59 =	vpop (erf);
	v53 =	vperm.xlane v6, v50;
	v54 =	vperm.xlane v6, v46  }
0x17b: {  	s7 =	sadd.s32 $0x4, s7;
	[tilespmem:s0+$0xE0] =	vst v30;
	v30 =	vld [tilespmem:s10+$0xA0];
	v42 =	vperm.xlane v59, v37;
	v1 =	vperm.xlane v59, v41  }
0x17c: {  	p0 =	slt.u32 s7, $0x4C;
	[tilespmem:s0+$0xF0] =	vst v31;
	v31 =	vld [tilespmem:s10+$0xB0];
	v4 =	vperm.xlane v59, v52;
	v0 =	vperm.xlane v59, v50  }
.Ltmp3:
0x17d: {  	v35 =	vld [tilespmem:s10+$0xC0];
	v3 =	vperm.xlane v59, v46;
	v63 =	vperm.xlane v59, v9;
	(pc) =	sbr.rel @p0 .LBB2_9-.Ltmp3, $4  }
0x17e: {  	v2 =	vperm.xlane v59, v7;
	v52 =	vperm.xlane v6, v9;
	v9 =	vmov v14;
	v14 =	vld [tilespmem:$0x1FFB0]  }
0x17f: {  	v62 =	vperm.xlane v59, v15;
	[tilespmem:s10+$0xFFFFFF60] =	vst v59;
	v59 =	vperm.xlane v6, v37;
	v37 =	vld [tilespmem:s10+$0xD0]  }
0x180: {  	s0 =	smov.u32 s10;
	[tilespmem:s10+$0x110] =	vst v8;
	v50 =	vperm.xlane v6, v7;
	v46 =	vperm.xlane v6, v15;
	v41 =	vld [tilespmem:s10+$0xE0]  }
0x181: {  	[tilespmem:s10+$0x80] =	vst v6;
	v15 =	vmovc v45;
	s10 =	sadd.s32 $0x240, s10;
	v45 =	vmul.f32 v5, v42;
	v42 =	vperm.xlane v8, v7;
	v8 =	vmov v43;
	v43 =	vld [tilespmem:s0+$0xF0]  }
0x182: {  	v4 =	vmul.f32 v15, v4  }
0x183: {  	v0 =	vmul.f32 v16, v0;
	[tilespmem:s0+$0xFFFFFEE0] =	vst v45  }
0x184: {  	v16 =	vmul.f32 v17, v3;
	[tilespmem:s0+$0xFFFFFF00] =	vst v4  }
0x185: {  	v17 =	vmul.f32 v18, v63;
	[tilespmem:s0+$0xFFFFFF10] =	vst v0  }
0x186: {  	v18 =	vmul.f32 v19, v2;
	[tilespmem:s0+$0xFFFFFF20] =	vst v16  }
0x187: {  	v19 =	vmul.f32 v20, v62;
	[tilespmem:s0+$0xFFFFFF30] =	vst v17  }
0x188: {  	v20 =	vmul.f32 v21, v49;
	[tilespmem:s0+$0xFFFFFF40] =	vst v18  }
0x189: {  	v21 =	vmul.f32 v22, v47;
	[tilespmem:s0+$0xFFFFFF50] =	vst v19  }
0x18a: {  	v22 =	vmul.f32 v23, v51;
	[tilespmem:s0+$0xFFFFFF70] =	vst v20  }
0x18b: {  	v23 =	vmul.f32 v24, v48;
	[tilespmem:s0+$0xFFFFFF80] =	vst v21  }
0x18c: {  	v24 =	vmul.f32 v26, v61;
	[tilespmem:s0+$0xFFFFFF90] =	vst v22  }
0x18d: {  	v25 =	vmul.f32 v25, v58;
	[tilespmem:s0+$0xFFFFFFA0] =	vst v23  }
0x18e: {  	v26 =	vmul.f32 v27, v60;
	[tilespmem:s0+$0xFFFFFFB0] =	vst v24  }
0x18f: {  	v47 =	vmul.f32 v32, v59;
	[tilespmem:s0+$0xFFFFFFC0] =	vst v25  }
0x190: {  	v48 =	vmul.f32 v34, v56;
	[tilespmem:s0+$0xFFFFFFD0] =	vst v26  }
0x191: {  	v49 =	vmul.f32 v36, v55;
	[tilespmem:s0+$0x0] =	vst v47  }
0x192: {  	v51 =	vmul.f32 v38, v53;
	[tilespmem:s0+$0x10] =	vst v48  }
0x193: {  	v53 =	vmul.f32 v44, v54;
	[tilespmem:s0+$0x20] =	vst v49  }
0x194: {  	v54 =	vmul.f32 v40, v52;
	[tilespmem:s0+$0x30] =	vst v51  }
0x195: {  	v55 =	vmul.f32 v33, v50;
	[tilespmem:s0+$0x40] =	vst v53  }
0x196: {  	v56 =	vmul.f32 v39, v46;
	[tilespmem:s0+$0x50] =	vst v54  }
0x197: {  	v58 =	vmul.f32 v30, v11;
	[tilespmem:s0+$0x60] =	vst v55  }
0x198: {  	v59 =	vmul.f32 v31, v8;
	[tilespmem:s0+$0x70] =	vst v56  }
0x199: {  	v60 =	vmul.f32 v35, v10;
	[tilespmem:s0+$0xA0] =	vst v58  }
0x19a: {  	v1 =	vmul.f32 v14, v1;
	[tilespmem:s0+$0xB0] =	vst v59  }
0x19b: {  	v45 =	vmul.f32 v28, v57;
	[tilespmem:s0+$0xC0] =	vst v60  }
0x19c: {  	v57 =	vmul.f32 v29, v9;
	[tilespmem:s0+$0xFFFFFEF0] =	vst v1  }
0x19d: {  	v61 =	vmul.f32 v37, v13;
	[tilespmem:s0+$0xFFFFFFE0] =	vst v45  }
0x19e: {  	[tilespmem:s0+$0x90] =	vst v57;
	v62 =	vmul.f32 v41, v12  }
0x19f: {  	s29 =	sadd.s32 $0x1, s29;
	v63 =	vmul.f32 v43, v42;
	[tilespmem:s0+$0xD0] =	vst v61  }
0x1a0: {  	p0 =	sne.s32 s29, $0x5;
	[tilespmem:s0+$0xE0] =	vst v62  }
.Ltmp4:
0x1a1: {  	[tilespmem:s0+$0xF0] =	vst v63;
	(pc) =	sbr.rel @p0 .LBB2_2-.Ltmp4, $4  }
0x1a2: {  	[spmem:s2] =	stream.indirect.scatter.add.f32 [tilespmem:s3], [sflag:$0x5], $0x90, s26, s17, $0xb8;
	[tilespmem:$0x1DBA0] =	vst v63  }
0x1a3: {  	v35 =	vimm.s32 $0x1;
	_ =	swait.ge [sflag:s13], $0x2D00  }
0x1a4: {  	v46 =	vimm.s32 $0x2;
	v50 =	vimm.s32 $0x3;
	v29 =	vimm.s32 $0x6;
	[sflag:s13] =	ssyncset.done $0x0  }
0x1a5: {  	v54 =	vimm.s32 $0x4;
	v41 =	vimm.s32 $0x5;
	v45 =	vimm.s32 $0x7;
	[sflag:s13] =	ssyncadd.s32 $0xFFFFD300  }
0x1a6: {  	[bflag:$0x0] =	sbarrier.arrive $0xFFFF  }
0x1a7: {  	s0 =	rddreg [dreg:$0x4]  }
0x1a8: {  	[hbm:s0], [sflag:s8] =	dma.local [spmem:s12], $0x2D00  }
0x1a9: {  	_ =	swait.ge [sflag:s13], $0x2D00  }
0x1aa: {  	s28 =	sadd.s32 $0x1, s28;
	s31 =	rddreg [dreg:$0x5]  }
0x1ab: {  	p0 =	sne.s32 s28, s31  }
.Ltmp5:
0x1ac: {  	_ = 	snop;
	(pc) =	sbr.rel @p0 .LBB2_1-.Ltmp5, $3  }
0x1ad: {  	_ =	sdelay $0x1  }
0x1ae: {  	[sflag:s13] =	ssyncset.done $0x0  }
0x1af: {  	[sflag:s13] =	ssyncadd.s32 $0xFFFFD300  }
0x1b0: {  	_ =	sfence.sel $0x180000  }
0x1b1: {  	[bflag:$0x0] =	sbarrier.arrive $0xFFFF  }
0x1b2: {  	_ =	strace $0x9000004A  }
0x1b3: {  	s0 =	stileid.u32;
	[bflag:$0x2] =	sbarrier.arrive $0xFFFF  }
0x1b4: {  	p0 =	sne.s32 s0, $0x0;
	s0 =	rddreg [dreg:$0x2]  }
0x1b5: {  	s0 =	sadd.s32 @!p0 $0x100000, s0  }
0x1b6: {  	[sflag:s0] =	ssyncadd.tile.s32 @!p0 $0x1;
	_ =	shalt  }
.Lfunc_end2:
_tile_overlayer_lowered:
.L_overlay_start_2:
0x1b7: {  	(tag) =	ssettag $0x2  }
0x1b8: {  	s0 =	rddreg [dreg:$0x0];
	s2 =	stileid.u32  }
0x1b9: {  	s1 =	rddreg [dreg:$0x1];
	p0 =	sne.s32 s2, $0x0  }
0x1ba: {  	s3 =	rddreg [dreg:$0x2];
	[bflag:$0x3] =	sbarrier.arrive $0xFFFF;
	s2 =	simm.s32 @!p0 $0x1C05  }
0x1bb: {  	[timem:s3], [sflag:s2] =	dma.local @!p0 [hbm:s0], s1  }
0x1bc: {  	s0 =	simm.s32 @!p0 $0x5  }
0x1bd: {  	_ =	swait.ge @!p0 [sflag:s0], s1  }
0x1be: {  	s1 =	ssub.s32 @!p0 $0x0, s1;
	[sflag:s0] =	ssyncset.done @!p0 $0x0  }
0x1bf: {  	[sflag:s0] =	ssyncadd.s32 @!p0 s1  }
0x1c0: {  	[bflag:$0x3] =	sbarrier.arrive $0xFFFF  }
0x1c1: {  	_ =	shalt  }

// kernel: kernel.8.cloned.1.call-start
scs
__scs_entry_jumppad:
0x0: {  	(pc) =	sbr.rel $0x88, $3  }
0x1: {  	(tag) =	ssettag $0x0;
	lr =	simm.s32 $0x1  }
0x2: {  	[smem:$0x3F90] =	sst lr;
	_ =	strace $0xD0000000  }
0x3: {  	_ = 	snop  }
0x4: {  	_ = 	snop  }
0x5: {  	_ = 	snop  }
0x6: {  	_ = 	snop  }
0x7: {  	_ = 	snop  }
__scs_overlays_trampoline_lowered:
0x8: {  	[smem:$0x3F9F] =	sst s0  }
0x9: {  	[smem:$0x3FA0] =	sst s1  }
0xa: {  	[smem:$0x3FA1] =	sst s2  }
0xb: {  	[smem:$0x3FA2] =	sst s3  }
0xc: {  	[smem:$0x3FA3] =	sst s4  }
0xd: {  	[smem:$0x3FA4] =	sst s5  }
0xe: {  	[smem:$0x3FA5] =	sst s6  }
0xf: {  	[smem:$0x3FA6] =	sst s7  }
0x10: {  	[smem:$0x3FA7] =	sst s8  }
0x11: {  	[smem:$0x3FA8] =	sst s9;
	s0 =	simm.s32 @!p0 $0x0  }
0x12: {  	s1 =	sld [smem:$0x3F8E];
	s0 =	simm.s32 @p0 $0x1  }
0x13: {  	[smem:$0x3FA9] =	sst s0;
	s0 =	simm.s32 @!p1 $0x0  }
0x14: {  	s2 =	sld [smem:$0x3F8D];
	s0 =	simm.s32 @p1 $0x1  }
0x15: {  	[smem:$0x3FAA] =	sst s0;
	s0 =	simm.s32 @!p2 $0x0  }
0x16: {  	s3 =	sld [smem:$0x3FDB];
	s0 =	simm.s32 @p2 $0x1  }
0x17: {  	s4 =	simm.s32 $0x1BF5;
	[smem:$0x3FAC] =	sst s0  }
0x18: {  	s0 =	sld [smem:$0x3F8F];
	_ =	swait.ge [sflag:s4], $0x0  }
0x19: {  	s7 =	sld [smem:$0x3F90]  }
0x1a: {  	s8 =	sadd.s32 $0xFFFFE003, lr  }
0x1b: {  	s9 =	sadd.s32 $0xFFFFFEF7, lr;
	s5 =	simm.s32 $0xFFFFFFFF;
	p2 =	slt.u32 s8, $0xFFFFF086  }
0x1c: {  	p1 =	slt.u32 s9, $0xF7A;
	s5 =	simm.s32 @!p2 $0x0  }
0x1d: {  	s5 =	simm.s32 @p1 $0x1;
	p0 =	seq.s32 s7, s2  }
0x1e: {  	s7 =	smul.u32 @!p0 $0xF7A, s2;
	p2 =	seq.s32 @!p0 s5, $0x0  }
0x1f: {  	s9 =	smul.u32 $0xF7A, s1;
	s8 =	simm.s32 @!p0 $0x1BF5;
	p2 =	por !p2, p0  }
0x20: {  	[sflag:s8] =	ssyncset.s32 @!p0 $0xFFFFF086;
	s6 =	sadd.s32 @!p0 s3, s7;
	s7 =	simm.s32 @!p0 $0x108  }
0x21: {  	s3 =	sadd.s32 s3, s9;
	s6 =	sadd.s32 @!p0 $0x88, s6;
	s7 =	simm.s32 @p2 $0x1082  }
0x22: {  	[simem:s7], [sflag:s8] =	dma.local @!p0 [hbm:s6], $0xF7A  }
0x23: {  	s9 =	sor.u32 $0xD0000000, s2;
	s6 =	simm.s32 $0x108;
	_ =	swait.ge @!p0 [sflag:s8], $0x0  }
0x24: {  	s3 =	sadd.s32 $0x88, s3;
	s6 =	simm.s32 @!p1 $0x1082;
	[sflag:s4] =	ssyncset.s32 $0xFFFFF086  }
0x25: {  	[simem:s6], [sflag:s4] =	dma.local [hbm:s3], $0xF7A  }
0x26: {  	[smem:$0x3F90] =	sst s1;
	(tag) =	ssettag s2;
	_ =	strace s9  }
0x27: {  	s1 =	sld [smem:$0x3FA0]  }
0x28: {  	s2 =	sld [smem:$0x3FA1]  }
0x29: {  	s4 =	sld [smem:$0x3FA3]  }
0x2a: {  	p0 =	seq.s32 s5, $0x0;
	s5 =	sld [smem:$0x3FA4]  }
0x2b: {  	s6 =	sld [smem:$0x3FA5]  }
0x2c: {  	s7 =	sld [smem:$0x3FA6]  }
0x2d: {  	s3 =	simm.s32 $0x108;
	s8 =	sld [smem:$0x3FA7]  }
0x2e: {  	s3 =	simm.s32 @!p0 $0x1082;
	s9 =	sld [smem:$0x3FA8]  }
0x2f: {  	lr =	sadd.s32 s0, s3;
	s0 =	sld [smem:$0x3F9F]  }
0x30: {  	s3 =	sld [smem:$0x3FA2]  }
0x31: {  	[smem:$0x3FAB] =	sst s10  }
0x32: {  	s10 =	sld [smem:$0x3FA9];
	_ =	sdelay $0x3  }
0x33: {  	p0 =	seq.s32 s10, $0x1;
	s10 =	sld [smem:$0x3FAB];
	_ =	sdelay $0x3  }
0x34: {  	[smem:$0x3FAB] =	sst s10  }
0x35: {  	s10 =	sld [smem:$0x3FAA];
	_ =	sdelay $0x3  }
0x36: {  	p1 =	seq.s32 s10, $0x1;
	s10 =	sld [smem:$0x3FAB];
	_ =	sdelay $0x3  }
0x37: {  	[smem:$0x3FAB] =	sst s10  }
0x38: {  	s10 =	sld [smem:$0x3FAC]  }
0x39: {  	_ = 	snop;
	(pc) =	sbr.ind lr, $3  }
0x3a: {  	_ = 	snop  }
0x3b: {  	_ = 	snop  }
0x3c: {  	p2 =	seq.s32 s10, $0x1;
	s10 =	sld [smem:$0x3FAB]  }
0x3d: {  	_ =	shalt  }
0x3e: {  	_ =	shalt  }
0x3f: {  	_ =	shalt  }
0x40: {  	_ =	shalt  }
0x41: {  	_ =	shalt  }
0x42: {  	_ =	shalt  }
0x43: {  	_ =	shalt  }
0x44: {  	_ =	shalt  }
0x45: {  	_ =	shalt  }
0x46: {  	_ =	shalt  }
0x47: {  	_ =	shalt  }
0x48: {  	_ =	shalt  }
0x49: {  	_ =	shalt  }
0x4a: {  	_ =	shalt  }
0x4b: {  	_ =	shalt  }
0x4c: {  	_ =	shalt  }
0x4d: {  	_ =	shalt  }
0x4e: {  	_ =	shalt  }
0x4f: {  	_ =	shalt  }
0x50: {  	_ =	shalt  }
0x51: {  	_ =	shalt  }
0x52: {  	_ =	shalt  }
0x53: {  	_ =	shalt  }
0x54: {  	_ =	shalt  }
0x55: {  	_ =	shalt  }
0x56: {  	_ =	shalt  }
0x57: {  	_ =	shalt  }
0x58: {  	_ =	shalt  }
0x59: {  	_ =	shalt  }
0x5a: {  	_ =	shalt  }
0x5b: {  	_ =	shalt  }
0x5c: {  	_ =	shalt  }
0x5d: {  	_ =	shalt  }
0x5e: {  	_ =	shalt  }
0x5f: {  	_ =	shalt  }
0x60: {  	_ =	shalt  }
0x61: {  	_ =	shalt  }
0x62: {  	_ =	shalt  }
0x63: {  	_ =	shalt  }
0x64: {  	_ =	shalt  }
0x65: {  	_ =	shalt  }
0x66: {  	_ =	shalt  }
0x67: {  	_ =	shalt  }
0x68: {  	_ =	shalt  }
0x69: {  	_ =	shalt  }
0x6a: {  	_ =	shalt  }
0x6b: {  	_ =	shalt  }
0x6c: {  	_ =	shalt  }
0x6d: {  	_ =	shalt  }
0x6e: {  	_ =	shalt  }
0x6f: {  	_ =	shalt  }
0x70: {  	_ =	shalt  }
0x71: {  	_ =	shalt  }
0x72: {  	_ =	shalt  }
0x73: {  	_ =	shalt  }
0x74: {  	_ =	shalt  }
0x75: {  	_ =	shalt  }
0x76: {  	_ =	shalt  }
0x77: {  	_ =	shalt  }
0x78: {  	_ =	shalt  }
0x79: {  	_ =	shalt  }
0x7a: {  	_ =	shalt  }
0x7b: {  	_ =	shalt  }
0x7c: {  	_ =	shalt  }
0x7d: {  	_ =	shalt  }
0x7e: {  	_ =	shalt  }
0x7f: {  	_ =	shalt  }
0x80: {  	_ =	shalt  }
0x81: {  	_ =	shalt  }
0x82: {  	_ =	shalt  }
0x83: {  	_ =	shalt  }
0x84: {  	_ =	shalt  }
0x85: {  	_ =	shalt  }
0x86: {  	_ =	shalt  }
0x87: {  	_ =	shalt  }
.Lfunc_end0:
.L_simem_size_0:
called_computation_lowered:
.L_overlay_start_0:
0x88: {  	s2 =	sld [smem:$0x3FD9]  }
0x89: {  	s3 =	sld [smem:$0x3FFE];
	_ =	sdelay $0x1  }
0x8a: {  	s1 =	srdreg.scid  }
0x8b: {  	s0 =	sand.u32 $0x1, s1  }
0x8c: {  	s16 =	sshll.u32 s0, $0xA;
	s2 =	sadd.s32 s3, s2  }
0x8d: {  	s2 =	sadd.s32 s2, s16  }
0x8e: {  	[smem:$0x3FB7] =	sst s2  }
0x8f: {  	_ = 	snop  }
0x90: {  	(tm) =	ssettm $0x1  }
0x91: {  	s17 =	sld [smem:$0x3FFB];
	_ =	sdelay $0x3  }
0x92: {  	_ =	strace s17  }
0x93: {  	s2 =	sld [smem:$0x3FFC];
	_ =	sdelay $0x3  }
0x94: {  	_ =	strace s2  }
0x95: {  	s2 =	sld [smem:$0x3FFD];
	_ =	sdelay $0x3  }
0x96: {  	_ =	strace s2  }
0x97: {  	_ =	strace $0x8FFFFFFF  }
0x98: {  	s18 =	sld [smem:$0x3FDB];
	_ =	sdelay $0x1  }
0x99: {  	s19 =	simm.s32 $_scs_section_size  }
0x9a: {  	s4 =	simm.s32 $_size__tile_overlayer_lowered;
	s5 =	simm.s32 $_tile_overlayer_lowered  }
0x9b: {  	s22 =	simm.s32 $0x1BFF;
	s21 =	sshll.u32 s5, $0x1;
	s2 =	sadd.s32 s19, s18  }
0x9c: {  	s6 =	simm.s32 $0x0;
	s20 =	sshll.u32 s4, $0x1;
	s4 =	sadd.s32 s21, s2  }
0x9d: {  	[timem:s6], [sflag:s22] =	dma.local [hbm:s4], s20  }
0x9e: {  	_ =	swait.ge [sflag:s22], s20  }
0x9f: {  	s3 =	ssub.s32 $0x0, s20;
	[sflag:s22] =	ssyncset.done $0x0  }
0xa0: {  	[sflag:s22] =	ssyncadd.s32 s3;
	_ =	sdelay $0x1  }
0xa1: {  	s23 =	simm.s32 $0x1B8B  }
0xa2: {  	_ =	swait.ge [sflag:s23], $0x1  }
0xa3: {  	[sflag:s23] =	ssyncset.done $0x0  }
0xa4: {  	s25 =	simm.s32 $0x1B8E;
	s24 =	sld [smem:$0x3FFE];
	[sflag:s23] =	ssyncadd.s32 $0xFFFFFFFF  }
0xa5: {  	s26 =	simm.s32 $execute0_lowered;
	[smem:$0x3FD2] =	sst s25  }
0xa6: {  	s4 =	sshll.u32 s26, $0x1;
	_ =	strace $0x80000046;
	[dreg:$0x1] =	wrdreg $0xFFFFFFFF  }
0xa7: {  	s28 =	simm.s32 $_size_execute0_lowered;
	s2 =	sadd.s32 s2, s4;
	[dreg:$0x0] =	wrdreg $0x0  }
0xa8: {  	s4 =	sshll.u32 s28, $0x1;
	[dreg:$0x2] =	wrdreg s2  }
0xa9: {  	[dreg:$0x3] =	wrdreg s4  }
0xaa: {  	[dreg:$0x4] =	wrdreg $0xC0  }
0xab: {  	_ =	task [dreg:s6], $0x5FFFF  }
0xac: {  	[dreg:$0x1] =	wrdreg $0xFFFFFFFF  }
0xad: {  	[dreg:$0x0] =	wrdreg $0x60  }
0xae: {  	[dreg:$0x2] =	wrdreg s24  }
0xaf: {  	[dreg:$0x3] =	wrdreg $0x73A00  }
0xb0: {  	[dreg:$0x4] =	wrdreg $0x9  }
0xb1: {  	_ =	task.clear_ibuf [dreg:s6], $0x5FFFF;
	_ =	strace $0x90000046  }
0xb2: {  	s29 =	simm.s32 $0x9;
	_ =	strace $0x80000048  }
0xb3: {  	_ =	swait.ge [sflag:s29], $0x1  }
0xb4: {  	[sflag:s29] =	ssyncadd.s32 $0xFFFFFFFF  }
0xb5: {  	_ =	strace $0x90000048  }
0xb6: {  	_ =	sfence  }
0xb7: {  	s30 =	sld [smem:$0x0];
	_ =	sdelay $0x2  }
0xb8: {  	s31 =	sshll.u32 s1, $0xD;
	s1 =	sshrl.u32 s1, $0x2  }
0xb9: {  	s3 =	sand.u32 $0x4000, s31;
	s1 =	sadd.s32 s1, s30  }
0xba: {  	s0 =	sor.u32 s3, s0;
	s1 =	sshll.u32 s1, $0x11  }
0xbb: {  	s0 =	sor.u32 s1, s0  }
0xbc: {  	s0 =	sadd.s32 $0x8F2B, s0  }
0xbd: {  	[sflag:s0] =	ssyncadd.remote.s32 $0x1  }
0xbe: {  	_ =	sfence.sel $0xFFFF  }
0xbf: {  	[dreg:$0x0] =	wrdreg $0xFFFFFFFF;
	(pc) =	sbr.abs _section_cstart, $3  }
0xc0: {  	[dreg:$0x1] =	wrdreg $0xFFFFFFFF  }
0xc1: {  	_ =	task.clear_ibuf [dreg:s6], $0x2FFFF;
	_ =	strace $0x9FFFFFFF  }
0xc2: {  	(tm) =	ssettm $0x7FFFFFFF  }
0xc3: {  	_ =	shalt  }
tec
execute0_lowered:
.L_overlay_start_1:
0x0: {  	(tag) =	ssettag $0x1  }
0x1: {  	s0 =	rddreg [dreg:$0x0]  }
0x2: {  	s2 =	rddreg [dreg:$0x1];
	s3 =	simm.s32 $0x0;
	s12 =	stileid.u32  }
0x3: {  	s4 =	srdreg.scid;
	s13 =	simm.s32 $0x5;
	s14 =	simm.s32 $0x7D0  }
0x4: {  	s15 =	simm.s32 $0x4E200;
	s16 =	simm.s32 $0x6400;
	s17 =	simm.s32 $0x50  }
0x5: {  	s18 =	simm.s32 $0x6BD0;
	s19 =	simm.s32 $0x2D00;
	s20 =	simm.s32 $0x3200  }
0x6: {  	s21 =	simm.s32 $0x5F00;
	s22 =	simm.s32 $0x1;
	s23 =	simm.s32 $0x2  }
0x7: {  	s24 =	simm.s32 $0x3;
	s28 =	simm.s32 $0x0;
	s1 =	smul.u32 $0x16800, s12  }
0x8: {  	[smem:$0x7FF] =	sst s3;
	s7 =	sand.u32 $0x1, s4;
	s8 =	smul.u32 $0x2D00, s12  }
0x9: {  	s4 =	sadd.s32 $0x16A00, s0;
	s5 =	sadd.s32 $0x42A00, s0;
	s6 =	sadd.s32 $0x3000, s0  }
0xa: {  	s26 =	sshll.u32 s12, $0x1;
	s29 =	sshll.u32 s12, $0x6;
	_ =	strace $0x80000047  }
0xb: {  	s9 =	smul.u32 $0x2D000, s7;
	s11 =	ssub.s32 $0x2, s7;
	s7 =	sor.u32 s7, s26  }
0xc: {  	s26 =	simm.s32 $0x7350;
	s10 =	sshrl.u32 s1, $0x3;
	s25 =	sshrl.u32 s11, $0x1  }
0xd: {  	s1 =	sadd.s32 s1, s2;
	s10 =	sadd.s32 s10, s0;
	s8 =	sadd.s32 s8, s9  }
0xe: {  	s11 =	ssub.s32 s11, s25;
	s9 =	smul.u32 $0x2710, s7;
	s30 =	sadd.s32 $0x47A00, s10  }
0xf: {  	v35 =	vimm.s32 $0x1;
	s0 =	sadd.s32 s8, s0;
	s31 =	smax.u32 s11, $0x1;
	[dreg:$0x3] =	wrdreg s30  }
0x10: {  	v46 =	vimm.s32 $0x2;
	v50 =	vimm.s32 $0x3;
	v54 =	vimm.s32 $0x4;
	s12 =	sshrl.u32 s1, $0x3;
	s0 =	sadd.s32 $0x74A00, s0;
	[dreg:$0x5] =	wrdreg s31  }
0x11: {  	v41 =	vimm.s32 $0x5;
	v29 =	vimm.s32 $0x6;
	v45 =	vimm.s32 $0x7;
	s25 =	simm.s32 $0x4;
	s8 =	sor.u32 $0x1C05, s29;
	[dreg:$0x4] =	wrdreg s0  }
.LBB2_1:
0x12: {  	s0 =	rddreg [dreg:$0x3]  }
0x13: {  	[spmem:s12], [sflag:s8] =	dma.local [hbm:s0], $0x2D00  }
0x14: {  	_ =	swait.ge [sflag:s13], $0x2D00  }
0x15: {  	[sflag:s13] =	ssyncset.done $0x0  }
0x16: {  	[sflag:s13] =	ssyncadd.s32 $0xFFFFD300  }
0x17: {  	s29 =	simm.s32 $0x0;
	[bflag:$0x0] =	sbarrier.arrive $0xFFFF  }
.LBB2_2:
0x18: {  	s0 =	smul.u32 $0x7D0, s29;
	_ =	sdelay $0x1  }
0x19: {  	s0 =	sadd.s32 s9, s0  }
0x1a: {  	s0 =	sshrl.u32 s0, $0x3  }
0x1b: {  	s0 =	sadd.s32 s6, s0  }
0x1c: {  	[tilespmem:s16], [sflag:$0x5] =	stream.strided.gather [hbm4b:s0+s14], $0xFA0, s15, s14, $0x38;
	[tilespmem:$0x1DBA0] =	vst v63  }
0x1d: {  	_ =	swait.ge [sflag:s13], $0xFA0  }
0x1e: {  	[sflag:s13] =	ssyncset.done $0x0  }
0x1f: {  	s30 =	simm.s32 $0x0;
	[sflag:s13] =	ssyncadd.s32 $0xFFFFF060  }
0x20: {  	[tilespmem:s30], [sflag:$0x1] =	stream.indirect.gather [hbm4b:s4+s17], $0x90, s16, s17, $0xb8;
	[tilespmem:$0x1DBA0] =	vst v63  }
0x21: {  	_ = 	snop  }
0x22: {  	[tilespmem:s19], [sflag:$0x2] =	stream.indirect.gather [hbm4b:s5+s17], $0x10, s18, s17, $0xb8;
	[tilespmem:$0x1DBA0] =	vst v63  }
.LBB2_3:
0x23: {  	s0 =	smul.u32 $0x280, s30;
	_ =	sdelay $0x1  }
0x24: {  	s0 =	sshra.s32 s0, $0x2  }
0x25: {  	s1 =	sadd.s32 $0x6450, s0  }
0x26: {  	[tilespmem:s20], [sflag:$0x3] =	stream.indirect.gather [hbm4b:s4+s17], $0x90, s1, s17, $0xb8;
	[tilespmem:$0x1DBA0] =	vst v63  }
0x27: {  	s31 =	sadd.s32 $0x6C20, s0  }
0x28: {  	[tilespmem:s21], [sflag:$0x4] =	stream.indirect.gather [hbm4b:s5+s17], $0x10, s31, s17, $0xb8;
	[tilespmem:$0x1DBA0] =	vst v63  }
0x29: {  	_ =	swait.ge [sflag:s22], $0x2D00  }
0x2a: {  	[sflag:s22] =	ssyncset.done $0x0  }
0x2b: {  	[sflag:s22] =	ssyncadd.s32 $0xFFFFD300  }
0x2c: {  	_ =	swait.ge [sflag:s23], $0x500  }
0x2d: {  	[sflag:s23] =	ssyncset.done $0x0  }
0x2e: {  	s1 =	simm.s32 $0x120;
	[sflag:s23] =	ssyncadd.s32 $0xFFFFFB00  }
0x2f: {  	s7 =	simm.s32 $0x2D20;
	v0 =	vld [tilespmem:s1+$0x110]  }
0x30: {  	v1 =	vld [tilespmem:s7+$0x10]  }
0x31: {  	v2 =	vld [tilespmem:s7+$0xFFFFFFE0]  }
0x32: {  	v5 =	vld [tilespmem:s1+$0xFFFFFEE0]  }
0x33: {  	v3 =	vld [tilespmem:s1+$0xFFFFFFF0]  }
0x34: {  	v4 =	vld [tilespmem:s7+$0xFFFFFFF0]  }
0x35: {  	v8 =	vld [tilespmem:s1+$0x80]  }
0x36: {  	v9 =	vld [tilespmem:s7+$0x0];
	v0 =	vadd.f32 v1, v0  }
0x37: {  	v1 =	vld [tilespmem:s1+$0xFFFFFF60];
	[tilespmem:$0x1FFF0] =	vst v5  }
0x38: {  	v14 =	vld [tilespmem:s1+$0xFFFFFEF0];
	v10 =	vmul.f32 $2.000000030e-01, v0  }
0x39: {  	v3 =	vadd.f32 v4, v3;
	v15 =	vld [tilespmem:s1+$0xFFFFFF00];
	vm0 =	vge.f32 v0, $0.0e+00  }
0x3a: {  	v16 =	vld [tilespmem:s1+$0xFFFFFF10];
	v0 =	vsel vm0, v0, v10  }
0x3b: {  	v4 =	vadd.f32 v9, v8;
	v17 =	vld [tilespmem:s1+$0xFFFFFF20];
	v8 =	vmul.f32 $2.000000030e-01, v3;
	v0 =	vmul.f32 $1.442695020e+00, v0  }
0x3c: {  	v18 =	vld [tilespmem:s1+$0xFFFFFF30];
	vm14 =	vge.f32 v3, $0.0e+00  }
0x3d: {  	v19 =	vld [tilespmem:s1+$0xFFFFFF40];
	v3 =	vsel vm14, v3, v8;
	(erf) = vpow2.f32 v0  }
0x3e: {  	v20 =	vld [tilespmem:s1+$0xFFFFFF50];
	v3 =	vmul.f32 $1.442695020e+00, v3  }
0x3f: {  	v21 =	vld [tilespmem:s1+$0xFFFFFF70];
	v1 =	vadd.f32 v2, v1  }
0x40: {  	v22 =	vld [tilespmem:s1+$0xFFFFFF80];
	v2 =	vmul.f32 $2.000000030e-01, v4;
	(erf) = vpow2.f32 v3  }
0x41: {  	v23 =	vld [tilespmem:s1+$0xFFFFFF90];
	vm1 =	vge.f32 v4, $0.0e+00;
	v0 =	vmul.f32 $2.000000030e-01, v1  }
0x42: {  	v24 =	vld [tilespmem:s1+$0xFFFFFFA0];
	vm15 =	vge.f32 v1, $0.0e+00;
	v2 =	vsel vm1, v4, v2  }
0x43: {  	v26 =	vld [tilespmem:s1+$0xFFFFFFB0];
	v0 =	vsel vm15, v1, v0;
	v1 =	vmul.f32 $1.442695020e+00, v2  }
0x44: {  	v25 =	vld [tilespmem:s1+$0xFFFFFFC0];
	v0 =	vmul.f32 $1.442695020e+00, v0  }
0x45: {  	v27 =	vld [tilespmem:s1+$0xFFFFFFD0];
	(erf) = vpow2.f32 v1  }
0x46: {  	v7 =	vimm.s32 $0x0;
	v28 =	vld [tilespmem:s1+$0xFFFFFFE0];
	(erf) = vpow2.f32 v0;
	v43 =	vpop (erf)  }
0x47: {  	v32 =	vld [tilespmem:s1+$0x0];
	v9 =	vperm.xlane v43, v7;
	v1 =	vperm.xlane v43, v45  }
0x48: {  	v0 =	vld [tilespmem:s1+$0x100];
	v11 =	vperm.xlane v43, v35;
	v8 =	vperm.xlane v43, v46  }
0x49: {  	v34 =	vld [tilespmem:s1+$0x10];
	v10 =	vperm.xlane v43, v50;
	v12 =	vperm.xlane v43, v41;
	v41 =	vpop (erf)  }
0x4a: {  	v36 =	vld [tilespmem:s1+$0x20];
	v13 =	vperm.xlane v43, v54;
	v49 =	vperm.xlane v41, v7  }
0x4b: {  	v52 =	vimm.s32 $0x5;
	v38 =	vld [tilespmem:s1+$0x30];
	v47 =	vperm.xlane v41, v35;
	v51 =	vperm.xlane v41, v46  }
0x4c: {  	v6 =	vimm.s32 $0x7;
	v44 =	vld [tilespmem:s1+$0x40];
	v48 =	vperm.xlane v41, v50;
	v61 =	vperm.xlane v41, v54  }
0x4d: {  	v5 =	vimm.s32 $0x6;
	v40 =	vld [tilespmem:s1+$0x50];
	[tilespmem:s1+$0x110] =	vst v43;
	v58 =	vperm.xlane v41, v52;
	v2 =	vmul.f32 v0, v1  }
0x4e: {  	v33 =	vld [tilespmem:s1+$0x60];
	v60 =	vperm.xlane v41, v5;
	v57 =	vperm.xlane v41, v6;
	[tilespmem:s1+$0xFFFFFFF0] =	vst v41;
	v45 =	vpop (erf)  }
0x4f: {  	v30 =	vld [tilespmem:s1+$0xA0];
	[tilespmem:s1+$0x100] =	vst v2;
	v59 =	vperm.xlane v45, v7;
	v56 =	vperm.xlane v45, v35  }
0x50: {  	v31 =	vld [tilespmem:s1+$0xB0];
	v37 =	vpop (erf);
	v55 =	vperm.xlane v45, v46;
	v53 =	vperm.xlane v45, v50;
	[tilespmem:s1+$0x80] =	vst v45  }
0x51: {  	v39 =	vld [tilespmem:s1+$0x70];
	v42 =	vperm.xlane v37, v7;
	v4 =	vperm.xlane v37, v46;
	[tilespmem:s1+$0xFFFFFF60] =	vst v37  }
0x52: {  	v62 =	vperm.xlane v37, v6;
	v46 =	vperm.xlane v45, v6;
	v6 =	vld [tilespmem:$0x1FFF0]  }
0x53: {  	v41 =	vld [tilespmem:s1+$0xE0];
	v1 =	vperm.xlane v37, v35;
	v0 =	vperm.xlane v37, v50  }
0x54: {  	v3 =	vperm.xlane v37, v54;
	v2 =	vperm.xlane v37, v29;
	v29 =	vld [tilespmem:s1+$0x90]  }
0x55: {  	v63 =	vperm.xlane v37, v52;
	v35 =	vld [tilespmem:s1+$0xC0];
	v54 =	vperm.xlane v45, v54  }
0x56: {  	v52 =	vperm.xlane v45, v52;
	v37 =	vld [tilespmem:s1+$0xD0];
	v50 =	vperm.xlane v45, v5  }
0x57: {  	s10 =	simm.s32 $0x0;
	s11 =	simm.s32 $0x360;
	v45 =	vmul.f32 v6, v42;
	v42 =	vperm.xlane v43, v5;
	v43 =	vld [tilespmem:s1+$0xF0]  }
.LBB2_4:
0x58: {  	v5 =	vld [tilespmem:s11+$0x110];
	v1 =	vmul.f32 v14, v1;
	v4 =	vmul.f32 v15, v4;
	s7 =	sadd.s32 $0x40, s7  }
0x59: {  	s10 =	sadd.s32 $0x4, s10;
	v0 =	vmul.f32 v16, v0;
	v3 =	vmul.f32 v17, v3;
	v14 =	vld [tilespmem:s7+$0x10];
	[tilespmem:s1+$0xFFFFFEE0] =	vst v45  }
0x5a: {  	v2 =	vmul.f32 v19, v2;
	p0 =	slt.u32 s10, $0x4C;
	v17 =	vld [tilespmem:s7+$0xFFFFFFE0];
	[tilespmem:s1+$0xFFFFFEF0] =	vst v1;
	v1 =	vmul.f32 v18, v63  }
0x5b: {  	v16 =	vmul.f32 v21, v49;
	v15 =	vld [tilespmem:s11+$0xFFFFFFF0];
	[tilespmem:s1+$0xFFFFFF00] =	vst v4;
	v4 =	vmul.f32 v20, v62  }
0x5c: {  	v19 =	vmul.f32 v23, v51;
	v18 =	vld [tilespmem:s7+$0xFFFFFFF0];
	[tilespmem:s1+$0xFFFFFF10] =	vst v0;
	v0 =	vmul.f32 v22, v47  }
0x5d: {  	v21 =	vmul.f32 v26, v61;
	v20 =	vld [tilespmem:s11+$0x80];
	[tilespmem:s1+$0xFFFFFF20] =	vst v3;
	v3 =	vmul.f32 v24, v48  }
0x5e: {  	v23 =	vmul.f32 v27, v60;
	v22 =	vld [tilespmem:s7+$0x0];
	v5 =	vadd.f32 v14, v5;
	[tilespmem:s1+$0xFFFFFF30] =	vst v1;
	v1 =	vmul.f32 v25, v58  }
0x5f: {  	v25 =	vmul.f32 v32, v59;
	v24 =	vld [tilespmem:s11+$0xFFFFFF60];
	[tilespmem:s1+$0xFFFFFF40] =	vst v2;
	v2 =	vmul.f32 v28, v57  }
0x60: {  	v45 =	vld [tilespmem:s11+$0xFFFFFEE0];
	v26 =	vmul.f32 $2.000000030e-01, v5;
	[tilespmem:s1+$0xFFFFFF50] =	vst v4;
	v4 =	vmul.f32 v34, v56  }
0x61: {  	v28 =	vmul.f32 v36, v55;
	vm0 =	vge.f32 v5, $0.0e+00;
	v14 =	vld [tilespmem:s11+$0xFFFFFEF0];
	v27 =	vadd.f32 v18, v15;
	[tilespmem:s1+$0xFFFFFF70] =	vst v16  }
0x62: {  	v32 =	vmul.f32 v44, v54;
	v15 =	vld [tilespmem:s11+$0xFFFFFF00];
	v5 =	vsel vm0, v5, v26;
	[tilespmem:s1+$0xFFFFFF80] =	vst v0;
	v0 =	vmul.f32 v38, v53  }
0x63: {  	v16 =	vld [tilespmem:s11+$0xFFFFFF10];
	v26 =	vmul.f32 $2.000000030e-01, v27;
	v22 =	vadd.f32 v22, v20;
	v5 =	vmul.f32 $1.442695020e+00, v5;
	[tilespmem:s1+$0xFFFFFF90] =	vst v19  }
0x64: {  	vm0 =	vge.f32 v27, $0.0e+00;
	v24 =	vadd.f32 v17, v24;
	v17 =	vld [tilespmem:s11+$0xFFFFFF20];
	[tilespmem:s1+$0xFFFFFFA0] =	vst v3;
	v3 =	vmul.f32 v40, v52  }
0x65: {  	v18 =	vld [tilespmem:s11+$0xFFFFFF30];
	vm1 =	vge.f32 v22, $0.0e+00;
	v34 =	vmul.f32 $2.000000030e-01, v22;
	(erf) = vpow2.f32 v5;
	[tilespmem:s1+$0xFFFFFFB0] =	vst v21  }
0x66: {  	v21 =	vsel vm0, v27, v26;
	vm2 =	vge.f32 v24, $0.0e+00;
	v5 =	vmul.f32 $2.000000030e-01, v24;
	v19 =	vld [tilespmem:s11+$0xFFFFFF40];
	[tilespmem:s1+$0xFFFFFFC0] =	vst v1  }
0x67: {  	v33 =	vmul.f32 v33, v50;
	v1 =	vmul.f32 $1.442695020e+00, v21;
	v20 =	vld [tilespmem:s11+$0xFFFFFF50];
	v22 =	vsel vm1, v22, v34;
	[tilespmem:s1+$0xFFFFFFD0] =	vst v23  }
0x68: {  	v5 =	vsel vm2, v24, v5;
	v21 =	vld [tilespmem:s11+$0xFFFFFF70];
	v24 =	vmul.f32 $1.442695020e+00, v22;
	[tilespmem:s1+$0xFFFFFFE0] =	vst v2;
	v2 =	vmul.f32 v39, v46  }
0x69: {  	v5 =	vmul.f32 $1.442695020e+00, v5;
	v22 =	vld [tilespmem:s11+$0xFFFFFF80];
	(erf) = vpow2.f32 v1;
	[tilespmem:s1+$0x0] =	vst v25  }
0x6a: {  	v1 =	vmul.f32 v29, v9;
	v23 =	vld [tilespmem:s11+$0xFFFFFF90];
	(erf) = vpow2.f32 v24;
	[tilespmem:s1+$0x10] =	vst v4  }
0x6b: {  	v4 =	vmul.f32 v30, v11;
	v24 =	vld [tilespmem:s11+$0xFFFFFFA0];
	(erf) = vpow2.f32 v5;
	[tilespmem:s1+$0x20] =	vst v28  }
0x6c: {  	v50 =	vimm.s32 $0x1;
	v29 =	vmul.f32 v35, v10;
	v5 =	vld [tilespmem:s11+$0x100];
	[tilespmem:s1+$0x30] =	vst v0;
	v0 =	vmul.f32 v31, v8  }
0x6d: {  	v54 =	vimm.s32 $0x2;
	v30 =	vmul.f32 v37, v13;
	v31 =	vmul.f32 v41, v12;
	v26 =	vld [tilespmem:s11+$0xFFFFFFB0];
	[tilespmem:s1+$0x40] =	vst v32  }
0x6e: {  	v55 =	vimm.s32 $0x0;
	v46 =	vimm.s32 $0x7;
	v35 =	vmul.f32 v43, v42;
	v25 =	vld [tilespmem:s11+$0xFFFFFFC0];
	v6 =	vpop (erf);
	[tilespmem:s1+$0x50] =	vst v3  }
0x6f: {  	v53 =	vimm.s32 $0x3;
	v27 =	vld [tilespmem:s11+$0xFFFFFFD0];
	v9 =	vperm.xlane v6, v55;
	v3 =	vperm.xlane v6, v46;
	[tilespmem:s1+$0x60] =	vst v33  }
0x70: {  	v52 =	vimm.s32 $0x4;
	v11 =	vperm.xlane v6, v50;
	v8 =	vperm.xlane v6, v54;
	v28 =	vld [tilespmem:s11+$0xFFFFFFE0];
	[tilespmem:s1+$0x70] =	vst v2  }
0x71: {  	v43 =	vimm.s32 $0x5;
	v10 =	vperm.xlane v6, v53;
	v32 =	vld [tilespmem:s11+$0x0];
	v2 =	vmul.f32 v5, v3;
	[tilespmem:s1+$0x90] =	vst v1  }
0x72: {  	v13 =	vperm.xlane v6, v52;
	v12 =	vperm.xlane v6, v43;
	v34 =	vld [tilespmem:s11+$0x10];
	v5 =	vpop (erf);
	[tilespmem:s1+$0xA0] =	vst v4  }
0x73: {  	v49 =	vperm.xlane v5, v55;
	v47 =	vperm.xlane v5, v50;
	v36 =	vld [tilespmem:s11+$0x20];
	[tilespmem:s11+$0x100] =	vst v2;
	v41 =	vpop (erf)  }
0x74: {  	v51 =	vperm.xlane v5, v54;
	v48 =	vperm.xlane v5, v53;
	v38 =	vld [tilespmem:s11+$0x30];
	v37 =	vpop (erf);
	[tilespmem:s1+$0xB0] =	vst v0  }
0x75: {  	v42 =	vperm.xlane v37, v55;
	v1 =	vperm.xlane v37, v50;
	v44 =	vld [tilespmem:s11+$0x40];
	[tilespmem:s1+$0xC0] =	vst v29  }
0x76: {  	v4 =	vperm.xlane v37, v54;
	v0 =	vperm.xlane v37, v53;
	v40 =	vld [tilespmem:s11+$0x50];
	[tilespmem:s1+$0xD0] =	vst v30  }
0x77: {  	v7 =	vimm.s32 $0x6;
	v3 =	vperm.xlane v37, v52;
	v63 =	vperm.xlane v37, v43;
	v33 =	vld [tilespmem:s11+$0x60];
	[tilespmem:s1+$0xE0] =	vst v31  }
0x78: {  	v2 =	vperm.xlane v37, v7;
	v62 =	vperm.xlane v37, v46;
	v39 =	vld [tilespmem:s11+$0x70];
	[tilespmem:s1+$0xF0] =	vst v35;
	s1 =	smov.u32 s11  }
0x79: {  	v61 =	vperm.xlane v5, v52;
	v58 =	vperm.xlane v5, v43;
	[tilespmem:s11+$0xFFFFFF60] =	vst v37;
	v29 =	vld [tilespmem:s11+$0x90]  }
0x7a: {  	v60 =	vperm.xlane v5, v7;
	v57 =	vperm.xlane v5, v46;
	[tilespmem:s11+$0xFFFFFFF0] =	vst v5;
	v30 =	vld [tilespmem:s11+$0xA0]  }
.Ltmp0:
0x7b: {  	v59 =	vperm.xlane v41, v55;
	v56 =	vperm.xlane v41, v50;
	[tilespmem:s11+$0x80] =	vst v41;
	v31 =	vld [tilespmem:s11+$0xB0];
	(pc) =	sbr.rel @p0 .LBB2_4-.Ltmp0, $4  }
0x7c: {  	v55 =	vperm.xlane v41, v54;
	v53 =	vperm.xlane v41, v53;
	v35 =	vld [tilespmem:s11+$0xC0];
	[tilespmem:s11+$0x110] =	vst v6  }
0x7d: {  	v54 =	vperm.xlane v41, v52;
	v52 =	vperm.xlane v41, v43;
	v37 =	vld [tilespmem:s11+$0xD0]  }
0x7e: {  	v50 =	vperm.xlane v41, v7;
	v46 =	vperm.xlane v41, v46;
	v41 =	vld [tilespmem:s11+$0xE0]  }
0x7f: {  	v45 =	vmul.f32 v45, v42;
	v42 =	vperm.xlane v6, v7;
	s11 =	sadd.s32 $0x240, s11;
	v43 =	vld [tilespmem:s1+$0xF0]  }
0x80: {  	v1 =	vmul.f32 v14, v1  }
0x81: {  	v4 =	vmul.f32 v15, v4;
	[tilespmem:s1+$0xFFFFFEE0] =	vst v45  }
0x82: {  	v0 =	vmul.f32 v16, v0;
	[tilespmem:s1+$0xFFFFFEF0] =	vst v1  }
0x83: {  	v1 =	vmul.f32 v17, v3;
	[tilespmem:s1+$0xFFFFFF00] =	vst v4  }
0x84: {  	v3 =	vmul.f32 v18, v63;
	[tilespmem:s1+$0xFFFFFF10] =	vst v0  }
0x85: {  	v0 =	vmul.f32 v19, v2;
	[tilespmem:s1+$0xFFFFFF20] =	vst v1  }
0x86: {  	v2 =	vmul.f32 v21, v49;
	[tilespmem:s1+$0xFFFFFF30] =	vst v3  }
0x87: {  	v1 =	vmul.f32 v20, v62;
	[tilespmem:s1+$0xFFFFFF40] =	vst v0  }
0x88: {  	v0 =	vmul.f32 v22, v47;
	[tilespmem:s1+$0xFFFFFF70] =	vst v2  }
0x89: {  	v2 =	vmul.f32 v24, v48;
	[tilespmem:s1+$0xFFFFFF50] =	vst v1  }
0x8a: {  	v1 =	vmul.f32 v23, v51;
	[tilespmem:s1+$0xFFFFFF80] =	vst v0  }
0x8b: {  	v0 =	vmul.f32 v26, v61;
	[tilespmem:s1+$0xFFFFFFA0] =	vst v2  }
0x8c: {  	v2 =	vmul.f32 v27, v60;
	[tilespmem:s1+$0xFFFFFF90] =	vst v1  }
0x8d: {  	v1 =	vmul.f32 v25, v58;
	[tilespmem:s1+$0xFFFFFFB0] =	vst v0  }
0x8e: {  	v0 =	vmul.f32 v28, v57;
	[tilespmem:s1+$0xFFFFFFD0] =	vst v2  }
0x8f: {  	v2 =	vmul.f32 v34, v56;
	[tilespmem:s1+$0xFFFFFFC0] =	vst v1  }
0x90: {  	v1 =	vmul.f32 v32, v59;
	[tilespmem:s1+$0xFFFFFFE0] =	vst v0  }
0x91: {  	v0 =	vmul.f32 v36, v55;
	[tilespmem:s1+$0x10] =	vst v2  }
0x92: {  	v2 =	vmul.f32 v44, v54;
	[tilespmem:s1+$0x0] =	vst v1  }
0x93: {  	v1 =	vmul.f32 v38, v53;
	[tilespmem:s1+$0x20] =	vst v0  }
0x94: {  	v0 =	vmul.f32 v40, v52;
	[tilespmem:s1+$0x40] =	vst v2  }
0x95: {  	v2 =	vmul.f32 v39, v46;
	[tilespmem:s1+$0x30] =	vst v1  }
0x96: {  	v1 =	vmul.f32 v33, v50;
	[tilespmem:s1+$0x50] =	vst v0  }
0x97: {  	v0 =	vmul.f32 v29, v9;
	[tilespmem:s1+$0x70] =	vst v2  }
0x98: {  	v2 =	vmul.f32 v31, v8;
	[tilespmem:s1+$0x60] =	vst v1  }
0x99: {  	v1 =	vmul.f32 v30, v11;
	[tilespmem:s1+$0x90] =	vst v0  }
0x9a: {  	v0 =	vmul.f32 v35, v10;
	[tilespmem:s1+$0xB0] =	vst v2  }
0x9b: {  	v2 =	vmul.f32 v41, v12;
	[tilespmem:s1+$0xA0] =	vst v1  }
0x9c: {  	v1 =	vmul.f32 v37, v13;
	[tilespmem:s1+$0xC0] =	vst v0  }
0x9d: {  	v0 =	vmul.f32 v43, v42;
	[tilespmem:s1+$0xE0] =	vst v2  }
0x9e: {  	[tilespmem:s1+$0xD0] =	vst v1  }
0x9f: {  	s7 =	sadd.s32 $0x6BD0, s0;
	[tilespmem:s1+$0xF0] =	vst v0  }
0xa0: {  	[spmem:s2] =	stream.indirect.scatter.add.f32 [tilespmem:s3], [sflag:$0x5], $0x90, s7, s17, $0xb8;
	[tilespmem:$0x1DBA0] =	vst v63  }
0xa1: {  	_ =	swait.ge [sflag:s13], $0x2D00  }
0xa2: {  	[sflag:s13] =	ssyncset.done $0x0  }
0xa3: {  	s10 =	sadd.s32 $0x64A0, s0;
	[sflag:s13] =	ssyncadd.s32 $0xFFFFD300  }
0xa4: {  	[tilespmem:s3], [sflag:$0x1] =	stream.indirect.gather [hbm4b:s4+s17], $0x90, s10, s17, $0xb8;
	[tilespmem:$0x1DBA0] =	vst v63  }
0xa5: {  	s11 =	sadd.s32 $0x6C70, s0  }
0xa6: {  	[tilespmem:s19], [sflag:$0x2] =	stream.indirect.gather [hbm4b:s5+s17], $0x10, s11, s17, $0xb8;
	[tilespmem:$0x1DBA0] =	vst v63  }
0xa7: {  	_ =	swait.ge [sflag:s24], $0x2D00  }
0xa8: {  	[sflag:s24] =	ssyncset.done $0x0  }
0xa9: {  	[sflag:s24] =	ssyncadd.s32 $0xFFFFD300  }
0xaa: {  	_ =	swait.ge [sflag:s25], $0x500  }
0xab: {  	[sflag:s25] =	ssyncset.done $0x0  }
0xac: {  	s0 =	simm.s32 $0x3320;
	[sflag:s25] =	ssyncadd.s32 $0xFFFFFB00  }
0xad: {  	s1 =	simm.s32 $0x5F20;
	v0 =	vld [tilespmem:s0+$0x110]  }
0xae: {  	v1 =	vld [tilespmem:s1+$0x10];
	_ =	sdelay $0x1  }
0xaf: {  	v2 =	vld [tilespmem:s1+$0xFFFFFFE0]  }
0xb0: {  	v3 =	vld [tilespmem:s0+$0xFFFFFFF0]  }
0xb1: {  	v4 =	vld [tilespmem:s1+$0xFFFFFFF0]  }
0xb2: {  	v5 =	vld [tilespmem:s0+$0x80];
	v0 =	vadd.f32 v1, v0  }
0xb3: {  	v6 =	vld [tilespmem:s1+$0x0]  }
0xb4: {  	v42 =	vld [tilespmem:s0+$0xFFFFFEE0];
	v8 =	vmul.f32 $2.000000030e-01, v0  }
0xb5: {  	v14 =	vld [tilespmem:s0+$0xFFFFFEF0];
	vm0 =	vge.f32 v0, $0.0e+00  }
0xb6: {  	v15 =	vld [tilespmem:s0+$0xFFFFFF00];
	v3 =	vadd.f32 v4, v3;
	v0 =	vsel vm0, v0, v8  }
0xb7: {  	v1 =	vld [tilespmem:s0+$0xFFFFFF60];
	v0 =	vmul.f32 $1.442695020e+00, v0  }
0xb8: {  	v16 =	vld [tilespmem:s0+$0xFFFFFF10];
	v4 =	vadd.f32 v6, v5;
	v5 =	vmul.f32 $2.000000030e-01, v3  }
0xb9: {  	v17 =	vld [tilespmem:s0+$0xFFFFFF20];
	vm14 =	vge.f32 v3, $0.0e+00;
	(erf) = vpow2.f32 v0  }
0xba: {  	v18 =	vld [tilespmem:s0+$0xFFFFFF30];
	v3 =	vsel vm14, v3, v5  }
0xbb: {  	v19 =	vld [tilespmem:s0+$0xFFFFFF40];
	v3 =	vmul.f32 $1.442695020e+00, v3  }
0xbc: {  	v20 =	vld [tilespmem:s0+$0xFFFFFF50];
	v1 =	vadd.f32 v2, v1  }
0xbd: {  	v21 =	vld [tilespmem:s0+$0xFFFFFF70];
	v2 =	vmul.f32 $2.000000030e-01, v4;
	(erf) = vpow2.f32 v3  }
0xbe: {  	v22 =	vld [tilespmem:s0+$0xFFFFFF80];
	vm1 =	vge.f32 v4, $0.0e+00;
	v0 =	vmul.f32 $2.000000030e-01, v1  }
0xbf: {  	v23 =	vld [tilespmem:s0+$0xFFFFFF90];
	vm15 =	vge.f32 v1, $0.0e+00;
	v2 =	vsel vm1, v4, v2  }
0xc0: {  	v24 =	vld [tilespmem:s0+$0xFFFFFFA0];
	v0 =	vsel vm15, v1, v0;
	v1 =	vmul.f32 $1.442695020e+00, v2  }
0xc1: {  	v46 =	vimm.s32 $0x7;
	v26 =	vld [tilespmem:s0+$0xFFFFFFB0]  }
0xc2: {  	v53 =	vimm.s32 $0x2;
	v25 =	vld [tilespmem:s0+$0xFFFFFFC0];
	v0 =	vmul.f32 $1.442695020e+00, v0;
	(erf) = vpow2.f32 v1;
	v5 =	vpop (erf)  }
0xc3: {  	v52 =	vimm.s32 $0x3;
	v35 =	vimm.s32 $0x0;
	v27 =	vld [tilespmem:s0+$0xFFFFFFD0];
	v2 =	vperm.xlane v5, v53  }
0xc4: {  	v28 =	vld [tilespmem:s0+$0xFFFFFFE0];
	v8 =	vimm.s32 $0x1;
	(erf) = vpow2.f32 v0;
	v9 =	vperm.xlane v5, v35  }
0xc5: {  	v50 =	vimm.s32 $0x4;
	v0 =	vld [tilespmem:s0+$0x100];
	v1 =	vperm.xlane v5, v46;
	v11 =	vperm.xlane v5, v8;
	[tilespmem:$0x1FFE0] =	vst v2  }
0xc6: {  	v41 =	vimm.s32 $0x5;
	v10 =	vperm.xlane v5, v52;
	v13 =	vperm.xlane v5, v50;
	v6 =	vpop (erf);
	v32 =	vld [tilespmem:s0+$0x0]  }
0xc7: {  	v12 =	vperm.xlane v5, v41;
	v49 =	vperm.xlane v6, v35;
	v34 =	vld [tilespmem:s0+$0x10]  }
0xc8: {  	v47 =	vperm.xlane v6, v8;
	v51 =	vperm.xlane v6, v53;
	v36 =	vld [tilespmem:s0+$0x20]  }
0xc9: {  	v7 =	vimm.s32 $0x6;
	v48 =	vperm.xlane v6, v52;
	v61 =	vperm.xlane v6, v50;
	v38 =	vld [tilespmem:s0+$0x30]  }
0xca: {  	v58 =	vperm.xlane v6, v41;
	v60 =	vperm.xlane v6, v7;
	v44 =	vld [tilespmem:s0+$0x40]  }
0xcb: {  	v57 =	vperm.xlane v6, v46;
	v2 =	vmul.f32 v0, v1;
	v43 =	vpop (erf);
	v40 =	vld [tilespmem:s0+$0x50]  }
0xcc: {  	v33 =	vld [tilespmem:s0+$0x60];
	v59 =	vperm.xlane v43, v35;
	v56 =	vperm.xlane v43, v8  }
0xcd: {  	v29 =	vld [tilespmem:s0+$0x90];
	v37 =	vpop (erf);
	v55 =	vperm.xlane v43, v53;
	v54 =	vperm.xlane v43, v50  }
0xce: {  	v30 =	vld [tilespmem:s0+$0xA0];
	v45 =	vperm.xlane v37, v35;
	v1 =	vperm.xlane v37, v8  }
0xcf: {  	v31 =	vld [tilespmem:s0+$0xB0];
	v4 =	vperm.xlane v37, v53;
	v0 =	vperm.xlane v37, v52  }
0xd0: {  	v39 =	vld [tilespmem:s0+$0x70];
	[tilespmem:s0+$0x110] =	vst v5;
	v3 =	vperm.xlane v37, v50;
	v63 =	vperm.xlane v37, v41  }
0xd1: {  	[tilespmem:s0+$0x100] =	vst v2;
	v2 =	vperm.xlane v37, v7;
	v62 =	vperm.xlane v37, v46;
	v35 =	vld [tilespmem:s0+$0xC0]  }
0xd2: {  	v53 =	vperm.xlane v43, v52;
	[tilespmem:s0+$0xFFFFFF60] =	vst v37;
	v52 =	vperm.xlane v43, v41;
	v37 =	vld [tilespmem:s0+$0xD0]  }
0xd3: {  	[tilespmem:s0+$0xFFFFFFF0] =	vst v6;
	v50 =	vperm.xlane v43, v7;
	v46 =	vperm.xlane v43, v46;
	v41 =	vld [tilespmem:s0+$0xE0]  }
0xd4: {  	s7 =	simm.s32 $0x0;
	s10 =	simm.s32 $0x3560;
	[tilespmem:s0+$0x80] =	vst v43;
	v43 =	vld [tilespmem:s0+$0xF0];
	v45 =	vmul.f32 v42, v45;
	v42 =	vperm.xlane v5, v7  }
.LBB2_6:
0xd5: {  	v1 =	vmul.f32 v14, v1  }
0xd6: {  	s1 =	sadd.s32 $0x40, s1;
	[tilespmem:s0+$0xFFFFFEE0] =	vst v45;
	v4 =	vmul.f32 v15, v4  }
0xd7: {  	v0 =	vmul.f32 v16, v0;
	v3 =	vmul.f32 v17, v3;
	v17 =	vld [tilespmem:s1+$0xFFFFFFE0];
	[tilespmem:s0+$0xFFFFFEF0] =	vst v1  }
0xd8: {  	v5 =	vld [tilespmem:s10+$0x110];
	[tilespmem:s0+$0xFFFFFF00] =	vst v4  }
0xd9: {  	v6 =	vld [tilespmem:s1+$0x10];
	v16 =	vmul.f32 v21, v49;
	[tilespmem:s0+$0xFFFFFF10] =	vst v0  }
0xda: {  	v2 =	vmul.f32 v19, v2;
	v19 =	vmul.f32 v23, v51;
	[tilespmem:s0+$0xFFFFFF20] =	vst v3  }
0xdb: {  	v1 =	vmul.f32 v18, v63;
	v18 =	vld [tilespmem:s1+$0xFFFFFFF0];
	[tilespmem:s0+$0xFFFFFF70] =	vst v16  }
0xdc: {  	v15 =	vld [tilespmem:s10+$0xFFFFFFF0];
	v0 =	vmul.f32 v22, v47;
	[tilespmem:s0+$0xFFFFFF90] =	vst v19  }
0xdd: {  	v4 =	vmul.f32 v20, v62;
	v20 =	vld [tilespmem:s10+$0x80];
	v3 =	vmul.f32 v24, v48;
	[tilespmem:s0+$0xFFFFFF30] =	vst v1  }
0xde: {  	v22 =	vld [tilespmem:s1+$0x0];
	v5 =	vadd.f32 v6, v5;
	v6 =	vmul.f32 v27, v60;
	[tilespmem:s0+$0xFFFFFF80] =	vst v0  }
0xdf: {  	v21 =	vmul.f32 v26, v61;
	v24 =	vmul.f32 v32, v59;
	v45 =	vld [tilespmem:s10+$0xFFFFFEE0];
	[tilespmem:s0+$0xFFFFFFA0] =	vst v3  }
0xe0: {  	v27 =	vmul.f32 v36, v55;
	v14 =	vld [tilespmem:s10+$0xFFFFFEF0];
	v1 =	vmul.f32 v25, v58;
	[tilespmem:s0+$0xFFFFFFD0] =	vst v6  }
0xe1: {  	v25 =	vmul.f32 $2.000000030e-01, v5;
	v0 =	vmul.f32 v38, v53;
	v23 =	vld [tilespmem:s10+$0xFFFFFF60];
	[tilespmem:s0+$0xFFFFFF40] =	vst v2  }
0xe2: {  	vm0 =	vge.f32 v5, $0.0e+00;
	v3 =	vmul.f32 v40, v52;
	v6 =	vmul.f32 v33, v50;
	[tilespmem:s0+$0xFFFFFF50] =	vst v4;
	v16 =	vld [tilespmem:s10+$0xFFFFFF10]  }
0xe3: {  	[tilespmem:s0+$0xFFFFFFB0] =	vst v21;
	v58 =	vmul.f32 v43, v42;
	v5 =	vsel vm0, v5, v25;
	v19 =	vld [tilespmem:s10+$0xFFFFFF40];
	v26 =	vadd.f32 v18, v15  }
0xe4: {  	v2 =	vmul.f32 v28, v57;
	[tilespmem:s0+$0x30] =	vst v0;
	v0 =	vld [tilespmem:$0x1FFE0];
	v5 =	vmul.f32 $1.442695020e+00, v5  }
0xe5: {  	[tilespmem:s0+$0x0] =	vst v24;
	v4 =	vmul.f32 v34, v56;
	v15 =	vld [tilespmem:s10+$0xFFFFFF00];
	v28 =	vmul.f32 $2.000000030e-01, v26  }
0xe6: {  	[tilespmem:s0+$0x20] =	vst v27;
	v22 =	vadd.f32 v22, v20;
	v18 =	vld [tilespmem:s10+$0xFFFFFF30];
	vm15 =	vge.f32 v26, $0.0e+00;
	(erf) = vpow2.f32 v5  }
0xe7: {  	v25 =	vmul.f32 v44, v54;
	[tilespmem:s0+$0xFFFFFFC0] =	vst v1;
	v20 =	vld [tilespmem:s10+$0xFFFFFF50];
	v23 =	vadd.f32 v17, v23;
	v21 =	vsel vm15, v26, v28  }
0xe8: {  	[tilespmem:s0+$0xFFFFFFE0] =	vst v2;
	v24 =	vld [tilespmem:s10+$0xFFFFFFA0];
	v57 =	vmul.f32 $2.000000030e-01, v22;
	v1 =	vmul.f32 $1.442695020e+00, v21  }
0xe9: {  	v2 =	vmul.f32 v39, v46;
	[tilespmem:s0+$0x40] =	vst v25;
	v25 =	vld [tilespmem:s10+$0xFFFFFFC0];
	vm1 =	vge.f32 v22, $0.0e+00;
	v5 =	vmul.f32 $2.000000030e-01, v23  }
0xea: {  	[tilespmem:s0+$0x10] =	vst v4;
	v27 =	vld [tilespmem:s10+$0xFFFFFFD0];
	v22 =	vsel vm1, v22, v57;
	vm2 =	vge.f32 v23, $0.0e+00;
	(erf) = vpow2.f32 v1  }
0xeb: {  	v4 =	vmul.f32 v30, v11;
	v32 =	vld [tilespmem:s10+$0x0];
	v26 =	vmul.f32 $1.442695020e+00, v22;
	v5 =	vsel vm2, v23, v5  }
0xec: {  	v43 =	vimm.s32 $0x7;
	[tilespmem:s0+$0x50] =	vst v3;
	v30 =	vmul.f32 v37, v13;
	v34 =	vld [tilespmem:s10+$0x10];
	v5 =	vmul.f32 $1.442695020e+00, v5  }
0xed: {  	v53 =	vimm.s32 $0x2;
	v36 =	vld [tilespmem:s10+$0x20];
	v0 =	vmul.f32 v31, v0;
	(erf) = vpow2.f32 v26  }
0xee: {  	v52 =	vimm.s32 $0x3;
	[tilespmem:s0+$0x60] =	vst v6;
	v31 =	vmul.f32 v41, v12;
	(erf) = vpow2.f32 v5;
	v5 =	vld [tilespmem:s10+$0x100]  }
0xef: {  	v54 =	vimm.s32 $0x0;
	v38 =	vld [tilespmem:s10+$0x30];
	v1 =	vmul.f32 v29, v9;
	v29 =	vmul.f32 v35, v10;
	v7 =	vpop (erf)  }
0xf0: {  	v46 =	vimm.s32 $0x1;
	[tilespmem:s0+$0x70] =	vst v2;
	v17 =	vld [tilespmem:s10+$0xFFFFFF20];
	v9 =	vperm.xlane v7, v54;
	v3 =	vperm.xlane v7, v43  }
0xf1: {  	v50 =	vimm.s32 $0x4;
	v44 =	vld [tilespmem:s10+$0x40];
	v11 =	vperm.xlane v7, v46;
	v8 =	vperm.xlane v7, v53  }
0xf2: {  	v40 =	vld [tilespmem:s10+$0x50];
	v41 =	vimm.s32 $0x5;
	v10 =	vperm.xlane v7, v52;
	v13 =	vperm.xlane v7, v50  }
0xf3: {  	[tilespmem:s0+$0xA0] =	vst v4;
	v33 =	vld [tilespmem:s10+$0x60];
	v12 =	vperm.xlane v7, v41;
	v2 =	vmul.f32 v5, v3;
	v5 =	vpop (erf)  }
0xf4: {  	v39 =	vld [tilespmem:s10+$0x70];
	[tilespmem:s0+$0xB0] =	vst v0;
	v49 =	vperm.xlane v5, v54;
	v47 =	vperm.xlane v5, v46  }
0xf5: {  	v28 =	vld [tilespmem:s10+$0xFFFFFFE0];
	[tilespmem:$0x1FFE0] =	vst v8;
	v8 =	vimm.s32 $0x6;
	v51 =	vperm.xlane v5, v53;
	v48 =	vperm.xlane v5, v52  }
0xf6: {  	v21 =	vld [tilespmem:s10+$0xFFFFFF70];
	[tilespmem:s10+$0x100] =	vst v2;
	v61 =	vperm.xlane v5, v50;
	v60 =	vperm.xlane v5, v8  }
0xf7: {  	v22 =	vld [tilespmem:s10+$0xFFFFFF80];
	v6 =	vpop (erf);
	v57 =	vperm.xlane v5, v43;
	[tilespmem:s0+$0xF0] =	vst v58;
	v58 =	vperm.xlane v5, v41  }
0xf8: {  	v23 =	vld [tilespmem:s10+$0xFFFFFF90];
	[tilespmem:s0+$0x90] =	vst v1;
	v56 =	vperm.xlane v6, v46;
	v55 =	vperm.xlane v6, v53;
	v59 =	vpop (erf)  }
0xf9: {  	v26 =	vld [tilespmem:s10+$0xFFFFFFB0];
	[tilespmem:s0+$0xC0] =	vst v29;
	v42 =	vperm.xlane v59, v54;
	v1 =	vperm.xlane v59, v46  }
0xfa: {  	s7 =	sadd.s32 $0x4, s7;
	v29 =	vld [tilespmem:s10+$0x90];
	[tilespmem:s0+$0xD0] =	vst v30;
	v4 =	vperm.xlane v59, v53;
	v0 =	vperm.xlane v59, v52  }
0xfb: {  	p0 =	slt.u32 s7, $0x4C;
	[tilespmem:s0+$0xE0] =	vst v31;
	v30 =	vld [tilespmem:s10+$0xA0];
	v3 =	vperm.xlane v59, v50;
	v63 =	vperm.xlane v59, v41  }
.Ltmp1:
0xfc: {  	v31 =	vld [tilespmem:s10+$0xB0];
	v2 =	vperm.xlane v59, v8;
	v62 =	vperm.xlane v59, v43;
	(pc) =	sbr.rel @p0 .LBB2_6-.Ltmp1, $4  }
0xfd: {  	v35 =	vld [tilespmem:s10+$0xC0];
	[tilespmem:s10+$0xFFFFFF60] =	vst v59;
	v59 =	vperm.xlane v6, v54;
	v53 =	vperm.xlane v6, v52  }
0xfe: {  	[tilespmem:s10+$0xFFFFFFF0] =	vst v5;
	v37 =	vld [tilespmem:s10+$0xD0];
	v54 =	vperm.xlane v6, v50;
	v52 =	vperm.xlane v6, v41  }
0xff: {  	s0 =	smov.u32 s10;
	[tilespmem:s10+$0x110] =	vst v7;
	v50 =	vperm.xlane v6, v8;
	v46 =	vperm.xlane v6, v43;
	v41 =	vld [tilespmem:s10+$0xE0]  }
0x100: {  	[tilespmem:s10+$0x80] =	vst v6;
	v43 =	vld [tilespmem:s0+$0xF0];
	s10 =	sadd.s32 $0x240, s10;
	v45 =	vmul.f32 v45, v42;
	v42 =	vperm.xlane v7, v8  }
0x101: {  	v1 =	vmul.f32 v14, v1  }
0x102: {  	v4 =	vmul.f32 v15, v4;
	[tilespmem:s0+$0xFFFFFEE0] =	vst v45  }
0x103: {  	v0 =	vmul.f32 v16, v0;
	[tilespmem:s0+$0xFFFFFEF0] =	vst v1  }
0x104: {  	v16 =	vmul.f32 v17, v3;
	[tilespmem:s0+$0xFFFFFF00] =	vst v4  }
0x105: {  	v17 =	vmul.f32 v18, v63;
	[tilespmem:s0+$0xFFFFFF10] =	vst v0  }
0x106: {  	v18 =	vmul.f32 v19, v2;
	[tilespmem:s0+$0xFFFFFF20] =	vst v16  }
0x107: {  	v19 =	vmul.f32 v20, v62;
	[tilespmem:s0+$0xFFFFFF30] =	vst v17  }
0x108: {  	v20 =	vmul.f32 v21, v49;
	[tilespmem:s0+$0xFFFFFF40] =	vst v18  }
0x109: {  	v21 =	vmul.f32 v22, v47;
	[tilespmem:s0+$0xFFFFFF50] =	vst v19  }
0x10a: {  	v22 =	vmul.f32 v23, v51;
	[tilespmem:s0+$0xFFFFFF70] =	vst v20  }
0x10b: {  	v23 =	vmul.f32 v24, v48;
	[tilespmem:s0+$0xFFFFFF80] =	vst v21  }
0x10c: {  	v24 =	vmul.f32 v26, v61;
	[tilespmem:s0+$0xFFFFFF90] =	vst v22  }
0x10d: {  	v26 =	vmul.f32 v25, v58;
	[tilespmem:s0+$0xFFFFFFA0] =	vst v23  }
0x10e: {  	v47 =	vmul.f32 v28, v57;
	[tilespmem:s0+$0xFFFFFFB0] =	vst v24  }
0x10f: {  	v48 =	vmul.f32 v32, v59;
	[tilespmem:s0+$0xFFFFFFC0] =	vst v26  }
0x110: {  	v49 =	vmul.f32 v34, v56;
	[tilespmem:s0+$0xFFFFFFE0] =	vst v47  }
0x111: {  	v51 =	vmul.f32 v36, v55;
	[tilespmem:s0+$0x0] =	vst v48  }
0x112: {  	v53 =	vmul.f32 v38, v53;
	[tilespmem:s0+$0x10] =	vst v49  }
0x113: {  	v54 =	vmul.f32 v44, v54;
	[tilespmem:s0+$0x20] =	vst v51  }
0x114: {  	v55 =	vmul.f32 v40, v52;
	[tilespmem:s0+$0x30] =	vst v53  }
0x115: {  	v56 =	vmul.f32 v33, v50;
	[tilespmem:s0+$0x40] =	vst v54  }
0x116: {  	v57 =	vmul.f32 v39, v46;
	[tilespmem:s0+$0x50] =	vst v55  }
0x117: {  	v45 =	vmul.f32 v27, v60;
	[tilespmem:s0+$0x60] =	vst v56  }
0x118: {  	[tilespmem:s0+$0x70] =	vst v57  }
0x119: {  	v58 =	vmul.f32 v29, v9;
	[tilespmem:s0+$0xFFFFFFD0] =	vst v45  }
0x11a: {  	v59 =	vmul.f32 v30, v11;
	v2 =	vld [tilespmem:$0x1FFE0]  }
0x11b: {  	v60 =	vmul.f32 v35, v10;
	[tilespmem:s0+$0x90] =	vst v58  }
0x11c: {  	v61 =	vmul.f32 v37, v13;
	[tilespmem:s0+$0xA0] =	vst v59  }
0x11d: {  	v62 =	vmul.f32 v41, v12;
	[tilespmem:s0+$0xC0] =	vst v60  }
0x11e: {  	v63 =	vmul.f32 v43, v42;
	[tilespmem:s0+$0xD0] =	vst v61  }
0x11f: {  	s30 =	sadd.s32 $0x1, s30;
	[tilespmem:s0+$0xE0] =	vst v62;
	v2 =	vmul.f32 v31, v2  }
0x120: {  	p0 =	sne.s32 s30, $0xC;
	[tilespmem:s0+$0xF0] =	vst v63  }
.Ltmp2:
0x121: {  	[tilespmem:s0+$0xB0] =	vst v2;
	(pc) =	sbr.rel @p0 .LBB2_3-.Ltmp2, $4  }
0x122: {  	[spmem:s2] =	stream.indirect.scatter.add.f32 [tilespmem:s20], [sflag:$0x5], $0x90, s31, s17, $0xb8;
	[tilespmem:$0x1DBA0] =	vst v63  }
0x123: {  	v46 =	vimm.s32 $0x2;
	_ =	swait.ge [sflag:s13], $0x2D00  }
0x124: {  	v50 =	vimm.s32 $0x3;
	v29 =	vimm.s32 $0x6;
	v35 =	vimm.s32 $0x1;
	[sflag:s13] =	ssyncset.done $0x0  }
0x125: {  	v54 =	vimm.s32 $0x4;
	v41 =	vimm.s32 $0x5;
	v45 =	vimm.s32 $0x7;
	[sflag:s13] =	ssyncadd.s32 $0xFFFFD300  }
0x126: {  	_ =	swait.ge [sflag:s22], $0x2D00  }
0x127: {  	[sflag:s22] =	ssyncset.done $0x0  }
0x128: {  	[sflag:s22] =	ssyncadd.s32 $0xFFFFD300  }
0x129: {  	_ =	swait.ge [sflag:s23], $0x500  }
0x12a: {  	[sflag:s23] =	ssyncset.done $0x0  }
0x12b: {  	s0 =	simm.s32 $0x120;
	[sflag:s23] =	ssyncadd.s32 $0xFFFFFB00  }
0x12c: {  	s1 =	simm.s32 $0x2D20;
	v0 =	vld [tilespmem:s0+$0x110]  }
0x12d: {  	v1 =	vld [tilespmem:s1+$0x10]  }
0x12e: {  	v2 =	vld [tilespmem:s1+$0xFFFFFFE0]  }
0x12f: {  	v7 =	vld [tilespmem:s0+$0xFFFFFEE0]  }
0x130: {  	v3 =	vld [tilespmem:s0+$0xFFFFFFF0]  }
0x131: {  	v4 =	vld [tilespmem:s1+$0xFFFFFFF0]  }
0x132: {  	v5 =	vld [tilespmem:s0+$0x80]  }
0x133: {  	v6 =	vld [tilespmem:s1+$0x0];
	v0 =	vadd.f32 v1, v0  }
0x134: {  	v1 =	vld [tilespmem:s0+$0xFFFFFF60];
	[tilespmem:$0x1FFD0] =	vst v7  }
0x135: {  	v14 =	vld [tilespmem:s0+$0xFFFFFEF0];
	v8 =	vmul.f32 $2.000000030e-01, v0  }
0x136: {  	v3 =	vadd.f32 v4, v3;
	v15 =	vld [tilespmem:s0+$0xFFFFFF00];
	vm0 =	vge.f32 v0, $0.0e+00  }
0x137: {  	v16 =	vld [tilespmem:s0+$0xFFFFFF10];
	v0 =	vsel vm0, v0, v8  }
0x138: {  	v4 =	vadd.f32 v6, v5;
	v17 =	vld [tilespmem:s0+$0xFFFFFF20];
	v5 =	vmul.f32 $2.000000030e-01, v3;
	v0 =	vmul.f32 $1.442695020e+00, v0  }
0x139: {  	v18 =	vld [tilespmem:s0+$0xFFFFFF30];
	vm14 =	vge.f32 v3, $0.0e+00  }
0x13a: {  	v19 =	vld [tilespmem:s0+$0xFFFFFF40];
	v3 =	vsel vm14, v3, v5;
	(erf) = vpow2.f32 v0  }
0x13b: {  	v20 =	vld [tilespmem:s0+$0xFFFFFF50];
	v3 =	vmul.f32 $1.442695020e+00, v3  }
0x13c: {  	v21 =	vld [tilespmem:s0+$0xFFFFFF70];
	v1 =	vadd.f32 v2, v1  }
0x13d: {  	v22 =	vld [tilespmem:s0+$0xFFFFFF80];
	v2 =	vmul.f32 $2.000000030e-01, v4;
	(erf) = vpow2.f32 v3  }
0x13e: {  	v23 =	vld [tilespmem:s0+$0xFFFFFF90];
	vm1 =	vge.f32 v4, $0.0e+00;
	v0 =	vmul.f32 $2.000000030e-01, v1  }
0x13f: {  	v24 =	vld [tilespmem:s0+$0xFFFFFFA0];
	vm15 =	vge.f32 v1, $0.0e+00;
	v2 =	vsel vm1, v4, v2  }
0x140: {  	v26 =	vld [tilespmem:s0+$0xFFFFFFB0];
	v0 =	vsel vm15, v1, v0;
	v1 =	vmul.f32 $1.442695020e+00, v2  }
0x141: {  	v25 =	vld [tilespmem:s0+$0xFFFFFFC0];
	v0 =	vmul.f32 $1.442695020e+00, v0  }
0x142: {  	v27 =	vld [tilespmem:s0+$0xFFFFFFD0];
	(erf) = vpow2.f32 v1  }
0x143: {  	v39 =	vimm.s32 $0x0;
	v28 =	vld [tilespmem:s0+$0xFFFFFFE0];
	(erf) = vpow2.f32 v0;
	v5 =	vpop (erf)  }
0x144: {  	v32 =	vld [tilespmem:s0+$0x0];
	v9 =	vperm.xlane v5, v39;
	v1 =	vperm.xlane v5, v45  }
0x145: {  	v0 =	vld [tilespmem:s0+$0x100];
	v11 =	vperm.xlane v5, v35;
	v8 =	vperm.xlane v5, v46  }
0x146: {  	v34 =	vld [tilespmem:s0+$0x10];
	v10 =	vperm.xlane v5, v50;
	v13 =	vperm.xlane v5, v54;
	v6 =	vpop (erf)  }
0x147: {  	v36 =	vld [tilespmem:s0+$0x20];
	v12 =	vperm.xlane v5, v41;
	v49 =	vperm.xlane v6, v39  }
0x148: {  	v38 =	vld [tilespmem:s0+$0x30];
	v47 =	vperm.xlane v6, v35;
	v51 =	vperm.xlane v6, v46  }
0x149: {  	v44 =	vld [tilespmem:s0+$0x40];
	v48 =	vperm.xlane v6, v50;
	v61 =	vperm.xlane v6, v54  }
0x14a: {  	v7 =	vimm.s32 $0x6;
	v40 =	vld [tilespmem:s0+$0x50];
	[tilespmem:s0+$0x110] =	vst v5;
	v58 =	vperm.xlane v6, v41;
	v2 =	vmul.f32 v0, v1  }
0x14b: {  	v33 =	vld [tilespmem:s0+$0x60];
	v60 =	vperm.xlane v6, v7;
	v57 =	vperm.xlane v6, v45;
	[tilespmem:s0+$0xFFFFFFF0] =	vst v6;
	v42 =	vpop (erf)  }
0x14c: {  	v30 =	vld [tilespmem:s0+$0xA0];
	[tilespmem:s0+$0x100] =	vst v2;
	v59 =	vperm.xlane v42, v39;
	v56 =	vperm.xlane v42, v35  }
0x14d: {  	v31 =	vld [tilespmem:s0+$0xB0];
	v37 =	vpop (erf);
	v55 =	vperm.xlane v42, v46;
	v53 =	vperm.xlane v42, v50;
	[tilespmem:s0+$0x80] =	vst v42  }
0x14e: {  	v52 =	vperm.xlane v42, v41;
	v2 =	vperm.xlane v37, v29;
	v29 =	vld [tilespmem:s0+$0x90];
	[tilespmem:s0+$0xFFFFFF60] =	vst v37  }
0x14f: {  	v43 =	vperm.xlane v37, v39;
	v1 =	vperm.xlane v37, v35;
	v6 =	vld [tilespmem:$0x1FFD0]  }
0x150: {  	v4 =	vperm.xlane v37, v46;
	v0 =	vperm.xlane v37, v50;
	v35 =	vld [tilespmem:s0+$0xC0]  }
0x151: {  	v3 =	vperm.xlane v37, v54;
	v63 =	vperm.xlane v37, v41;
	v39 =	vld [tilespmem:s0+$0x70]  }
0x152: {  	v62 =	vperm.xlane v37, v45;
	v54 =	vperm.xlane v42, v54;
	v37 =	vld [tilespmem:s0+$0xD0]  }
0x153: {  	v50 =	vperm.xlane v42, v7;
	v46 =	vperm.xlane v42, v45;
	v41 =	vld [tilespmem:s0+$0xE0]  }
0x154: {  	s7 =	simm.s32 $0x0;
	s10 =	simm.s32 $0x360;
	v42 =	vperm.xlane v5, v7;
	v45 =	vmul.f32 v6, v43;
	v43 =	vld [tilespmem:s0+$0xF0]  }
.LBB2_9:
0x155: {  	v4 =	vmul.f32 v15, v4  }
0x156: {  	s1 =	sadd.s32 $0x40, s1;
	[tilespmem:s0+$0xFFFFFEE0] =	vst v45;
	v1 =	vmul.f32 v14, v1  }
0x157: {  	v7 =	vld [tilespmem:s1+$0xFFFFFFE0];
	[tilespmem:s0+$0xFFFFFF00] =	vst v4;
	v0 =	vmul.f32 v16, v0  }
0x158: {  	v3 =	vmul.f32 v17, v3;
	[tilespmem:s0+$0xFFFFFEF0] =	vst v1  }
0x159: {  	v5 =	vld [tilespmem:s10+$0x110];
	v16 =	vmul.f32 v21, v49;
	[tilespmem:s0+$0xFFFFFF10] =	vst v0  }
0x15a: {  	v6 =	vld [tilespmem:s1+$0x10];
	v4 =	vmul.f32 v20, v62;
	v20 =	vmul.f32 v26, v61;
	[tilespmem:s0+$0xFFFFFF20] =	vst v3  }
0x15b: {  	v17 =	vld [tilespmem:s1+$0xFFFFFFF0];
	v1 =	vmul.f32 v18, v63;
	[tilespmem:s0+$0xFFFFFF70] =	vst v16  }
0x15c: {  	v15 =	vld [tilespmem:s10+$0xFFFFFFF0];
	v0 =	vmul.f32 v22, v47;
	[tilespmem:s0+$0xFFFFFFB0] =	vst v20  }
0x15d: {  	v2 =	vmul.f32 v19, v2;
	v19 =	vld [tilespmem:s10+$0x80];
	v18 =	vmul.f32 v23, v51;
	[tilespmem:s0+$0xFFFFFF30] =	vst v1  }
0x15e: {  	v21 =	vld [tilespmem:s1+$0x0];
	v3 =	vmul.f32 v24, v48;
	[tilespmem:s0+$0xFFFFFF80] =	vst v0  }
0x15f: {  	v14 =	vld [tilespmem:s10+$0xFFFFFEE0];
	[tilespmem:s0+$0xFFFFFF90] =	vst v18  }
0x160: {  	v26 =	vmul.f32 v36, v55;
	v5 =	vadd.f32 v6, v5;
	[tilespmem:s0+$0xFFFFFFA0] =	vst v3;
	v22 =	vld [tilespmem:s10+$0xFFFFFF60]  }
0x161: {  	v6 =	vmul.f32 v27, v60;
	v23 =	vmul.f32 v32, v59;
	[tilespmem:s0+$0xFFFFFF40] =	vst v2;
	v45 =	vld [tilespmem:s10+$0xFFFFFF00]  }
0x162: {  	v27 =	vmul.f32 v44, v54;
	v24 =	vmul.f32 $2.000000030e-01, v5;
	[tilespmem:s0+$0xFFFFFF50] =	vst v4;
	v16 =	vld [tilespmem:s10+$0xFFFFFF10]  }
0x163: {  	v1 =	vmul.f32 v25, v58;
	vm0 =	vge.f32 v5, $0.0e+00;
	[tilespmem:s0+$0xFFFFFFD0] =	vst v6;
	v25 =	vadd.f32 v17, v15;
	v17 =	vld [tilespmem:s10+$0xFFFFFF20]  }
0x164: {  	v0 =	vmul.f32 v38, v53;
	v3 =	vmul.f32 v40, v52;
	[tilespmem:s0+$0x0] =	vst v23;
	v5 =	vsel vm0, v5, v24;
	v18 =	vld [tilespmem:s10+$0xFFFFFF30]  }
0x165: {  	v2 =	vmul.f32 v28, v57;
	v21 =	vadd.f32 v21, v19;
	v19 =	vld [tilespmem:s10+$0xFFFFFF40];
	[tilespmem:s0+$0xFFFFFFC0] =	vst v1;
	v5 =	vmul.f32 $1.442695020e+00, v5  }
0x166: {  	v6 =	vmul.f32 v33, v50;
	v20 =	vld [tilespmem:s10+$0xFFFFFF50];
	[tilespmem:s0+$0x30] =	vst v0;
	v24 =	vmul.f32 $2.000000030e-01, v25  }
0x167: {  	v4 =	vmul.f32 v34, v56;
	vm15 =	vge.f32 v25, $0.0e+00;
	[tilespmem:s0+$0xFFFFFFE0] =	vst v2;
	v23 =	vld [tilespmem:s10+$0xFFFFFF90];
	(erf) = vpow2.f32 v5  }
0x168: {  	v0 =	vmul.f32 v31, v8;
	[tilespmem:$0x1FFC0] =	vst v14;
	v14 =	vld [tilespmem:s10+$0xFFFFFEF0];
	v24 =	vsel vm15, v25, v24;
	v7 =	vadd.f32 v7, v22  }
0x169: {  	[tilespmem:s0+$0x20] =	vst v26;
	v26 =	vld [tilespmem:s10+$0xFFFFFFB0];
	v22 =	vmul.f32 $2.000000030e-01, v21;
	v1 =	vmul.f32 $1.442695020e+00, v24  }
0x16a: {  	[tilespmem:s0+$0x40] =	vst v27;
	v31 =	vmul.f32 v43, v42;
	vm1 =	vge.f32 v21, $0.0e+00;
	v27 =	vld [tilespmem:s10+$0xFFFFFFD0];
	v5 =	vmul.f32 $2.000000030e-01, v7  }
0x16b: {  	[tilespmem:s0+$0x10] =	vst v4;
	v28 =	vld [tilespmem:s10+$0xFFFFFFE0];
	vm2 =	vge.f32 v7, $0.0e+00;
	v22 =	vsel vm1, v21, v22;
	(erf) = vpow2.f32 v1  }
0x16c: {  	v2 =	vmul.f32 v39, v46;
	v32 =	vld [tilespmem:s10+$0x0];
	v5 =	vsel vm2, v7, v5;
	v7 =	vmul.f32 $1.442695020e+00, v22  }
0x16d: {  	v52 =	vimm.s32 $0x2;
	[tilespmem:s0+$0x50] =	vst v3;
	v4 =	vmul.f32 v30, v11;
	v34 =	vld [tilespmem:s10+$0x10];
	v5 =	vmul.f32 $1.442695020e+00, v5  }
0x16e: {  	v50 =	vimm.s32 $0x3;
	v30 =	vmul.f32 v41, v12;
	v36 =	vld [tilespmem:s10+$0x20];
	(erf) = vpow2.f32 v7  }
0x16f: {  	v15 =	vimm.s32 $0x7;
	[tilespmem:s0+$0x60] =	vst v6;
	v1 =	vmul.f32 v29, v9;
	(erf) = vpow2.f32 v5;
	v5 =	vld [tilespmem:s10+$0x100]  }
0x170: {  	v38 =	vld [tilespmem:s10+$0x30];
	v29 =	vmul.f32 v37, v13;
	v37 =	vimm.s32 $0x0;
	v7 =	vmul.f32 v35, v10;
	v8 =	vpop (erf)  }
0x171: {  	v41 =	vimm.s32 $0x1;
	v25 =	vld [tilespmem:s10+$0xFFFFFFC0];
	[tilespmem:$0x1FFB0] =	vst v14;
	v14 =	vperm.xlane v8, v37;
	v3 =	vperm.xlane v8, v15  }
0x172: {  	v46 =	vimm.s32 $0x4;
	[tilespmem:s0+$0x70] =	vst v2;
	v24 =	vld [tilespmem:s10+$0xFFFFFFA0];
	v11 =	vperm.xlane v8, v41;
	v43 =	vperm.xlane v8, v52  }
0x173: {  	v44 =	vld [tilespmem:s10+$0x40];
	v9 =	vimm.s32 $0x5;
	v10 =	vperm.xlane v8, v50;
	v13 =	vperm.xlane v8, v46  }
0x174: {  	[tilespmem:s0+$0xB0] =	vst v0;
	v40 =	vld [tilespmem:s10+$0x50];
	v12 =	vperm.xlane v8, v9;
	v2 =	vmul.f32 v5, v3;
	v5 =	vpop (erf)  }
0x175: {  	[tilespmem:s0+$0xA0] =	vst v4;
	v33 =	vld [tilespmem:s10+$0x60];
	v49 =	vperm.xlane v5, v37;
	v47 =	vperm.xlane v5, v41  }
0x176: {  	v39 =	vld [tilespmem:s10+$0x70];
	[tilespmem:s0+$0x90] =	vst v1;
	v51 =	vperm.xlane v5, v52;
	v48 =	vperm.xlane v5, v50  }
0x177: {  	v21 =	vld [tilespmem:s10+$0xFFFFFF70];
	[tilespmem:s0+$0xC0] =	vst v7;
	v7 =	vimm.s32 $0x6;
	v61 =	vperm.xlane v5, v46;
	v58 =	vperm.xlane v5, v9  }
0x178: {  	v22 =	vld [tilespmem:s10+$0xFFFFFF80];
	v60 =	vperm.xlane v5, v7;
	v57 =	vperm.xlane v5, v15;
	[tilespmem:s10+$0xFFFFFFF0] =	vst v5;
	v6 =	vpop (erf)  }
0x179: {  	v5 =	vld [tilespmem:$0x1FFC0];
	[tilespmem:s10+$0x100] =	vst v2;
	v56 =	vperm.xlane v6, v41;
	v55 =	vperm.xlane v6, v52  }
0x17a: {  	[tilespmem:s0+$0xD0] =	vst v29;
	v29 =	vld [tilespmem:s10+$0x90];
	v59 =	vpop (erf);
	v53 =	vperm.xlane v6, v50;
	v54 =	vperm.xlane v6, v46  }
0x17b: {  	s7 =	sadd.s32 $0x4, s7;
	[tilespmem:s0+$0xE0] =	vst v30;
	v30 =	vld [tilespmem:s10+$0xA0];
	v42 =	vperm.xlane v59, v37;
	v1 =	vperm.xlane v59, v41  }
0x17c: {  	p0 =	slt.u32 s7, $0x4C;
	[tilespmem:s0+$0xF0] =	vst v31;
	v31 =	vld [tilespmem:s10+$0xB0];
	v4 =	vperm.xlane v59, v52;
	v0 =	vperm.xlane v59, v50  }
.Ltmp3:
0x17d: {  	v35 =	vld [tilespmem:s10+$0xC0];
	v3 =	vperm.xlane v59, v46;
	v63 =	vperm.xlane v59, v9;
	(pc) =	sbr.rel @p0 .LBB2_9-.Ltmp3, $4  }
0x17e: {  	v2 =	vperm.xlane v59, v7;
	v52 =	vperm.xlane v6, v9;
	v9 =	vmov v14;
	v14 =	vld [tilespmem:$0x1FFB0]  }
0x17f: {  	v62 =	vperm.xlane v59, v15;
	[tilespmem:s10+$0xFFFFFF60] =	vst v59;
	v59 =	vperm.xlane v6, v37;
	v37 =	vld [tilespmem:s10+$0xD0]  }
0x180: {  	s0 =	smov.u32 s10;
	[tilespmem:s10+$0x110] =	vst v8;
	v50 =	vperm.xlane v6, v7;
	v46 =	vperm.xlane v6, v15;
	v41 =	vld [tilespmem:s10+$0xE0]  }
0x181: {  	[tilespmem:s10+$0x80] =	vst v6;
	v15 =	vmovc v45;
	s10 =	sadd.s32 $0x240, s10;
	v45 =	vmul.f32 v5, v42;
	v42 =	vperm.xlane v8, v7;
	v8 =	vmov v43;
	v43 =	vld [tilespmem:s0+$0xF0]  }
0x182: {  	v4 =	vmul.f32 v15, v4  }
0x183: {  	v0 =	vmul.f32 v16, v0;
	[tilespmem:s0+$0xFFFFFEE0] =	vst v45  }
0x184: {  	v16 =	vmul.f32 v17, v3;
	[tilespmem:s0+$0xFFFFFF00] =	vst v4  }
0x185: {  	v17 =	vmul.f32 v18, v63;
	[tilespmem:s0+$0xFFFFFF10] =	vst v0  }
0x186: {  	v18 =	vmul.f32 v19, v2;
	[tilespmem:s0+$0xFFFFFF20] =	vst v16  }
0x187: {  	v19 =	vmul.f32 v20, v62;
	[tilespmem:s0+$0xFFFFFF30] =	vst v17  }
0x188: {  	v20 =	vmul.f32 v21, v49;
	[tilespmem:s0+$0xFFFFFF40] =	vst v18  }
0x189: {  	v21 =	vmul.f32 v22, v47;
	[tilespmem:s0+$0xFFFFFF50] =	vst v19  }
0x18a: {  	v22 =	vmul.f32 v23, v51;
	[tilespmem:s0+$0xFFFFFF70] =	vst v20  }
0x18b: {  	v23 =	vmul.f32 v24, v48;
	[tilespmem:s0+$0xFFFFFF80] =	vst v21  }
0x18c: {  	v24 =	vmul.f32 v26, v61;
	[tilespmem:s0+$0xFFFFFF90] =	vst v22  }
0x18d: {  	v25 =	vmul.f32 v25, v58;
	[tilespmem:s0+$0xFFFFFFA0] =	vst v23  }
0x18e: {  	v26 =	vmul.f32 v27, v60;
	[tilespmem:s0+$0xFFFFFFB0] =	vst v24  }
0x18f: {  	v47 =	vmul.f32 v32, v59;
	[tilespmem:s0+$0xFFFFFFC0] =	vst v25  }
0x190: {  	v48 =	vmul.f32 v34, v56;
	[tilespmem:s0+$0xFFFFFFD0] =	vst v26  }
0x191: {  	v49 =	vmul.f32 v36, v55;
	[tilespmem:s0+$0x0] =	vst v47  }
0x192: {  	v51 =	vmul.f32 v38, v53;
	[tilespmem:s0+$0x10] =	vst v48  }
0x193: {  	v53 =	vmul.f32 v44, v54;
	[tilespmem:s0+$0x20] =	vst v49  }
0x194: {  	v54 =	vmul.f32 v40, v52;
	[tilespmem:s0+$0x30] =	vst v51  }
0x195: {  	v55 =	vmul.f32 v33, v50;
	[tilespmem:s0+$0x40] =	vst v53  }
0x196: {  	v56 =	vmul.f32 v39, v46;
	[tilespmem:s0+$0x50] =	vst v54  }
0x197: {  	v58 =	vmul.f32 v30, v11;
	[tilespmem:s0+$0x60] =	vst v55  }
0x198: {  	v59 =	vmul.f32 v31, v8;
	[tilespmem:s0+$0x70] =	vst v56  }
0x199: {  	v60 =	vmul.f32 v35, v10;
	[tilespmem:s0+$0xA0] =	vst v58  }
0x19a: {  	v1 =	vmul.f32 v14, v1;
	[tilespmem:s0+$0xB0] =	vst v59  }
0x19b: {  	v45 =	vmul.f32 v28, v57;
	[tilespmem:s0+$0xC0] =	vst v60  }
0x19c: {  	v57 =	vmul.f32 v29, v9;
	[tilespmem:s0+$0xFFFFFEF0] =	vst v1  }
0x19d: {  	v61 =	vmul.f32 v37, v13;
	[tilespmem:s0+$0xFFFFFFE0] =	vst v45  }
0x19e: {  	[tilespmem:s0+$0x90] =	vst v57;
	v62 =	vmul.f32 v41, v12  }
0x19f: {  	s29 =	sadd.s32 $0x1, s29;
	v63 =	vmul.f32 v43, v42;
	[tilespmem:s0+$0xD0] =	vst v61  }
0x1a0: {  	p0 =	sne.s32 s29, $0x5;
	[tilespmem:s0+$0xE0] =	vst v62  }
.Ltmp4:
0x1a1: {  	[tilespmem:s0+$0xF0] =	vst v63;
	(pc) =	sbr.rel @p0 .LBB2_2-.Ltmp4, $4  }
0x1a2: {  	[spmem:s2] =	stream.indirect.scatter.add.f32 [tilespmem:s3], [sflag:$0x5], $0x90, s26, s17, $0xb8;
	[tilespmem:$0x1DBA0] =	vst v63  }
0x1a3: {  	v35 =	vimm.s32 $0x1;
	_ =	swait.ge [sflag:s13], $0x2D00  }
0x1a4: {  	v46 =	vimm.s32 $0x2;
	v50 =	vimm.s32 $0x3;
	v29 =	vimm.s32 $0x6;
	[sflag:s13] =	ssyncset.done $0x0  }
0x1a5: {  	v54 =	vimm.s32 $0x4;
	v41 =	vimm.s32 $0x5;
	v45 =	vimm.s32 $0x7;
	[sflag:s13] =	ssyncadd.s32 $0xFFFFD300  }
0x1a6: {  	[bflag:$0x0] =	sbarrier.arrive $0xFFFF  }
0x1a7: {  	s0 =	rddreg [dreg:$0x4]  }
0x1a8: {  	[hbm:s0], [sflag:s8] =	dma.local [spmem:s12], $0x2D00  }
0x1a9: {  	_ =	swait.ge [sflag:s13], $0x2D00  }
0x1aa: {  	s28 =	sadd.s32 $0x1, s28;
	s31 =	rddreg [dreg:$0x5]  }
0x1ab: {  	p0 =	sne.s32 s28, s31  }
.Ltmp5:
0x1ac: {  	_ = 	snop;
	(pc) =	sbr.rel @p0 .LBB2_1-.Ltmp5, $3  }
0x1ad: {  	_ =	sdelay $0x1  }
0x1ae: {  	[sflag:s13] =	ssyncset.done $0x0  }
0x1af: {  	[sflag:s13] =	ssyncadd.s32 $0xFFFFD300  }
0x1b0: {  	_ =	sfence.sel $0x180000  }
0x1b1: {  	[bflag:$0x0] =	sbarrier.arrive $0xFFFF  }
0x1b2: {  	_ =	strace $0x90000047  }
0x1b3: {  	s0 =	stileid.u32;
	[bflag:$0x2] =	sbarrier.arrive $0xFFFF  }
0x1b4: {  	p0 =	sne.s32 s0, $0x0;
	s0 =	rddreg [dreg:$0x2]  }
0x1b5: {  	s0 =	sadd.s32 @!p0 $0x100000, s0  }
0x1b6: {  	[sflag:s0] =	ssyncadd.tile.s32 @!p0 $0x1;
	_ =	shalt  }
.Lfunc_end2:
_tile_overlayer_lowered:
.L_overlay_start_2:
0x1b7: {  	(tag) =	ssettag $0x2  }
0x1b8: {  	s0 =	rddreg [dreg:$0x0];
	s2 =	stileid.u32  }
0x1b9: {  	s1 =	rddreg [dreg:$0x1];
	p0 =	sne.s32 s2, $0x0  }
0x1ba: {  	s3 =	rddreg [dreg:$0x2];
	[bflag:$0x3] =	sbarrier.arrive $0xFFFF;
	s2 =	simm.s32 @!p0 $0x1C05  }
0x1bb: {  	[timem:s3], [sflag:s2] =	dma.local @!p0 [hbm:s0], s1  }
0x1bc: {  	s0 =	simm.s32 @!p0 $0x5  }
0x1bd: {  	_ =	swait.ge @!p0 [sflag:s0], s1  }
0x1be: {  	s1 =	ssub.s32 @!p0 $0x0, s1;
	[sflag:s0] =	ssyncset.done @!p0 $0x0  }
0x1bf: {  	[sflag:s0] =	ssyncadd.s32 @!p0 s1  }
0x1c0: {  	[bflag:$0x3] =	sbarrier.arrive $0xFFFF  }
0x1c1: {  	_ =	shalt  }

</sc_bundles>
